<compile_context>
chip_gen: v7x
topology: tpu7x:2x2x1
jax: 0.10.2.dev20260603
libtpu: 0.0.44.dev20260713+nightly
codegen_flags: <defaults>
</compile_context>

<pallas_src>
import functools

import jax
import jax.numpy as jnp
from jax import lax
from jax.experimental import pallas as pl
from jax.experimental.pallas import tpu as pltpu
from jax.experimental.pallas import tpu_sc as plsc

NN = 10000
EE = 320000
DD = 128
NEXP = 8
NC = 2
NS = 16
NW = NC * NS
EPW = EE // NW
CHUNK = 80
NCHUNK = EPW // CHUNK
GRP = 25
NGRP = NCHUNK // GRP
NNP = 10240
RPT = NNP // NS
DEG_W = 16
RB = 2000


def _mesh():
    return plsc.VectorSubcoreMesh(core_axis_name="c", subcore_axis_name="s")



def _sc_degree(dst_idx, zeros16):

    @functools.partial(
        pl.kernel,
        out_type=jax.ShapeDtypeStruct((NC, NNP, DEG_W), jnp.float32),
        mesh=_mesh(),
        scratch_types=[
            pltpu.VMEM((GRP, CHUNK), jnp.int32),
            pltpu.VMEM((CHUNK, DEG_W), jnp.float32),
            pltpu.VMEM_SHARED((NNP, DEG_W), jnp.float32),
            pltpu.SemaphoreType.DMA,
        ],
    )
    def k(dst_hbm, zeros_hbm, out_hbm, idx_v, ones_v, acc_sh, dsem):
        cid = lax.axis_index("c")
        sid = lax.axis_index("s")
        wid = sid * NC + cid
        one16 = jnp.full((DEG_W,), 1.0, dtype=jnp.float32)
        for i in range(CHUNK):
            ones_v[i, :] = one16
        pltpu.sync_copy(zeros_hbm.at[pl.ds(sid * RPT, RPT)],
                        acc_sh.at[pl.ds(sid * RPT, RPT)])
        plsc.subcore_barrier()

        def group(g, carry):
            pltpu.sync_copy(dst_hbm.at[wid, g], idx_v)

            def fire(c, carry2):
                pltpu.async_copy(ones_v, acc_sh.at[idx_v.at[c]], dsem,
                                 add=True)
                return carry2

            lax.fori_loop(0, GRP, fire, 0)

            def drain(c, carry2):
                pltpu.make_async_copy(ones_v, acc_sh.at[idx_v.at[c]],
                                      dsem).wait()
                return carry2

            lax.fori_loop(0, GRP, drain, 0)
            return carry

        lax.fori_loop(0, NGRP, group, 0)
        plsc.subcore_barrier()
        pltpu.sync_copy(acc_sh.at[pl.ds(sid * RPT, RPT)],
                        out_hbm.at[cid, pl.ds(sid * RPT, RPT)])

    return k(dst_idx, zeros16)


def _sc_scatter(src_idx, dst_idx, table, zeros128):

    @functools.partial(
        pl.kernel,
        out_type=jax.ShapeDtypeStruct((NC, NNP, DD), jnp.float32),
        mesh=_mesh(),
        scratch_types=[
            pltpu.VMEM((GRP, CHUNK), jnp.int32),
            pltpu.VMEM((GRP, CHUNK), jnp.int32),
            pltpu.VMEM((GRP, CHUNK), jnp.int32),
            pltpu.VMEM((GRP, CHUNK), jnp.int32),
            pltpu.VMEM((2, CHUNK, DD), jnp.float32),
            pltpu.VMEM_SHARED((NNP, DD), jnp.float32),
            pltpu.SemaphoreType.DMA((2,)),
            pltpu.SemaphoreType.DMA((2,)),
        ],
    )
    def k(src_hbm, dst_hbm, tab_hbm, zeros_hbm, out_hbm,
          srcv0, srcv1, dstv0, dstv1, rows, acc_sh, gsem, stsem):
        cid = lax.axis_index("c")
        sid = lax.axis_index("s")
        wid = sid * NC + cid
        pltpu.async_copy(src_hbm.at[wid, 0], srcv0, stsem.at[0])
        pltpu.async_copy(dst_hbm.at[wid, 0], dstv0, stsem.at[0])
        pltpu.async_copy(src_hbm.at[wid, 1], srcv1, stsem.at[1])
        pltpu.async_copy(dst_hbm.at[wid, 1], dstv1, stsem.at[1])
        pltpu.sync_copy(zeros_hbm.at[pl.ds(sid * RPT, RPT)],
                        acc_sh.at[pl.ds(sid * RPT, RPT)])
        plsc.subcore_barrier()

        for g in range(NGRP):
            slot = g % 2
            sv = srcv0 if slot == 0 else srcv1
            dv = dstv0 if slot == 0 else dstv1
            pltpu.make_async_copy(src_hbm.at[wid, g], sv, stsem.at[slot]).wait()
            pltpu.make_async_copy(dst_hbm.at[wid, g], dv, stsem.at[slot]).wait()
            pltpu.async_copy(tab_hbm.at[sv.at[0]], rows.at[0], gsem.at[0])

            def body(c, carry2, sv=sv, dv=dv):
                par = lax.rem(c, 2)
                nxt = lax.rem(c + 1, 2)

                @pl.when(c < GRP - 1)
                def _():
                    pltpu.async_copy(tab_hbm.at[sv.at[c + 1]], rows.at[nxt],
                                     gsem.at[nxt])

                pltpu.make_async_copy(tab_hbm.at[sv.at[c]], rows.at[par],
                                      gsem.at[par]).wait()
                pltpu.sync_copy(rows.at[par], acc_sh.at[dv.at[c]], add=True)
                return carry2

            lax.fori_loop(0, GRP, body, 0)
            if g + 2 < NGRP:
                pltpu.async_copy(src_hbm.at[wid, g + 2], sv, stsem.at[slot])
                pltpu.async_copy(dst_hbm.at[wid, g + 2], dv, stsem.at[slot])
        plsc.subcore_barrier()
        pltpu.sync_copy(acc_sh.at[pl.ds(sid * RPT, RPT)],
                        out_hbm.at[cid, pl.ds(sid * RPT, RPT)])

    return k(src_idx, dst_idx, table, zeros128)



def _moe_block(x, wg, W, b):
    r = x.shape[0]
    logits = jnp.dot(x, wg, preferred_element_type=jnp.float32)
    iota = lax.broadcasted_iota(jnp.int32, (r, NEXP), 1)
    v1 = jnp.max(logits, axis=1, keepdims=True)
    i1 = jnp.min(jnp.where(logits == v1, iota, NEXP), axis=1, keepdims=True)
    l2 = jnp.where(iota == i1, -jnp.inf, logits)
    v2 = jnp.max(l2, axis=1, keepdims=True)
    i2 = jnp.min(jnp.where(l2 == v2, iota, NEXP), axis=1, keepdims=True)
    a = 1.0 / (1.0 + jnp.exp(v2 - v1))
    gates = (jnp.where(iota == i1, a, 0.0)
             + jnp.where(iota == i2, 1.0 - a, 0.0))
    acc = jnp.zeros((r, DD), jnp.float32)
    for e in range(NEXP):
        y = jnp.dot(x, W[e], preferred_element_type=jnp.float32) + b[e][None, :]
        acc = acc + gates[:, e:e + 1] * y
    return acc


def _tc_moe1(x, wg, W, b):

    def body(x_ref, wg_ref, W_ref, b_ref, m_ref):
        m_ref[...] = _moe_block(x_ref[...], wg_ref[...], W_ref[...],
                                b_ref[...])

    grid = (NN // RB,)
    return pl.pallas_call(
        body,
        grid=grid,
        in_specs=[
            pl.BlockSpec((RB, DD), lambda i: (i, 0)),
            pl.BlockSpec((DD, NEXP), lambda i: (0, 0)),
            pl.BlockSpec((NEXP, DD, DD), lambda i: (0, 0, 0)),
            pl.BlockSpec((NEXP, DD), lambda i: (0, 0)),
        ],
        out_specs=pl.BlockSpec((RB, DD), lambda i: (i, 0)),
        out_shape=jax.ShapeDtypeStruct((NN, DD), jnp.float32),
    )(x, wg, W, b)


def _tc_scale(m, d0, d1):

    def body(m_ref, d0_ref, d1_ref, mp_ref, dinv_ref):
        dinv = lax.rsqrt(d0_ref[...] + d1_ref[...] + 1.0)
        mp_ref[...] = m_ref[...] * dinv
        dinv_ref[...] = dinv

    grid = (NN // RB,)
    return pl.pallas_call(
        body,
        grid=grid,
        in_specs=[
            pl.BlockSpec((RB, DD), lambda i: (i, 0)),
            pl.BlockSpec((RB, 1), lambda i: (i, 0)),
            pl.BlockSpec((RB, 1), lambda i: (i, 0)),
        ],
        out_specs=[
            pl.BlockSpec((RB, DD), lambda i: (i, 0)),
            pl.BlockSpec((RB, 1), lambda i: (i, 0)),
        ],
        out_shape=[
            jax.ShapeDtypeStruct((NN, DD), jnp.float32),
            jax.ShapeDtypeStruct((NN, 1), jnp.float32),
        ],
    )(m, d0, d1)


def _tc_moe2(p0, p1, mp1, dinv, wg, W, b):

    def body(p0_ref, p1_ref, mp1_ref, dinv_ref, wg_ref, W_ref, b_ref,
             out1_ref, mp2_ref):
        dinv = dinv_ref[...]
        out1 = (p0_ref[...] + p1_ref[...] + mp1_ref[...]) * dinv
        out1_ref[...] = out1
        m2 = _moe_block(out1, wg_ref[...], W_ref[...], b_ref[...])
        mp2_ref[...] = m2 * dinv

    grid = (NN // RB,)
    return pl.pallas_call(
        body,
        grid=grid,
        in_specs=[
            pl.BlockSpec((RB, DD), lambda i: (i, 0)),
            pl.BlockSpec((RB, DD), lambda i: (i, 0)),
            pl.BlockSpec((RB, DD), lambda i: (i, 0)),
            pl.BlockSpec((RB, 1), lambda i: (i, 0)),
            pl.BlockSpec((DD, NEXP), lambda i: (0, 0)),
            pl.BlockSpec((NEXP, DD, DD), lambda i: (0, 0, 0)),
            pl.BlockSpec((NEXP, DD), lambda i: (0, 0)),
        ],
        out_specs=[
            pl.BlockSpec((RB, DD), lambda i: (i, 0)),
            pl.BlockSpec((RB, DD), lambda i: (i, 0)),
        ],
        out_shape=[
            jax.ShapeDtypeStruct((NN, DD), jnp.float32),
            jax.ShapeDtypeStruct((NN, DD), jnp.float32),
        ],
    )(p0, p1, mp1, dinv, wg, W, b)


def _tc_comb(p0, p1, mp2, dinv):

    def body(p0_ref, p1_ref, mp2_ref, dinv_ref, out_ref):
        out_ref[...] = (p0_ref[...] + p1_ref[...] + mp2_ref[...]) * dinv_ref[...]

    grid = (NN // RB,)
    return pl.pallas_call(
        body,
        grid=grid,
        in_specs=[
            pl.BlockSpec((RB, DD), lambda i: (i, 0)),
            pl.BlockSpec((RB, DD), lambda i: (i, 0)),
            pl.BlockSpec((RB, DD), lambda i: (i, 0)),
            pl.BlockSpec((RB, 1), lambda i: (i, 0)),
        ],
        out_specs=pl.BlockSpec((RB, DD), lambda i: (i, 0)),
        out_shape=jax.ShapeDtypeStruct((NN, DD), jnp.float32),
    )(p0, p1, mp2, dinv)



def kernel(x, pos_edge_index, w_gate1, W1, b1, w_gate2, W2, b2):
    src = pos_edge_index[0].reshape(NW, NGRP, GRP, CHUNK)
    dst = pos_edge_index[1].reshape(NW, NGRP, GRP, CHUNK)
    zeros128 = jnp.zeros((NNP, DD), jnp.float32)
    zeros16 = jnp.zeros((NNP, DEG_W), jnp.float32)

    degp = _sc_degree(dst, zeros16)
    d0 = degp[0, :NN, :1]
    d1 = degp[1, :NN, :1]

    m1 = _tc_moe1(x, w_gate1, W1, b1)
    mp1, dinv = _tc_scale(m1, d0, d1)
    p1 = _sc_scatter(src, dst, mp1, zeros128)
    out1, mp2 = _tc_moe2(p1[0, :NN], p1[1, :NN], mp1, dinv, w_gate2, W2, b2)
    p2 = _sc_scatter(src, dst, mp2, zeros128)
    out2 = _tc_comb(p2[0, :NN], p2[1, :NN], mp2, dinv)
    return (out2, out1, out2)

# --- scband reference (transcript-rebuilt; emitter-appended) ---
"""Pipeline reference for scband-gcn-moe-13675175871112 (READ-ONLY COPY).

The authoritative reference and input builder live on the scoring server;
editing this copy changes nothing except your own understanding.
"""

import jax, jax.numpy as jnp
import numpy as np

N = 10000
E_EDGES = 320000
D_IN = 128
D_HID = 128
D_OUT = 128
N_EXPERTS = 8
TOP_K = 2


def setup_inputs(seed: int = 0) -> dict:
    key = jax.random.key(seed)
    ks = jax.random.split(key, 8)
    x = jax.random.normal(ks[0], (N, D_IN), dtype=jnp.float32)
    edge_index = jax.random.randint(ks[1], (2, E_EDGES), 0, N, dtype=jnp.int32)
    w_gate1 = jax.random.normal(ks[2], (D_IN, N_EXPERTS), dtype=jnp.float32) * 0.05
    W1 = jax.random.normal(ks[3], (N_EXPERTS, D_IN, D_HID), dtype=jnp.float32) * (1.0 / np.sqrt(D_IN))
    b1 = jnp.zeros((N_EXPERTS, D_HID), dtype=jnp.float32)
    w_gate2 = jax.random.normal(ks[4], (D_HID, N_EXPERTS), dtype=jnp.float32) * 0.05
    W2 = jax.random.normal(ks[5], (N_EXPERTS, D_HID, D_OUT), dtype=jnp.float32) * (1.0 / np.sqrt(D_HID))
    b2 = jnp.zeros((N_EXPERTS, D_OUT), dtype=jnp.float32)
    return {
        'x': x,
        'pos_edge_index': edge_index,
        'w_gate1': w_gate1,
        'W1': W1,
        'b1': b1,
        'w_gate2': w_gate2,
        'W2': W2,
        'b2': b2,
    }


def _moe_gcn_conv(x, edge_index, w_gate, W, b):
    # GCNConv_moe: per-node (noisy) top-k gating over expert linear layers,
    # followed by GCN-normalized message passing (GCNAdjNorm, with self-loops).
    n = x.shape[0]
    n_experts = W.shape[0]
    # gating (eval mode: clean logits, no noise)
    logits = x @ w_gate                                  # [N, E]
    top_vals, top_idx = jax.lax.top_k(logits, TOP_K)      # [N, K]
    gate_w = jax.nn.softmax(top_vals, axis=-1)            # [N, K]
    gates = jnp.sum(
        jax.nn.one_hot(top_idx, n_experts, dtype=x.dtype) * gate_w[..., None],
        axis=1,
    )                                                     # [N, E]
    # expert linear layers, combined by gate weights
    expert_out = jnp.einsum('nd,edf->nef', x, W) + b[None, :, :]   # [N, E, F]
    h = jnp.sum(gates[..., None] * expert_out, axis=1)             # [N, F]
    # GCN propagation: D^{-1/2} (A + I) D^{-1/2} h
    src = edge_index[0]
    dst = edge_index[1]
    ones = jnp.ones(src.shape[0], dtype=x.dtype)
    deg = jax.ops.segment_sum(ones, dst, num_segments=n) + 1.0    # +1 self-loop
    dinv = jax.lax.rsqrt(deg)
    coef = (dinv[src] * dinv[dst])[:, None]
    msg = h[src] * coef
    out = jax.ops.segment_sum(msg, dst, num_segments=n)
    out = out + h * (dinv * dinv)[:, None]                # self-loop term
    return out


def reference(x, pos_edge_index, w_gate1, W1, b1, w_gate2, W2, b2):
    # GCN_moe.forward with use_batch_norm=False, dropout=0:
    #   x = conv1(x, ei); output1 = x; x = conv2(x, ei); output2 = x
    #   return (x, output1, output2)
    h1 = _moe_gcn_conv(x, pos_edge_index, w_gate1, W1, b1)
    out = _moe_gcn_conv(h1, pos_edge_index, w_gate2, W2, b2)
    return (out, h1, out)

if __name__ == "__main__":
    import jax
    _d = setup_inputs()
    print(jax.jit(kernel)(*tuple(_d.values())))

</pallas_src>

<mosaic_0001>
#map = affine_map<(d0, d1) -> (0, 0, 0, 0)>
#map1 = affine_map<(d0, d1) -> (0, 0)>
#map2 = affine_map<(d0, d1) -> (0, 0, 0)>
module attributes {stable_mosaic.version = 14 : i64} {
  func.func @k(%arg0: i32, %arg1: i32, %arg2: memref<32x5x25x80xi32, #tpu.memory_space<hbm>>, %arg3: memref<10240x16xf32, #tpu.memory_space<hbm>>, %arg4: memref<2x10240x16xf32, #tpu.memory_space<hbm>>, %arg5: memref<25x80xi32, #tpu.memory_space<vmem>>, %arg6: memref<80x16xf32, #tpu.memory_space<vmem>>, %arg7: memref<10240x16xf32, #tpu.memory_space<vmem_shared>>, %arg8: memref<!tpu.dma_semaphore, #tpu.memory_space<semaphore_mem>>) attributes {dimension_semantics = [#tpu.dimension_semantics<core_parallel>, #tpu.dimension_semantics<subcore_parallel>], iteration_bounds = array<i64: 2, 16>, scalar_prefetch = 0 : i64, scratch_operands = 4 : i64, tpu.core_type = #tpu.core_type<sc_vector_subcore>, window_params = [{transform_indices = #map}, {transform_indices = #map1}, {transform_indices = #map2}]} {
    %mul3A = arith.constant 2 : i32
    %mul3A_0 = arith.muli %arg1, %mul3A : i32
    %add3A = arith.addi %mul3A_0, %arg0 : i32
    %broadcast_in_dim3A = arith.constant 1.000000e+00 : f32
    %broadcast_in_dim3A_1 = vector.broadcast %broadcast_in_dim3A : f32 to vector<16xf32>
    %swap3A = arith.constant 0 : i32
    %swap3A_2 = arith.index_cast %swap3A : i32 to index
    %swap3A_3 = arith.constant 0 : index
    %swap3A_4 = tpu.vector_load %arg6[%swap3A_2, %swap3A_3] {strides = array<i32>} : memref<80x16xf32, #tpu.memory_space<vmem>>, vector<1x16xf32>,
    %swap3A_5 = vector.shape_cast %swap3A_4 : vector<1x16xf32> to vector<16xf32>
    %swap3A_6 = vector.shape_cast %broadcast_in_dim3A_1 : vector<16xf32> to vector<1x16xf32>
    tpu.vector_store %arg6[%swap3A_2, %swap3A_3], %swap3A_6 {strides = array<i32>} : memref<80x16xf32, #tpu.memory_space<vmem>>, vector<1x16xf32>,
    %swap3A_7 = arith.constant 1 : i32
    %swap3A_8 = arith.index_cast %swap3A_7 : i32 to index
    %swap3A_9 = arith.constant 0 : index
    %swap3A_10 = tpu.vector_load %arg6[%swap3A_8, %swap3A_9] {strides = array<i32>} : memref<80x16xf32, #tpu.memory_space<vmem>>, vector<1x16xf32>,
    %swap3A_11 = vector.shape_cast %swap3A_10 : vector<1x16xf32> to vector<16xf32>
    %swap3A_12 = vector.shape_cast %broadcast_in_dim3A_1 : vector<16xf32> to vector<1x16xf32>
    tpu.vector_store %arg6[%swap3A_8, %swap3A_9], %swap3A_12 {strides = array<i32>} : memref<80x16xf32, #tpu.memory_space<vmem>>, vector<1x16xf32>,
    %swap3A_13 = arith.constant 2 : i32
    %swap3A_14 = arith.index_cast %swap3A_13 : i32 to index
    %swap3A_15 = arith.constant 0 : index
    %swap3A_16 = tpu.vector_load %arg6[%swap3A_14, %swap3A_15] {strides = array<i32>} : memref<80x16xf32, #tpu.memory_space<vmem>>, vector<1x16xf32>,
    %swap3A_17 = vector.shape_cast %swap3A_16 : vector<1x16xf32> to vector<16xf32>
    %swap3A_18 = vector.shape_cast %broadcast_in_dim3A_1 : vector<16xf32> to vector<1x16xf32>
    tpu.vector_store %arg6[%swap3A_14, %swap3A_15], %swap3A_18 {strides = array<i32>} : memref<80x16xf32, #tpu.memory_space<vmem>>, vector<1x16xf32>,
    %swap3A_19 = arith.constant 3 : i32
    %swap3A_20 = arith.index_cast %swap3A_19 : i32 to index
    %swap3A_21 = arith.constant 0 : index
    %swap3A_22 = tpu.vector_load %arg6[%swap3A_20, %swap3A_21] {strides = array<i32>} : memref<80x16xf32, #tpu.memory_space<vmem>>, vector<1x16xf32>,
    %swap3A_23 = vector.shape_cast %swap3A_22 : vector<1x16xf32> to vector<16xf32>
    %swap3A_24 = vector.shape_cast %broadcast_in_dim3A_1 : vector<16xf32> to vector<1x16xf32>
    tpu.vector_store %arg6[%swap3A_20, %swap3A_21], %swap3A_24 {strides = array<i32>} : memref<80x16xf32, #tpu.memory_space<vmem>>, vector<1x16xf32>,
    %swap3A_25 = arith.constant 4 : i32
    %swap3A_26 = arith.index_cast %swap3A_25 : i32 to index
    %swap3A_27 = arith.constant 0 : index
    %swap3A_28 = tpu.vector_load %arg6[%swap3A_26, %swap3A_27] {strides = array<i32>} : memref<80x16xf32, #tpu.memory_space<vmem>>, vector<1x16xf32>,
    %swap3A_29 = vector.shape_cast %swap3A_28 : vector<1x16xf32> to vector<16xf32>
    %swap3A_30 = vector.shape_cast %broadcast_in_dim3A_1 : vector<16xf32> to vector<1x16xf32>
    tpu.vector_store %arg6[%swap3A_26, %swap3A_27], %swap3A_30 {strides = array<i32>} : memref<80x16xf32, #tpu.memory_space<vmem>>, vector<1x16xf32>,
    %swap3A_31 = arith.constant 5 : i32
    %swap3A_32 = arith.index_cast %swap3A_31 : i32 to index
    %swap3A_33 = arith.constant 0 : index
    %swap3A_34 = tpu.vector_load %arg6[%swap3A_32, %swap3A_33] {strides = array<i32>} : memref<80x16xf32, #tpu.memory_space<vmem>>, vector<1x16xf32>,
    %swap3A_35 = vector.shape_cast %swap3A_34 : vector<1x16xf32> to vector<16xf32>
    %swap3A_36 = vector.shape_cast %broadcast_in_dim3A_1 : vector<16xf32> to vector<1x16xf32>
    tpu.vector_store %arg6[%swap3A_32, %swap3A_33], %swap3A_36 {strides = array<i32>} : memref<80x16xf32, #tpu.memory_space<vmem>>, vector<1x16xf32>,
    %swap3A_37 = arith.constant 6 : i32
    %swap3A_38 = arith.index_cast %swap3A_37 : i32 to index
    %swap3A_39 = arith.constant 0 : index
    %swap3A_40 = tpu.vector_load %arg6[%swap3A_38, %swap3A_39] {strides = array<i32>} : memref<80x16xf32, #tpu.memory_space<vmem>>, vector<1x16xf32>,
    %swap3A_41 = vector.shape_cast %swap3A_40 : vector<1x16xf32> to vector<16xf32>
    %swap3A_42 = vector.shape_cast %broadcast_in_dim3A_1 : vector<16xf32> to vector<1x16xf32>
    tpu.vector_store %arg6[%swap3A_38, %swap3A_39], %swap3A_42 {strides = array<i32>} : memref<80x16xf32, #tpu.memory_space<vmem>>, vector<1x16xf32>,
    %swap3A_43 = arith.constant 7 : i32
    %swap3A_44 = arith.index_cast %swap3A_43 : i32 to index
    %swap3A_45 = arith.constant 0 : index
    %swap3A_46 = tpu.vector_load %arg6[%swap3A_44, %swap3A_45] {strides = array<i32>} : memref<80x16xf32, #tpu.memory_space<vmem>>, vector<1x16xf32>,
    %swap3A_47 = vector.shape_cast %swap3A_46 : vector<1x16xf32> to vector<16xf32>
    %swap3A_48 = vector.shape_cast %broadcast_in_dim3A_1 : vector<16xf32> to vector<1x16xf32>
    tpu.vector_store %arg6[%swap3A_44, %swap3A_45], %swap3A_48 {strides = array<i32>} : memref<80x16xf32, #tpu.memory_space<vmem>>, vector<1x16xf32>,
    %swap3A_49 = arith.constant 8 : i32
    %swap3A_50 = arith.index_cast %swap3A_49 : i32 to index
    %swap3A_51 = arith.constant 0 : index
    %swap3A_52 = tpu.vector_load %arg6[%swap3A_50, %swap3A_51] {strides = array<i32>} : memref<80x16xf32, #tpu.memory_space<vmem>>, vector<1x16xf32>,
    %swap3A_53 = vector.shape_cast %swap3A_52 : vector<1x16xf32> to vector<16xf32>
    %swap3A_54 = vector.shape_cast %broadcast_in_dim3A_1 : vector<16xf32> to vector<1x16xf32>
    tpu.vector_store %arg6[%swap3A_50, %swap3A_51], %swap3A_54 {strides = array<i32>} : memref<80x16xf32, #tpu.memory_space<vmem>>, vector<1x16xf32>,
    %swap3A_55 = arith.constant 9 : i32
    %swap3A_56 = arith.index_cast %swap3A_55 : i32 to index
    %swap3A_57 = arith.constant 0 : index
    %swap3A_58 = tpu.vector_load %arg6[%swap3A_56, %swap3A_57] {strides = array<i32>} : memref<80x16xf32, #tpu.memory_space<vmem>>, vector<1x16xf32>,
    %swap3A_59 = vector.shape_cast %swap3A_58 : vector<1x16xf32> to vector<16xf32>
    %swap3A_60 = vector.shape_cast %broadcast_in_dim3A_1 : vector<16xf32> to vector<1x16xf32>
    tpu.vector_store %arg6[%swap3A_56, %swap3A_57], %swap3A_60 {strides = array<i32>} : memref<80x16xf32, #tpu.memory_space<vmem>>, vector<1x16xf32>,
    %swap3A_61 = arith.constant 10 : i32
    %swap3A_62 = arith.index_cast %swap3A_61 : i32 to index
    %swap3A_63 = arith.constant 0 : index
    %swap3A_64 = tpu.vector_load %arg6[%swap3A_62, %swap3A_63] {strides = array<i32>} : memref<80x16xf32, #tpu.memory_space<vmem>>, vector<1x16xf32>,
    %swap3A_65 = vector.shape_cast %swap3A_64 : vector<1x16xf32> to vector<16xf32>
    %swap3A_66 = vector.shape_cast %broadcast_in_dim3A_1 : vector<16xf32> to vector<1x16xf32>
    tpu.vector_store %arg6[%swap3A_62, %swap3A_63], %swap3A_66 {strides = array<i32>} : memref<80x16xf32, #tpu.memory_space<vmem>>, vector<1x16xf32>,
    %swap3A_67 = arith.constant 11 : i32
    %swap3A_68 = arith.index_cast %swap3A_67 : i32 to index
    %swap3A_69 = arith.constant 0 : index
    %swap3A_70 = tpu.vector_load %arg6[%swap3A_68, %swap3A_69] {strides = array<i32>} : memref<80x16xf32, #tpu.memory_space<vmem>>, vector<1x16xf32>,
    %swap3A_71 = vector.shape_cast %swap3A_70 : vector<1x16xf32> to vector<16xf32>
    %swap3A_72 = vector.shape_cast %broadcast_in_dim3A_1 : vector<16xf32> to vector<1x16xf32>
    tpu.vector_store %arg6[%swap3A_68, %swap3A_69], %swap3A_72 {strides = array<i32>} : memref<80x16xf32, #tpu.memory_space<vmem>>, vector<1x16xf32>,
    %swap3A_73 = arith.constant 12 : i32
    %swap3A_74 = arith.index_cast %swap3A_73 : i32 to index
    %swap3A_75 = arith.constant 0 : index
    %swap3A_76 = tpu.vector_load %arg6[%swap3A_74, %swap3A_75] {strides = array<i32>} : memref<80x16xf32, #tpu.memory_space<vmem>>, vector<1x16xf32>,
    %swap3A_77 = vector.shape_cast %swap3A_76 : vector<1x16xf32> to vector<16xf32>
    %swap3A_78 = vector.shape_cast %broadcast_in_dim3A_1 : vector<16xf32> to vector<1x16xf32>
    tpu.vector_store %arg6[%swap3A_74, %swap3A_75], %swap3A_78 {strides = array<i32>} : memref<80x16xf32, #tpu.memory_space<vmem>>, vector<1x16xf32>,
    %swap3A_79 = arith.constant 13 : i32
    %swap3A_80 = arith.index_cast %swap3A_79 : i32 to index
    %swap3A_81 = arith.constant 0 : index
    %swap3A_82 = tpu.vector_load %arg6[%swap3A_80, %swap3A_81] {strides = array<i32>} : memref<80x16xf32, #tpu.memory_space<vmem>>, vector<1x16xf32>,
    %swap3A_83 = vector.shape_cast %swap3A_82 : vector<1x16xf32> to vector<16xf32>
    %swap3A_84 = vector.shape_cast %broadcast_in_dim3A_1 : vector<16xf32> to vector<1x16xf32>
    tpu.vector_store %arg6[%swap3A_80, %swap3A_81], %swap3A_84 {strides = array<i32>} : memref<80x16xf32, #tpu.memory_space<vmem>>, vector<1x16xf32>,
    %swap3A_85 = arith.constant 14 : i32
    %swap3A_86 = arith.index_cast %swap3A_85 : i32 to index
    %swap3A_87 = arith.constant 0 : index
    %swap3A_88 = tpu.vector_load %arg6[%swap3A_86, %swap3A_87] {strides = array<i32>} : memref<80x16xf32, #tpu.memory_space<vmem>>, vector<1x16xf32>,
    %swap3A_89 = vector.shape_cast %swap3A_88 : vector<1x16xf32> to vector<16xf32>
    %swap3A_90 = vector.shape_cast %broadcast_in_dim3A_1 : vector<16xf32> to vector<1x16xf32>
    tpu.vector_store %arg6[%swap3A_86, %swap3A_87], %swap3A_90 {strides = array<i32>} : memref<80x16xf32, #tpu.memory_space<vmem>>, vector<1x16xf32>,
    %swap3A_91 = arith.constant 15 : i32
    %swap3A_92 = arith.index_cast %swap3A_91 : i32 to index
    %swap3A_93 = arith.constant 0 : index
    %swap3A_94 = tpu.vector_load %arg6[%swap3A_92, %swap3A_93] {strides = array<i32>} : memref<80x16xf32, #tpu.memory_space<vmem>>, vector<1x16xf32>,
    %swap3A_95 = vector.shape_cast %swap3A_94 : vector<1x16xf32> to vector<16xf32>
    %swap3A_96 = vector.shape_cast %broadcast_in_dim3A_1 : vector<16xf32> to vector<1x16xf32>
    tpu.vector_store %arg6[%swap3A_92, %swap3A_93], %swap3A_96 {strides = array<i32>} : memref<80x16xf32, #tpu.memory_space<vmem>>, vector<1x16xf32>,
    %swap3A_97 = arith.constant 16 : i32
    %swap3A_98 = arith.index_cast %swap3A_97 : i32 to index
    %swap3A_99 = arith.constant 0 : index
    %swap3A_100 = tpu.vector_load %arg6[%swap3A_98, %swap3A_99] {strides = array<i32>} : memref<80x16xf32, #tpu.memory_space<vmem>>, vector<1x16xf32>,
    %swap3A_101 = vector.shape_cast %swap3A_100 : vector<1x16xf32> to vector<16xf32>
    %swap3A_102 = vector.shape_cast %broadcast_in_dim3A_1 : vector<16xf32> to vector<1x16xf32>
    tpu.vector_store %arg6[%swap3A_98, %swap3A_99], %swap3A_102 {strides = array<i32>} : memref<80x16xf32, #tpu.memory_space<vmem>>, vector<1x16xf32>,
    %swap3A_103 = arith.constant 17 : i32
    %swap3A_104 = arith.index_cast %swap3A_103 : i32 to index
    %swap3A_105 = arith.constant 0 : index
    %swap3A_106 = tpu.vector_load %arg6[%swap3A_104, %swap3A_105] {strides = array<i32>} : memref<80x16xf32, #tpu.memory_space<vmem>>, vector<1x16xf32>,
    %swap3A_107 = vector.shape_cast %swap3A_106 : vector<1x16xf32> to vector<16xf32>
    %swap3A_108 = vector.shape_cast %broadcast_in_dim3A_1 : vector<16xf32> to vector<1x16xf32>
    tpu.vector_store %arg6[%swap3A_104, %swap3A_105], %swap3A_108 {strides = array<i32>} : memref<80x16xf32, #tpu.memory_space<vmem>>, vector<1x16xf32>,
    %swap3A_109 = arith.constant 18 : i32
    %swap3A_110 = arith.index_cast %swap3A_109 : i32 to index
    %swap3A_111 = arith.constant 0 : index
    %swap3A_112 = tpu.vector_load %arg6[%swap3A_110, %swap3A_111] {strides = array<i32>} : memref<80x16xf32, #tpu.memory_space<vmem>>, vector<1x16xf32>,
    %swap3A_113 = vector.shape_cast %swap3A_112 : vector<1x16xf32> to vector<16xf32>
    %swap3A_114 = vector.shape_cast %broadcast_in_dim3A_1 : vector<16xf32> to vector<1x16xf32>
    tpu.vector_store %arg6[%swap3A_110, %swap3A_111], %swap3A_114 {strides = array<i32>} : memref<80x16xf32, #tpu.memory_space<vmem>>, vector<1x16xf32>,
    %swap3A_115 = arith.constant 19 : i32
    %swap3A_116 = arith.index_cast %swap3A_115 : i32 to index
    %swap3A_117 = arith.constant 0 : index
    %swap3A_118 = tpu.vector_load %arg6[%swap3A_116, %swap3A_117] {strides = array<i32>} : memref<80x16xf32, #tpu.memory_space<vmem>>, vector<1x16xf32>,
    %swap3A_119 = vector.shape_cast %swap3A_118 : vector<1x16xf32> to vector<16xf32>
    %swap3A_120 = vector.shape_cast %broadcast_in_dim3A_1 : vector<16xf32> to vector<1x16xf32>
    tpu.vector_store %arg6[%swap3A_116, %swap3A_117], %swap3A_120 {strides = array<i32>} : memref<80x16xf32, #tpu.memory_space<vmem>>, vector<1x16xf32>,
    %swap3A_121 = arith.constant 20 : i32
    %swap3A_122 = arith.index_cast %swap3A_121 : i32 to index
    %swap3A_123 = arith.constant 0 : index
    %swap3A_124 = tpu.vector_load %arg6[%swap3A_122, %swap3A_123] {strides = array<i32>} : memref<80x16xf32, #tpu.memory_space<vmem>>, vector<1x16xf32>,
    %swap3A_125 = vector.shape_cast %swap3A_124 : vector<1x16xf32> to vector<16xf32>
    %swap3A_126 = vector.shape_cast %broadcast_in_dim3A_1 : vector<16xf32> to vector<1x16xf32>
    tpu.vector_store %arg6[%swap3A_122, %swap3A_123], %swap3A_126 {strides = array<i32>} : memref<80x16xf32, #tpu.memory_space<vmem>>, vector<1x16xf32>,
    %swap3A_127 = arith.constant 21 : i32
    %swap3A_128 = arith.index_cast %swap3A_127 : i32 to index
    %swap3A_129 = arith.constant 0 : index
    %swap3A_130 = tpu.vector_load %arg6[%swap3A_128, %swap3A_129] {strides = array<i32>} : memref<80x16xf32, #tpu.memory_space<vmem>>, vector<1x16xf32>,
    %swap3A_131 = vector.shape_cast %swap3A_130 : vector<1x16xf32> to vector<16xf32>
    %swap3A_132 = vector.shape_cast %broadcast_in_dim3A_1 : vector<16xf32> to vector<1x16xf32>
    tpu.vector_store %arg6[%swap3A_128, %swap3A_129], %swap3A_132 {strides = array<i32>} : memref<80x16xf32, #tpu.memory_space<vmem>>, vector<1x16xf32>,
    %swap3A_133 = arith.constant 22 : i32
    %swap3A_134 = arith.index_cast %swap3A_133 : i32 to index
    %swap3A_135 = arith.constant 0 : index
    %swap3A_136 = tpu.vector_load %arg6[%swap3A_134, %swap3A_135] {strides = array<i32>} : memref<80x16xf32, #tpu.memory_space<vmem>>, vector<1x16xf32>,
    %swap3A_137 = vector.shape_cast %swap3A_136 : vector<1x16xf32> to vector<16xf32>
    %swap3A_138 = vector.shape_cast %broadcast_in_dim3A_1 : vector<16xf32> to vector<1x16xf32>
    tpu.vector_store %arg6[%swap3A_134, %swap3A_135], %swap3A_138 {strides = array<i32>} : memref<80x16xf32, #tpu.memory_space<vmem>>, vector<1x16xf32>,
    %swap3A_139 = arith.constant 23 : i32
    %swap3A_140 = arith.index_cast %swap3A_139 : i32 to index
    %swap3A_141 = arith.constant 0 : index
    %swap3A_142 = tpu.vector_load %arg6[%swap3A_140, %swap3A_141] {strides = array<i32>} : memref<80x16xf32, #tpu.memory_space<vmem>>, vector<1x16xf32>,
    %swap3A_143 = vector.shape_cast %swap3A_142 : vector<1x16xf32> to vector<16xf32>
    %swap3A_144 = vector.shape_cast %broadcast_in_dim3A_1 : vector<16xf32> to vector<1x16xf32>
    tpu.vector_store %arg6[%swap3A_140, %swap3A_141], %swap3A_144 {strides = array<i32>} : memref<80x16xf32, #tpu.memory_space<vmem>>, vector<1x16xf32>,
    %swap3A_145 = arith.constant 24 : i32
    %swap3A_146 = arith.index_cast %swap3A_145 : i32 to index
    %swap3A_147 = arith.constant 0 : index
    %swap3A_148 = tpu.vector_load %arg6[%swap3A_146, %swap3A_147] {strides = array<i32>} : memref<80x16xf32, #tpu.memory_space<vmem>>, vector<1x16xf32>,
    %swap3A_149 = vector.shape_cast %swap3A_148 : vector<1x16xf32> to vector<16xf32>
    %swap3A_150 = vector.shape_cast %broadcast_in_dim3A_1 : vector<16xf32> to vector<1x16xf32>
    tpu.vector_store %arg6[%swap3A_146, %swap3A_147], %swap3A_150 {strides = array<i32>} : memref<80x16xf32, #tpu.memory_space<vmem>>, vector<1x16xf32>,
    %swap3A_151 = arith.constant 25 : i32
    %swap3A_152 = arith.index_cast %swap3A_151 : i32 to index
    %swap3A_153 = arith.constant 0 : index
    %swap3A_154 = tpu.vector_load %arg6[%swap3A_152, %swap3A_153] {strides = array<i32>} : memref<80x16xf32, #tpu.memory_space<vmem>>, vector<1x16xf32>,
    %swap3A_155 = vector.shape_cast %swap3A_154 : vector<1x16xf32> to vector<16xf32>
    %swap3A_156 = vector.shape_cast %broadcast_in_dim3A_1 : vector<16xf32> to vector<1x16xf32>
    tpu.vector_store %arg6[%swap3A_152, %swap3A_153], %swap3A_156 {strides = array<i32>} : memref<80x16xf32, #tpu.memory_space<vmem>>, vector<1x16xf32>,
    %swap3A_157 = arith.constant 26 : i32
    %swap3A_158 = arith.index_cast %swap3A_157 : i32 to index
    %swap3A_159 = arith.constant 0 : index
    %swap3A_160 = tpu.vector_load %arg6[%swap3A_158, %swap3A_159] {strides = array<i32>} : memref<80x16xf32, #tpu.memory_space<vmem>>, vector<1x16xf32>,
    %swap3A_161 = vector.shape_cast %swap3A_160 : vector<1x16xf32> to vector<16xf32>
    %swap3A_162 = vector.shape_cast %broadcast_in_dim3A_1 : vector<16xf32> to vector<1x16xf32>
    tpu.vector_store %arg6[%swap3A_158, %swap3A_159], %swap3A_162 {strides = array<i32>} : memref<80x16xf32, #tpu.memory_space<vmem>>, vector<1x16xf32>,
    %swap3A_163 = arith.constant 27 : i32
    %swap3A_164 = arith.index_cast %swap3A_163 : i32 to index
    %swap3A_165 = arith.constant 0 : index
    %swap3A_166 = tpu.vector_load %arg6[%swap3A_164, %swap3A_165] {strides = array<i32>} : memref<80x16xf32, #tpu.memory_space<vmem>>, vector<1x16xf32>,
    %swap3A_167 = vector.shape_cast %swap3A_166 : vector<1x16xf32> to vector<16xf32>
    %swap3A_168 = vector.shape_cast %broadcast_in_dim3A_1 : vector<16xf32> to vector<1x16xf32>
    tpu.vector_store %arg6[%swap3A_164, %swap3A_165], %swap3A_168 {strides = array<i32>} : memref<80x16xf32, #tpu.memory_space<vmem>>, vector<1x16xf32>,
    %swap3A_169 = arith.constant 28 : i32
    %swap3A_170 = arith.index_cast %swap3A_169 : i32 to index
    %swap3A_171 = arith.constant 0 : index
    %swap3A_172 = tpu.vector_load %arg6[%swap3A_170, %swap3A_171] {strides = array<i32>} : memref<80x16xf32, #tpu.memory_space<vmem>>, vector<1x16xf32>,
    %swap3A_173 = vector.shape_cast %swap3A_172 : vector<1x16xf32> to vector<16xf32>
    %swap3A_174 = vector.shape_cast %broadcast_in_dim3A_1 : vector<16xf32> to vector<1x16xf32>
    tpu.vector_store %arg6[%swap3A_170, %swap3A_171], %swap3A_174 {strides = array<i32>} : memref<80x16xf32, #tpu.memory_space<vmem>>, vector<1x16xf32>,
    %swap3A_175 = arith.constant 29 : i32
    %swap3A_176 = arith.index_cast %swap3A_175 : i32 to index
    %swap3A_177 = arith.constant 0 : index
    %swap3A_178 = tpu.vector_load %arg6[%swap3A_176, %swap3A_177] {strides = array<i32>} : memref<80x16xf32, #tpu.memory_space<vmem>>, vector<1x16xf32>,
    %swap3A_179 = vector.shape_cast %swap3A_178 : vector<1x16xf32> to vector<16xf32>
    %swap3A_180 = vector.shape_cast %broadcast_in_dim3A_1 : vector<16xf32> to vector<1x16xf32>
    tpu.vector_store %arg6[%swap3A_176, %swap3A_177], %swap3A_180 {strides = array<i32>} : memref<80x16xf32, #tpu.memory_space<vmem>>, vector<1x16xf32>,
    %swap3A_181 = arith.constant 30 : i32
    %swap3A_182 = arith.index_cast %swap3A_181 : i32 to index
    %swap3A_183 = arith.constant 0 : index
    %swap3A_184 = tpu.vector_load %arg6[%swap3A_182, %swap3A_183] {strides = array<i32>} : memref<80x16xf32, #tpu.memory_space<vmem>>, vector<1x16xf32>,
    %swap3A_185 = vector.shape_cast %swap3A_184 : vector<1x16xf32> to vector<16xf32>
    %swap3A_186 = vector.shape_cast %broadcast_in_dim3A_1 : vector<16xf32> to vector<1x16xf32>
    tpu.vector_store %arg6[%swap3A_182, %swap3A_183], %swap3A_186 {strides = array<i32>} : memref<80x16xf32, #tpu.memory_space<vmem>>, vector<1x16xf32>,
    %swap3A_187 = arith.constant 31 : i32
    %swap3A_188 = arith.index_cast %swap3A_187 : i32 to index
    %swap3A_189 = arith.constant 0 : index
    %swap3A_190 = tpu.vector_load %arg6[%swap3A_188, %swap3A_189] {strides = array<i32>} : memref<80x16xf32, #tpu.memory_space<vmem>>, vector<1x16xf32>,
    %swap3A_191 = vector.shape_cast %swap3A_190 : vector<1x16xf32> to vector<16xf32>
    %swap3A_192 = vector.shape_cast %broadcast_in_dim3A_1 : vector<16xf32> to vector<1x16xf32>
    tpu.vector_store %arg6[%swap3A_188, %swap3A_189], %swap3A_192 {strides = array<i32>} : memref<80x16xf32, #tpu.memory_space<vmem>>, vector<1x16xf32>,
    %swap3A_193 = arith.constant 32 : i32
    %swap3A_194 = arith.index_cast %swap3A_193 : i32 to index
    %swap3A_195 = arith.constant 0 : index
    %swap3A_196 = tpu.vector_load %arg6[%swap3A_194, %swap3A_195] {strides = array<i32>} : memref<80x16xf32, #tpu.memory_space<vmem>>, vector<1x16xf32>,
    %swap3A_197 = vector.shape_cast %swap3A_196 : vector<1x16xf32> to vector<16xf32>
    %swap3A_198 = vector.shape_cast %broadcast_in_dim3A_1 : vector<16xf32> to vector<1x16xf32>
    tpu.vector_store %arg6[%swap3A_194, %swap3A_195], %swap3A_198 {strides = array<i32>} : memref<80x16xf32, #tpu.memory_space<vmem>>, vector<1x16xf32>,
    %swap3A_199 = arith.constant 33 : i32
    %swap3A_200 = arith.index_cast %swap3A_199 : i32 to index
    %swap3A_201 = arith.constant 0 : index
    %swap3A_202 = tpu.vector_load %arg6[%swap3A_200, %swap3A_201] {strides = array<i32>} : memref<80x16xf32, #tpu.memory_space<vmem>>, vector<1x16xf32>,
    %swap3A_203 = vector.shape_cast %swap3A_202 : vector<1x16xf32> to vector<16xf32>
    %swap3A_204 = vector.shape_cast %broadcast_in_dim3A_1 : vector<16xf32> to vector<1x16xf32>
    tpu.vector_store %arg6[%swap3A_200, %swap3A_201], %swap3A_204 {strides = array<i32>} : memref<80x16xf32, #tpu.memory_space<vmem>>, vector<1x16xf32>,
    %swap3A_205 = arith.constant 34 : i32
    %swap3A_206 = arith.index_cast %swap3A_205 : i32 to index
    %swap3A_207 = arith.constant 0 : index
    %swap3A_208 = tpu.vector_load %arg6[%swap3A_206, %swap3A_207] {strides = array<i32>} : memref<80x16xf32, #tpu.memory_space<vmem>>, vector<1x16xf32>,
    %swap3A_209 = vector.shape_cast %swap3A_208 : vector<1x16xf32> to vector<16xf32>
    %swap3A_210 = vector.shape_cast %broadcast_in_dim3A_1 : vector<16xf32> to vector<1x16xf32>
    tpu.vector_store %arg6[%swap3A_206, %swap3A_207], %swap3A_210 {strides = array<i32>} : memref<80x16xf32, #tpu.memory_space<vmem>>, vector<1x16xf32>,
    %swap3A_211 = arith.constant 35 : i32
    %swap3A_212 = arith.index_cast %swap3A_211 : i32 to index
    %swap3A_213 = arith.constant 0 : index
    %swap3A_214 = tpu.vector_load %arg6[%swap3A_212, %swap3A_213] {strides = array<i32>} : memref<80x16xf32, #tpu.memory_space<vmem>>, vector<1x16xf32>,
    %swap3A_215 = vector.shape_cast %swap3A_214 : vector<1x16xf32> to vector<16xf32>
    %swap3A_216 = vector.shape_cast %broadcast_in_dim3A_1 : vector<16xf32> to vector<1x16xf32>
    tpu.vector_store %arg6[%swap3A_212, %swap3A_213], %swap3A_216 {strides = array<i32>} : memref<80x16xf32, #tpu.memory_space<vmem>>, vector<1x16xf32>,
    %swap3A_217 = arith.constant 36 : i32
    %swap3A_218 = arith.index_cast %swap3A_217 : i32 to index
    %swap3A_219 = arith.constant 0 : index
    %swap3A_220 = tpu.vector_load %arg6[%swap3A_218, %swap3A_219] {strides = array<i32>} : memref<80x16xf32, #tpu.memory_space<vmem>>, vector<1x16xf32>,
    %swap3A_221 = vector.shape_cast %swap3A_220 : vector<1x16xf32> to vector<16xf32>
    %swap3A_222 = vector.shape_cast %broadcast_in_dim3A_1 : vector<16xf32> to vector<1x16xf32>
    tpu.vector_store %arg6[%swap3A_218, %swap3A_219], %swap3A_222 {strides = array<i32>} : memref<80x16xf32, #tpu.memory_space<vmem>>, vector<1x16xf32>,
    %swap3A_223 = arith.constant 37 : i32
    %swap3A_224 = arith.index_cast %swap3A_223 : i32 to index
    %swap3A_225 = arith.constant 0 : index
    %swap3A_226 = tpu.vector_load %arg6[%swap3A_224, %swap3A_225] {strides = array<i32>} : memref<80x16xf32, #tpu.memory_space<vmem>>, vector<1x16xf32>,
    %swap3A_227 = vector.shape_cast %swap3A_226 : vector<1x16xf32> to vector<16xf32>
    %swap3A_228 = vector.shape_cast %broadcast_in_dim3A_1 : vector<16xf32> to vector<1x16xf32>
    tpu.vector_store %arg6[%swap3A_224, %swap3A_225], %swap3A_228 {strides = array<i32>} : memref<80x16xf32, #tpu.memory_space<vmem>>, vector<1x16xf32>,
    %swap3A_229 = arith.constant 38 : i32
    %swap3A_230 = arith.index_cast %swap3A_229 : i32 to index
    %swap3A_231 = arith.constant 0 : index
    %swap3A_232 = tpu.vector_load %arg6[%swap3A_230, %swap3A_231] {strides = array<i32>} : memref<80x16xf32, #tpu.memory_space<vmem>>, vector<1x16xf32>,
    %swap3A_233 = vector.shape_cast %swap3A_232 : vector<1x16xf32> to vector<16xf32>
    %swap3A_234 = vector.shape_cast %broadcast_in_dim3A_1 : vector<16xf32> to vector<1x16xf32>
    tpu.vector_store %arg6[%swap3A_230, %swap3A_231], %swap3A_234 {strides = array<i32>} : memref<80x16xf32, #tpu.memory_space<vmem>>, vector<1x16xf32>,
    %swap3A_235 = arith.constant 39 : i32
    %swap3A_236 = arith.index_cast %swap3A_235 : i32 to index
    %swap3A_237 = arith.constant 0 : index
    %swap3A_238 = tpu.vector_load %arg6[%swap3A_236, %swap3A_237] {strides = array<i32>} : memref<80x16xf32, #tpu.memory_space<vmem>>, vector<1x16xf32>,
    %swap3A_239 = vector.shape_cast %swap3A_238 : vector<1x16xf32> to vector<16xf32>
    %swap3A_240 = vector.shape_cast %broadcast_in_dim3A_1 : vector<16xf32> to vector<1x16xf32>
    tpu.vector_store %arg6[%swap3A_236, %swap3A_237], %swap3A_240 {strides = array<i32>} : memref<80x16xf32, #tpu.memory_space<vmem>>, vector<1x16xf32>,
    %swap3A_241 = arith.constant 40 : i32
    %swap3A_242 = arith.index_cast %swap3A_241 : i32 to index
    %swap3A_243 = arith.constant 0 : index
    %swap3A_244 = tpu.vector_load %arg6[%swap3A_242, %swap3A_243] {strides = array<i32>} : memref<80x16xf32, #tpu.memory_space<vmem>>, vector<1x16xf32>,
    %swap3A_245 = vector.shape_cast %swap3A_244 : vector<1x16xf32> to vector<16xf32>
    %swap3A_246 = vector.shape_cast %broadcast_in_dim3A_1 : vector<16xf32> to vector<1x16xf32>
    tpu.vector_store %arg6[%swap3A_242, %swap3A_243], %swap3A_246 {strides = array<i32>} : memref<80x16xf32, #tpu.memory_space<vmem>>, vector<1x16xf32>,
    %swap3A_247 = arith.constant 41 : i32
    %swap3A_248 = arith.index_cast %swap3A_247 : i32 to index
    %swap3A_249 = arith.constant 0 : index
    %swap3A_250 = tpu.vector_load %arg6[%swap3A_248, %swap3A_249] {strides = array<i32>} : memref<80x16xf32, #tpu.memory_space<vmem>>, vector<1x16xf32>,
    %swap3A_251 = vector.shape_cast %swap3A_250 : vector<1x16xf32> to vector<16xf32>
    %swap3A_252 = vector.shape_cast %broadcast_in_dim3A_1 : vector<16xf32> to vector<1x16xf32>
    tpu.vector_store %arg6[%swap3A_248, %swap3A_249], %swap3A_252 {strides = array<i32>} : memref<80x16xf32, #tpu.memory_space<vmem>>, vector<1x16xf32>,
    %swap3A_253 = arith.constant 42 : i32
    %swap3A_254 = arith.index_cast %swap3A_253 : i32 to index
    %swap3A_255 = arith.constant 0 : index
    %swap3A_256 = tpu.vector_load %arg6[%swap3A_254, %swap3A_255] {strides = array<i32>} : memref<80x16xf32, #tpu.memory_space<vmem>>, vector<1x16xf32>,
    %swap3A_257 = vector.shape_cast %swap3A_256 : vector<1x16xf32> to vector<16xf32>
    %swap3A_258 = vector.shape_cast %broadcast_in_dim3A_1 : vector<16xf32> to vector<1x16xf32>
    tpu.vector_store %arg6[%swap3A_254, %swap3A_255], %swap3A_258 {strides = array<i32>} : memref<80x16xf32, #tpu.memory_space<vmem>>, vector<1x16xf32>,
    %swap3A_259 = arith.constant 43 : i32
    %swap3A_260 = arith.index_cast %swap3A_259 : i32 to index
    %swap3A_261 = arith.constant 0 : index
    %swap3A_262 = tpu.vector_load %arg6[%swap3A_260, %swap3A_261] {strides = array<i32>} : memref<80x16xf32, #tpu.memory_space<vmem>>, vector<1x16xf32>,
    %swap3A_263 = vector.shape_cast %swap3A_262 : vector<1x16xf32> to vector<16xf32>
    %swap3A_264 = vector.shape_cast %broadcast_in_dim3A_1 : vector<16xf32> to vector<1x16xf32>
    tpu.vector_store %arg6[%swap3A_260, %swap3A_261], %swap3A_264 {strides = array<i32>} : memref<80x16xf32, #tpu.memory_space<vmem>>, vector<1x16xf32>,
    %swap3A_265 = arith.constant 44 : i32
    %swap3A_266 = arith.index_cast %swap3A_265 : i32 to index
    %swap3A_267 = arith.constant 0 : index
    %swap3A_268 = tpu.vector_load %arg6[%swap3A_266, %swap3A_267] {strides = array<i32>} : memref<80x16xf32, #tpu.memory_space<vmem>>, vector<1x16xf32>,
    %swap3A_269 = vector.shape_cast %swap3A_268 : vector<1x16xf32> to vector<16xf32>
    %swap3A_270 = vector.shape_cast %broadcast_in_dim3A_1 : vector<16xf32> to vector<1x16xf32>
    tpu.vector_store %arg6[%swap3A_266, %swap3A_267], %swap3A_270 {strides = array<i32>} : memref<80x16xf32, #tpu.memory_space<vmem>>, vector<1x16xf32>,
    %swap3A_271 = arith.constant 45 : i32
    %swap3A_272 = arith.index_cast %swap3A_271 : i32 to index
    %swap3A_273 = arith.constant 0 : index
    %swap3A_274 = tpu.vector_load %arg6[%swap3A_272, %swap3A_273] {strides = array<i32>} : memref<80x16xf32, #tpu.memory_space<vmem>>, vector<1x16xf32>,
    %swap3A_275 = vector.shape_cast %swap3A_274 : vector<1x16xf32> to vector<16xf32>
    %swap3A_276 = vector.shape_cast %broadcast_in_dim3A_1 : vector<16xf32> to vector<1x16xf32>
    tpu.vector_store %arg6[%swap3A_272, %swap3A_273], %swap3A_276 {strides = array<i32>} : memref<80x16xf32, #tpu.memory_space<vmem>>, vector<1x16xf32>,
    %swap3A_277 = arith.constant 46 : i32
    %swap3A_278 = arith.index_cast %swap3A_277 : i32 to index
    %swap3A_279 = arith.constant 0 : index
    %swap3A_280 = tpu.vector_load %arg6[%swap3A_278, %swap3A_279] {strides = array<i32>} : memref<80x16xf32, #tpu.memory_space<vmem>>, vector<1x16xf32>,
    %swap3A_281 = vector.shape_cast %swap3A_280 : vector<1x16xf32> to vector<16xf32>
    %swap3A_282 = vector.shape_cast %broadcast_in_dim3A_1 : vector<16xf32> to vector<1x16xf32>
    tpu.vector_store %arg6[%swap3A_278, %swap3A_279], %swap3A_282 {strides = array<i32>} : memref<80x16xf32, #tpu.memory_space<vmem>>, vector<1x16xf32>,
    %swap3A_283 = arith.constant 47 : i32
    %swap3A_284 = arith.index_cast %swap3A_283 : i32 to index
    %swap3A_285 = arith.constant 0 : index
    %swap3A_286 = tpu.vector_load %arg6[%swap3A_284, %swap3A_285] {strides = array<i32>} : memref<80x16xf32, #tpu.memory_space<vmem>>, vector<1x16xf32>,
    %swap3A_287 = vector.shape_cast %swap3A_286 : vector<1x16xf32> to vector<16xf32>
    %swap3A_288 = vector.shape_cast %broadcast_in_dim3A_1 : vector<16xf32> to vector<1x16xf32>
    tpu.vector_store %arg6[%swap3A_284, %swap3A_285], %swap3A_288 {strides = array<i32>} : memref<80x16xf32, #tpu.memory_space<vmem>>, vector<1x16xf32>,
    %swap3A_289 = arith.constant 48 : i32
    %swap3A_290 = arith.index_cast %swap3A_289 : i32 to index
    %swap3A_291 = arith.constant 0 : index
    %swap3A_292 = tpu.vector_load %arg6[%swap3A_290, %swap3A_291] {strides = array<i32>} : memref<80x16xf32, #tpu.memory_space<vmem>>, vector<1x16xf32>,
    %swap3A_293 = vector.shape_cast %swap3A_292 : vector<1x16xf32> to vector<16xf32>
    %swap3A_294 = vector.shape_cast %broadcast_in_dim3A_1 : vector<16xf32> to vector<1x16xf32>
    tpu.vector_store %arg6[%swap3A_290, %swap3A_291], %swap3A_294 {strides = array<i32>} : memref<80x16xf32, #tpu.memory_space<vmem>>, vector<1x16xf32>,
    %swap3A_295 = arith.constant 49 : i32
    %swap3A_296 = arith.index_cast %swap3A_295 : i32 to index
    %swap3A_297 = arith.constant 0 : index
    %swap3A_298 = tpu.vector_load %arg6[%swap3A_296, %swap3A_297] {strides = array<i32>} : memref<80x16xf32, #tpu.memory_space<vmem>>, vector<1x16xf32>,
    %swap3A_299 = vector.shape_cast %swap3A_298 : vector<1x16xf32> to vector<16xf32>
    %swap3A_300 = vector.shape_cast %broadcast_in_dim3A_1 : vector<16xf32> to vector<1x16xf32>
    tpu.vector_store %arg6[%swap3A_296, %swap3A_297], %swap3A_300 {strides = array<i32>} : memref<80x16xf32, #tpu.memory_space<vmem>>, vector<1x16xf32>,
    %swap3A_301 = arith.constant 50 : i32
    %swap3A_302 = arith.index_cast %swap3A_301 : i32 to index
    %swap3A_303 = arith.constant 0 : index
    %swap3A_304 = tpu.vector_load %arg6[%swap3A_302, %swap3A_303] {strides = array<i32>} : memref<80x16xf32, #tpu.memory_space<vmem>>, vector<1x16xf32>,
    %swap3A_305 = vector.shape_cast %swap3A_304 : vector<1x16xf32> to vector<16xf32>
    %swap3A_306 = vector.shape_cast %broadcast_in_dim3A_1 : vector<16xf32> to vector<1x16xf32>
    tpu.vector_store %arg6[%swap3A_302, %swap3A_303], %swap3A_306 {strides = array<i32>} : memref<80x16xf32, #tpu.memory_space<vmem>>, vector<1x16xf32>,
    %swap3A_307 = arith.constant 51 : i32
    %swap3A_308 = arith.index_cast %swap3A_307 : i32 to index
    %swap3A_309 = arith.constant 0 : index
    %swap3A_310 = tpu.vector_load %arg6[%swap3A_308, %swap3A_309] {strides = array<i32>} : memref<80x16xf32, #tpu.memory_space<vmem>>, vector<1x16xf32>,
    %swap3A_311 = vector.shape_cast %swap3A_310 : vector<1x16xf32> to vector<16xf32>
    %swap3A_312 = vector.shape_cast %broadcast_in_dim3A_1 : vector<16xf32> to vector<1x16xf32>
    tpu.vector_store %arg6[%swap3A_308, %swap3A_309], %swap3A_312 {strides = array<i32>} : memref<80x16xf32, #tpu.memory_space<vmem>>, vector<1x16xf32>,
    %swap3A_313 = arith.constant 52 : i32
    %swap3A_314 = arith.index_cast %swap3A_313 : i32 to index
    %swap3A_315 = arith.constant 0 : index
    %swap3A_316 = tpu.vector_load %arg6[%swap3A_314, %swap3A_315] {strides = array<i32>} : memref<80x16xf32, #tpu.memory_space<vmem>>, vector<1x16xf32>,
    %swap3A_317 = vector.shape_cast %swap3A_316 : vector<1x16xf32> to vector<16xf32>
    %swap3A_318 = vector.shape_cast %broadcast_in_dim3A_1 : vector<16xf32> to vector<1x16xf32>
    tpu.vector_store %arg6[%swap3A_314, %swap3A_315], %swap3A_318 {strides = array<i32>} : memref<80x16xf32, #tpu.memory_space<vmem>>, vector<1x16xf32>,
    %swap3A_319 = arith.constant 53 : i32
    %swap3A_320 = arith.index_cast %swap3A_319 : i32 to index
    %swap3A_321 = arith.constant 0 : index
    %swap3A_322 = tpu.vector_load %arg6[%swap3A_320, %swap3A_321] {strides = array<i32>} : memref<80x16xf32, #tpu.memory_space<vmem>>, vector<1x16xf32>,
    %swap3A_323 = vector.shape_cast %swap3A_322 : vector<1x16xf32> to vector<16xf32>
    %swap3A_324 = vector.shape_cast %broadcast_in_dim3A_1 : vector<16xf32> to vector<1x16xf32>
    tpu.vector_store %arg6[%swap3A_320, %swap3A_321], %swap3A_324 {strides = array<i32>} : memref<80x16xf32, #tpu.memory_space<vmem>>, vector<1x16xf32>,
    %swap3A_325 = arith.constant 54 : i32
    %swap3A_326 = arith.index_cast %swap3A_325 : i32 to index
    %swap3A_327 = arith.constant 0 : index
    %swap3A_328 = tpu.vector_load %arg6[%swap3A_326, %swap3A_327] {strides = array<i32>} : memref<80x16xf32, #tpu.memory_space<vmem>>, vector<1x16xf32>,
    %swap3A_329 = vector.shape_cast %swap3A_328 : vector<1x16xf32> to vector<16xf32>
    %swap3A_330 = vector.shape_cast %broadcast_in_dim3A_1 : vector<16xf32> to vector<1x16xf32>
    tpu.vector_store %arg6[%swap3A_326, %swap3A_327], %swap3A_330 {strides = array<i32>} : memref<80x16xf32, #tpu.memory_space<vmem>>, vector<1x16xf32>,
    %swap3A_331 = arith.constant 55 : i32
    %swap3A_332 = arith.index_cast %swap3A_331 : i32 to index
    %swap3A_333 = arith.constant 0 : index
    %swap3A_334 = tpu.vector_load %arg6[%swap3A_332, %swap3A_333] {strides = array<i32>} : memref<80x16xf32, #tpu.memory_space<vmem>>, vector<1x16xf32>,
    %swap3A_335 = vector.shape_cast %swap3A_334 : vector<1x16xf32> to vector<16xf32>
    %swap3A_336 = vector.shape_cast %broadcast_in_dim3A_1 : vector<16xf32> to vector<1x16xf32>
    tpu.vector_store %arg6[%swap3A_332, %swap3A_333], %swap3A_336 {strides = array<i32>} : memref<80x16xf32, #tpu.memory_space<vmem>>, vector<1x16xf32>,
    %swap3A_337 = arith.constant 56 : i32
    %swap3A_338 = arith.index_cast %swap3A_337 : i32 to index
    %swap3A_339 = arith.constant 0 : index
    %swap3A_340 = tpu.vector_load %arg6[%swap3A_338, %swap3A_339] {strides = array<i32>} : memref<80x16xf32, #tpu.memory_space<vmem>>, vector<1x16xf32>,
    %swap3A_341 = vector.shape_cast %swap3A_340 : vector<1x16xf32> to vector<16xf32>
    %swap3A_342 = vector.shape_cast %broadcast_in_dim3A_1 : vector<16xf32> to vector<1x16xf32>
    tpu.vector_store %arg6[%swap3A_338, %swap3A_339], %swap3A_342 {strides = array<i32>} : memref<80x16xf32, #tpu.memory_space<vmem>>, vector<1x16xf32>,
    %swap3A_343 = arith.constant 57 : i32
    %swap3A_344 = arith.index_cast %swap3A_343 : i32 to index
    %swap3A_345 = arith.constant 0 : index
    %swap3A_346 = tpu.vector_load %arg6[%swap3A_344, %swap3A_345] {strides = array<i32>} : memref<80x16xf32, #tpu.memory_space<vmem>>, vector<1x16xf32>,
    %swap3A_347 = vector.shape_cast %swap3A_346 : vector<1x16xf32> to vector<16xf32>
    %swap3A_348 = vector.shape_cast %broadcast_in_dim3A_1 : vector<16xf32> to vector<1x16xf32>
    tpu.vector_store %arg6[%swap3A_344, %swap3A_345], %swap3A_348 {strides = array<i32>} : memref<80x16xf32, #tpu.memory_space<vmem>>, vector<1x16xf32>,
    %swap3A_349 = arith.constant 58 : i32
    %swap3A_350 = arith.index_cast %swap3A_349 : i32 to index
    %swap3A_351 = arith.constant 0 : index
    %swap3A_352 = tpu.vector_load %arg6[%swap3A_350, %swap3A_351] {strides = array<i32>} : memref<80x16xf32, #tpu.memory_space<vmem>>, vector<1x16xf32>,
    %swap3A_353 = vector.shape_cast %swap3A_352 : vector<1x16xf32> to vector<16xf32>
    %swap3A_354 = vector.shape_cast %broadcast_in_dim3A_1 : vector<16xf32> to vector<1x16xf32>
    tpu.vector_store %arg6[%swap3A_350, %swap3A_351], %swap3A_354 {strides = array<i32>} : memref<80x16xf32, #tpu.memory_space<vmem>>, vector<1x16xf32>,
    %swap3A_355 = arith.constant 59 : i32
    %swap3A_356 = arith.index_cast %swap3A_355 : i32 to index
    %swap3A_357 = arith.constant 0 : index
    %swap3A_358 = tpu.vector_load %arg6[%swap3A_356, %swap3A_357] {strides = array<i32>} : memref<80x16xf32, #tpu.memory_space<vmem>>, vector<1x16xf32>,
    %swap3A_359 = vector.shape_cast %swap3A_358 : vector<1x16xf32> to vector<16xf32>
    %swap3A_360 = vector.shape_cast %broadcast_in_dim3A_1 : vector<16xf32> to vector<1x16xf32>
    tpu.vector_store %arg6[%swap3A_356, %swap3A_357], %swap3A_360 {strides = array<i32>} : memref<80x16xf32, #tpu.memory_space<vmem>>, vector<1x16xf32>,
    %swap3A_361 = arith.constant 60 : i32
    %swap3A_362 = arith.index_cast %swap3A_361 : i32 to index
    %swap3A_363 = arith.constant 0 : index
    %swap3A_364 = tpu.vector_load %arg6[%swap3A_362, %swap3A_363] {strides = array<i32>} : memref<80x16xf32, #tpu.memory_space<vmem>>, vector<1x16xf32>,
    %swap3A_365 = vector.shape_cast %swap3A_364 : vector<1x16xf32> to vector<16xf32>
    %swap3A_366 = vector.shape_cast %broadcast_in_dim3A_1 : vector<16xf32> to vector<1x16xf32>
    tpu.vector_store %arg6[%swap3A_362, %swap3A_363], %swap3A_366 {strides = array<i32>} : memref<80x16xf32, #tpu.memory_space<vmem>>, vector<1x16xf32>,
    %swap3A_367 = arith.constant 61 : i32
    %swap3A_368 = arith.index_cast %swap3A_367 : i32 to index
    %swap3A_369 = arith.constant 0 : index
    %swap3A_370 = tpu.vector_load %arg6[%swap3A_368, %swap3A_369] {strides = array<i32>} : memref<80x16xf32, #tpu.memory_space<vmem>>, vector<1x16xf32>,
    %swap3A_371 = vector.shape_cast %swap3A_370 : vector<1x16xf32> to vector<16xf32>
    %swap3A_372 = vector.shape_cast %broadcast_in_dim3A_1 : vector<16xf32> to vector<1x16xf32>
    tpu.vector_store %arg6[%swap3A_368, %swap3A_369], %swap3A_372 {strides = array<i32>} : memref<80x16xf32, #tpu.memory_space<vmem>>, vector<1x16xf32>,
    %swap3A_373 = arith.constant 62 : i32
    %swap3A_374 = arith.index_cast %swap3A_373 : i32 to index
    %swap3A_375 = arith.constant 0 : index
    %swap3A_376 = tpu.vector_load %arg6[%swap3A_374, %swap3A_375] {strides = array<i32>} : memref<80x16xf32, #tpu.memory_space<vmem>>, vector<1x16xf32>,
    %swap3A_377 = vector.shape_cast %swap3A_376 : vector<1x16xf32> to vector<16xf32>
    %swap3A_378 = vector.shape_cast %broadcast_in_dim3A_1 : vector<16xf32> to vector<1x16xf32>
    tpu.vector_store %arg6[%swap3A_374, %swap3A_375], %swap3A_378 {strides = array<i32>} : memref<80x16xf32, #tpu.memory_space<vmem>>, vector<1x16xf32>,
    %swap3A_379 = arith.constant 63 : i32
    %swap3A_380 = arith.index_cast %swap3A_379 : i32 to index
    %swap3A_381 = arith.constant 0 : index
    %swap3A_382 = tpu.vector_load %arg6[%swap3A_380, %swap3A_381] {strides = array<i32>} : memref<80x16xf32, #tpu.memory_space<vmem>>, vector<1x16xf32>,
    %swap3A_383 = vector.shape_cast %swap3A_382 : vector<1x16xf32> to vector<16xf32>
    %swap3A_384 = vector.shape_cast %broadcast_in_dim3A_1 : vector<16xf32> to vector<1x16xf32>
    tpu.vector_store %arg6[%swap3A_380, %swap3A_381], %swap3A_384 {strides = array<i32>} : memref<80x16xf32, #tpu.memory_space<vmem>>, vector<1x16xf32>,
    %swap3A_385 = arith.constant 64 : i32
    %swap3A_386 = arith.index_cast %swap3A_385 : i32 to index
    %swap3A_387 = arith.constant 0 : index
    %swap3A_388 = tpu.vector_load %arg6[%swap3A_386, %swap3A_387] {strides = array<i32>} : memref<80x16xf32, #tpu.memory_space<vmem>>, vector<1x16xf32>,
    %swap3A_389 = vector.shape_cast %swap3A_388 : vector<1x16xf32> to vector<16xf32>
    %swap3A_390 = vector.shape_cast %broadcast_in_dim3A_1 : vector<16xf32> to vector<1x16xf32>
    tpu.vector_store %arg6[%swap3A_386, %swap3A_387], %swap3A_390 {strides = array<i32>} : memref<80x16xf32, #tpu.memory_space<vmem>>, vector<1x16xf32>,
    %swap3A_391 = arith.constant 65 : i32
    %swap3A_392 = arith.index_cast %swap3A_391 : i32 to index
    %swap3A_393 = arith.constant 0 : index
    %swap3A_394 = tpu.vector_load %arg6[%swap3A_392, %swap3A_393] {strides = array<i32>} : memref<80x16xf32, #tpu.memory_space<vmem>>, vector<1x16xf32>,
    %swap3A_395 = vector.shape_cast %swap3A_394 : vector<1x16xf32> to vector<16xf32>
    %swap3A_396 = vector.shape_cast %broadcast_in_dim3A_1 : vector<16xf32> to vector<1x16xf32>
    tpu.vector_store %arg6[%swap3A_392, %swap3A_393], %swap3A_396 {strides = array<i32>} : memref<80x16xf32, #tpu.memory_space<vmem>>, vector<1x16xf32>,
    %swap3A_397 = arith.constant 66 : i32
    %swap3A_398 = arith.index_cast %swap3A_397 : i32 to index
    %swap3A_399 = arith.constant 0 : index
    %swap3A_400 = tpu.vector_load %arg6[%swap3A_398, %swap3A_399] {strides = array<i32>} : memref<80x16xf32, #tpu.memory_space<vmem>>, vector<1x16xf32>,
    %swap3A_401 = vector.shape_cast %swap3A_400 : vector<1x16xf32> to vector<16xf32>
    %swap3A_402 = vector.shape_cast %broadcast_in_dim3A_1 : vector<16xf32> to vector<1x16xf32>
    tpu.vector_store %arg6[%swap3A_398, %swap3A_399], %swap3A_402 {strides = array<i32>} : memref<80x16xf32, #tpu.memory_space<vmem>>, vector<1x16xf32>,
    %swap3A_403 = arith.constant 67 : i32
    %swap3A_404 = arith.index_cast %swap3A_403 : i32 to index
    %swap3A_405 = arith.constant 0 : index
    %swap3A_406 = tpu.vector_load %arg6[%swap3A_404, %swap3A_405] {strides = array<i32>} : memref<80x16xf32, #tpu.memory_space<vmem>>, vector<1x16xf32>,
    %swap3A_407 = vector.shape_cast %swap3A_406 : vector<1x16xf32> to vector<16xf32>
    %swap3A_408 = vector.shape_cast %broadcast_in_dim3A_1 : vector<16xf32> to vector<1x16xf32>
    tpu.vector_store %arg6[%swap3A_404, %swap3A_405], %swap3A_408 {strides = array<i32>} : memref<80x16xf32, #tpu.memory_space<vmem>>, vector<1x16xf32>,
    %swap3A_409 = arith.constant 68 : i32
    %swap3A_410 = arith.index_cast %swap3A_409 : i32 to index
    %swap3A_411 = arith.constant 0 : index
    %swap3A_412 = tpu.vector_load %arg6[%swap3A_410, %swap3A_411] {strides = array<i32>} : memref<80x16xf32, #tpu.memory_space<vmem>>, vector<1x16xf32>,
    %swap3A_413 = vector.shape_cast %swap3A_412 : vector<1x16xf32> to vector<16xf32>
    %swap3A_414 = vector.shape_cast %broadcast_in_dim3A_1 : vector<16xf32> to vector<1x16xf32>
    tpu.vector_store %arg6[%swap3A_410, %swap3A_411], %swap3A_414 {strides = array<i32>} : memref<80x16xf32, #tpu.memory_space<vmem>>, vector<1x16xf32>,
    %swap3A_415 = arith.constant 69 : i32
    %swap3A_416 = arith.index_cast %swap3A_415 : i32 to index
    %swap3A_417 = arith.constant 0 : index
    %swap3A_418 = tpu.vector_load %arg6[%swap3A_416, %swap3A_417] {strides = array<i32>} : memref<80x16xf32, #tpu.memory_space<vmem>>, vector<1x16xf32>,
    %swap3A_419 = vector.shape_cast %swap3A_418 : vector<1x16xf32> to vector<16xf32>
    %swap3A_420 = vector.shape_cast %broadcast_in_dim3A_1 : vector<16xf32> to vector<1x16xf32>
    tpu.vector_store %arg6[%swap3A_416, %swap3A_417], %swap3A_420 {strides = array<i32>} : memref<80x16xf32, #tpu.memory_space<vmem>>, vector<1x16xf32>,
    %swap3A_421 = arith.constant 70 : i32
    %swap3A_422 = arith.index_cast %swap3A_421 : i32 to index
    %swap3A_423 = arith.constant 0 : index
    %swap3A_424 = tpu.vector_load %arg6[%swap3A_422, %swap3A_423] {strides = array<i32>} : memref<80x16xf32, #tpu.memory_space<vmem>>, vector<1x16xf32>,
    %swap3A_425 = vector.shape_cast %swap3A_424 : vector<1x16xf32> to vector<16xf32>
    %swap3A_426 = vector.shape_cast %broadcast_in_dim3A_1 : vector<16xf32> to vector<1x16xf32>
    tpu.vector_store %arg6[%swap3A_422, %swap3A_423], %swap3A_426 {strides = array<i32>} : memref<80x16xf32, #tpu.memory_space<vmem>>, vector<1x16xf32>,
    %swap3A_427 = arith.constant 71 : i32
    %swap3A_428 = arith.index_cast %swap3A_427 : i32 to index
    %swap3A_429 = arith.constant 0 : index
    %swap3A_430 = tpu.vector_load %arg6[%swap3A_428, %swap3A_429] {strides = array<i32>} : memref<80x16xf32, #tpu.memory_space<vmem>>, vector<1x16xf32>,
    %swap3A_431 = vector.shape_cast %swap3A_430 : vector<1x16xf32> to vector<16xf32>
    %swap3A_432 = vector.shape_cast %broadcast_in_dim3A_1 : vector<16xf32> to vector<1x16xf32>
    tpu.vector_store %arg6[%swap3A_428, %swap3A_429], %swap3A_432 {strides = array<i32>} : memref<80x16xf32, #tpu.memory_space<vmem>>, vector<1x16xf32>,
    %swap3A_433 = arith.constant 72 : i32
    %swap3A_434 = arith.index_cast %swap3A_433 : i32 to index
    %swap3A_435 = arith.constant 0 : index
    %swap3A_436 = tpu.vector_load %arg6[%swap3A_434, %swap3A_435] {strides = array<i32>} : memref<80x16xf32, #tpu.memory_space<vmem>>, vector<1x16xf32>,
    %swap3A_437 = vector.shape_cast %swap3A_436 : vector<1x16xf32> to vector<16xf32>
    %swap3A_438 = vector.shape_cast %broadcast_in_dim3A_1 : vector<16xf32> to vector<1x16xf32>
    tpu.vector_store %arg6[%swap3A_434, %swap3A_435], %swap3A_438 {strides = array<i32>} : memref<80x16xf32, #tpu.memory_space<vmem>>, vector<1x16xf32>,
    %swap3A_439 = arith.constant 73 : i32
    %swap3A_440 = arith.index_cast %swap3A_439 : i32 to index
    %swap3A_441 = arith.constant 0 : index
    %swap3A_442 = tpu.vector_load %arg6[%swap3A_440, %swap3A_441] {strides = array<i32>} : memref<80x16xf32, #tpu.memory_space<vmem>>, vector<1x16xf32>,
    %swap3A_443 = vector.shape_cast %swap3A_442 : vector<1x16xf32> to vector<16xf32>
    %swap3A_444 = vector.shape_cast %broadcast_in_dim3A_1 : vector<16xf32> to vector<1x16xf32>
    tpu.vector_store %arg6[%swap3A_440, %swap3A_441], %swap3A_444 {strides = array<i32>} : memref<80x16xf32, #tpu.memory_space<vmem>>, vector<1x16xf32>,
    %swap3A_445 = arith.constant 74 : i32
    %swap3A_446 = arith.index_cast %swap3A_445 : i32 to index
    %swap3A_447 = arith.constant 0 : index
    %swap3A_448 = tpu.vector_load %arg6[%swap3A_446, %swap3A_447] {strides = array<i32>} : memref<80x16xf32, #tpu.memory_space<vmem>>, vector<1x16xf32>,
    %swap3A_449 = vector.shape_cast %swap3A_448 : vector<1x16xf32> to vector<16xf32>
    %swap3A_450 = vector.shape_cast %broadcast_in_dim3A_1 : vector<16xf32> to vector<1x16xf32>
    tpu.vector_store %arg6[%swap3A_446, %swap3A_447], %swap3A_450 {strides = array<i32>} : memref<80x16xf32, #tpu.memory_space<vmem>>, vector<1x16xf32>,
    %swap3A_451 = arith.constant 75 : i32
    %swap3A_452 = arith.index_cast %swap3A_451 : i32 to index
    %swap3A_453 = arith.constant 0 : index
    %swap3A_454 = tpu.vector_load %arg6[%swap3A_452, %swap3A_453] {strides = array<i32>} : memref<80x16xf32, #tpu.memory_space<vmem>>, vector<1x16xf32>,
    %swap3A_455 = vector.shape_cast %swap3A_454 : vector<1x16xf32> to vector<16xf32>
    %swap3A_456 = vector.shape_cast %broadcast_in_dim3A_1 : vector<16xf32> to vector<1x16xf32>
    tpu.vector_store %arg6[%swap3A_452, %swap3A_453], %swap3A_456 {strides = array<i32>} : memref<80x16xf32, #tpu.memory_space<vmem>>, vector<1x16xf32>,
    %swap3A_457 = arith.constant 76 : i32
    %swap3A_458 = arith.index_cast %swap3A_457 : i32 to index
    %swap3A_459 = arith.constant 0 : index
    %swap3A_460 = tpu.vector_load %arg6[%swap3A_458, %swap3A_459] {strides = array<i32>} : memref<80x16xf32, #tpu.memory_space<vmem>>, vector<1x16xf32>,
    %swap3A_461 = vector.shape_cast %swap3A_460 : vector<1x16xf32> to vector<16xf32>
    %swap3A_462 = vector.shape_cast %broadcast_in_dim3A_1 : vector<16xf32> to vector<1x16xf32>
    tpu.vector_store %arg6[%swap3A_458, %swap3A_459], %swap3A_462 {strides = array<i32>} : memref<80x16xf32, #tpu.memory_space<vmem>>, vector<1x16xf32>,
    %swap3A_463 = arith.constant 77 : i32
    %swap3A_464 = arith.index_cast %swap3A_463 : i32 to index
    %swap3A_465 = arith.constant 0 : index
    %swap3A_466 = tpu.vector_load %arg6[%swap3A_464, %swap3A_465] {strides = array<i32>} : memref<80x16xf32, #tpu.memory_space<vmem>>, vector<1x16xf32>,
    %swap3A_467 = vector.shape_cast %swap3A_466 : vector<1x16xf32> to vector<16xf32>
    %swap3A_468 = vector.shape_cast %broadcast_in_dim3A_1 : vector<16xf32> to vector<1x16xf32>
    tpu.vector_store %arg6[%swap3A_464, %swap3A_465], %swap3A_468 {strides = array<i32>} : memref<80x16xf32, #tpu.memory_space<vmem>>, vector<1x16xf32>,
    %swap3A_469 = arith.constant 78 : i32
    %swap3A_470 = arith.index_cast %swap3A_469 : i32 to index
    %swap3A_471 = arith.constant 0 : index
    %swap3A_472 = tpu.vector_load %arg6[%swap3A_470, %swap3A_471] {strides = array<i32>} : memref<80x16xf32, #tpu.memory_space<vmem>>, vector<1x16xf32>,
    %swap3A_473 = vector.shape_cast %swap3A_472 : vector<1x16xf32> to vector<16xf32>
    %swap3A_474 = vector.shape_cast %broadcast_in_dim3A_1 : vector<16xf32> to vector<1x16xf32>
    tpu.vector_store %arg6[%swap3A_470, %swap3A_471], %swap3A_474 {strides = array<i32>} : memref<80x16xf32, #tpu.memory_space<vmem>>, vector<1x16xf32>,
    %swap3A_475 = arith.constant 79 : i32
    %swap3A_476 = arith.index_cast %swap3A_475 : i32 to index
    %swap3A_477 = arith.constant 0 : index
    %swap3A_478 = tpu.vector_load %arg6[%swap3A_476, %swap3A_477] {strides = array<i32>} : memref<80x16xf32, #tpu.memory_space<vmem>>, vector<1x16xf32>,
    %swap3A_479 = vector.shape_cast %swap3A_478 : vector<1x16xf32> to vector<16xf32>
    %swap3A_480 = vector.shape_cast %broadcast_in_dim3A_1 : vector<16xf32> to vector<1x16xf32>
    tpu.vector_store %arg6[%swap3A_476, %swap3A_477], %swap3A_480 {strides = array<i32>} : memref<80x16xf32, #tpu.memory_space<vmem>>, vector<1x16xf32>,
    %mul3A_481 = arith.constant 640 : i32
    %mul3A_482 = arith.muli %arg1, %mul3A_481 : i32
    %mul3A_483 = arith.constant 640 : i32
    %mul3A_484 = arith.muli %arg1, %mul3A_483 : i32
    "tpu.region"() ({
      %run_scoped3A = tpu.sem_alloc : memref<!tpu.dma_semaphore, #tpu.memory_space<semaphore_mem>>
      %dma_start3A = arith.constant 0 : i32
      %dma_start3A_495 = tpu.memref_slice %arg7[%mul3A_484, %dma_start3A] : memref<10240x16xf32, #tpu.memory_space<vmem_shared>> -> memref<640x16xf32, #tpu.memory_space<vmem_shared>>
      %dma_start3A_496 = arith.constant 0 : i32
      %dma_start3A_497 = tpu.memref_slice %arg3[%mul3A_482, %dma_start3A_496] : memref<10240x16xf32, #tpu.memory_space<hbm>> -> memref<640x16xf32, #tpu.memory_space<hbm>>
      tpu.enqueue_dma source(%dma_start3A_497 : memref<640x16xf32, #tpu.memory_space<hbm>>) target(%dma_start3A_495 : memref<640x16xf32, #tpu.memory_space<vmem_shared>>) target_semaphore(%run_scoped3A : memref<!tpu.dma_semaphore, #tpu.memory_space<semaphore_mem>>)
      %dma_wait3A = arith.constant 0 : i32
      %dma_wait3A_498 = tpu.memref_slice %arg7[%mul3A_484, %dma_wait3A] : memref<10240x16xf32, #tpu.memory_space<vmem_shared>> -> memref<640x16xf32, #tpu.memory_space<vmem_shared>>
      %dma_wait3A_499 = arith.constant 0 : i32
      %dma_wait3A_500 = tpu.memref_slice %arg3[%mul3A_482, %dma_wait3A_499] : memref<10240x16xf32, #tpu.memory_space<hbm>> -> memref<640x16xf32, #tpu.memory_space<hbm>>
      tpu.wait_dma2 semaphore(%run_scoped3A : memref<!tpu.dma_semaphore, #tpu.memory_space<semaphore_mem>>) src(%dma_wait3A_500 : memref<640x16xf32, #tpu.memory_space<hbm>>) dst(%dma_wait3A_498 : memref<640x16xf32, #tpu.memory_space<vmem_shared>>)
      tpu.yield
    }) : () -> ()
    %barrier3A = arith.constant 0 : index
    tpu.barrier barrier_id(%barrier3A)
    %scan3A = arith.constant 0 : i32
    %scan3A_485 = arith.constant 0 : i32
    %scan3A_486 = arith.constant 5 : i32
    %scan3A_487 = arith.addi %scan3A_485, %scan3A_486 : i32
    %scan3A_488 = arith.constant 1 : i32
    scf.for %scan3A_495 = %scan3A_485 to %scan3A_487 step %scan3A_488  : i32 {
      "tpu.region"() ({
        %run_scoped3A = tpu.sem_alloc : memref<!tpu.dma_semaphore, #tpu.memory_space<semaphore_mem>>
        %dma_start3A = arith.constant 0 : i32
        %dma_start3A_508 = arith.constant 0 : i32
        %dma_start3A_509 = tpu.memref_slice %arg2[%add3A, %scan3A_495, %dma_start3A, %dma_start3A_508] : memref<32x5x25x80xi32, #tpu.memory_space<hbm>> -> memref<1x1x25x80xi32, #tpu.memory_space<hbm>>
        %dma_start3A_510 = tpu.memref_squeeze %dma_start3A_509 : memref<1x1x25x80xi32, #tpu.memory_space<hbm>> -> memref<25x80xi32, #tpu.memory_space<hbm>>
        %dma_start3A_511 = arith.constant 0 : i32
        %dma_start3A_512 = arith.constant 0 : i32
        %dma_start3A_513 = tpu.memref_slice %arg2[%add3A, %scan3A_495, %dma_start3A_511, %dma_start3A_512] : memref<32x5x25x80xi32, #tpu.memory_space<hbm>> -> memref<1x1x25x80xi32, #tpu.memory_space<hbm>>
        %dma_start3A_514 = tpu.memref_squeeze %dma_start3A_513 : memref<1x1x25x80xi32, #tpu.memory_space<hbm>> -> memref<25x80xi32, #tpu.memory_space<hbm>>
        tpu.enqueue_dma source(%dma_start3A_514 : memref<25x80xi32, #tpu.memory_space<hbm>>) target(%arg5 : memref<25x80xi32, #tpu.memory_space<vmem>>) target_semaphore(%run_scoped3A : memref<!tpu.dma_semaphore, #tpu.memory_space<semaphore_mem>>)
        %dma_wait3A = arith.constant 0 : i32
        %dma_wait3A_515 = arith.constant 0 : i32
        %dma_wait3A_516 = tpu.memref_slice %arg2[%add3A, %scan3A_495, %dma_wait3A, %dma_wait3A_515] : memref<32x5x25x80xi32, #tpu.memory_space<hbm>> -> memref<1x1x25x80xi32, #tpu.memory_space<hbm>>
        %dma_wait3A_517 = tpu.memref_squeeze %dma_wait3A_516 : memref<1x1x25x80xi32, #tpu.memory_space<hbm>> -> memref<25x80xi32, #tpu.memory_space<hbm>>
        %dma_wait3A_518 = arith.constant 0 : i32
        %dma_wait3A_519 = arith.constant 0 : i32
        %dma_wait3A_520 = tpu.memref_slice %arg2[%add3A, %scan3A_495, %dma_wait3A_518, %dma_wait3A_519] : memref<32x5x25x80xi32, #tpu.memory_space<hbm>> -> memref<1x1x25x80xi32, #tpu.memory_space<hbm>>
        %dma_wait3A_521 = tpu.memref_squeeze %dma_wait3A_520 : memref<1x1x25x80xi32, #tpu.memory_space<hbm>> -> memref<25x80xi32, #tpu.memory_space<hbm>>
        tpu.wait_dma2 semaphore(%run_scoped3A : memref<!tpu.dma_semaphore, #tpu.memory_space<semaphore_mem>>) src(%dma_wait3A_521 : memref<25x80xi32, #tpu.memory_space<hbm>>) dst(%arg5 : memref<25x80xi32, #tpu.memory_space<vmem>>)
        tpu.yield
      }) : () -> ()
      %scan3A_496 = arith.constant 0 : i32
      %scan3A_497 = arith.constant 0 : i32
      %scan3A_498 = arith.constant 25 : i32
      %scan3A_499 = arith.addi %scan3A_497, %scan3A_498 : i32
      %scan3A_500 = arith.constant 1 : i32
      scf.for %scan3A_508 = %scan3A_497 to %scan3A_499 step %scan3A_500  : i32 {
        %dma_start3A = arith.constant 0 : i32
        %dma_start3A_509 = tpu.memref_slice %arg5[%scan3A_508, %dma_start3A] : memref<25x80xi32, #tpu.memory_space<vmem>> -> memref<1x80xi32, #tpu.memory_space<vmem>>
        %dma_start3A_510 = tpu.memref_squeeze %dma_start3A_509 : memref<1x80xi32, #tpu.memory_space<vmem>> -> memref<80xi32, #tpu.memory_space<vmem>>
        %dma_start3A_511 = arith.constant 0 : i32
        %dma_start3A_512 = arith.constant 0 : i32
        %dma_start3A_513 = tpu.memref_slice %arg7[%dma_start3A_511, %dma_start3A_512] : memref<10240x16xf32, #tpu.memory_space<vmem_shared>> -> memref<10240x16xf32, #tpu.memory_space<vmem_shared>>
        tpu.enqueue_indirect_dma source(%arg6 : memref<80x16xf32, #tpu.memory_space<vmem>>) target(%dma_start3A_513 : memref<10240x16xf32, #tpu.memory_space<vmem_shared>>) offsets(%dma_start3A_510 : memref<80xi32, #tpu.memory_space<vmem>>) semaphore(%arg8 : memref<!tpu.dma_semaphore, #tpu.memory_space<semaphore_mem>>) {add = true}
      }
      %scan3A_501 = arith.constant 25 : i32
      %scan3A_502 = arith.constant 0 : i32
      %scan3A_503 = arith.constant 0 : i32
      %scan3A_504 = arith.constant 25 : i32
      %scan3A_505 = arith.addi %scan3A_503, %scan3A_504 : i32
      %scan3A_506 = arith.constant 1 : i32
      scf.for %scan3A_508 = %scan3A_503 to %scan3A_505 step %scan3A_506  : i32 {
        %dma_wait3A = arith.constant 0 : i32
        %dma_wait3A_509 = tpu.memref_slice %arg5[%scan3A_508, %dma_wait3A] : memref<25x80xi32, #tpu.memory_space<vmem>> -> memref<1x80xi32, #tpu.memory_space<vmem>>
        %dma_wait3A_510 = tpu.memref_squeeze %dma_wait3A_509 : memref<1x80xi32, #tpu.memory_space<vmem>> -> memref<80xi32, #tpu.memory_space<vmem>>
        %dma_wait3A_511 = arith.constant 0 : i32
        %dma_wait3A_512 = arith.constant 0 : i32
        %dma_wait3A_513 = tpu.memref_slice %arg7[%dma_wait3A_511, %dma_wait3A_512] : memref<10240x16xf32, #tpu.memory_space<vmem_shared>> -> memref<10240x16xf32, #tpu.memory_space<vmem_shared>>
        tpu.wait_indirect_dma semaphore(%arg8 : memref<!tpu.dma_semaphore, #tpu.memory_space<semaphore_mem>>) src(%arg6 : memref<80x16xf32, #tpu.memory_space<vmem>>) dst(%dma_wait3A_513 : memref<10240x16xf32, #tpu.memory_space<vmem_shared>>)
      }
      %scan3A_507 = arith.constant 25 : i32
    }
    %scan3A_489 = arith.constant 5 : i32
    %barrier3A_490 = arith.constant 0 : index
    tpu.barrier barrier_id(%barrier3A_490)
    %mul3A_491 = arith.constant 640 : i32
    %mul3A_492 = arith.muli %arg1, %mul3A_491 : i32
    %mul3A_493 = arith.constant 640 : i32
    %mul3A_494 = arith.muli %arg1, %mul3A_493 : i32
    "tpu.region"() ({
      %run_scoped3A = tpu.sem_alloc : memref<!tpu.dma_semaphore, #tpu.memory_space<semaphore_mem>>
      %dma_start3A = arith.constant 0 : i32
      %dma_start3A_495 = tpu.memref_slice %arg4[%arg0, %mul3A_494, %dma_start3A] : memref<2x10240x16xf32, #tpu.memory_space<hbm>> -> memref<1x640x16xf32, #tpu.memory_space<hbm>>
      %dma_start3A_496 = tpu.memref_squeeze %dma_start3A_495 : memref<1x640x16xf32, #tpu.memory_space<hbm>> -> memref<640x16xf32, #tpu.memory_space<hbm>>
      %dma_start3A_497 = arith.constant 0 : i32
      %dma_start3A_498 = tpu.memref_slice %arg7[%mul3A_492, %dma_start3A_497] : memref<10240x16xf32, #tpu.memory_space<vmem_shared>> -> memref<640x16xf32, #tpu.memory_space<vmem_shared>>
      tpu.enqueue_dma source(%dma_start3A_498 : memref<640x16xf32, #tpu.memory_space<vmem_shared>>) target(%dma_start3A_496 : memref<640x16xf32, #tpu.memory_space<hbm>>) target_semaphore(%run_scoped3A : memref<!tpu.dma_semaphore, #tpu.memory_space<semaphore_mem>>)
      %dma_wait3A = arith.constant 0 : i32
      %dma_wait3A_499 = tpu.memref_slice %arg4[%arg0, %mul3A_494, %dma_wait3A] : memref<2x10240x16xf32, #tpu.memory_space<hbm>> -> memref<1x640x16xf32, #tpu.memory_space<hbm>>
      %dma_wait3A_500 = tpu.memref_squeeze %dma_wait3A_499 : memref<1x640x16xf32, #tpu.memory_space<hbm>> -> memref<640x16xf32, #tpu.memory_space<hbm>>
      %dma_wait3A_501 = arith.constant 0 : i32
      %dma_wait3A_502 = tpu.memref_slice %arg7[%mul3A_492, %dma_wait3A_501] : memref<10240x16xf32, #tpu.memory_space<vmem_shared>> -> memref<640x16xf32, #tpu.memory_space<vmem_shared>>
      tpu.wait_dma2 semaphore(%run_scoped3A : memref<!tpu.dma_semaphore, #tpu.memory_space<semaphore_mem>>) src(%dma_wait3A_502 : memref<640x16xf32, #tpu.memory_space<vmem_shared>>) dst(%dma_wait3A_500 : memref<640x16xf32, #tpu.memory_space<hbm>>)
      tpu.yield
    }) : () -> ()
    return
  }
}

#map = affine_map<(d0, d1) -> (0, 0, 0, 0)>
#map1 = affine_map<(d0, d1) -> (0, 0)>
#map2 = affine_map<(d0, d1) -> (0, 0, 0)>
module attributes {stable_mosaic.version = 14 : i64} {
  func.func @k(%arg0: i32, %arg1: i32, %arg2: memref<32x5x25x80xi32, #tpu.memory_space<hbm>>, %arg3: memref<32x5x25x80xi32, #tpu.memory_space<hbm>>, %arg4: memref<10000x128xf32, #tpu.memory_space<hbm>>, %arg5: memref<10240x128xf32, #tpu.memory_space<hbm>>, %arg6: memref<2x10240x128xf32, #tpu.memory_space<hbm>>, %arg7: memref<25x80xi32, #tpu.memory_space<vmem>>, %arg8: memref<25x80xi32, #tpu.memory_space<vmem>>, %arg9: memref<25x80xi32, #tpu.memory_space<vmem>>, %arg10: memref<25x80xi32, #tpu.memory_space<vmem>>, %arg11: memref<2x80x128xf32, #tpu.memory_space<vmem>>, %arg12: memref<10240x128xf32, #tpu.memory_space<vmem_shared>>, %arg13: memref<2x!tpu.dma_semaphore, #tpu.memory_space<semaphore_mem>>, %arg14: memref<2x!tpu.dma_semaphore, #tpu.memory_space<semaphore_mem>>) attributes {dimension_semantics = [#tpu.dimension_semantics<core_parallel>, #tpu.dimension_semantics<subcore_parallel>], iteration_bounds = array<i64: 2, 16>, scalar_prefetch = 0 : i64, scratch_operands = 8 : i64, tpu.core_type = #tpu.core_type<sc_vector_subcore>, window_params = [{transform_indices = #map}, {transform_indices = #map}, {transform_indices = #map1}, {transform_indices = #map1}, {transform_indices = #map2}]} {
    %mul3A = arith.constant 2 : i32
    %mul3A_0 = arith.muli %arg1, %mul3A : i32
    %add3A = arith.addi %mul3A_0, %arg0 : i32
    %dma_start3A = arith.constant 0 : i32
    %dma_start3A_1 = arith.constant 0 : i32
    %dma_start3A_2 = arith.constant 0 : i32
    %dma_start3A_3 = arith.constant 0 : i32
    %dma_start3A_4 = tpu.memref_slice %arg2[%add3A, %dma_start3A, %dma_start3A_2, %dma_start3A_3] : memref<32x5x25x80xi32, #tpu.memory_space<hbm>> -> memref<1x1x25x80xi32, #tpu.memory_space<hbm>>
    %dma_start3A_5 = tpu.memref_squeeze %dma_start3A_4 : memref<1x1x25x80xi32, #tpu.memory_space<hbm>> -> memref<25x80xi32, #tpu.memory_space<hbm>>
    %dma_start3A_6 = tpu.memref_slice %arg14[%dma_start3A_1] : memref<2x!tpu.dma_semaphore, #tpu.memory_space<semaphore_mem>> -> memref<1x!tpu.dma_semaphore, #tpu.memory_space<semaphore_mem>>
    %dma_start3A_7 = tpu.memref_squeeze %dma_start3A_6 : memref<1x!tpu.dma_semaphore, #tpu.memory_space<semaphore_mem>> -> memref<!tpu.dma_semaphore, #tpu.memory_space<semaphore_mem>>
    %dma_start3A_8 = arith.constant 0 : i32
    %dma_start3A_9 = arith.constant 0 : i32
    %dma_start3A_10 = tpu.memref_slice %arg2[%add3A, %dma_start3A, %dma_start3A_8, %dma_start3A_9] : memref<32x5x25x80xi32, #tpu.memory_space<hbm>> -> memref<1x1x25x80xi32, #tpu.memory_space<hbm>>
    %dma_start3A_11 = tpu.memref_squeeze %dma_start3A_10 : memref<1x1x25x80xi32, #tpu.memory_space<hbm>> -> memref<25x80xi32, #tpu.memory_space<hbm>>
    tpu.enqueue_dma source(%dma_start3A_11 : memref<25x80xi32, #tpu.memory_space<hbm>>) target(%arg7 : memref<25x80xi32, #tpu.memory_space<vmem>>) target_semaphore(%dma_start3A_7 : memref<!tpu.dma_semaphore, #tpu.memory_space<semaphore_mem>>)
    %dma_start3A_12 = arith.constant 0 : i32
    %dma_start3A_13 = arith.constant 0 : i32
    %dma_start3A_14 = arith.constant 0 : i32
    %dma_start3A_15 = arith.constant 0 : i32
    %dma_start3A_16 = tpu.memref_slice %arg3[%add3A, %dma_start3A_12, %dma_start3A_14, %dma_start3A_15] : memref<32x5x25x80xi32, #tpu.memory_space<hbm>> -> memref<1x1x25x80xi32, #tpu.memory_space<hbm>>
    %dma_start3A_17 = tpu.memref_squeeze %dma_start3A_16 : memref<1x1x25x80xi32, #tpu.memory_space<hbm>> -> memref<25x80xi32, #tpu.memory_space<hbm>>
    %dma_start3A_18 = tpu.memref_slice %arg14[%dma_start3A_13] : memref<2x!tpu.dma_semaphore, #tpu.memory_space<semaphore_mem>> -> memref<1x!tpu.dma_semaphore, #tpu.memory_space<semaphore_mem>>
    %dma_start3A_19 = tpu.memref_squeeze %dma_start3A_18 : memref<1x!tpu.dma_semaphore, #tpu.memory_space<semaphore_mem>> -> memref<!tpu.dma_semaphore, #tpu.memory_space<semaphore_mem>>
    %dma_start3A_20 = arith.constant 0 : i32
    %dma_start3A_21 = arith.constant 0 : i32
    %dma_start3A_22 = tpu.memref_slice %arg3[%add3A, %dma_start3A_12, %dma_start3A_20, %dma_start3A_21] : memref<32x5x25x80xi32, #tpu.memory_space<hbm>> -> memref<1x1x25x80xi32, #tpu.memory_space<hbm>>
    %dma_start3A_23 = tpu.memref_squeeze %dma_start3A_22 : memref<1x1x25x80xi32, #tpu.memory_space<hbm>> -> memref<25x80xi32, #tpu.memory_space<hbm>>
    tpu.enqueue_dma source(%dma_start3A_23 : memref<25x80xi32, #tpu.memory_space<hbm>>) target(%arg9 : memref<25x80xi32, #tpu.memory_space<vmem>>) target_semaphore(%dma_start3A_19 : memref<!tpu.dma_semaphore, #tpu.memory_space<semaphore_mem>>)
    %dma_start3A_24 = arith.constant 1 : i32
    %dma_start3A_25 = arith.constant 1 : i32
    %dma_start3A_26 = arith.constant 0 : i32
    %dma_start3A_27 = arith.constant 0 : i32
    %dma_start3A_28 = tpu.memref_slice %arg2[%add3A, %dma_start3A_24, %dma_start3A_26, %dma_start3A_27] : memref<32x5x25x80xi32, #tpu.memory_space<hbm>> -> memref<1x1x25x80xi32, #tpu.memory_space<hbm>>
    %dma_start3A_29 = tpu.memref_squeeze %dma_start3A_28 : memref<1x1x25x80xi32, #tpu.memory_space<hbm>> -> memref<25x80xi32, #tpu.memory_space<hbm>>
    %dma_start3A_30 = tpu.memref_slice %arg14[%dma_start3A_25] : memref<2x!tpu.dma_semaphore, #tpu.memory_space<semaphore_mem>> -> memref<1x!tpu.dma_semaphore, #tpu.memory_space<semaphore_mem>>
    %dma_start3A_31 = tpu.memref_squeeze %dma_start3A_30 : memref<1x!tpu.dma_semaphore, #tpu.memory_space<semaphore_mem>> -> memref<!tpu.dma_semaphore, #tpu.memory_space<semaphore_mem>>
    %dma_start3A_32 = arith.constant 0 : i32
    %dma_start3A_33 = arith.constant 0 : i32
    %dma_start3A_34 = tpu.memref_slice %arg2[%add3A, %dma_start3A_24, %dma_start3A_32, %dma_start3A_33] : memref<32x5x25x80xi32, #tpu.memory_space<hbm>> -> memref<1x1x25x80xi32, #tpu.memory_space<hbm>>
    %dma_start3A_35 = tpu.memref_squeeze %dma_start3A_34 : memref<1x1x25x80xi32, #tpu.memory_space<hbm>> -> memref<25x80xi32, #tpu.memory_space<hbm>>
    tpu.enqueue_dma source(%dma_start3A_35 : memref<25x80xi32, #tpu.memory_space<hbm>>) target(%arg8 : memref<25x80xi32, #tpu.memory_space<vmem>>) target_semaphore(%dma_start3A_31 : memref<!tpu.dma_semaphore, #tpu.memory_space<semaphore_mem>>)
    %dma_start3A_36 = arith.constant 1 : i32
    %dma_start3A_37 = arith.constant 1 : i32
    %dma_start3A_38 = arith.constant 0 : i32
    %dma_start3A_39 = arith.constant 0 : i32
    %dma_start3A_40 = tpu.memref_slice %arg3[%add3A, %dma_start3A_36, %dma_start3A_38, %dma_start3A_39] : memref<32x5x25x80xi32, #tpu.memory_space<hbm>> -> memref<1x1x25x80xi32, #tpu.memory_space<hbm>>
    %dma_start3A_41 = tpu.memref_squeeze %dma_start3A_40 : memref<1x1x25x80xi32, #tpu.memory_space<hbm>> -> memref<25x80xi32, #tpu.memory_space<hbm>>
    %dma_start3A_42 = tpu.memref_slice %arg14[%dma_start3A_37] : memref<2x!tpu.dma_semaphore, #tpu.memory_space<semaphore_mem>> -> memref<1x!tpu.dma_semaphore, #tpu.memory_space<semaphore_mem>>
    %dma_start3A_43 = tpu.memref_squeeze %dma_start3A_42 : memref<1x!tpu.dma_semaphore, #tpu.memory_space<semaphore_mem>> -> memref<!tpu.dma_semaphore, #tpu.memory_space<semaphore_mem>>
    %dma_start3A_44 = arith.constant 0 : i32
    %dma_start3A_45 = arith.constant 0 : i32
    %dma_start3A_46 = tpu.memref_slice %arg3[%add3A, %dma_start3A_36, %dma_start3A_44, %dma_start3A_45] : memref<32x5x25x80xi32, #tpu.memory_space<hbm>> -> memref<1x1x25x80xi32, #tpu.memory_space<hbm>>
    %dma_start3A_47 = tpu.memref_squeeze %dma_start3A_46 : memref<1x1x25x80xi32, #tpu.memory_space<hbm>> -> memref<25x80xi32, #tpu.memory_space<hbm>>
    tpu.enqueue_dma source(%dma_start3A_47 : memref<25x80xi32, #tpu.memory_space<hbm>>) target(%arg10 : memref<25x80xi32, #tpu.memory_space<vmem>>) target_semaphore(%dma_start3A_43 : memref<!tpu.dma_semaphore, #tpu.memory_space<semaphore_mem>>)
    %mul3A_48 = arith.constant 640 : i32
    %mul3A_49 = arith.muli %arg1, %mul3A_48 : i32
    %mul3A_50 = arith.constant 640 : i32
    %mul3A_51 = arith.muli %arg1, %mul3A_50 : i32
    "tpu.region"() ({
      %run_scoped3A = tpu.sem_alloc : memref<!tpu.dma_semaphore, #tpu.memory_space<semaphore_mem>>
      %dma_start3A_352 = arith.constant 0 : i32
      %dma_start3A_353 = tpu.memref_slice %arg12[%mul3A_51, %dma_start3A_352] : memref<10240x128xf32, #tpu.memory_space<vmem_shared>> -> memref<640x128xf32, #tpu.memory_space<vmem_shared>>
      %dma_start3A_354 = arith.constant 0 : i32
      %dma_start3A_355 = tpu.memref_slice %arg5[%mul3A_49, %dma_start3A_354] : memref<10240x128xf32, #tpu.memory_space<hbm>> -> memref<640x128xf32, #tpu.memory_space<hbm>>
      tpu.enqueue_dma source(%dma_start3A_355 : memref<640x128xf32, #tpu.memory_space<hbm>>) target(%dma_start3A_353 : memref<640x128xf32, #tpu.memory_space<vmem_shared>>) target_semaphore(%run_scoped3A : memref<!tpu.dma_semaphore, #tpu.memory_space<semaphore_mem>>)
      %dma_wait3A_356 = arith.constant 0 : i32
      %dma_wait3A_357 = tpu.memref_slice %arg12[%mul3A_51, %dma_wait3A_356] : memref<10240x128xf32, #tpu.memory_space<vmem_shared>> -> memref<640x128xf32, #tpu.memory_space<vmem_shared>>
      %dma_wait3A_358 = arith.constant 0 : i32
      %dma_wait3A_359 = tpu.memref_slice %arg5[%mul3A_49, %dma_wait3A_358] : memref<10240x128xf32, #tpu.memory_space<hbm>> -> memref<640x128xf32, #tpu.memory_space<hbm>>
      tpu.wait_dma2 semaphore(%run_scoped3A : memref<!tpu.dma_semaphore, #tpu.memory_space<semaphore_mem>>) src(%dma_wait3A_359 : memref<640x128xf32, #tpu.memory_space<hbm>>) dst(%dma_wait3A_357 : memref<640x128xf32, #tpu.memory_space<vmem_shared>>)
      tpu.yield
    }) : () -> ()
    %barrier3A = arith.constant 0 : index
    tpu.barrier barrier_id(%barrier3A)
    %dma_wait3A = arith.constant 0 : i32
    %dma_wait3A_52 = arith.constant 0 : i32
    %dma_wait3A_53 = arith.constant 0 : i32
    %dma_wait3A_54 = arith.constant 0 : i32
    %dma_wait3A_55 = tpu.memref_slice %arg2[%add3A, %dma_wait3A, %dma_wait3A_53, %dma_wait3A_54] : memref<32x5x25x80xi32, #tpu.memory_space<hbm>> -> memref<1x1x25x80xi32, #tpu.memory_space<hbm>>
    %dma_wait3A_56 = tpu.memref_squeeze %dma_wait3A_55 : memref<1x1x25x80xi32, #tpu.memory_space<hbm>> -> memref<25x80xi32, #tpu.memory_space<hbm>>
    %dma_wait3A_57 = tpu.memref_slice %arg14[%dma_wait3A_52] : memref<2x!tpu.dma_semaphore, #tpu.memory_space<semaphore_mem>> -> memref<1x!tpu.dma_semaphore, #tpu.memory_space<semaphore_mem>>
    %dma_wait3A_58 = tpu.memref_squeeze %dma_wait3A_57 : memref<1x!tpu.dma_semaphore, #tpu.memory_space<semaphore_mem>> -> memref<!tpu.dma_semaphore, #tpu.memory_space<semaphore_mem>>
    %dma_wait3A_59 = arith.constant 0 : i32
    %dma_wait3A_60 = arith.constant 0 : i32
    %dma_wait3A_61 = tpu.memref_slice %arg2[%add3A, %dma_wait3A, %dma_wait3A_59, %dma_wait3A_60] : memref<32x5x25x80xi32, #tpu.memory_space<hbm>> -> memref<1x1x25x80xi32, #tpu.memory_space<hbm>>
    %dma_wait3A_62 = tpu.memref_squeeze %dma_wait3A_61 : memref<1x1x25x80xi32, #tpu.memory_space<hbm>> -> memref<25x80xi32, #tpu.memory_space<hbm>>
    tpu.wait_dma2 semaphore(%dma_wait3A_58 : memref<!tpu.dma_semaphore, #tpu.memory_space<semaphore_mem>>) src(%dma_wait3A_62 : memref<25x80xi32, #tpu.memory_space<hbm>>) dst(%arg7 : memref<25x80xi32, #tpu.memory_space<vmem>>)
    %dma_wait3A_63 = arith.constant 0 : i32
    %dma_wait3A_64 = arith.constant 0 : i32
    %dma_wait3A_65 = arith.constant 0 : i32
    %dma_wait3A_66 = arith.constant 0 : i32
    %dma_wait3A_67 = tpu.memref_slice %arg3[%add3A, %dma_wait3A_63, %dma_wait3A_65, %dma_wait3A_66] : memref<32x5x25x80xi32, #tpu.memory_space<hbm>> -> memref<1x1x25x80xi32, #tpu.memory_space<hbm>>
    %dma_wait3A_68 = tpu.memref_squeeze %dma_wait3A_67 : memref<1x1x25x80xi32, #tpu.memory_space<hbm>> -> memref<25x80xi32, #tpu.memory_space<hbm>>
    %dma_wait3A_69 = tpu.memref_slice %arg14[%dma_wait3A_64] : memref<2x!tpu.dma_semaphore, #tpu.memory_space<semaphore_mem>> -> memref<1x!tpu.dma_semaphore, #tpu.memory_space<semaphore_mem>>
    %dma_wait3A_70 = tpu.memref_squeeze %dma_wait3A_69 : memref<1x!tpu.dma_semaphore, #tpu.memory_space<semaphore_mem>> -> memref<!tpu.dma_semaphore, #tpu.memory_space<semaphore_mem>>
    %dma_wait3A_71 = arith.constant 0 : i32
    %dma_wait3A_72 = arith.constant 0 : i32
    %dma_wait3A_73 = tpu.memref_slice %arg3[%add3A, %dma_wait3A_63, %dma_wait3A_71, %dma_wait3A_72] : memref<32x5x25x80xi32, #tpu.memory_space<hbm>> -> memref<1x1x25x80xi32, #tpu.memory_space<hbm>>
    %dma_wait3A_74 = tpu.memref_squeeze %dma_wait3A_73 : memref<1x1x25x80xi32, #tpu.memory_space<hbm>> -> memref<25x80xi32, #tpu.memory_space<hbm>>
    tpu.wait_dma2 semaphore(%dma_wait3A_70 : memref<!tpu.dma_semaphore, #tpu.memory_space<semaphore_mem>>) src(%dma_wait3A_74 : memref<25x80xi32, #tpu.memory_space<hbm>>) dst(%arg9 : memref<25x80xi32, #tpu.memory_space<vmem>>)
    %dma_start3A_75 = arith.constant 0 : i32
    %dma_start3A_76 = arith.constant 0 : i32
    %dma_start3A_77 = arith.constant 0 : i32
    %dma_start3A_78 = arith.constant 0 : i32
    %dma_start3A_79 = arith.constant 0 : i32
    %dma_start3A_80 = tpu.memref_slice %arg11[%dma_start3A_76, %dma_start3A_78, %dma_start3A_79] : memref<2x80x128xf32, #tpu.memory_space<vmem>> -> memref<1x80x128xf32, #tpu.memory_space<vmem>>
    %dma_start3A_81 = tpu.memref_squeeze %dma_start3A_80 : memref<1x80x128xf32, #tpu.memory_space<vmem>> -> memref<80x128xf32, #tpu.memory_space<vmem>>
    %dma_start3A_82 = arith.constant 0 : i32
    %dma_start3A_83 = tpu.memref_slice %arg7[%dma_start3A_75, %dma_start3A_82] : memref<25x80xi32, #tpu.memory_space<vmem>> -> memref<1x80xi32, #tpu.memory_space<vmem>>
    %dma_start3A_84 = tpu.memref_squeeze %dma_start3A_83 : memref<1x80xi32, #tpu.memory_space<vmem>> -> memref<80xi32, #tpu.memory_space<vmem>>
    %dma_start3A_85 = arith.constant 0 : i32
    %dma_start3A_86 = arith.constant 0 : i32
    %dma_start3A_87 = tpu.memref_slice %arg4[%dma_start3A_85, %dma_start3A_86] : memref<10000x128xf32, #tpu.memory_space<hbm>> -> memref<10000x128xf32, #tpu.memory_space<hbm>>
    %dma_start3A_88 = tpu.memref_slice %arg13[%dma_start3A_77] : memref<2x!tpu.dma_semaphore, #tpu.memory_space<semaphore_mem>> -> memref<1x!tpu.dma_semaphore, #tpu.memory_space<semaphore_mem>>
    %dma_start3A_89 = tpu.memref_squeeze %dma_start3A_88 : memref<1x!tpu.dma_semaphore, #tpu.memory_space<semaphore_mem>> -> memref<!tpu.dma_semaphore, #tpu.memory_space<semaphore_mem>>
    tpu.enqueue_indirect_dma source(%dma_start3A_87 : memref<10000x128xf32, #tpu.memory_space<hbm>>) target(%dma_start3A_81 : memref<80x128xf32, #tpu.memory_space<vmem>>) offsets(%dma_start3A_84 : memref<80xi32, #tpu.memory_space<vmem>>) semaphore(%dma_start3A_89 : memref<!tpu.dma_semaphore, #tpu.memory_space<semaphore_mem>>)
    %scan3A = arith.constant 0 : i32
    %scan3A_90 = arith.constant 0 : i32
    %scan3A_91 = arith.constant 25 : i32
    %scan3A_92 = arith.addi %scan3A_90, %scan3A_91 : i32
    %scan3A_93 = arith.constant 1 : i32
    scf.for %scan3A_352 = %scan3A_90 to %scan3A_92 step %scan3A_93  : i32 {
      %rem3A = arith.constant 2 : i32
      %rem3A_353 = arith.remsi %scan3A_352, %rem3A : i32
      %add3A_354 = arith.constant 1 : i32
      %add3A_355 = arith.addi %scan3A_352, %add3A_354 : i32
      %rem3A_356 = arith.constant 2 : i32
      %rem3A_357 = arith.remsi %add3A_355, %rem3A_356 : i32
      %lt3A = arith.constant 24 : i32
      %lt3A_358 = arith.cmpi slt, %scan3A_352, %lt3A : i32
      %convert_element_type3A = arith.extui %lt3A_358 : i1 to i32
      %cond3A = arith.constant 0 : i32
      %cond3A_359 = arith.cmpi ne, %convert_element_type3A, %cond3A : i32
      scf.if %cond3A_359 {
        %add3A_372 = arith.constant 1 : i32
        %add3A_373 = arith.addi %scan3A_352, %add3A_372 : i32
        %dma_start3A_374 = arith.constant 0 : i32
        %dma_start3A_375 = arith.constant 0 : i32
        %dma_start3A_376 = tpu.memref_slice %arg11[%rem3A_357, %dma_start3A_374, %dma_start3A_375] : memref<2x80x128xf32, #tpu.memory_space<vmem>> -> memref<1x80x128xf32, #tpu.memory_space<vmem>>
        %dma_start3A_377 = tpu.memref_squeeze %dma_start3A_376 : memref<1x80x128xf32, #tpu.memory_space<vmem>> -> memref<80x128xf32, #tpu.memory_space<vmem>>
        %dma_start3A_378 = arith.constant 0 : i32
        %dma_start3A_379 = tpu.memref_slice %arg7[%add3A_373, %dma_start3A_378] : memref<25x80xi32, #tpu.memory_space<vmem>> -> memref<1x80xi32, #tpu.memory_space<vmem>>
        %dma_start3A_380 = tpu.memref_squeeze %dma_start3A_379 : memref<1x80xi32, #tpu.memory_space<vmem>> -> memref<80xi32, #tpu.memory_space<vmem>>
        %dma_start3A_381 = arith.constant 0 : i32
        %dma_start3A_382 = arith.constant 0 : i32
        %dma_start3A_383 = tpu.memref_slice %arg4[%dma_start3A_381, %dma_start3A_382] : memref<10000x128xf32, #tpu.memory_space<hbm>> -> memref<10000x128xf32, #tpu.memory_space<hbm>>
        %dma_start3A_384 = tpu.memref_slice %arg13[%rem3A_357] : memref<2x!tpu.dma_semaphore, #tpu.memory_space<semaphore_mem>> -> memref<1x!tpu.dma_semaphore, #tpu.memory_space<semaphore_mem>>
        %dma_start3A_385 = tpu.memref_squeeze %dma_start3A_384 : memref<1x!tpu.dma_semaphore, #tpu.memory_space<semaphore_mem>> -> memref<!tpu.dma_semaphore, #tpu.memory_space<semaphore_mem>>
        tpu.enqueue_indirect_dma source(%dma_start3A_383 : memref<10000x128xf32, #tpu.memory_space<hbm>>) target(%dma_start3A_377 : memref<80x128xf32, #tpu.memory_space<vmem>>) offsets(%dma_start3A_380 : memref<80xi32, #tpu.memory_space<vmem>>) semaphore(%dma_start3A_385 : memref<!tpu.dma_semaphore, #tpu.memory_space<semaphore_mem>>)
      } else {
      }
      %dma_wait3A_360 = arith.constant 0 : i32
      %dma_wait3A_361 = arith.constant 0 : i32
      %dma_wait3A_362 = tpu.memref_slice %arg11[%rem3A_353, %dma_wait3A_360, %dma_wait3A_361] : memref<2x80x128xf32, #tpu.memory_space<vmem>> -> memref<1x80x128xf32, #tpu.memory_space<vmem>>
      %dma_wait3A_363 = tpu.memref_squeeze %dma_wait3A_362 : memref<1x80x128xf32, #tpu.memory_space<vmem>> -> memref<80x128xf32, #tpu.memory_space<vmem>>
      %dma_wait3A_364 = arith.constant 0 : i32
      %dma_wait3A_365 = tpu.memref_slice %arg7[%scan3A_352, %dma_wait3A_364] : memref<25x80xi32, #tpu.memory_space<vmem>> -> memref<1x80xi32, #tpu.memory_space<vmem>>
      %dma_wait3A_366 = tpu.memref_squeeze %dma_wait3A_365 : memref<1x80xi32, #tpu.memory_space<vmem>> -> memref<80xi32, #tpu.memory_space<vmem>>
      %dma_wait3A_367 = arith.constant 0 : i32
      %dma_wait3A_368 = arith.constant 0 : i32
      %dma_wait3A_369 = tpu.memref_slice %arg4[%dma_wait3A_367, %dma_wait3A_368] : memref<10000x128xf32, #tpu.memory_space<hbm>> -> memref<10000x128xf32, #tpu.memory_space<hbm>>
      %dma_wait3A_370 = tpu.memref_slice %arg13[%rem3A_353] : memref<2x!tpu.dma_semaphore, #tpu.memory_space<semaphore_mem>> -> memref<1x!tpu.dma_semaphore, #tpu.memory_space<semaphore_mem>>
      %dma_wait3A_371 = tpu.memref_squeeze %dma_wait3A_370 : memref<1x!tpu.dma_semaphore, #tpu.memory_space<semaphore_mem>> -> memref<!tpu.dma_semaphore, #tpu.memory_space<semaphore_mem>>
      tpu.wait_indirect_dma semaphore(%dma_wait3A_371 : memref<!tpu.dma_semaphore, #tpu.memory_space<semaphore_mem>>) src(%dma_wait3A_369 : memref<10000x128xf32, #tpu.memory_space<hbm>>) dst(%dma_wait3A_363 : memref<80x128xf32, #tpu.memory_space<vmem>>)
      "tpu.region"() ({
        %run_scoped3A = tpu.sem_alloc : memref<!tpu.dma_semaphore, #tpu.memory_space<semaphore_mem>>
        %dma_start3A_372 = arith.constant 0 : i32
        %dma_start3A_373 = arith.constant 0 : i32
        %dma_start3A_374 = tpu.memref_slice %arg11[%rem3A_353, %dma_start3A_372, %dma_start3A_373] : memref<2x80x128xf32, #tpu.memory_space<vmem>> -> memref<1x80x128xf32, #tpu.memory_space<vmem>>
        %dma_start3A_375 = tpu.memref_squeeze %dma_start3A_374 : memref<1x80x128xf32, #tpu.memory_space<vmem>> -> memref<80x128xf32, #tpu.memory_space<vmem>>
        %dma_start3A_376 = arith.constant 0 : i32
        %dma_start3A_377 = tpu.memref_slice %arg9[%scan3A_352, %dma_start3A_376] : memref<25x80xi32, #tpu.memory_space<vmem>> -> memref<1x80xi32, #tpu.memory_space<vmem>>
        %dma_start3A_378 = tpu.memref_squeeze %dma_start3A_377 : memref<1x80xi32, #tpu.memory_space<vmem>> -> memref<80xi32, #tpu.memory_space<vmem>>
        %dma_start3A_379 = arith.constant 0 : i32
        %dma_start3A_380 = arith.constant 0 : i32
        %dma_start3A_381 = tpu.memref_slice %arg12[%dma_start3A_379, %dma_start3A_380] : memref<10240x128xf32, #tpu.memory_space<vmem_shared>> -> memref<10240x128xf32, #tpu.memory_space<vmem_shared>>
        tpu.enqueue_indirect_dma source(%dma_start3A_375 : memref<80x128xf32, #tpu.memory_space<vmem>>) target(%dma_start3A_381 : memref<10240x128xf32, #tpu.memory_space<vmem_shared>>) offsets(%dma_start3A_378 : memref<80xi32, #tpu.memory_space<vmem>>) semaphore(%run_scoped3A : memref<!tpu.dma_semaphore, #tpu.memory_space<semaphore_mem>>) {add = true}
        %dma_wait3A_382 = arith.constant 0 : i32
        %dma_wait3A_383 = arith.constant 0 : i32
        %dma_wait3A_384 = tpu.memref_slice %arg11[%rem3A_353, %dma_wait3A_382, %dma_wait3A_383] : memref<2x80x128xf32, #tpu.memory_space<vmem>> -> memref<1x80x128xf32, #tpu.memory_space<vmem>>
        %dma_wait3A_385 = tpu.memref_squeeze %dma_wait3A_384 : memref<1x80x128xf32, #tpu.memory_space<vmem>> -> memref<80x128xf32, #tpu.memory_space<vmem>>
        %dma_wait3A_386 = arith.constant 0 : i32
        %dma_wait3A_387 = tpu.memref_slice %arg9[%scan3A_352, %dma_wait3A_386] : memref<25x80xi32, #tpu.memory_space<vmem>> -> memref<1x80xi32, #tpu.memory_space<vmem>>
        %dma_wait3A_388 = tpu.memref_squeeze %dma_wait3A_387 : memref<1x80xi32, #tpu.memory_space<vmem>> -> memref<80xi32, #tpu.memory_space<vmem>>
        %dma_wait3A_389 = arith.constant 0 : i32
        %dma_wait3A_390 = arith.constant 0 : i32
        %dma_wait3A_391 = tpu.memref_slice %arg12[%dma_wait3A_389, %dma_wait3A_390] : memref<10240x128xf32, #tpu.memory_space<vmem_shared>> -> memref<10240x128xf32, #tpu.memory_space<vmem_shared>>
        tpu.wait_indirect_dma semaphore(%run_scoped3A : memref<!tpu.dma_semaphore, #tpu.memory_space<semaphore_mem>>) src(%dma_wait3A_385 : memref<80x128xf32, #tpu.memory_space<vmem>>) dst(%dma_wait3A_391 : memref<10240x128xf32, #tpu.memory_space<vmem_shared>>)
        tpu.yield
      }) : () -> ()
    }
    %scan3A_94 = arith.constant 25 : i32
    %dma_start3A_95 = arith.constant 2 : i32
    %dma_start3A_96 = arith.constant 0 : i32
    %dma_start3A_97 = arith.constant 0 : i32
    %dma_start3A_98 = arith.constant 0 : i32
    %dma_start3A_99 = tpu.memref_slice %arg2[%add3A, %dma_start3A_95, %dma_start3A_97, %dma_start3A_98] : memref<32x5x25x80xi32, #tpu.memory_space<hbm>> -> memref<1x1x25x80xi32, #tpu.memory_space<hbm>>
    %dma_start3A_100 = tpu.memref_squeeze %dma_start3A_99 : memref<1x1x25x80xi32, #tpu.memory_space<hbm>> -> memref<25x80xi32, #tpu.memory_space<hbm>>
    %dma_start3A_101 = tpu.memref_slice %arg14[%dma_start3A_96] : memref<2x!tpu.dma_semaphore, #tpu.memory_space<semaphore_mem>> -> memref<1x!tpu.dma_semaphore, #tpu.memory_space<semaphore_mem>>
    %dma_start3A_102 = tpu.memref_squeeze %dma_start3A_101 : memref<1x!tpu.dma_semaphore, #tpu.memory_space<semaphore_mem>> -> memref<!tpu.dma_semaphore, #tpu.memory_space<semaphore_mem>>
    %dma_start3A_103 = arith.constant 0 : i32
    %dma_start3A_104 = arith.constant 0 : i32
    %dma_start3A_105 = tpu.memref_slice %arg2[%add3A, %dma_start3A_95, %dma_start3A_103, %dma_start3A_104] : memref<32x5x25x80xi32, #tpu.memory_space<hbm>> -> memref<1x1x25x80xi32, #tpu.memory_space<hbm>>
    %dma_start3A_106 = tpu.memref_squeeze %dma_start3A_105 : memref<1x1x25x80xi32, #tpu.memory_space<hbm>> -> memref<25x80xi32, #tpu.memory_space<hbm>>
    tpu.enqueue_dma source(%dma_start3A_106 : memref<25x80xi32, #tpu.memory_space<hbm>>) target(%arg7 : memref<25x80xi32, #tpu.memory_space<vmem>>) target_semaphore(%dma_start3A_102 : memref<!tpu.dma_semaphore, #tpu.memory_space<semaphore_mem>>)
    %dma_start3A_107 = arith.constant 2 : i32
    %dma_start3A_108 = arith.constant 0 : i32
    %dma_start3A_109 = arith.constant 0 : i32
    %dma_start3A_110 = arith.constant 0 : i32
    %dma_start3A_111 = tpu.memref_slice %arg3[%add3A, %dma_start3A_107, %dma_start3A_109, %dma_start3A_110] : memref<32x5x25x80xi32, #tpu.memory_space<hbm>> -> memref<1x1x25x80xi32, #tpu.memory_space<hbm>>
    %dma_start3A_112 = tpu.memref_squeeze %dma_start3A_111 : memref<1x1x25x80xi32, #tpu.memory_space<hbm>> -> memref<25x80xi32, #tpu.memory_space<hbm>>
    %dma_start3A_113 = tpu.memref_slice %arg14[%dma_start3A_108] : memref<2x!tpu.dma_semaphore, #tpu.memory_space<semaphore_mem>> -> memref<1x!tpu.dma_semaphore, #tpu.memory_space<semaphore_mem>>
    %dma_start3A_114 = tpu.memref_squeeze %dma_start3A_113 : memref<1x!tpu.dma_semaphore, #tpu.memory_space<semaphore_mem>> -> memref<!tpu.dma_semaphore, #tpu.memory_space<semaphore_mem>>
    %dma_start3A_115 = arith.constant 0 : i32
    %dma_start3A_116 = arith.constant 0 : i32
    %dma_start3A_117 = tpu.memref_slice %arg3[%add3A, %dma_start3A_107, %dma_start3A_115, %dma_start3A_116] : memref<32x5x25x80xi32, #tpu.memory_space<hbm>> -> memref<1x1x25x80xi32, #tpu.memory_space<hbm>>
    %dma_start3A_118 = tpu.memref_squeeze %dma_start3A_117 : memref<1x1x25x80xi32, #tpu.memory_space<hbm>> -> memref<25x80xi32, #tpu.memory_space<hbm>>
    tpu.enqueue_dma source(%dma_start3A_118 : memref<25x80xi32, #tpu.memory_space<hbm>>) target(%arg9 : memref<25x80xi32, #tpu.memory_space<vmem>>) target_semaphore(%dma_start3A_114 : memref<!tpu.dma_semaphore, #tpu.memory_space<semaphore_mem>>)
    %dma_wait3A_119 = arith.constant 1 : i32
    %dma_wait3A_120 = arith.constant 1 : i32
    %dma_wait3A_121 = arith.constant 0 : i32
    %dma_wait3A_122 = arith.constant 0 : i32
    %dma_wait3A_123 = tpu.memref_slice %arg2[%add3A, %dma_wait3A_119, %dma_wait3A_121, %dma_wait3A_122] : memref<32x5x25x80xi32, #tpu.memory_space<hbm>> -> memref<1x1x25x80xi32, #tpu.memory_space<hbm>>
    %dma_wait3A_124 = tpu.memref_squeeze %dma_wait3A_123 : memref<1x1x25x80xi32, #tpu.memory_space<hbm>> -> memref<25x80xi32, #tpu.memory_space<hbm>>
    %dma_wait3A_125 = tpu.memref_slice %arg14[%dma_wait3A_120] : memref<2x!tpu.dma_semaphore, #tpu.memory_space<semaphore_mem>> -> memref<1x!tpu.dma_semaphore, #tpu.memory_space<semaphore_mem>>
    %dma_wait3A_126 = tpu.memref_squeeze %dma_wait3A_125 : memref<1x!tpu.dma_semaphore, #tpu.memory_space<semaphore_mem>> -> memref<!tpu.dma_semaphore, #tpu.memory_space<semaphore_mem>>
    %dma_wait3A_127 = arith.constant 0 : i32
    %dma_wait3A_128 = arith.constant 0 : i32
    %dma_wait3A_129 = tpu.memref_slice %arg2[%add3A, %dma_wait3A_119, %dma_wait3A_127, %dma_wait3A_128] : memref<32x5x25x80xi32, #tpu.memory_space<hbm>> -> memref<1x1x25x80xi32, #tpu.memory_space<hbm>>
    %dma_wait3A_130 = tpu.memref_squeeze %dma_wait3A_129 : memref<1x1x25x80xi32, #tpu.memory_space<hbm>> -> memref<25x80xi32, #tpu.memory_space<hbm>>
    tpu.wait_dma2 semaphore(%dma_wait3A_126 : memref<!tpu.dma_semaphore, #tpu.memory_space<semaphore_mem>>) src(%dma_wait3A_130 : memref<25x80xi32, #tpu.memory_space<hbm>>) dst(%arg8 : memref<25x80xi32, #tpu.memory_space<vmem>>)
    %dma_wait3A_131 = arith.constant 1 : i32
    %dma_wait3A_132 = arith.constant 1 : i32
    %dma_wait3A_133 = arith.constant 0 : i32
    %dma_wait3A_134 = arith.constant 0 : i32
    %dma_wait3A_135 = tpu.memref_slice %arg3[%add3A, %dma_wait3A_131, %dma_wait3A_133, %dma_wait3A_134] : memref<32x5x25x80xi32, #tpu.memory_space<hbm>> -> memref<1x1x25x80xi32, #tpu.memory_space<hbm>>
    %dma_wait3A_136 = tpu.memref_squeeze %dma_wait3A_135 : memref<1x1x25x80xi32, #tpu.memory_space<hbm>> -> memref<25x80xi32, #tpu.memory_space<hbm>>
    %dma_wait3A_137 = tpu.memref_slice %arg14[%dma_wait3A_132] : memref<2x!tpu.dma_semaphore, #tpu.memory_space<semaphore_mem>> -> memref<1x!tpu.dma_semaphore, #tpu.memory_space<semaphore_mem>>
    %dma_wait3A_138 = tpu.memref_squeeze %dma_wait3A_137 : memref<1x!tpu.dma_semaphore, #tpu.memory_space<semaphore_mem>> -> memref<!tpu.dma_semaphore, #tpu.memory_space<semaphore_mem>>
    %dma_wait3A_139 = arith.constant 0 : i32
    %dma_wait3A_140 = arith.constant 0 : i32
    %dma_wait3A_141 = tpu.memref_slice %arg3[%add3A, %dma_wait3A_131, %dma_wait3A_139, %dma_wait3A_140] : memref<32x5x25x80xi32, #tpu.memory_space<hbm>> -> memref<1x1x25x80xi32, #tpu.memory_space<hbm>>
    %dma_wait3A_142 = tpu.memref_squeeze %dma_wait3A_141 : memref<1x1x25x80xi32, #tpu.memory_space<hbm>> -> memref<25x80xi32, #tpu.memory_space<hbm>>
    tpu.wait_dma2 semaphore(%dma_wait3A_138 : memref<!tpu.dma_semaphore, #tpu.memory_space<semaphore_mem>>) src(%dma_wait3A_142 : memref<25x80xi32, #tpu.memory_space<hbm>>) dst(%arg10 : memref<25x80xi32, #tpu.memory_space<vmem>>)
    %dma_start3A_143 = arith.constant 0 : i32
    %dma_start3A_144 = arith.constant 0 : i32
    %dma_start3A_145 = arith.constant 0 : i32
    %dma_start3A_146 = arith.constant 0 : i32
    %dma_start3A_147 = arith.constant 0 : i32
    %dma_start3A_148 = tpu.memref_slice %arg11[%dma_start3A_144, %dma_start3A_146, %dma_start3A_147] : memref<2x80x128xf32, #tpu.memory_space<vmem>> -> memref<1x80x128xf32, #tpu.memory_space<vmem>>
    %dma_start3A_149 = tpu.memref_squeeze %dma_start3A_148 : memref<1x80x128xf32, #tpu.memory_space<vmem>> -> memref<80x128xf32, #tpu.memory_space<vmem>>
    %dma_start3A_150 = arith.constant 0 : i32
    %dma_start3A_151 = tpu.memref_slice %arg8[%dma_start3A_143, %dma_start3A_150] : memref<25x80xi32, #tpu.memory_space<vmem>> -> memref<1x80xi32, #tpu.memory_space<vmem>>
    %dma_start3A_152 = tpu.memref_squeeze %dma_start3A_151 : memref<1x80xi32, #tpu.memory_space<vmem>> -> memref<80xi32, #tpu.memory_space<vmem>>
    %dma_start3A_153 = arith.constant 0 : i32
    %dma_start3A_154 = arith.constant 0 : i32
    %dma_start3A_155 = tpu.memref_slice %arg4[%dma_start3A_153, %dma_start3A_154] : memref<10000x128xf32, #tpu.memory_space<hbm>> -> memref<10000x128xf32, #tpu.memory_space<hbm>>
    %dma_start3A_156 = tpu.memref_slice %arg13[%dma_start3A_145] : memref<2x!tpu.dma_semaphore, #tpu.memory_space<semaphore_mem>> -> memref<1x!tpu.dma_semaphore, #tpu.memory_space<semaphore_mem>>
    %dma_start3A_157 = tpu.memref_squeeze %dma_start3A_156 : memref<1x!tpu.dma_semaphore, #tpu.memory_space<semaphore_mem>> -> memref<!tpu.dma_semaphore, #tpu.memory_space<semaphore_mem>>
    tpu.enqueue_indirect_dma source(%dma_start3A_155 : memref<10000x128xf32, #tpu.memory_space<hbm>>) target(%dma_start3A_149 : memref<80x128xf32, #tpu.memory_space<vmem>>) offsets(%dma_start3A_152 : memref<80xi32, #tpu.memory_space<vmem>>) semaphore(%dma_start3A_157 : memref<!tpu.dma_semaphore, #tpu.memory_space<semaphore_mem>>)
    %scan3A_158 = arith.constant 0 : i32
    %scan3A_159 = arith.constant 0 : i32
    %scan3A_160 = arith.constant 25 : i32
    %scan3A_161 = arith.addi %scan3A_159, %scan3A_160 : i32
    %scan3A_162 = arith.constant 1 : i32
    scf.for %scan3A_352 = %scan3A_159 to %scan3A_161 step %scan3A_162  : i32 {
      %rem3A = arith.constant 2 : i32
      %rem3A_353 = arith.remsi %scan3A_352, %rem3A : i32
      %add3A_354 = arith.constant 1 : i32
      %add3A_355 = arith.addi %scan3A_352, %add3A_354 : i32
      %rem3A_356 = arith.constant 2 : i32
      %rem3A_357 = arith.remsi %add3A_355, %rem3A_356 : i32
      %lt3A = arith.constant 24 : i32
      %lt3A_358 = arith.cmpi slt, %scan3A_352, %lt3A : i32
      %convert_element_type3A = arith.extui %lt3A_358 : i1 to i32
      %cond3A = arith.constant 0 : i32
      %cond3A_359 = arith.cmpi ne, %convert_element_type3A, %cond3A : i32
      scf.if %cond3A_359 {
        %add3A_372 = arith.constant 1 : i32
        %add3A_373 = arith.addi %scan3A_352, %add3A_372 : i32
        %dma_start3A_374 = arith.constant 0 : i32
        %dma_start3A_375 = arith.constant 0 : i32
        %dma_start3A_376 = tpu.memref_slice %arg11[%rem3A_357, %dma_start3A_374, %dma_start3A_375] : memref<2x80x128xf32, #tpu.memory_space<vmem>> -> memref<1x80x128xf32, #tpu.memory_space<vmem>>
        %dma_start3A_377 = tpu.memref_squeeze %dma_start3A_376 : memref<1x80x128xf32, #tpu.memory_space<vmem>> -> memref<80x128xf32, #tpu.memory_space<vmem>>
        %dma_start3A_378 = arith.constant 0 : i32
        %dma_start3A_379 = tpu.memref_slice %arg8[%add3A_373, %dma_start3A_378] : memref<25x80xi32, #tpu.memory_space<vmem>> -> memref<1x80xi32, #tpu.memory_space<vmem>>
        %dma_start3A_380 = tpu.memref_squeeze %dma_start3A_379 : memref<1x80xi32, #tpu.memory_space<vmem>> -> memref<80xi32, #tpu.memory_space<vmem>>
        %dma_start3A_381 = arith.constant 0 : i32
        %dma_start3A_382 = arith.constant 0 : i32
        %dma_start3A_383 = tpu.memref_slice %arg4[%dma_start3A_381, %dma_start3A_382] : memref<10000x128xf32, #tpu.memory_space<hbm>> -> memref<10000x128xf32, #tpu.memory_space<hbm>>
        %dma_start3A_384 = tpu.memref_slice %arg13[%rem3A_357] : memref<2x!tpu.dma_semaphore, #tpu.memory_space<semaphore_mem>> -> memref<1x!tpu.dma_semaphore, #tpu.memory_space<semaphore_mem>>
        %dma_start3A_385 = tpu.memref_squeeze %dma_start3A_384 : memref<1x!tpu.dma_semaphore, #tpu.memory_space<semaphore_mem>> -> memref<!tpu.dma_semaphore, #tpu.memory_space<semaphore_mem>>
        tpu.enqueue_indirect_dma source(%dma_start3A_383 : memref<10000x128xf32, #tpu.memory_space<hbm>>) target(%dma_start3A_377 : memref<80x128xf32, #tpu.memory_space<vmem>>) offsets(%dma_start3A_380 : memref<80xi32, #tpu.memory_space<vmem>>) semaphore(%dma_start3A_385 : memref<!tpu.dma_semaphore, #tpu.memory_space<semaphore_mem>>)
      } else {
      }
      %dma_wait3A_360 = arith.constant 0 : i32
      %dma_wait3A_361 = arith.constant 0 : i32
      %dma_wait3A_362 = tpu.memref_slice %arg11[%rem3A_353, %dma_wait3A_360, %dma_wait3A_361] : memref<2x80x128xf32, #tpu.memory_space<vmem>> -> memref<1x80x128xf32, #tpu.memory_space<vmem>>
      %dma_wait3A_363 = tpu.memref_squeeze %dma_wait3A_362 : memref<1x80x128xf32, #tpu.memory_space<vmem>> -> memref<80x128xf32, #tpu.memory_space<vmem>>
      %dma_wait3A_364 = arith.constant 0 : i32
      %dma_wait3A_365 = tpu.memref_slice %arg8[%scan3A_352, %dma_wait3A_364] : memref<25x80xi32, #tpu.memory_space<vmem>> -> memref<1x80xi32, #tpu.memory_space<vmem>>
      %dma_wait3A_366 = tpu.memref_squeeze %dma_wait3A_365 : memref<1x80xi32, #tpu.memory_space<vmem>> -> memref<80xi32, #tpu.memory_space<vmem>>
      %dma_wait3A_367 = arith.constant 0 : i32
      %dma_wait3A_368 = arith.constant 0 : i32
      %dma_wait3A_369 = tpu.memref_slice %arg4[%dma_wait3A_367, %dma_wait3A_368] : memref<10000x128xf32, #tpu.memory_space<hbm>> -> memref<10000x128xf32, #tpu.memory_space<hbm>>
      %dma_wait3A_370 = tpu.memref_slice %arg13[%rem3A_353] : memref<2x!tpu.dma_semaphore, #tpu.memory_space<semaphore_mem>> -> memref<1x!tpu.dma_semaphore, #tpu.memory_space<semaphore_mem>>
      %dma_wait3A_371 = tpu.memref_squeeze %dma_wait3A_370 : memref<1x!tpu.dma_semaphore, #tpu.memory_space<semaphore_mem>> -> memref<!tpu.dma_semaphore, #tpu.memory_space<semaphore_mem>>
      tpu.wait_indirect_dma semaphore(%dma_wait3A_371 : memref<!tpu.dma_semaphore, #tpu.memory_space<semaphore_mem>>) src(%dma_wait3A_369 : memref<10000x128xf32, #tpu.memory_space<hbm>>) dst(%dma_wait3A_363 : memref<80x128xf32, #tpu.memory_space<vmem>>)
      "tpu.region"() ({
        %run_scoped3A = tpu.sem_alloc : memref<!tpu.dma_semaphore, #tpu.memory_space<semaphore_mem>>
        %dma_start3A_372 = arith.constant 0 : i32
        %dma_start3A_373 = arith.constant 0 : i32
        %dma_start3A_374 = tpu.memref_slice %arg11[%rem3A_353, %dma_start3A_372, %dma_start3A_373] : memref<2x80x128xf32, #tpu.memory_space<vmem>> -> memref<1x80x128xf32, #tpu.memory_space<vmem>>
        %dma_start3A_375 = tpu.memref_squeeze %dma_start3A_374 : memref<1x80x128xf32, #tpu.memory_space<vmem>> -> memref<80x128xf32, #tpu.memory_space<vmem>>
        %dma_start3A_376 = arith.constant 0 : i32
        %dma_start3A_377 = tpu.memref_slice %arg10[%scan3A_352, %dma_start3A_376] : memref<25x80xi32, #tpu.memory_space<vmem>> -> memref<1x80xi32, #tpu.memory_space<vmem>>
        %dma_start3A_378 = tpu.memref_squeeze %dma_start3A_377 : memref<1x80xi32, #tpu.memory_space<vmem>> -> memref<80xi32, #tpu.memory_space<vmem>>
        %dma_start3A_379 = arith.constant 0 : i32
        %dma_start3A_380 = arith.constant 0 : i32
        %dma_start3A_381 = tpu.memref_slice %arg12[%dma_start3A_379, %dma_start3A_380] : memref<10240x128xf32, #tpu.memory_space<vmem_shared>> -> memref<10240x128xf32, #tpu.memory_space<vmem_shared>>
        tpu.enqueue_indirect_dma source(%dma_start3A_375 : memref<80x128xf32, #tpu.memory_space<vmem>>) target(%dma_start3A_381 : memref<10240x128xf32, #tpu.memory_space<vmem_shared>>) offsets(%dma_start3A_378 : memref<80xi32, #tpu.memory_space<vmem>>) semaphore(%run_scoped3A : memref<!tpu.dma_semaphore, #tpu.memory_space<semaphore_mem>>) {add = true}
        %dma_wait3A_382 = arith.constant 0 : i32
        %dma_wait3A_383 = arith.constant 0 : i32
        %dma_wait3A_384 = tpu.memref_slice %arg11[%rem3A_353, %dma_wait3A_382, %dma_wait3A_383] : memref<2x80x128xf32, #tpu.memory_space<vmem>> -> memref<1x80x128xf32, #tpu.memory_space<vmem>>
        %dma_wait3A_385 = tpu.memref_squeeze %dma_wait3A_384 : memref<1x80x128xf32, #tpu.memory_space<vmem>> -> memref<80x128xf32, #tpu.memory_space<vmem>>
        %dma_wait3A_386 = arith.constant 0 : i32
        %dma_wait3A_387 = tpu.memref_slice %arg10[%scan3A_352, %dma_wait3A_386] : memref<25x80xi32, #tpu.memory_space<vmem>> -> memref<1x80xi32, #tpu.memory_space<vmem>>
        %dma_wait3A_388 = tpu.memref_squeeze %dma_wait3A_387 : memref<1x80xi32, #tpu.memory_space<vmem>> -> memref<80xi32, #tpu.memory_space<vmem>>
        %dma_wait3A_389 = arith.constant 0 : i32
        %dma_wait3A_390 = arith.constant 0 : i32
        %dma_wait3A_391 = tpu.memref_slice %arg12[%dma_wait3A_389, %dma_wait3A_390] : memref<10240x128xf32, #tpu.memory_space<vmem_shared>> -> memref<10240x128xf32, #tpu.memory_space<vmem_shared>>
        tpu.wait_indirect_dma semaphore(%run_scoped3A : memref<!tpu.dma_semaphore, #tpu.memory_space<semaphore_mem>>) src(%dma_wait3A_385 : memref<80x128xf32, #tpu.memory_space<vmem>>) dst(%dma_wait3A_391 : memref<10240x128xf32, #tpu.memory_space<vmem_shared>>)
        tpu.yield
      }) : () -> ()
    }
    %scan3A_163 = arith.constant 25 : i32
    %dma_start3A_164 = arith.constant 3 : i32
    %dma_start3A_165 = arith.constant 1 : i32
    %dma_start3A_166 = arith.constant 0 : i32
    %dma_start3A_167 = arith.constant 0 : i32
    %dma_start3A_168 = tpu.memref_slice %arg2[%add3A, %dma_start3A_164, %dma_start3A_166, %dma_start3A_167] : memref<32x5x25x80xi32, #tpu.memory_space<hbm>> -> memref<1x1x25x80xi32, #tpu.memory_space<hbm>>
    %dma_start3A_169 = tpu.memref_squeeze %dma_start3A_168 : memref<1x1x25x80xi32, #tpu.memory_space<hbm>> -> memref<25x80xi32, #tpu.memory_space<hbm>>
    %dma_start3A_170 = tpu.memref_slice %arg14[%dma_start3A_165] : memref<2x!tpu.dma_semaphore, #tpu.memory_space<semaphore_mem>> -> memref<1x!tpu.dma_semaphore, #tpu.memory_space<semaphore_mem>>
    %dma_start3A_171 = tpu.memref_squeeze %dma_start3A_170 : memref<1x!tpu.dma_semaphore, #tpu.memory_space<semaphore_mem>> -> memref<!tpu.dma_semaphore, #tpu.memory_space<semaphore_mem>>
    %dma_start3A_172 = arith.constant 0 : i32
    %dma_start3A_173 = arith.constant 0 : i32
    %dma_start3A_174 = tpu.memref_slice %arg2[%add3A, %dma_start3A_164, %dma_start3A_172, %dma_start3A_173] : memref<32x5x25x80xi32, #tpu.memory_space<hbm>> -> memref<1x1x25x80xi32, #tpu.memory_space<hbm>>
    %dma_start3A_175 = tpu.memref_squeeze %dma_start3A_174 : memref<1x1x25x80xi32, #tpu.memory_space<hbm>> -> memref<25x80xi32, #tpu.memory_space<hbm>>
    tpu.enqueue_dma source(%dma_start3A_175 : memref<25x80xi32, #tpu.memory_space<hbm>>) target(%arg8 : memref<25x80xi32, #tpu.memory_space<vmem>>) target_semaphore(%dma_start3A_171 : memref<!tpu.dma_semaphore, #tpu.memory_space<semaphore_mem>>)
    %dma_start3A_176 = arith.constant 3 : i32
    %dma_start3A_177 = arith.constant 1 : i32
    %dma_start3A_178 = arith.constant 0 : i32
    %dma_start3A_179 = arith.constant 0 : i32
    %dma_start3A_180 = tpu.memref_slice %arg3[%add3A, %dma_start3A_176, %dma_start3A_178, %dma_start3A_179] : memref<32x5x25x80xi32, #tpu.memory_space<hbm>> -> memref<1x1x25x80xi32, #tpu.memory_space<hbm>>
    %dma_start3A_181 = tpu.memref_squeeze %dma_start3A_180 : memref<1x1x25x80xi32, #tpu.memory_space<hbm>> -> memref<25x80xi32, #tpu.memory_space<hbm>>
    %dma_start3A_182 = tpu.memref_slice %arg14[%dma_start3A_177] : memref<2x!tpu.dma_semaphore, #tpu.memory_space<semaphore_mem>> -> memref<1x!tpu.dma_semaphore, #tpu.memory_space<semaphore_mem>>
    %dma_start3A_183 = tpu.memref_squeeze %dma_start3A_182 : memref<1x!tpu.dma_semaphore, #tpu.memory_space<semaphore_mem>> -> memref<!tpu.dma_semaphore, #tpu.memory_space<semaphore_mem>>
    %dma_start3A_184 = arith.constant 0 : i32
    %dma_start3A_185 = arith.constant 0 : i32
    %dma_start3A_186 = tpu.memref_slice %arg3[%add3A, %dma_start3A_176, %dma_start3A_184, %dma_start3A_185] : memref<32x5x25x80xi32, #tpu.memory_space<hbm>> -> memref<1x1x25x80xi32, #tpu.memory_space<hbm>>
    %dma_start3A_187 = tpu.memref_squeeze %dma_start3A_186 : memref<1x1x25x80xi32, #tpu.memory_space<hbm>> -> memref<25x80xi32, #tpu.memory_space<hbm>>
    tpu.enqueue_dma source(%dma_start3A_187 : memref<25x80xi32, #tpu.memory_space<hbm>>) target(%arg10 : memref<25x80xi32, #tpu.memory_space<vmem>>) target_semaphore(%dma_start3A_183 : memref<!tpu.dma_semaphore, #tpu.memory_space<semaphore_mem>>)
    %dma_wait3A_188 = arith.constant 2 : i32
    %dma_wait3A_189 = arith.constant 0 : i32
    %dma_wait3A_190 = arith.constant 0 : i32
    %dma_wait3A_191 = arith.constant 0 : i32
    %dma_wait3A_192 = tpu.memref_slice %arg2[%add3A, %dma_wait3A_188, %dma_wait3A_190, %dma_wait3A_191] : memref<32x5x25x80xi32, #tpu.memory_space<hbm>> -> memref<1x1x25x80xi32, #tpu.memory_space<hbm>>
    %dma_wait3A_193 = tpu.memref_squeeze %dma_wait3A_192 : memref<1x1x25x80xi32, #tpu.memory_space<hbm>> -> memref<25x80xi32, #tpu.memory_space<hbm>>
    %dma_wait3A_194 = tpu.memref_slice %arg14[%dma_wait3A_189] : memref<2x!tpu.dma_semaphore, #tpu.memory_space<semaphore_mem>> -> memref<1x!tpu.dma_semaphore, #tpu.memory_space<semaphore_mem>>
    %dma_wait3A_195 = tpu.memref_squeeze %dma_wait3A_194 : memref<1x!tpu.dma_semaphore, #tpu.memory_space<semaphore_mem>> -> memref<!tpu.dma_semaphore, #tpu.memory_space<semaphore_mem>>
    %dma_wait3A_196 = arith.constant 0 : i32
    %dma_wait3A_197 = arith.constant 0 : i32
    %dma_wait3A_198 = tpu.memref_slice %arg2[%add3A, %dma_wait3A_188, %dma_wait3A_196, %dma_wait3A_197] : memref<32x5x25x80xi32, #tpu.memory_space<hbm>> -> memref<1x1x25x80xi32, #tpu.memory_space<hbm>>
    %dma_wait3A_199 = tpu.memref_squeeze %dma_wait3A_198 : memref<1x1x25x80xi32, #tpu.memory_space<hbm>> -> memref<25x80xi32, #tpu.memory_space<hbm>>
    tpu.wait_dma2 semaphore(%dma_wait3A_195 : memref<!tpu.dma_semaphore, #tpu.memory_space<semaphore_mem>>) src(%dma_wait3A_199 : memref<25x80xi32, #tpu.memory_space<hbm>>) dst(%arg7 : memref<25x80xi32, #tpu.memory_space<vmem>>)
    %dma_wait3A_200 = arith.constant 2 : i32
    %dma_wait3A_201 = arith.constant 0 : i32
    %dma_wait3A_202 = arith.constant 0 : i32
    %dma_wait3A_203 = arith.constant 0 : i32
    %dma_wait3A_204 = tpu.memref_slice %arg3[%add3A, %dma_wait3A_200, %dma_wait3A_202, %dma_wait3A_203] : memref<32x5x25x80xi32, #tpu.memory_space<hbm>> -> memref<1x1x25x80xi32, #tpu.memory_space<hbm>>
    %dma_wait3A_205 = tpu.memref_squeeze %dma_wait3A_204 : memref<1x1x25x80xi32, #tpu.memory_space<hbm>> -> memref<25x80xi32, #tpu.memory_space<hbm>>
    %dma_wait3A_206 = tpu.memref_slice %arg14[%dma_wait3A_201] : memref<2x!tpu.dma_semaphore, #tpu.memory_space<semaphore_mem>> -> memref<1x!tpu.dma_semaphore, #tpu.memory_space<semaphore_mem>>
    %dma_wait3A_207 = tpu.memref_squeeze %dma_wait3A_206 : memref<1x!tpu.dma_semaphore, #tpu.memory_space<semaphore_mem>> -> memref<!tpu.dma_semaphore, #tpu.memory_space<semaphore_mem>>
    %dma_wait3A_208 = arith.constant 0 : i32
    %dma_wait3A_209 = arith.constant 0 : i32
    %dma_wait3A_210 = tpu.memref_slice %arg3[%add3A, %dma_wait3A_200, %dma_wait3A_208, %dma_wait3A_209] : memref<32x5x25x80xi32, #tpu.memory_space<hbm>> -> memref<1x1x25x80xi32, #tpu.memory_space<hbm>>
    %dma_wait3A_211 = tpu.memref_squeeze %dma_wait3A_210 : memref<1x1x25x80xi32, #tpu.memory_space<hbm>> -> memref<25x80xi32, #tpu.memory_space<hbm>>
    tpu.wait_dma2 semaphore(%dma_wait3A_207 : memref<!tpu.dma_semaphore, #tpu.memory_space<semaphore_mem>>) src(%dma_wait3A_211 : memref<25x80xi32, #tpu.memory_space<hbm>>) dst(%arg9 : memref<25x80xi32, #tpu.memory_space<vmem>>)
    %dma_start3A_212 = arith.constant 0 : i32
    %dma_start3A_213 = arith.constant 0 : i32
    %dma_start3A_214 = arith.constant 0 : i32
    %dma_start3A_215 = arith.constant 0 : i32
    %dma_start3A_216 = arith.constant 0 : i32
    %dma_start3A_217 = tpu.memref_slice %arg11[%dma_start3A_213, %dma_start3A_215, %dma_start3A_216] : memref<2x80x128xf32, #tpu.memory_space<vmem>> -> memref<1x80x128xf32, #tpu.memory_space<vmem>>
    %dma_start3A_218 = tpu.memref_squeeze %dma_start3A_217 : memref<1x80x128xf32, #tpu.memory_space<vmem>> -> memref<80x128xf32, #tpu.memory_space<vmem>>
    %dma_start3A_219 = arith.constant 0 : i32
    %dma_start3A_220 = tpu.memref_slice %arg7[%dma_start3A_212, %dma_start3A_219] : memref<25x80xi32, #tpu.memory_space<vmem>> -> memref<1x80xi32, #tpu.memory_space<vmem>>
    %dma_start3A_221 = tpu.memref_squeeze %dma_start3A_220 : memref<1x80xi32, #tpu.memory_space<vmem>> -> memref<80xi32, #tpu.memory_space<vmem>>
    %dma_start3A_222 = arith.constant 0 : i32
    %dma_start3A_223 = arith.constant 0 : i32
    %dma_start3A_224 = tpu.memref_slice %arg4[%dma_start3A_222, %dma_start3A_223] : memref<10000x128xf32, #tpu.memory_space<hbm>> -> memref<10000x128xf32, #tpu.memory_space<hbm>>
    %dma_start3A_225 = tpu.memref_slice %arg13[%dma_start3A_214] : memref<2x!tpu.dma_semaphore, #tpu.memory_space<semaphore_mem>> -> memref<1x!tpu.dma_semaphore, #tpu.memory_space<semaphore_mem>>
    %dma_start3A_226 = tpu.memref_squeeze %dma_start3A_225 : memref<1x!tpu.dma_semaphore, #tpu.memory_space<semaphore_mem>> -> memref<!tpu.dma_semaphore, #tpu.memory_space<semaphore_mem>>
    tpu.enqueue_indirect_dma source(%dma_start3A_224 : memref<10000x128xf32, #tpu.memory_space<hbm>>) target(%dma_start3A_218 : memref<80x128xf32, #tpu.memory_space<vmem>>) offsets(%dma_start3A_221 : memref<80xi32, #tpu.memory_space<vmem>>) semaphore(%dma_start3A_226 : memref<!tpu.dma_semaphore, #tpu.memory_space<semaphore_mem>>)
    %scan3A_227 = arith.constant 0 : i32
    %scan3A_228 = arith.constant 0 : i32
    %scan3A_229 = arith.constant 25 : i32
    %scan3A_230 = arith.addi %scan3A_228, %scan3A_229 : i32
    %scan3A_231 = arith.constant 1 : i32
    scf.for %scan3A_352 = %scan3A_228 to %scan3A_230 step %scan3A_231  : i32 {
      %rem3A = arith.constant 2 : i32
      %rem3A_353 = arith.remsi %scan3A_352, %rem3A : i32
      %add3A_354 = arith.constant 1 : i32
      %add3A_355 = arith.addi %scan3A_352, %add3A_354 : i32
      %rem3A_356 = arith.constant 2 : i32
      %rem3A_357 = arith.remsi %add3A_355, %rem3A_356 : i32
      %lt3A = arith.constant 24 : i32
      %lt3A_358 = arith.cmpi slt, %scan3A_352, %lt3A : i32
      %convert_element_type3A = arith.extui %lt3A_358 : i1 to i32
      %cond3A = arith.constant 0 : i32
      %cond3A_359 = arith.cmpi ne, %convert_element_type3A, %cond3A : i32
      scf.if %cond3A_359 {
        %add3A_372 = arith.constant 1 : i32
        %add3A_373 = arith.addi %scan3A_352, %add3A_372 : i32
        %dma_start3A_374 = arith.constant 0 : i32
        %dma_start3A_375 = arith.constant 0 : i32
        %dma_start3A_376 = tpu.memref_slice %arg11[%rem3A_357, %dma_start3A_374, %dma_start3A_375] : memref<2x80x128xf32, #tpu.memory_space<vmem>> -> memref<1x80x128xf32, #tpu.memory_space<vmem>>
        %dma_start3A_377 = tpu.memref_squeeze %dma_start3A_376 : memref<1x80x128xf32, #tpu.memory_space<vmem>> -> memref<80x128xf32, #tpu.memory_space<vmem>>
        %dma_start3A_378 = arith.constant 0 : i32
        %dma_start3A_379 = tpu.memref_slice %arg7[%add3A_373, %dma_start3A_378] : memref<25x80xi32, #tpu.memory_space<vmem>> -> memref<1x80xi32, #tpu.memory_space<vmem>>
        %dma_start3A_380 = tpu.memref_squeeze %dma_start3A_379 : memref<1x80xi32, #tpu.memory_space<vmem>> -> memref<80xi32, #tpu.memory_space<vmem>>
        %dma_start3A_381 = arith.constant 0 : i32
        %dma_start3A_382 = arith.constant 0 : i32
        %dma_start3A_383 = tpu.memref_slice %arg4[%dma_start3A_381, %dma_start3A_382] : memref<10000x128xf32, #tpu.memory_space<hbm>> -> memref<10000x128xf32, #tpu.memory_space<hbm>>
        %dma_start3A_384 = tpu.memref_slice %arg13[%rem3A_357] : memref<2x!tpu.dma_semaphore, #tpu.memory_space<semaphore_mem>> -> memref<1x!tpu.dma_semaphore, #tpu.memory_space<semaphore_mem>>
        %dma_start3A_385 = tpu.memref_squeeze %dma_start3A_384 : memref<1x!tpu.dma_semaphore, #tpu.memory_space<semaphore_mem>> -> memref<!tpu.dma_semaphore, #tpu.memory_space<semaphore_mem>>
        tpu.enqueue_indirect_dma source(%dma_start3A_383 : memref<10000x128xf32, #tpu.memory_space<hbm>>) target(%dma_start3A_377 : memref<80x128xf32, #tpu.memory_space<vmem>>) offsets(%dma_start3A_380 : memref<80xi32, #tpu.memory_space<vmem>>) semaphore(%dma_start3A_385 : memref<!tpu.dma_semaphore, #tpu.memory_space<semaphore_mem>>)
      } else {
      }
      %dma_wait3A_360 = arith.constant 0 : i32
      %dma_wait3A_361 = arith.constant 0 : i32
      %dma_wait3A_362 = tpu.memref_slice %arg11[%rem3A_353, %dma_wait3A_360, %dma_wait3A_361] : memref<2x80x128xf32, #tpu.memory_space<vmem>> -> memref<1x80x128xf32, #tpu.memory_space<vmem>>
      %dma_wait3A_363 = tpu.memref_squeeze %dma_wait3A_362 : memref<1x80x128xf32, #tpu.memory_space<vmem>> -> memref<80x128xf32, #tpu.memory_space<vmem>>
      %dma_wait3A_364 = arith.constant 0 : i32
      %dma_wait3A_365 = tpu.memref_slice %arg7[%scan3A_352, %dma_wait3A_364] : memref<25x80xi32, #tpu.memory_space<vmem>> -> memref<1x80xi32, #tpu.memory_space<vmem>>
      %dma_wait3A_366 = tpu.memref_squeeze %dma_wait3A_365 : memref<1x80xi32, #tpu.memory_space<vmem>> -> memref<80xi32, #tpu.memory_space<vmem>>
      %dma_wait3A_367 = arith.constant 0 : i32
      %dma_wait3A_368 = arith.constant 0 : i32
      %dma_wait3A_369 = tpu.memref_slice %arg4[%dma_wait3A_367, %dma_wait3A_368] : memref<10000x128xf32, #tpu.memory_space<hbm>> -> memref<10000x128xf32, #tpu.memory_space<hbm>>
      %dma_wait3A_370 = tpu.memref_slice %arg13[%rem3A_353] : memref<2x!tpu.dma_semaphore, #tpu.memory_space<semaphore_mem>> -> memref<1x!tpu.dma_semaphore, #tpu.memory_space<semaphore_mem>>
      %dma_wait3A_371 = tpu.memref_squeeze %dma_wait3A_370 : memref<1x!tpu.dma_semaphore, #tpu.memory_space<semaphore_mem>> -> memref<!tpu.dma_semaphore, #tpu.memory_space<semaphore_mem>>
      tpu.wait_indirect_dma semaphore(%dma_wait3A_371 : memref<!tpu.dma_semaphore, #tpu.memory_space<semaphore_mem>>) src(%dma_wait3A_369 : memref<10000x128xf32, #tpu.memory_space<hbm>>) dst(%dma_wait3A_363 : memref<80x128xf32, #tpu.memory_space<vmem>>)
      "tpu.region"() ({
        %run_scoped3A = tpu.sem_alloc : memref<!tpu.dma_semaphore, #tpu.memory_space<semaphore_mem>>
        %dma_start3A_372 = arith.constant 0 : i32
        %dma_start3A_373 = arith.constant 0 : i32
        %dma_start3A_374 = tpu.memref_slice %arg11[%rem3A_353, %dma_start3A_372, %dma_start3A_373] : memref<2x80x128xf32, #tpu.memory_space<vmem>> -> memref<1x80x128xf32, #tpu.memory_space<vmem>>
        %dma_start3A_375 = tpu.memref_squeeze %dma_start3A_374 : memref<1x80x128xf32, #tpu.memory_space<vmem>> -> memref<80x128xf32, #tpu.memory_space<vmem>>
        %dma_start3A_376 = arith.constant 0 : i32
        %dma_start3A_377 = tpu.memref_slice %arg9[%scan3A_352, %dma_start3A_376] : memref<25x80xi32, #tpu.memory_space<vmem>> -> memref<1x80xi32, #tpu.memory_space<vmem>>
        %dma_start3A_378 = tpu.memref_squeeze %dma_start3A_377 : memref<1x80xi32, #tpu.memory_space<vmem>> -> memref<80xi32, #tpu.memory_space<vmem>>
        %dma_start3A_379 = arith.constant 0 : i32
        %dma_start3A_380 = arith.constant 0 : i32
        %dma_start3A_381 = tpu.memref_slice %arg12[%dma_start3A_379, %dma_start3A_380] : memref<10240x128xf32, #tpu.memory_space<vmem_shared>> -> memref<10240x128xf32, #tpu.memory_space<vmem_shared>>
        tpu.enqueue_indirect_dma source(%dma_start3A_375 : memref<80x128xf32, #tpu.memory_space<vmem>>) target(%dma_start3A_381 : memref<10240x128xf32, #tpu.memory_space<vmem_shared>>) offsets(%dma_start3A_378 : memref<80xi32, #tpu.memory_space<vmem>>) semaphore(%run_scoped3A : memref<!tpu.dma_semaphore, #tpu.memory_space<semaphore_mem>>) {add = true}
        %dma_wait3A_382 = arith.constant 0 : i32
        %dma_wait3A_383 = arith.constant 0 : i32
        %dma_wait3A_384 = tpu.memref_slice %arg11[%rem3A_353, %dma_wait3A_382, %dma_wait3A_383] : memref<2x80x128xf32, #tpu.memory_space<vmem>> -> memref<1x80x128xf32, #tpu.memory_space<vmem>>
        %dma_wait3A_385 = tpu.memref_squeeze %dma_wait3A_384 : memref<1x80x128xf32, #tpu.memory_space<vmem>> -> memref<80x128xf32, #tpu.memory_space<vmem>>
        %dma_wait3A_386 = arith.constant 0 : i32
        %dma_wait3A_387 = tpu.memref_slice %arg9[%scan3A_352, %dma_wait3A_386] : memref<25x80xi32, #tpu.memory_space<vmem>> -> memref<1x80xi32, #tpu.memory_space<vmem>>
        %dma_wait3A_388 = tpu.memref_squeeze %dma_wait3A_387 : memref<1x80xi32, #tpu.memory_space<vmem>> -> memref<80xi32, #tpu.memory_space<vmem>>
        %dma_wait3A_389 = arith.constant 0 : i32
        %dma_wait3A_390 = arith.constant 0 : i32
        %dma_wait3A_391 = tpu.memref_slice %arg12[%dma_wait3A_389, %dma_wait3A_390] : memref<10240x128xf32, #tpu.memory_space<vmem_shared>> -> memref<10240x128xf32, #tpu.memory_space<vmem_shared>>
        tpu.wait_indirect_dma semaphore(%run_scoped3A : memref<!tpu.dma_semaphore, #tpu.memory_space<semaphore_mem>>) src(%dma_wait3A_385 : memref<80x128xf32, #tpu.memory_space<vmem>>) dst(%dma_wait3A_391 : memref<10240x128xf32, #tpu.memory_space<vmem_shared>>)
        tpu.yield
      }) : () -> ()
    }
    %scan3A_232 = arith.constant 25 : i32
    %dma_start3A_233 = arith.constant 4 : i32
    %dma_start3A_234 = arith.constant 0 : i32
    %dma_start3A_235 = arith.constant 0 : i32
    %dma_start3A_236 = arith.constant 0 : i32
    %dma_start3A_237 = tpu.memref_slice %arg2[%add3A, %dma_start3A_233, %dma_start3A_235, %dma_start3A_236] : memref<32x5x25x80xi32, #tpu.memory_space<hbm>> -> memref<1x1x25x80xi32, #tpu.memory_space<hbm>>
    %dma_start3A_238 = tpu.memref_squeeze %dma_start3A_237 : memref<1x1x25x80xi32, #tpu.memory_space<hbm>> -> memref<25x80xi32, #tpu.memory_space<hbm>>
    %dma_start3A_239 = tpu.memref_slice %arg14[%dma_start3A_234] : memref<2x!tpu.dma_semaphore, #tpu.memory_space<semaphore_mem>> -> memref<1x!tpu.dma_semaphore, #tpu.memory_space<semaphore_mem>>
    %dma_start3A_240 = tpu.memref_squeeze %dma_start3A_239 : memref<1x!tpu.dma_semaphore, #tpu.memory_space<semaphore_mem>> -> memref<!tpu.dma_semaphore, #tpu.memory_space<semaphore_mem>>
    %dma_start3A_241 = arith.constant 0 : i32
    %dma_start3A_242 = arith.constant 0 : i32
    %dma_start3A_243 = tpu.memref_slice %arg2[%add3A, %dma_start3A_233, %dma_start3A_241, %dma_start3A_242] : memref<32x5x25x80xi32, #tpu.memory_space<hbm>> -> memref<1x1x25x80xi32, #tpu.memory_space<hbm>>
    %dma_start3A_244 = tpu.memref_squeeze %dma_start3A_243 : memref<1x1x25x80xi32, #tpu.memory_space<hbm>> -> memref<25x80xi32, #tpu.memory_space<hbm>>
    tpu.enqueue_dma source(%dma_start3A_244 : memref<25x80xi32, #tpu.memory_space<hbm>>) target(%arg7 : memref<25x80xi32, #tpu.memory_space<vmem>>) target_semaphore(%dma_start3A_240 : memref<!tpu.dma_semaphore, #tpu.memory_space<semaphore_mem>>)
    %dma_start3A_245 = arith.constant 4 : i32
    %dma_start3A_246 = arith.constant 0 : i32
    %dma_start3A_247 = arith.constant 0 : i32
    %dma_start3A_248 = arith.constant 0 : i32
    %dma_start3A_249 = tpu.memref_slice %arg3[%add3A, %dma_start3A_245, %dma_start3A_247, %dma_start3A_248] : memref<32x5x25x80xi32, #tpu.memory_space<hbm>> -> memref<1x1x25x80xi32, #tpu.memory_space<hbm>>
    %dma_start3A_250 = tpu.memref_squeeze %dma_start3A_249 : memref<1x1x25x80xi32, #tpu.memory_space<hbm>> -> memref<25x80xi32, #tpu.memory_space<hbm>>
    %dma_start3A_251 = tpu.memref_slice %arg14[%dma_start3A_246] : memref<2x!tpu.dma_semaphore, #tpu.memory_space<semaphore_mem>> -> memref<1x!tpu.dma_semaphore, #tpu.memory_space<semaphore_mem>>
    %dma_start3A_252 = tpu.memref_squeeze %dma_start3A_251 : memref<1x!tpu.dma_semaphore, #tpu.memory_space<semaphore_mem>> -> memref<!tpu.dma_semaphore, #tpu.memory_space<semaphore_mem>>
    %dma_start3A_253 = arith.constant 0 : i32
    %dma_start3A_254 = arith.constant 0 : i32
    %dma_start3A_255 = tpu.memref_slice %arg3[%add3A, %dma_start3A_245, %dma_start3A_253, %dma_start3A_254] : memref<32x5x25x80xi32, #tpu.memory_space<hbm>> -> memref<1x1x25x80xi32, #tpu.memory_space<hbm>>
    %dma_start3A_256 = tpu.memref_squeeze %dma_start3A_255 : memref<1x1x25x80xi32, #tpu.memory_space<hbm>> -> memref<25x80xi32, #tpu.memory_space<hbm>>
    tpu.enqueue_dma source(%dma_start3A_256 : memref<25x80xi32, #tpu.memory_space<hbm>>) target(%arg9 : memref<25x80xi32, #tpu.memory_space<vmem>>) target_semaphore(%dma_start3A_252 : memref<!tpu.dma_semaphore, #tpu.memory_space<semaphore_mem>>)
    %dma_wait3A_257 = arith.constant 3 : i32
    %dma_wait3A_258 = arith.constant 1 : i32
    %dma_wait3A_259 = arith.constant 0 : i32
    %dma_wait3A_260 = arith.constant 0 : i32
    %dma_wait3A_261 = tpu.memref_slice %arg2[%add3A, %dma_wait3A_257, %dma_wait3A_259, %dma_wait3A_260] : memref<32x5x25x80xi32, #tpu.memory_space<hbm>> -> memref<1x1x25x80xi32, #tpu.memory_space<hbm>>
    %dma_wait3A_262 = tpu.memref_squeeze %dma_wait3A_261 : memref<1x1x25x80xi32, #tpu.memory_space<hbm>> -> memref<25x80xi32, #tpu.memory_space<hbm>>
    %dma_wait3A_263 = tpu.memref_slice %arg14[%dma_wait3A_258] : memref<2x!tpu.dma_semaphore, #tpu.memory_space<semaphore_mem>> -> memref<1x!tpu.dma_semaphore, #tpu.memory_space<semaphore_mem>>
    %dma_wait3A_264 = tpu.memref_squeeze %dma_wait3A_263 : memref<1x!tpu.dma_semaphore, #tpu.memory_space<semaphore_mem>> -> memref<!tpu.dma_semaphore, #tpu.memory_space<semaphore_mem>>
    %dma_wait3A_265 = arith.constant 0 : i32
    %dma_wait3A_266 = arith.constant 0 : i32
    %dma_wait3A_267 = tpu.memref_slice %arg2[%add3A, %dma_wait3A_257, %dma_wait3A_265, %dma_wait3A_266] : memref<32x5x25x80xi32, #tpu.memory_space<hbm>> -> memref<1x1x25x80xi32, #tpu.memory_space<hbm>>
    %dma_wait3A_268 = tpu.memref_squeeze %dma_wait3A_267 : memref<1x1x25x80xi32, #tpu.memory_space<hbm>> -> memref<25x80xi32, #tpu.memory_space<hbm>>
    tpu.wait_dma2 semaphore(%dma_wait3A_264 : memref<!tpu.dma_semaphore, #tpu.memory_space<semaphore_mem>>) src(%dma_wait3A_268 : memref<25x80xi32, #tpu.memory_space<hbm>>) dst(%arg8 : memref<25x80xi32, #tpu.memory_space<vmem>>)
    %dma_wait3A_269 = arith.constant 3 : i32
    %dma_wait3A_270 = arith.constant 1 : i32
    %dma_wait3A_271 = arith.constant 0 : i32
    %dma_wait3A_272 = arith.constant 0 : i32
    %dma_wait3A_273 = tpu.memref_slice %arg3[%add3A, %dma_wait3A_269, %dma_wait3A_271, %dma_wait3A_272] : memref<32x5x25x80xi32, #tpu.memory_space<hbm>> -> memref<1x1x25x80xi32, #tpu.memory_space<hbm>>
    %dma_wait3A_274 = tpu.memref_squeeze %dma_wait3A_273 : memref<1x1x25x80xi32, #tpu.memory_space<hbm>> -> memref<25x80xi32, #tpu.memory_space<hbm>>
    %dma_wait3A_275 = tpu.memref_slice %arg14[%dma_wait3A_270] : memref<2x!tpu.dma_semaphore, #tpu.memory_space<semaphore_mem>> -> memref<1x!tpu.dma_semaphore, #tpu.memory_space<semaphore_mem>>
    %dma_wait3A_276 = tpu.memref_squeeze %dma_wait3A_275 : memref<1x!tpu.dma_semaphore, #tpu.memory_space<semaphore_mem>> -> memref<!tpu.dma_semaphore, #tpu.memory_space<semaphore_mem>>
    %dma_wait3A_277 = arith.constant 0 : i32
    %dma_wait3A_278 = arith.constant 0 : i32
    %dma_wait3A_279 = tpu.memref_slice %arg3[%add3A, %dma_wait3A_269, %dma_wait3A_277, %dma_wait3A_278] : memref<32x5x25x80xi32, #tpu.memory_space<hbm>> -> memref<1x1x25x80xi32, #tpu.memory_space<hbm>>
    %dma_wait3A_280 = tpu.memref_squeeze %dma_wait3A_279 : memref<1x1x25x80xi32, #tpu.memory_space<hbm>> -> memref<25x80xi32, #tpu.memory_space<hbm>>
    tpu.wait_dma2 semaphore(%dma_wait3A_276 : memref<!tpu.dma_semaphore, #tpu.memory_space<semaphore_mem>>) src(%dma_wait3A_280 : memref<25x80xi32, #tpu.memory_space<hbm>>) dst(%arg10 : memref<25x80xi32, #tpu.memory_space<vmem>>)
    %dma_start3A_281 = arith.constant 0 : i32
    %dma_start3A_282 = arith.constant 0 : i32
    %dma_start3A_283 = arith.constant 0 : i32
    %dma_start3A_284 = arith.constant 0 : i32
    %dma_start3A_285 = arith.constant 0 : i32
    %dma_start3A_286 = tpu.memref_slice %arg11[%dma_start3A_282, %dma_start3A_284, %dma_start3A_285] : memref<2x80x128xf32, #tpu.memory_space<vmem>> -> memref<1x80x128xf32, #tpu.memory_space<vmem>>
    %dma_start3A_287 = tpu.memref_squeeze %dma_start3A_286 : memref<1x80x128xf32, #tpu.memory_space<vmem>> -> memref<80x128xf32, #tpu.memory_space<vmem>>
    %dma_start3A_288 = arith.constant 0 : i32
    %dma_start3A_289 = tpu.memref_slice %arg8[%dma_start3A_281, %dma_start3A_288] : memref<25x80xi32, #tpu.memory_space<vmem>> -> memref<1x80xi32, #tpu.memory_space<vmem>>
    %dma_start3A_290 = tpu.memref_squeeze %dma_start3A_289 : memref<1x80xi32, #tpu.memory_space<vmem>> -> memref<80xi32, #tpu.memory_space<vmem>>
    %dma_start3A_291 = arith.constant 0 : i32
    %dma_start3A_292 = arith.constant 0 : i32
    %dma_start3A_293 = tpu.memref_slice %arg4[%dma_start3A_291, %dma_start3A_292] : memref<10000x128xf32, #tpu.memory_space<hbm>> -> memref<10000x128xf32, #tpu.memory_space<hbm>>
    %dma_start3A_294 = tpu.memref_slice %arg13[%dma_start3A_283] : memref<2x!tpu.dma_semaphore, #tpu.memory_space<semaphore_mem>> -> memref<1x!tpu.dma_semaphore, #tpu.memory_space<semaphore_mem>>
    %dma_start3A_295 = tpu.memref_squeeze %dma_start3A_294 : memref<1x!tpu.dma_semaphore, #tpu.memory_space<semaphore_mem>> -> memref<!tpu.dma_semaphore, #tpu.memory_space<semaphore_mem>>
    tpu.enqueue_indirect_dma source(%dma_start3A_293 : memref<10000x128xf32, #tpu.memory_space<hbm>>) target(%dma_start3A_287 : memref<80x128xf32, #tpu.memory_space<vmem>>) offsets(%dma_start3A_290 : memref<80xi32, #tpu.memory_space<vmem>>) semaphore(%dma_start3A_295 : memref<!tpu.dma_semaphore, #tpu.memory_space<semaphore_mem>>)
    %scan3A_296 = arith.constant 0 : i32
    %scan3A_297 = arith.constant 0 : i32
    %scan3A_298 = arith.constant 25 : i32
    %scan3A_299 = arith.addi %scan3A_297, %scan3A_298 : i32
    %scan3A_300 = arith.constant 1 : i32
    scf.for %scan3A_352 = %scan3A_297 to %scan3A_299 step %scan3A_300  : i32 {
      %rem3A = arith.constant 2 : i32
      %rem3A_353 = arith.remsi %scan3A_352, %rem3A : i32
      %add3A_354 = arith.constant 1 : i32
      %add3A_355 = arith.addi %scan3A_352, %add3A_354 : i32
      %rem3A_356 = arith.constant 2 : i32
      %rem3A_357 = arith.remsi %add3A_355, %rem3A_356 : i32
      %lt3A = arith.constant 24 : i32
      %lt3A_358 = arith.cmpi slt, %scan3A_352, %lt3A : i32
      %convert_element_type3A = arith.extui %lt3A_358 : i1 to i32
      %cond3A = arith.constant 0 : i32
      %cond3A_359 = arith.cmpi ne, %convert_element_type3A, %cond3A : i32
      scf.if %cond3A_359 {
        %add3A_372 = arith.constant 1 : i32
        %add3A_373 = arith.addi %scan3A_352, %add3A_372 : i32
        %dma_start3A_374 = arith.constant 0 : i32
        %dma_start3A_375 = arith.constant 0 : i32
        %dma_start3A_376 = tpu.memref_slice %arg11[%rem3A_357, %dma_start3A_374, %dma_start3A_375] : memref<2x80x128xf32, #tpu.memory_space<vmem>> -> memref<1x80x128xf32, #tpu.memory_space<vmem>>
        %dma_start3A_377 = tpu.memref_squeeze %dma_start3A_376 : memref<1x80x128xf32, #tpu.memory_space<vmem>> -> memref<80x128xf32, #tpu.memory_space<vmem>>
        %dma_start3A_378 = arith.constant 0 : i32
        %dma_start3A_379 = tpu.memref_slice %arg8[%add3A_373, %dma_start3A_378] : memref<25x80xi32, #tpu.memory_space<vmem>> -> memref<1x80xi32, #tpu.memory_space<vmem>>
        %dma_start3A_380 = tpu.memref_squeeze %dma_start3A_379 : memref<1x80xi32, #tpu.memory_space<vmem>> -> memref<80xi32, #tpu.memory_space<vmem>>
        %dma_start3A_381 = arith.constant 0 : i32
        %dma_start3A_382 = arith.constant 0 : i32
        %dma_start3A_383 = tpu.memref_slice %arg4[%dma_start3A_381, %dma_start3A_382] : memref<10000x128xf32, #tpu.memory_space<hbm>> -> memref<10000x128xf32, #tpu.memory_space<hbm>>
        %dma_start3A_384 = tpu.memref_slice %arg13[%rem3A_357] : memref<2x!tpu.dma_semaphore, #tpu.memory_space<semaphore_mem>> -> memref<1x!tpu.dma_semaphore, #tpu.memory_space<semaphore_mem>>
        %dma_start3A_385 = tpu.memref_squeeze %dma_start3A_384 : memref<1x!tpu.dma_semaphore, #tpu.memory_space<semaphore_mem>> -> memref<!tpu.dma_semaphore, #tpu.memory_space<semaphore_mem>>
        tpu.enqueue_indirect_dma source(%dma_start3A_383 : memref<10000x128xf32, #tpu.memory_space<hbm>>) target(%dma_start3A_377 : memref<80x128xf32, #tpu.memory_space<vmem>>) offsets(%dma_start3A_380 : memref<80xi32, #tpu.memory_space<vmem>>) semaphore(%dma_start3A_385 : memref<!tpu.dma_semaphore, #tpu.memory_space<semaphore_mem>>)
      } else {
      }
      %dma_wait3A_360 = arith.constant 0 : i32
      %dma_wait3A_361 = arith.constant 0 : i32
      %dma_wait3A_362 = tpu.memref_slice %arg11[%rem3A_353, %dma_wait3A_360, %dma_wait3A_361] : memref<2x80x128xf32, #tpu.memory_space<vmem>> -> memref<1x80x128xf32, #tpu.memory_space<vmem>>
      %dma_wait3A_363 = tpu.memref_squeeze %dma_wait3A_362 : memref<1x80x128xf32, #tpu.memory_space<vmem>> -> memref<80x128xf32, #tpu.memory_space<vmem>>
      %dma_wait3A_364 = arith.constant 0 : i32
      %dma_wait3A_365 = tpu.memref_slice %arg8[%scan3A_352, %dma_wait3A_364] : memref<25x80xi32, #tpu.memory_space<vmem>> -> memref<1x80xi32, #tpu.memory_space<vmem>>
      %dma_wait3A_366 = tpu.memref_squeeze %dma_wait3A_365 : memref<1x80xi32, #tpu.memory_space<vmem>> -> memref<80xi32, #tpu.memory_space<vmem>>
      %dma_wait3A_367 = arith.constant 0 : i32
      %dma_wait3A_368 = arith.constant 0 : i32
      %dma_wait3A_369 = tpu.memref_slice %arg4[%dma_wait3A_367, %dma_wait3A_368] : memref<10000x128xf32, #tpu.memory_space<hbm>> -> memref<10000x128xf32, #tpu.memory_space<hbm>>
      %dma_wait3A_370 = tpu.memref_slice %arg13[%rem3A_353] : memref<2x!tpu.dma_semaphore, #tpu.memory_space<semaphore_mem>> -> memref<1x!tpu.dma_semaphore, #tpu.memory_space<semaphore_mem>>
      %dma_wait3A_371 = tpu.memref_squeeze %dma_wait3A_370 : memref<1x!tpu.dma_semaphore, #tpu.memory_space<semaphore_mem>> -> memref<!tpu.dma_semaphore, #tpu.memory_space<semaphore_mem>>
      tpu.wait_indirect_dma semaphore(%dma_wait3A_371 : memref<!tpu.dma_semaphore, #tpu.memory_space<semaphore_mem>>) src(%dma_wait3A_369 : memref<10000x128xf32, #tpu.memory_space<hbm>>) dst(%dma_wait3A_363 : memref<80x128xf32, #tpu.memory_space<vmem>>)
      "tpu.region"() ({
        %run_scoped3A = tpu.sem_alloc : memref<!tpu.dma_semaphore, #tpu.memory_space<semaphore_mem>>
        %dma_start3A_372 = arith.constant 0 : i32
        %dma_start3A_373 = arith.constant 0 : i32
        %dma_start3A_374 = tpu.memref_slice %arg11[%rem3A_353, %dma_start3A_372, %dma_start3A_373] : memref<2x80x128xf32, #tpu.memory_space<vmem>> -> memref<1x80x128xf32, #tpu.memory_space<vmem>>
        %dma_start3A_375 = tpu.memref_squeeze %dma_start3A_374 : memref<1x80x128xf32, #tpu.memory_space<vmem>> -> memref<80x128xf32, #tpu.memory_space<vmem>>
        %dma_start3A_376 = arith.constant 0 : i32
        %dma_start3A_377 = tpu.memref_slice %arg10[%scan3A_352, %dma_start3A_376] : memref<25x80xi32, #tpu.memory_space<vmem>> -> memref<1x80xi32, #tpu.memory_space<vmem>>
        %dma_start3A_378 = tpu.memref_squeeze %dma_start3A_377 : memref<1x80xi32, #tpu.memory_space<vmem>> -> memref<80xi32, #tpu.memory_space<vmem>>
        %dma_start3A_379 = arith.constant 0 : i32
        %dma_start3A_380 = arith.constant 0 : i32
        %dma_start3A_381 = tpu.memref_slice %arg12[%dma_start3A_379, %dma_start3A_380] : memref<10240x128xf32, #tpu.memory_space<vmem_shared>> -> memref<10240x128xf32, #tpu.memory_space<vmem_shared>>
        tpu.enqueue_indirect_dma source(%dma_start3A_375 : memref<80x128xf32, #tpu.memory_space<vmem>>) target(%dma_start3A_381 : memref<10240x128xf32, #tpu.memory_space<vmem_shared>>) offsets(%dma_start3A_378 : memref<80xi32, #tpu.memory_space<vmem>>) semaphore(%run_scoped3A : memref<!tpu.dma_semaphore, #tpu.memory_space<semaphore_mem>>) {add = true}
        %dma_wait3A_382 = arith.constant 0 : i32
        %dma_wait3A_383 = arith.constant 0 : i32
        %dma_wait3A_384 = tpu.memref_slice %arg11[%rem3A_353, %dma_wait3A_382, %dma_wait3A_383] : memref<2x80x128xf32, #tpu.memory_space<vmem>> -> memref<1x80x128xf32, #tpu.memory_space<vmem>>
        %dma_wait3A_385 = tpu.memref_squeeze %dma_wait3A_384 : memref<1x80x128xf32, #tpu.memory_space<vmem>> -> memref<80x128xf32, #tpu.memory_space<vmem>>
        %dma_wait3A_386 = arith.constant 0 : i32
        %dma_wait3A_387 = tpu.memref_slice %arg10[%scan3A_352, %dma_wait3A_386] : memref<25x80xi32, #tpu.memory_space<vmem>> -> memref<1x80xi32, #tpu.memory_space<vmem>>
        %dma_wait3A_388 = tpu.memref_squeeze %dma_wait3A_387 : memref<1x80xi32, #tpu.memory_space<vmem>> -> memref<80xi32, #tpu.memory_space<vmem>>
        %dma_wait3A_389 = arith.constant 0 : i32
        %dma_wait3A_390 = arith.constant 0 : i32
        %dma_wait3A_391 = tpu.memref_slice %arg12[%dma_wait3A_389, %dma_wait3A_390] : memref<10240x128xf32, #tpu.memory_space<vmem_shared>> -> memref<10240x128xf32, #tpu.memory_space<vmem_shared>>
        tpu.wait_indirect_dma semaphore(%run_scoped3A : memref<!tpu.dma_semaphore, #tpu.memory_space<semaphore_mem>>) src(%dma_wait3A_385 : memref<80x128xf32, #tpu.memory_space<vmem>>) dst(%dma_wait3A_391 : memref<10240x128xf32, #tpu.memory_space<vmem_shared>>)
        tpu.yield
      }) : () -> ()
    }
    %scan3A_301 = arith.constant 25 : i32
    %dma_wait3A_302 = arith.constant 4 : i32
    %dma_wait3A_303 = arith.constant 0 : i32
    %dma_wait3A_304 = arith.constant 0 : i32
    %dma_wait3A_305 = arith.constant 0 : i32
    %dma_wait3A_306 = tpu.memref_slice %arg2[%add3A, %dma_wait3A_302, %dma_wait3A_304, %dma_wait3A_305] : memref<32x5x25x80xi32, #tpu.memory_space<hbm>> -> memref<1x1x25x80xi32, #tpu.memory_space<hbm>>
    %dma_wait3A_307 = tpu.memref_squeeze %dma_wait3A_306 : memref<1x1x25x80xi32, #tpu.memory_space<hbm>> -> memref<25x80xi32, #tpu.memory_space<hbm>>
    %dma_wait3A_308 = tpu.memref_slice %arg14[%dma_wait3A_303] : memref<2x!tpu.dma_semaphore, #tpu.memory_space<semaphore_mem>> -> memref<1x!tpu.dma_semaphore, #tpu.memory_space<semaphore_mem>>
    %dma_wait3A_309 = tpu.memref_squeeze %dma_wait3A_308 : memref<1x!tpu.dma_semaphore, #tpu.memory_space<semaphore_mem>> -> memref<!tpu.dma_semaphore, #tpu.memory_space<semaphore_mem>>
    %dma_wait3A_310 = arith.constant 0 : i32
    %dma_wait3A_311 = arith.constant 0 : i32
    %dma_wait3A_312 = tpu.memref_slice %arg2[%add3A, %dma_wait3A_302, %dma_wait3A_310, %dma_wait3A_311] : memref<32x5x25x80xi32, #tpu.memory_space<hbm>> -> memref<1x1x25x80xi32, #tpu.memory_space<hbm>>
    %dma_wait3A_313 = tpu.memref_squeeze %dma_wait3A_312 : memref<1x1x25x80xi32, #tpu.memory_space<hbm>> -> memref<25x80xi32, #tpu.memory_space<hbm>>
    tpu.wait_dma2 semaphore(%dma_wait3A_309 : memref<!tpu.dma_semaphore, #tpu.memory_space<semaphore_mem>>) src(%dma_wait3A_313 : memref<25x80xi32, #tpu.memory_space<hbm>>) dst(%arg7 : memref<25x80xi32, #tpu.memory_space<vmem>>)
    %dma_wait3A_314 = arith.constant 4 : i32
    %dma_wait3A_315 = arith.constant 0 : i32
    %dma_wait3A_316 = arith.constant 0 : i32
    %dma_wait3A_317 = arith.constant 0 : i32
    %dma_wait3A_318 = tpu.memref_slice %arg3[%add3A, %dma_wait3A_314, %dma_wait3A_316, %dma_wait3A_317] : memref<32x5x25x80xi32, #tpu.memory_space<hbm>> -> memref<1x1x25x80xi32, #tpu.memory_space<hbm>>
    %dma_wait3A_319 = tpu.memref_squeeze %dma_wait3A_318 : memref<1x1x25x80xi32, #tpu.memory_space<hbm>> -> memref<25x80xi32, #tpu.memory_space<hbm>>
    %dma_wait3A_320 = tpu.memref_slice %arg14[%dma_wait3A_315] : memref<2x!tpu.dma_semaphore, #tpu.memory_space<semaphore_mem>> -> memref<1x!tpu.dma_semaphore, #tpu.memory_space<semaphore_mem>>
    %dma_wait3A_321 = tpu.memref_squeeze %dma_wait3A_320 : memref<1x!tpu.dma_semaphore, #tpu.memory_space<semaphore_mem>> -> memref<!tpu.dma_semaphore, #tpu.memory_space<semaphore_mem>>
    %dma_wait3A_322 = arith.constant 0 : i32
    %dma_wait3A_323 = arith.constant 0 : i32
    %dma_wait3A_324 = tpu.memref_slice %arg3[%add3A, %dma_wait3A_314, %dma_wait3A_322, %dma_wait3A_323] : memref<32x5x25x80xi32, #tpu.memory_space<hbm>> -> memref<1x1x25x80xi32, #tpu.memory_space<hbm>>
    %dma_wait3A_325 = tpu.memref_squeeze %dma_wait3A_324 : memref<1x1x25x80xi32, #tpu.memory_space<hbm>> -> memref<25x80xi32, #tpu.memory_space<hbm>>
    tpu.wait_dma2 semaphore(%dma_wait3A_321 : memref<!tpu.dma_semaphore, #tpu.memory_space<semaphore_mem>>) src(%dma_wait3A_325 : memref<25x80xi32, #tpu.memory_space<hbm>>) dst(%arg9 : memref<25x80xi32, #tpu.memory_space<vmem>>)
    %dma_start3A_326 = arith.constant 0 : i32
    %dma_start3A_327 = arith.constant 0 : i32
    %dma_start3A_328 = arith.constant 0 : i32
    %dma_start3A_329 = arith.constant 0 : i32
    %dma_start3A_330 = arith.constant 0 : i32
    %dma_start3A_331 = tpu.memref_slice %arg11[%dma_start3A_327, %dma_start3A_329, %dma_start3A_330] : memref<2x80x128xf32, #tpu.memory_space<vmem>> -> memref<1x80x128xf32, #tpu.memory_space<vmem>>
    %dma_start3A_332 = tpu.memref_squeeze %dma_start3A_331 : memref<1x80x128xf32, #tpu.memory_space<vmem>> -> memref<80x128xf32, #tpu.memory_space<vmem>>
    %dma_start3A_333 = arith.constant 0 : i32
    %dma_start3A_334 = tpu.memref_slice %arg7[%dma_start3A_326, %dma_start3A_333] : memref<25x80xi32, #tpu.memory_space<vmem>> -> memref<1x80xi32, #tpu.memory_space<vmem>>
    %dma_start3A_335 = tpu.memref_squeeze %dma_start3A_334 : memref<1x80xi32, #tpu.memory_space<vmem>> -> memref<80xi32, #tpu.memory_space<vmem>>
    %dma_start3A_336 = arith.constant 0 : i32
    %dma_start3A_337 = arith.constant 0 : i32
    %dma_start3A_338 = tpu.memref_slice %arg4[%dma_start3A_336, %dma_start3A_337] : memref<10000x128xf32, #tpu.memory_space<hbm>> -> memref<10000x128xf32, #tpu.memory_space<hbm>>
    %dma_start3A_339 = tpu.memref_slice %arg13[%dma_start3A_328] : memref<2x!tpu.dma_semaphore, #tpu.memory_space<semaphore_mem>> -> memref<1x!tpu.dma_semaphore, #tpu.memory_space<semaphore_mem>>
    %dma_start3A_340 = tpu.memref_squeeze %dma_start3A_339 : memref<1x!tpu.dma_semaphore, #tpu.memory_space<semaphore_mem>> -> memref<!tpu.dma_semaphore, #tpu.memory_space<semaphore_mem>>
    tpu.enqueue_indirect_dma source(%dma_start3A_338 : memref<10000x128xf32, #tpu.memory_space<hbm>>) target(%dma_start3A_332 : memref<80x128xf32, #tpu.memory_space<vmem>>) offsets(%dma_start3A_335 : memref<80xi32, #tpu.memory_space<vmem>>) semaphore(%dma_start3A_340 : memref<!tpu.dma_semaphore, #tpu.memory_space<semaphore_mem>>)
    %scan3A_341 = arith.constant 0 : i32
    %scan3A_342 = arith.constant 0 : i32
    %scan3A_343 = arith.constant 25 : i32
    %scan3A_344 = arith.addi %scan3A_342, %scan3A_343 : i32
    %scan3A_345 = arith.constant 1 : i32
    scf.for %scan3A_352 = %scan3A_342 to %scan3A_344 step %scan3A_345  : i32 {
      %rem3A = arith.constant 2 : i32
      %rem3A_353 = arith.remsi %scan3A_352, %rem3A : i32
      %add3A_354 = arith.constant 1 : i32
      %add3A_355 = arith.addi %scan3A_352, %add3A_354 : i32
      %rem3A_356 = arith.constant 2 : i32
      %rem3A_357 = arith.remsi %add3A_355, %rem3A_356 : i32
      %lt3A = arith.constant 24 : i32
      %lt3A_358 = arith.cmpi slt, %scan3A_352, %lt3A : i32
      %convert_element_type3A = arith.extui %lt3A_358 : i1 to i32
      %cond3A = arith.constant 0 : i32
      %cond3A_359 = arith.cmpi ne, %convert_element_type3A, %cond3A : i32
      scf.if %cond3A_359 {
        %add3A_372 = arith.constant 1 : i32
        %add3A_373 = arith.addi %scan3A_352, %add3A_372 : i32
        %dma_start3A_374 = arith.constant 0 : i32
        %dma_start3A_375 = arith.constant 0 : i32
        %dma_start3A_376 = tpu.memref_slice %arg11[%rem3A_357, %dma_start3A_374, %dma_start3A_375] : memref<2x80x128xf32, #tpu.memory_space<vmem>> -> memref<1x80x128xf32, #tpu.memory_space<vmem>>
        %dma_start3A_377 = tpu.memref_squeeze %dma_start3A_376 : memref<1x80x128xf32, #tpu.memory_space<vmem>> -> memref<80x128xf32, #tpu.memory_space<vmem>>
        %dma_start3A_378 = arith.constant 0 : i32
        %dma_start3A_379 = tpu.memref_slice %arg7[%add3A_373, %dma_start3A_378] : memref<25x80xi32, #tpu.memory_space<vmem>> -> memref<1x80xi32, #tpu.memory_space<vmem>>
        %dma_start3A_380 = tpu.memref_squeeze %dma_start3A_379 : memref<1x80xi32, #tpu.memory_space<vmem>> -> memref<80xi32, #tpu.memory_space<vmem>>
        %dma_start3A_381 = arith.constant 0 : i32
        %dma_start3A_382 = arith.constant 0 : i32
        %dma_start3A_383 = tpu.memref_slice %arg4[%dma_start3A_381, %dma_start3A_382] : memref<10000x128xf32, #tpu.memory_space<hbm>> -> memref<10000x128xf32, #tpu.memory_space<hbm>>
        %dma_start3A_384 = tpu.memref_slice %arg13[%rem3A_357] : memref<2x!tpu.dma_semaphore, #tpu.memory_space<semaphore_mem>> -> memref<1x!tpu.dma_semaphore, #tpu.memory_space<semaphore_mem>>
        %dma_start3A_385 = tpu.memref_squeeze %dma_start3A_384 : memref<1x!tpu.dma_semaphore, #tpu.memory_space<semaphore_mem>> -> memref<!tpu.dma_semaphore, #tpu.memory_space<semaphore_mem>>
        tpu.enqueue_indirect_dma source(%dma_start3A_383 : memref<10000x128xf32, #tpu.memory_space<hbm>>) target(%dma_start3A_377 : memref<80x128xf32, #tpu.memory_space<vmem>>) offsets(%dma_start3A_380 : memref<80xi32, #tpu.memory_space<vmem>>) semaphore(%dma_start3A_385 : memref<!tpu.dma_semaphore, #tpu.memory_space<semaphore_mem>>)
      } else {
      }
      %dma_wait3A_360 = arith.constant 0 : i32
      %dma_wait3A_361 = arith.constant 0 : i32
      %dma_wait3A_362 = tpu.memref_slice %arg11[%rem3A_353, %dma_wait3A_360, %dma_wait3A_361] : memref<2x80x128xf32, #tpu.memory_space<vmem>> -> memref<1x80x128xf32, #tpu.memory_space<vmem>>
      %dma_wait3A_363 = tpu.memref_squeeze %dma_wait3A_362 : memref<1x80x128xf32, #tpu.memory_space<vmem>> -> memref<80x128xf32, #tpu.memory_space<vmem>>
      %dma_wait3A_364 = arith.constant 0 : i32
      %dma_wait3A_365 = tpu.memref_slice %arg7[%scan3A_352, %dma_wait3A_364] : memref<25x80xi32, #tpu.memory_space<vmem>> -> memref<1x80xi32, #tpu.memory_space<vmem>>
      %dma_wait3A_366 = tpu.memref_squeeze %dma_wait3A_365 : memref<1x80xi32, #tpu.memory_space<vmem>> -> memref<80xi32, #tpu.memory_space<vmem>>
      %dma_wait3A_367 = arith.constant 0 : i32
      %dma_wait3A_368 = arith.constant 0 : i32
      %dma_wait3A_369 = tpu.memref_slice %arg4[%dma_wait3A_367, %dma_wait3A_368] : memref<10000x128xf32, #tpu.memory_space<hbm>> -> memref<10000x128xf32, #tpu.memory_space<hbm>>
      %dma_wait3A_370 = tpu.memref_slice %arg13[%rem3A_353] : memref<2x!tpu.dma_semaphore, #tpu.memory_space<semaphore_mem>> -> memref<1x!tpu.dma_semaphore, #tpu.memory_space<semaphore_mem>>
      %dma_wait3A_371 = tpu.memref_squeeze %dma_wait3A_370 : memref<1x!tpu.dma_semaphore, #tpu.memory_space<semaphore_mem>> -> memref<!tpu.dma_semaphore, #tpu.memory_space<semaphore_mem>>
      tpu.wait_indirect_dma semaphore(%dma_wait3A_371 : memref<!tpu.dma_semaphore, #tpu.memory_space<semaphore_mem>>) src(%dma_wait3A_369 : memref<10000x128xf32, #tpu.memory_space<hbm>>) dst(%dma_wait3A_363 : memref<80x128xf32, #tpu.memory_space<vmem>>)
      "tpu.region"() ({
        %run_scoped3A = tpu.sem_alloc : memref<!tpu.dma_semaphore, #tpu.memory_space<semaphore_mem>>
        %dma_start3A_372 = arith.constant 0 : i32
        %dma_start3A_373 = arith.constant 0 : i32
        %dma_start3A_374 = tpu.memref_slice %arg11[%rem3A_353, %dma_start3A_372, %dma_start3A_373] : memref<2x80x128xf32, #tpu.memory_space<vmem>> -> memref<1x80x128xf32, #tpu.memory_space<vmem>>
        %dma_start3A_375 = tpu.memref_squeeze %dma_start3A_374 : memref<1x80x128xf32, #tpu.memory_space<vmem>> -> memref<80x128xf32, #tpu.memory_space<vmem>>
        %dma_start3A_376 = arith.constant 0 : i32
        %dma_start3A_377 = tpu.memref_slice %arg9[%scan3A_352, %dma_start3A_376] : memref<25x80xi32, #tpu.memory_space<vmem>> -> memref<1x80xi32, #tpu.memory_space<vmem>>
        %dma_start3A_378 = tpu.memref_squeeze %dma_start3A_377 : memref<1x80xi32, #tpu.memory_space<vmem>> -> memref<80xi32, #tpu.memory_space<vmem>>
        %dma_start3A_379 = arith.constant 0 : i32
        %dma_start3A_380 = arith.constant 0 : i32
        %dma_start3A_381 = tpu.memref_slice %arg12[%dma_start3A_379, %dma_start3A_380] : memref<10240x128xf32, #tpu.memory_space<vmem_shared>> -> memref<10240x128xf32, #tpu.memory_space<vmem_shared>>
        tpu.enqueue_indirect_dma source(%dma_start3A_375 : memref<80x128xf32, #tpu.memory_space<vmem>>) target(%dma_start3A_381 : memref<10240x128xf32, #tpu.memory_space<vmem_shared>>) offsets(%dma_start3A_378 : memref<80xi32, #tpu.memory_space<vmem>>) semaphore(%run_scoped3A : memref<!tpu.dma_semaphore, #tpu.memory_space<semaphore_mem>>) {add = true}
        %dma_wait3A_382 = arith.constant 0 : i32
        %dma_wait3A_383 = arith.constant 0 : i32
        %dma_wait3A_384 = tpu.memref_slice %arg11[%rem3A_353, %dma_wait3A_382, %dma_wait3A_383] : memref<2x80x128xf32, #tpu.memory_space<vmem>> -> memref<1x80x128xf32, #tpu.memory_space<vmem>>
        %dma_wait3A_385 = tpu.memref_squeeze %dma_wait3A_384 : memref<1x80x128xf32, #tpu.memory_space<vmem>> -> memref<80x128xf32, #tpu.memory_space<vmem>>
        %dma_wait3A_386 = arith.constant 0 : i32
        %dma_wait3A_387 = tpu.memref_slice %arg9[%scan3A_352, %dma_wait3A_386] : memref<25x80xi32, #tpu.memory_space<vmem>> -> memref<1x80xi32, #tpu.memory_space<vmem>>
        %dma_wait3A_388 = tpu.memref_squeeze %dma_wait3A_387 : memref<1x80xi32, #tpu.memory_space<vmem>> -> memref<80xi32, #tpu.memory_space<vmem>>
        %dma_wait3A_389 = arith.constant 0 : i32
        %dma_wait3A_390 = arith.constant 0 : i32
        %dma_wait3A_391 = tpu.memref_slice %arg12[%dma_wait3A_389, %dma_wait3A_390] : memref<10240x128xf32, #tpu.memory_space<vmem_shared>> -> memref<10240x128xf32, #tpu.memory_space<vmem_shared>>
        tpu.wait_indirect_dma semaphore(%run_scoped3A : memref<!tpu.dma_semaphore, #tpu.memory_space<semaphore_mem>>) src(%dma_wait3A_385 : memref<80x128xf32, #tpu.memory_space<vmem>>) dst(%dma_wait3A_391 : memref<10240x128xf32, #tpu.memory_space<vmem_shared>>)
        tpu.yield
      }) : () -> ()
    }
    %scan3A_346 = arith.constant 25 : i32
    %barrier3A_347 = arith.constant 0 : index
    tpu.barrier barrier_id(%barrier3A_347)
    %mul3A_348 = arith.constant 640 : i32
    %mul3A_349 = arith.muli %arg1, %mul3A_348 : i32
    %mul3A_350 = arith.constant 640 : i32
    %mul3A_351 = arith.muli %arg1, %mul3A_350 : i32
    "tpu.region"() ({
      %run_scoped3A = tpu.sem_alloc : memref<!tpu.dma_semaphore, #tpu.memory_space<semaphore_mem>>
      %dma_start3A_352 = arith.constant 0 : i32
      %dma_start3A_353 = tpu.memref_slice %arg6[%arg0, %mul3A_351, %dma_start3A_352] : memref<2x10240x128xf32, #tpu.memory_space<hbm>> -> memref<1x640x128xf32, #tpu.memory_space<hbm>>
      %dma_start3A_354 = tpu.memref_squeeze %dma_start3A_353 : memref<1x640x128xf32, #tpu.memory_space<hbm>> -> memref<640x128xf32, #tpu.memory_space<hbm>>
      %dma_start3A_355 = arith.constant 0 : i32
      %dma_start3A_356 = tpu.memref_slice %arg12[%mul3A_349, %dma_start3A_355] : memref<10240x128xf32, #tpu.memory_space<vmem_shared>> -> memref<640x128xf32, #tpu.memory_space<vmem_shared>>
      tpu.enqueue_dma source(%dma_start3A_356 : memref<640x128xf32, #tpu.memory_space<vmem_shared>>) target(%dma_start3A_354 : memref<640x128xf32, #tpu.memory_space<hbm>>) target_semaphore(%run_scoped3A : memref<!tpu.dma_semaphore, #tpu.memory_space<semaphore_mem>>)
      %dma_wait3A_357 = arith.constant 0 : i32
      %dma_wait3A_358 = tpu.memref_slice %arg6[%arg0, %mul3A_351, %dma_wait3A_357] : memref<2x10240x128xf32, #tpu.memory_space<hbm>> -> memref<1x640x128xf32, #tpu.memory_space<hbm>>
      %dma_wait3A_359 = tpu.memref_squeeze %dma_wait3A_358 : memref<1x640x128xf32, #tpu.memory_space<hbm>> -> memref<640x128xf32, #tpu.memory_space<hbm>>
      %dma_wait3A_360 = arith.constant 0 : i32
      %dma_wait3A_361 = tpu.memref_slice %arg12[%mul3A_349, %dma_wait3A_360] : memref<10240x128xf32, #tpu.memory_space<vmem_shared>> -> memref<640x128xf32, #tpu.memory_space<vmem_shared>>
      tpu.wait_dma2 semaphore(%run_scoped3A : memref<!tpu.dma_semaphore, #tpu.memory_space<semaphore_mem>>) src(%dma_wait3A_361 : memref<640x128xf32, #tpu.memory_space<vmem_shared>>) dst(%dma_wait3A_359 : memref<640x128xf32, #tpu.memory_space<hbm>>)
      tpu.yield
    }) : () -> ()
    return
  }
}

#map = affine_map<(d0, d1) -> (0, 0, 0, 0)>
#map1 = affine_map<(d0, d1) -> (0, 0)>
#map2 = affine_map<(d0, d1) -> (0, 0, 0)>
module attributes {stable_mosaic.version = 14 : i64} {
  func.func @k(%arg0: i32, %arg1: i32, %arg2: memref<32x5x25x80xi32, #tpu.memory_space<hbm>>, %arg3: memref<32x5x25x80xi32, #tpu.memory_space<hbm>>, %arg4: memref<10000x128xf32, #tpu.memory_space<hbm>>, %arg5: memref<10240x128xf32, #tpu.memory_space<hbm>>, %arg6: memref<2x10240x128xf32, #tpu.memory_space<hbm>>, %arg7: memref<25x80xi32, #tpu.memory_space<vmem>>, %arg8: memref<25x80xi32, #tpu.memory_space<vmem>>, %arg9: memref<25x80xi32, #tpu.memory_space<vmem>>, %arg10: memref<25x80xi32, #tpu.memory_space<vmem>>, %arg11: memref<2x80x128xf32, #tpu.memory_space<vmem>>, %arg12: memref<10240x128xf32, #tpu.memory_space<vmem_shared>>, %arg13: memref<2x!tpu.dma_semaphore, #tpu.memory_space<semaphore_mem>>, %arg14: memref<2x!tpu.dma_semaphore, #tpu.memory_space<semaphore_mem>>) attributes {dimension_semantics = [#tpu.dimension_semantics<core_parallel>, #tpu.dimension_semantics<subcore_parallel>], iteration_bounds = array<i64: 2, 16>, scalar_prefetch = 0 : i64, scratch_operands = 8 : i64, tpu.core_type = #tpu.core_type<sc_vector_subcore>, window_params = [{transform_indices = #map}, {transform_indices = #map}, {transform_indices = #map1}, {transform_indices = #map1}, {transform_indices = #map2}]} {
    %mul3A = arith.constant 2 : i32
    %mul3A_0 = arith.muli %arg1, %mul3A : i32
    %add3A = arith.addi %mul3A_0, %arg0 : i32
    %dma_start3A = arith.constant 0 : i32
    %dma_start3A_1 = arith.constant 0 : i32
    %dma_start3A_2 = arith.constant 0 : i32
    %dma_start3A_3 = arith.constant 0 : i32
    %dma_start3A_4 = tpu.memref_slice %arg2[%add3A, %dma_start3A, %dma_start3A_2, %dma_start3A_3] : memref<32x5x25x80xi32, #tpu.memory_space<hbm>> -> memref<1x1x25x80xi32, #tpu.memory_space<hbm>>
    %dma_start3A_5 = tpu.memref_squeeze %dma_start3A_4 : memref<1x1x25x80xi32, #tpu.memory_space<hbm>> -> memref<25x80xi32, #tpu.memory_space<hbm>>
    %dma_start3A_6 = tpu.memref_slice %arg14[%dma_start3A_1] : memref<2x!tpu.dma_semaphore, #tpu.memory_space<semaphore_mem>> -> memref<1x!tpu.dma_semaphore, #tpu.memory_space<semaphore_mem>>
    %dma_start3A_7 = tpu.memref_squeeze %dma_start3A_6 : memref<1x!tpu.dma_semaphore, #tpu.memory_space<semaphore_mem>> -> memref<!tpu.dma_semaphore, #tpu.memory_space<semaphore_mem>>
    %dma_start3A_8 = arith.constant 0 : i32
    %dma_start3A_9 = arith.constant 0 : i32
    %dma_start3A_10 = tpu.memref_slice %arg2[%add3A, %dma_start3A, %dma_start3A_8, %dma_start3A_9] : memref<32x5x25x80xi32, #tpu.memory_space<hbm>> -> memref<1x1x25x80xi32, #tpu.memory_space<hbm>>
    %dma_start3A_11 = tpu.memref_squeeze %dma_start3A_10 : memref<1x1x25x80xi32, #tpu.memory_space<hbm>> -> memref<25x80xi32, #tpu.memory_space<hbm>>
    tpu.enqueue_dma source(%dma_start3A_11 : memref<25x80xi32, #tpu.memory_space<hbm>>) target(%arg7 : memref<25x80xi32, #tpu.memory_space<vmem>>) target_semaphore(%dma_start3A_7 : memref<!tpu.dma_semaphore, #tpu.memory_space<semaphore_mem>>)
    %dma_start3A_12 = arith.constant 0 : i32
    %dma_start3A_13 = arith.constant 0 : i32
    %dma_start3A_14 = arith.constant 0 : i32
    %dma_start3A_15 = arith.constant 0 : i32
    %dma_start3A_16 = tpu.memref_slice %arg3[%add3A, %dma_start3A_12, %dma_start3A_14, %dma_start3A_15] : memref<32x5x25x80xi32, #tpu.memory_space<hbm>> -> memref<1x1x25x80xi32, #tpu.memory_space<hbm>>
    %dma_start3A_17 = tpu.memref_squeeze %dma_start3A_16 : memref<1x1x25x80xi32, #tpu.memory_space<hbm>> -> memref<25x80xi32, #tpu.memory_space<hbm>>
    %dma_start3A_18 = tpu.memref_slice %arg14[%dma_start3A_13] : memref<2x!tpu.dma_semaphore, #tpu.memory_space<semaphore_mem>> -> memref<1x!tpu.dma_semaphore, #tpu.memory_space<semaphore_mem>>
    %dma_start3A_19 = tpu.memref_squeeze %dma_start3A_18 : memref<1x!tpu.dma_semaphore, #tpu.memory_space<semaphore_mem>> -> memref<!tpu.dma_semaphore, #tpu.memory_space<semaphore_mem>>
    %dma_start3A_20 = arith.constant 0 : i32
    %dma_start3A_21 = arith.constant 0 : i32
    %dma_start3A_22 = tpu.memref_slice %arg3[%add3A, %dma_start3A_12, %dma_start3A_20, %dma_start3A_21] : memref<32x5x25x80xi32, #tpu.memory_space<hbm>> -> memref<1x1x25x80xi32, #tpu.memory_space<hbm>>
    %dma_start3A_23 = tpu.memref_squeeze %dma_start3A_22 : memref<1x1x25x80xi32, #tpu.memory_space<hbm>> -> memref<25x80xi32, #tpu.memory_space<hbm>>
    tpu.enqueue_dma source(%dma_start3A_23 : memref<25x80xi32, #tpu.memory_space<hbm>>) target(%arg9 : memref<25x80xi32, #tpu.memory_space<vmem>>) target_semaphore(%dma_start3A_19 : memref<!tpu.dma_semaphore, #tpu.memory_space<semaphore_mem>>)
    %dma_start3A_24 = arith.constant 1 : i32
    %dma_start3A_25 = arith.constant 1 : i32
    %dma_start3A_26 = arith.constant 0 : i32
    %dma_start3A_27 = arith.constant 0 : i32
    %dma_start3A_28 = tpu.memref_slice %arg2[%add3A, %dma_start3A_24, %dma_start3A_26, %dma_start3A_27] : memref<32x5x25x80xi32, #tpu.memory_space<hbm>> -> memref<1x1x25x80xi32, #tpu.memory_space<hbm>>
    %dma_start3A_29 = tpu.memref_squeeze %dma_start3A_28 : memref<1x1x25x80xi32, #tpu.memory_space<hbm>> -> memref<25x80xi32, #tpu.memory_space<hbm>>
    %dma_start3A_30 = tpu.memref_slice %arg14[%dma_start3A_25] : memref<2x!tpu.dma_semaphore, #tpu.memory_space<semaphore_mem>> -> memref<1x!tpu.dma_semaphore, #tpu.memory_space<semaphore_mem>>
    %dma_start3A_31 = tpu.memref_squeeze %dma_start3A_30 : memref<1x!tpu.dma_semaphore, #tpu.memory_space<semaphore_mem>> -> memref<!tpu.dma_semaphore, #tpu.memory_space<semaphore_mem>>
    %dma_start3A_32 = arith.constant 0 : i32
    %dma_start3A_33 = arith.constant 0 : i32
    %dma_start3A_34 = tpu.memref_slice %arg2[%add3A, %dma_start3A_24, %dma_start3A_32, %dma_start3A_33] : memref<32x5x25x80xi32, #tpu.memory_space<hbm>> -> memref<1x1x25x80xi32, #tpu.memory_space<hbm>>
    %dma_start3A_35 = tpu.memref_squeeze %dma_start3A_34 : memref<1x1x25x80xi32, #tpu.memory_space<hbm>> -> memref<25x80xi32, #tpu.memory_space<hbm>>
    tpu.enqueue_dma source(%dma_start3A_35 : memref<25x80xi32, #tpu.memory_space<hbm>>) target(%arg8 : memref<25x80xi32, #tpu.memory_space<vmem>>) target_semaphore(%dma_start3A_31 : memref<!tpu.dma_semaphore, #tpu.memory_space<semaphore_mem>>)
    %dma_start3A_36 = arith.constant 1 : i32
    %dma_start3A_37 = arith.constant 1 : i32
    %dma_start3A_38 = arith.constant 0 : i32
    %dma_start3A_39 = arith.constant 0 : i32
    %dma_start3A_40 = tpu.memref_slice %arg3[%add3A, %dma_start3A_36, %dma_start3A_38, %dma_start3A_39] : memref<32x5x25x80xi32, #tpu.memory_space<hbm>> -> memref<1x1x25x80xi32, #tpu.memory_space<hbm>>
    %dma_start3A_41 = tpu.memref_squeeze %dma_start3A_40 : memref<1x1x25x80xi32, #tpu.memory_space<hbm>> -> memref<25x80xi32, #tpu.memory_space<hbm>>
    %dma_start3A_42 = tpu.memref_slice %arg14[%dma_start3A_37] : memref<2x!tpu.dma_semaphore, #tpu.memory_space<semaphore_mem>> -> memref<1x!tpu.dma_semaphore, #tpu.memory_space<semaphore_mem>>
    %dma_start3A_43 = tpu.memref_squeeze %dma_start3A_42 : memref<1x!tpu.dma_semaphore, #tpu.memory_space<semaphore_mem>> -> memref<!tpu.dma_semaphore, #tpu.memory_space<semaphore_mem>>
    %dma_start3A_44 = arith.constant 0 : i32
    %dma_start3A_45 = arith.constant 0 : i32
    %dma_start3A_46 = tpu.memref_slice %arg3[%add3A, %dma_start3A_36, %dma_start3A_44, %dma_start3A_45] : memref<32x5x25x80xi32, #tpu.memory_space<hbm>> -> memref<1x1x25x80xi32, #tpu.memory_space<hbm>>
    %dma_start3A_47 = tpu.memref_squeeze %dma_start3A_46 : memref<1x1x25x80xi32, #tpu.memory_space<hbm>> -> memref<25x80xi32, #tpu.memory_space<hbm>>
    tpu.enqueue_dma source(%dma_start3A_47 : memref<25x80xi32, #tpu.memory_space<hbm>>) target(%arg10 : memref<25x80xi32, #tpu.memory_space<vmem>>) target_semaphore(%dma_start3A_43 : memref<!tpu.dma_semaphore, #tpu.memory_space<semaphore_mem>>)
    %mul3A_48 = arith.constant 640 : i32
    %mul3A_49 = arith.muli %arg1, %mul3A_48 : i32
    %mul3A_50 = arith.constant 640 : i32
    %mul3A_51 = arith.muli %arg1, %mul3A_50 : i32
    "tpu.region"() ({
      %run_scoped3A = tpu.sem_alloc : memref<!tpu.dma_semaphore, #tpu.memory_space<semaphore_mem>>
      %dma_start3A_352 = arith.constant 0 : i32
      %dma_start3A_353 = tpu.memref_slice %arg12[%mul3A_51, %dma_start3A_352] : memref<10240x128xf32, #tpu.memory_space<vmem_shared>> -> memref<640x128xf32, #tpu.memory_space<vmem_shared>>
      %dma_start3A_354 = arith.constant 0 : i32
      %dma_start3A_355 = tpu.memref_slice %arg5[%mul3A_49, %dma_start3A_354] : memref<10240x128xf32, #tpu.memory_space<hbm>> -> memref<640x128xf32, #tpu.memory_space<hbm>>
      tpu.enqueue_dma source(%dma_start3A_355 : memref<640x128xf32, #tpu.memory_space<hbm>>) target(%dma_start3A_353 : memref<640x128xf32, #tpu.memory_space<vmem_shared>>) target_semaphore(%run_scoped3A : memref<!tpu.dma_semaphore, #tpu.memory_space<semaphore_mem>>)
      %dma_wait3A_356 = arith.constant 0 : i32
      %dma_wait3A_357 = tpu.memref_slice %arg12[%mul3A_51, %dma_wait3A_356] : memref<10240x128xf32, #tpu.memory_space<vmem_shared>> -> memref<640x128xf32, #tpu.memory_space<vmem_shared>>
      %dma_wait3A_358 = arith.constant 0 : i32
      %dma_wait3A_359 = tpu.memref_slice %arg5[%mul3A_49, %dma_wait3A_358] : memref<10240x128xf32, #tpu.memory_space<hbm>> -> memref<640x128xf32, #tpu.memory_space<hbm>>
      tpu.wait_dma2 semaphore(%run_scoped3A : memref<!tpu.dma_semaphore, #tpu.memory_space<semaphore_mem>>) src(%dma_wait3A_359 : memref<640x128xf32, #tpu.memory_space<hbm>>) dst(%dma_wait3A_357 : memref<640x128xf32, #tpu.memory_space<vmem_shared>>)
      tpu.yield
    }) : () -> ()
    %barrier3A = arith.constant 0 : index
    tpu.barrier barrier_id(%barrier3A)
    %dma_wait3A = arith.constant 0 : i32
    %dma_wait3A_52 = arith.constant 0 : i32
    %dma_wait3A_53 = arith.constant 0 : i32
    %dma_wait3A_54 = arith.constant 0 : i32
    %dma_wait3A_55 = tpu.memref_slice %arg2[%add3A, %dma_wait3A, %dma_wait3A_53, %dma_wait3A_54] : memref<32x5x25x80xi32, #tpu.memory_space<hbm>> -> memref<1x1x25x80xi32, #tpu.memory_space<hbm>>
    %dma_wait3A_56 = tpu.memref_squeeze %dma_wait3A_55 : memref<1x1x25x80xi32, #tpu.memory_space<hbm>> -> memref<25x80xi32, #tpu.memory_space<hbm>>
    %dma_wait3A_57 = tpu.memref_slice %arg14[%dma_wait3A_52] : memref<2x!tpu.dma_semaphore, #tpu.memory_space<semaphore_mem>> -> memref<1x!tpu.dma_semaphore, #tpu.memory_space<semaphore_mem>>
    %dma_wait3A_58 = tpu.memref_squeeze %dma_wait3A_57 : memref<1x!tpu.dma_semaphore, #tpu.memory_space<semaphore_mem>> -> memref<!tpu.dma_semaphore, #tpu.memory_space<semaphore_mem>>
    %dma_wait3A_59 = arith.constant 0 : i32
    %dma_wait3A_60 = arith.constant 0 : i32
    %dma_wait3A_61 = tpu.memref_slice %arg2[%add3A, %dma_wait3A, %dma_wait3A_59, %dma_wait3A_60] : memref<32x5x25x80xi32, #tpu.memory_space<hbm>> -> memref<1x1x25x80xi32, #tpu.memory_space<hbm>>
    %dma_wait3A_62 = tpu.memref_squeeze %dma_wait3A_61 : memref<1x1x25x80xi32, #tpu.memory_space<hbm>> -> memref<25x80xi32, #tpu.memory_space<hbm>>
    tpu.wait_dma2 semaphore(%dma_wait3A_58 : memref<!tpu.dma_semaphore, #tpu.memory_space<semaphore_mem>>) src(%dma_wait3A_62 : memref<25x80xi32, #tpu.memory_space<hbm>>) dst(%arg7 : memref<25x80xi32, #tpu.memory_space<vmem>>)
    %dma_wait3A_63 = arith.constant 0 : i32
    %dma_wait3A_64 = arith.constant 0 : i32
    %dma_wait3A_65 = arith.constant 0 : i32
    %dma_wait3A_66 = arith.constant 0 : i32
    %dma_wait3A_67 = tpu.memref_slice %arg3[%add3A, %dma_wait3A_63, %dma_wait3A_65, %dma_wait3A_66] : memref<32x5x25x80xi32, #tpu.memory_space<hbm>> -> memref<1x1x25x80xi32, #tpu.memory_space<hbm>>
    %dma_wait3A_68 = tpu.memref_squeeze %dma_wait3A_67 : memref<1x1x25x80xi32, #tpu.memory_space<hbm>> -> memref<25x80xi32, #tpu.memory_space<hbm>>
    %dma_wait3A_69 = tpu.memref_slice %arg14[%dma_wait3A_64] : memref<2x!tpu.dma_semaphore, #tpu.memory_space<semaphore_mem>> -> memref<1x!tpu.dma_semaphore, #tpu.memory_space<semaphore_mem>>
    %dma_wait3A_70 = tpu.memref_squeeze %dma_wait3A_69 : memref<1x!tpu.dma_semaphore, #tpu.memory_space<semaphore_mem>> -> memref<!tpu.dma_semaphore, #tpu.memory_space<semaphore_mem>>
    %dma_wait3A_71 = arith.constant 0 : i32
    %dma_wait3A_72 = arith.constant 0 : i32
    %dma_wait3A_73 = tpu.memref_slice %arg3[%add3A, %dma_wait3A_63, %dma_wait3A_71, %dma_wait3A_72] : memref<32x5x25x80xi32, #tpu.memory_space<hbm>> -> memref<1x1x25x80xi32, #tpu.memory_space<hbm>>
    %dma_wait3A_74 = tpu.memref_squeeze %dma_wait3A_73 : memref<1x1x25x80xi32, #tpu.memory_space<hbm>> -> memref<25x80xi32, #tpu.memory_space<hbm>>
    tpu.wait_dma2 semaphore(%dma_wait3A_70 : memref<!tpu.dma_semaphore, #tpu.memory_space<semaphore_mem>>) src(%dma_wait3A_74 : memref<25x80xi32, #tpu.memory_space<hbm>>) dst(%arg9 : memref<25x80xi32, #tpu.memory_space<vmem>>)
    %dma_start3A_75 = arith.constant 0 : i32
    %dma_start3A_76 = arith.constant 0 : i32
    %dma_start3A_77 = arith.constant 0 : i32
    %dma_start3A_78 = arith.constant 0 : i32
    %dma_start3A_79 = arith.constant 0 : i32
    %dma_start3A_80 = tpu.memref_slice %arg11[%dma_start3A_76, %dma_start3A_78, %dma_start3A_79] : memref<2x80x128xf32, #tpu.memory_space<vmem>> -> memref<1x80x128xf32, #tpu.memory_space<vmem>>
    %dma_start3A_81 = tpu.memref_squeeze %dma_start3A_80 : memref<1x80x128xf32, #tpu.memory_space<vmem>> -> memref<80x128xf32, #tpu.memory_space<vmem>>
    %dma_start3A_82 = arith.constant 0 : i32
    %dma_start3A_83 = tpu.memref_slice %arg7[%dma_start3A_75, %dma_start3A_82] : memref<25x80xi32, #tpu.memory_space<vmem>> -> memref<1x80xi32, #tpu.memory_space<vmem>>
    %dma_start3A_84 = tpu.memref_squeeze %dma_start3A_83 : memref<1x80xi32, #tpu.memory_space<vmem>> -> memref<80xi32, #tpu.memory_space<vmem>>
    %dma_start3A_85 = arith.constant 0 : i32
    %dma_start3A_86 = arith.constant 0 : i32
    %dma_start3A_87 = tpu.memref_slice %arg4[%dma_start3A_85, %dma_start3A_86] : memref<10000x128xf32, #tpu.memory_space<hbm>> -> memref<10000x128xf32, #tpu.memory_space<hbm>>
    %dma_start3A_88 = tpu.memref_slice %arg13[%dma_start3A_77] : memref<2x!tpu.dma_semaphore, #tpu.memory_space<semaphore_mem>> -> memref<1x!tpu.dma_semaphore, #tpu.memory_space<semaphore_mem>>
    %dma_start3A_89 = tpu.memref_squeeze %dma_start3A_88 : memref<1x!tpu.dma_semaphore, #tpu.memory_space<semaphore_mem>> -> memref<!tpu.dma_semaphore, #tpu.memory_space<semaphore_mem>>
    tpu.enqueue_indirect_dma source(%dma_start3A_87 : memref<10000x128xf32, #tpu.memory_space<hbm>>) target(%dma_start3A_81 : memref<80x128xf32, #tpu.memory_space<vmem>>) offsets(%dma_start3A_84 : memref<80xi32, #tpu.memory_space<vmem>>) semaphore(%dma_start3A_89 : memref<!tpu.dma_semaphore, #tpu.memory_space<semaphore_mem>>)
    %scan3A = arith.constant 0 : i32
    %scan3A_90 = arith.constant 0 : i32
    %scan3A_91 = arith.constant 25 : i32
    %scan3A_92 = arith.addi %scan3A_90, %scan3A_91 : i32
    %scan3A_93 = arith.constant 1 : i32
    scf.for %scan3A_352 = %scan3A_90 to %scan3A_92 step %scan3A_93  : i32 {
      %rem3A = arith.constant 2 : i32
      %rem3A_353 = arith.remsi %scan3A_352, %rem3A : i32
      %add3A_354 = arith.constant 1 : i32
      %add3A_355 = arith.addi %scan3A_352, %add3A_354 : i32
      %rem3A_356 = arith.constant 2 : i32
      %rem3A_357 = arith.remsi %add3A_355, %rem3A_356 : i32
      %lt3A = arith.constant 24 : i32
      %lt3A_358 = arith.cmpi slt, %scan3A_352, %lt3A : i32
      %convert_element_type3A = arith.extui %lt3A_358 : i1 to i32
      %cond3A = arith.constant 0 : i32
      %cond3A_359 = arith.cmpi ne, %convert_element_type3A, %cond3A : i32
      scf.if %cond3A_359 {
        %add3A_372 = arith.constant 1 : i32
        %add3A_373 = arith.addi %scan3A_352, %add3A_372 : i32
        %dma_start3A_374 = arith.constant 0 : i32
        %dma_start3A_375 = arith.constant 0 : i32
        %dma_start3A_376 = tpu.memref_slice %arg11[%rem3A_357, %dma_start3A_374, %dma_start3A_375] : memref<2x80x128xf32, #tpu.memory_space<vmem>> -> memref<1x80x128xf32, #tpu.memory_space<vmem>>
        %dma_start3A_377 = tpu.memref_squeeze %dma_start3A_376 : memref<1x80x128xf32, #tpu.memory_space<vmem>> -> memref<80x128xf32, #tpu.memory_space<vmem>>
        %dma_start3A_378 = arith.constant 0 : i32
        %dma_start3A_379 = tpu.memref_slice %arg7[%add3A_373, %dma_start3A_378] : memref<25x80xi32, #tpu.memory_space<vmem>> -> memref<1x80xi32, #tpu.memory_space<vmem>>
        %dma_start3A_380 = tpu.memref_squeeze %dma_start3A_379 : memref<1x80xi32, #tpu.memory_space<vmem>> -> memref<80xi32, #tpu.memory_space<vmem>>
        %dma_start3A_381 = arith.constant 0 : i32
        %dma_start3A_382 = arith.constant 0 : i32
        %dma_start3A_383 = tpu.memref_slice %arg4[%dma_start3A_381, %dma_start3A_382] : memref<10000x128xf32, #tpu.memory_space<hbm>> -> memref<10000x128xf32, #tpu.memory_space<hbm>>
        %dma_start3A_384 = tpu.memref_slice %arg13[%rem3A_357] : memref<2x!tpu.dma_semaphore, #tpu.memory_space<semaphore_mem>> -> memref<1x!tpu.dma_semaphore, #tpu.memory_space<semaphore_mem>>
        %dma_start3A_385 = tpu.memref_squeeze %dma_start3A_384 : memref<1x!tpu.dma_semaphore, #tpu.memory_space<semaphore_mem>> -> memref<!tpu.dma_semaphore, #tpu.memory_space<semaphore_mem>>
        tpu.enqueue_indirect_dma source(%dma_start3A_383 : memref<10000x128xf32, #tpu.memory_space<hbm>>) target(%dma_start3A_377 : memref<80x128xf32, #tpu.memory_space<vmem>>) offsets(%dma_start3A_380 : memref<80xi32, #tpu.memory_space<vmem>>) semaphore(%dma_start3A_385 : memref<!tpu.dma_semaphore, #tpu.memory_space<semaphore_mem>>)
      } else {
      }
      %dma_wait3A_360 = arith.constant 0 : i32
      %dma_wait3A_361 = arith.constant 0 : i32
      %dma_wait3A_362 = tpu.memref_slice %arg11[%rem3A_353, %dma_wait3A_360, %dma_wait3A_361] : memref<2x80x128xf32, #tpu.memory_space<vmem>> -> memref<1x80x128xf32, #tpu.memory_space<vmem>>
      %dma_wait3A_363 = tpu.memref_squeeze %dma_wait3A_362 : memref<1x80x128xf32, #tpu.memory_space<vmem>> -> memref<80x128xf32, #tpu.memory_space<vmem>>
      %dma_wait3A_364 = arith.constant 0 : i32
      %dma_wait3A_365 = tpu.memref_slice %arg7[%scan3A_352, %dma_wait3A_364] : memref<25x80xi32, #tpu.memory_space<vmem>> -> memref<1x80xi32, #tpu.memory_space<vmem>>
      %dma_wait3A_366 = tpu.memref_squeeze %dma_wait3A_365 : memref<1x80xi32, #tpu.memory_space<vmem>> -> memref<80xi32, #tpu.memory_space<vmem>>
      %dma_wait3A_367 = arith.constant 0 : i32
      %dma_wait3A_368 = arith.constant 0 : i32
      %dma_wait3A_369 = tpu.memref_slice %arg4[%dma_wait3A_367, %dma_wait3A_368] : memref<10000x128xf32, #tpu.memory_space<hbm>> -> memref<10000x128xf32, #tpu.memory_space<hbm>>
      %dma_wait3A_370 = tpu.memref_slice %arg13[%rem3A_353] : memref<2x!tpu.dma_semaphore, #tpu.memory_space<semaphore_mem>> -> memref<1x!tpu.dma_semaphore, #tpu.memory_space<semaphore_mem>>
      %dma_wait3A_371 = tpu.memref_squeeze %dma_wait3A_370 : memref<1x!tpu.dma_semaphore, #tpu.memory_space<semaphore_mem>> -> memref<!tpu.dma_semaphore, #tpu.memory_space<semaphore_mem>>
      tpu.wait_indirect_dma semaphore(%dma_wait3A_371 : memref<!tpu.dma_semaphore, #tpu.memory_space<semaphore_mem>>) src(%dma_wait3A_369 : memref<10000x128xf32, #tpu.memory_space<hbm>>) dst(%dma_wait3A_363 : memref<80x128xf32, #tpu.memory_space<vmem>>)
      "tpu.region"() ({
        %run_scoped3A = tpu.sem_alloc : memref<!tpu.dma_semaphore, #tpu.memory_space<semaphore_mem>>
        %dma_start3A_372 = arith.constant 0 : i32
        %dma_start3A_373 = arith.constant 0 : i32
        %dma_start3A_374 = tpu.memref_slice %arg11[%rem3A_353, %dma_start3A_372, %dma_start3A_373] : memref<2x80x128xf32, #tpu.memory_space<vmem>> -> memref<1x80x128xf32, #tpu.memory_space<vmem>>
        %dma_start3A_375 = tpu.memref_squeeze %dma_start3A_374 : memref<1x80x128xf32, #tpu.memory_space<vmem>> -> memref<80x128xf32, #tpu.memory_space<vmem>>
        %dma_start3A_376 = arith.constant 0 : i32
        %dma_start3A_377 = tpu.memref_slice %arg9[%scan3A_352, %dma_start3A_376] : memref<25x80xi32, #tpu.memory_space<vmem>> -> memref<1x80xi32, #tpu.memory_space<vmem>>
        %dma_start3A_378 = tpu.memref_squeeze %dma_start3A_377 : memref<1x80xi32, #tpu.memory_space<vmem>> -> memref<80xi32, #tpu.memory_space<vmem>>
        %dma_start3A_379 = arith.constant 0 : i32
        %dma_start3A_380 = arith.constant 0 : i32
        %dma_start3A_381 = tpu.memref_slice %arg12[%dma_start3A_379, %dma_start3A_380] : memref<10240x128xf32, #tpu.memory_space<vmem_shared>> -> memref<10240x128xf32, #tpu.memory_space<vmem_shared>>
        tpu.enqueue_indirect_dma source(%dma_start3A_375 : memref<80x128xf32, #tpu.memory_space<vmem>>) target(%dma_start3A_381 : memref<10240x128xf32, #tpu.memory_space<vmem_shared>>) offsets(%dma_start3A_378 : memref<80xi32, #tpu.memory_space<vmem>>) semaphore(%run_scoped3A : memref<!tpu.dma_semaphore, #tpu.memory_space<semaphore_mem>>) {add = true}
        %dma_wait3A_382 = arith.constant 0 : i32
        %dma_wait3A_383 = arith.constant 0 : i32
        %dma_wait3A_384 = tpu.memref_slice %arg11[%rem3A_353, %dma_wait3A_382, %dma_wait3A_383] : memref<2x80x128xf32, #tpu.memory_space<vmem>> -> memref<1x80x128xf32, #tpu.memory_space<vmem>>
        %dma_wait3A_385 = tpu.memref_squeeze %dma_wait3A_384 : memref<1x80x128xf32, #tpu.memory_space<vmem>> -> memref<80x128xf32, #tpu.memory_space<vmem>>
        %dma_wait3A_386 = arith.constant 0 : i32
        %dma_wait3A_387 = tpu.memref_slice %arg9[%scan3A_352, %dma_wait3A_386] : memref<25x80xi32, #tpu.memory_space<vmem>> -> memref<1x80xi32, #tpu.memory_space<vmem>>
        %dma_wait3A_388 = tpu.memref_squeeze %dma_wait3A_387 : memref<1x80xi32, #tpu.memory_space<vmem>> -> memref<80xi32, #tpu.memory_space<vmem>>
        %dma_wait3A_389 = arith.constant 0 : i32
        %dma_wait3A_390 = arith.constant 0 : i32
        %dma_wait3A_391 = tpu.memref_slice %arg12[%dma_wait3A_389, %dma_wait3A_390] : memref<10240x128xf32, #tpu.memory_space<vmem_shared>> -> memref<10240x128xf32, #tpu.memory_space<vmem_shared>>
        tpu.wait_indirect_dma semaphore(%run_scoped3A : memref<!tpu.dma_semaphore, #tpu.memory_space<semaphore_mem>>) src(%dma_wait3A_385 : memref<80x128xf32, #tpu.memory_space<vmem>>) dst(%dma_wait3A_391 : memref<10240x128xf32, #tpu.memory_space<vmem_shared>>)
        tpu.yield
      }) : () -> ()
    }
    %scan3A_94 = arith.constant 25 : i32
    %dma_start3A_95 = arith.constant 2 : i32
    %dma_start3A_96 = arith.constant 0 : i32
    %dma_start3A_97 = arith.constant 0 : i32
    %dma_start3A_98 = arith.constant 0 : i32
    %dma_start3A_99 = tpu.memref_slice %arg2[%add3A, %dma_start3A_95, %dma_start3A_97, %dma_start3A_98] : memref<32x5x25x80xi32, #tpu.memory_space<hbm>> -> memref<1x1x25x80xi32, #tpu.memory_space<hbm>>
    %dma_start3A_100 = tpu.memref_squeeze %dma_start3A_99 : memref<1x1x25x80xi32, #tpu.memory_space<hbm>> -> memref<25x80xi32, #tpu.memory_space<hbm>>
    %dma_start3A_101 = tpu.memref_slice %arg14[%dma_start3A_96] : memref<2x!tpu.dma_semaphore, #tpu.memory_space<semaphore_mem>> -> memref<1x!tpu.dma_semaphore, #tpu.memory_space<semaphore_mem>>
    %dma_start3A_102 = tpu.memref_squeeze %dma_start3A_101 : memref<1x!tpu.dma_semaphore, #tpu.memory_space<semaphore_mem>> -> memref<!tpu.dma_semaphore, #tpu.memory_space<semaphore_mem>>
    %dma_start3A_103 = arith.constant 0 : i32
    %dma_start3A_104 = arith.constant 0 : i32
    %dma_start3A_105 = tpu.memref_slice %arg2[%add3A, %dma_start3A_95, %dma_start3A_103, %dma_start3A_104] : memref<32x5x25x80xi32, #tpu.memory_space<hbm>> -> memref<1x1x25x80xi32, #tpu.memory_space<hbm>>
    %dma_start3A_106 = tpu.memref_squeeze %dma_start3A_105 : memref<1x1x25x80xi32, #tpu.memory_space<hbm>> -> memref<25x80xi32, #tpu.memory_space<hbm>>
    tpu.enqueue_dma source(%dma_start3A_106 : memref<25x80xi32, #tpu.memory_space<hbm>>) target(%arg7 : memref<25x80xi32, #tpu.memory_space<vmem>>) target_semaphore(%dma_start3A_102 : memref<!tpu.dma_semaphore, #tpu.memory_space<semaphore_mem>>)
    %dma_start3A_107 = arith.constant 2 : i32
    %dma_start3A_108 = arith.constant 0 : i32
    %dma_start3A_109 = arith.constant 0 : i32
    %dma_start3A_110 = arith.constant 0 : i32
    %dma_start3A_111 = tpu.memref_slice %arg3[%add3A, %dma_start3A_107, %dma_start3A_109, %dma_start3A_110] : memref<32x5x25x80xi32, #tpu.memory_space<hbm>> -> memref<1x1x25x80xi32, #tpu.memory_space<hbm>>
    %dma_start3A_112 = tpu.memref_squeeze %dma_start3A_111 : memref<1x1x25x80xi32, #tpu.memory_space<hbm>> -> memref<25x80xi32, #tpu.memory_space<hbm>>
    %dma_start3A_113 = tpu.memref_slice %arg14[%dma_start3A_108] : memref<2x!tpu.dma_semaphore, #tpu.memory_space<semaphore_mem>> -> memref<1x!tpu.dma_semaphore, #tpu.memory_space<semaphore_mem>>
    %dma_start3A_114 = tpu.memref_squeeze %dma_start3A_113 : memref<1x!tpu.dma_semaphore, #tpu.memory_space<semaphore_mem>> -> memref<!tpu.dma_semaphore, #tpu.memory_space<semaphore_mem>>
    %dma_start3A_115 = arith.constant 0 : i32
    %dma_start3A_116 = arith.constant 0 : i32
    %dma_start3A_117 = tpu.memref_slice %arg3[%add3A, %dma_start3A_107, %dma_start3A_115, %dma_start3A_116] : memref<32x5x25x80xi32, #tpu.memory_space<hbm>> -> memref<1x1x25x80xi32, #tpu.memory_space<hbm>>
    %dma_start3A_118 = tpu.memref_squeeze %dma_start3A_117 : memref<1x1x25x80xi32, #tpu.memory_space<hbm>> -> memref<25x80xi32, #tpu.memory_space<hbm>>
    tpu.enqueue_dma source(%dma_start3A_118 : memref<25x80xi32, #tpu.memory_space<hbm>>) target(%arg9 : memref<25x80xi32, #tpu.memory_space<vmem>>) target_semaphore(%dma_start3A_114 : memref<!tpu.dma_semaphore, #tpu.memory_space<semaphore_mem>>)
    %dma_wait3A_119 = arith.constant 1 : i32
    %dma_wait3A_120 = arith.constant 1 : i32
    %dma_wait3A_121 = arith.constant 0 : i32
    %dma_wait3A_122 = arith.constant 0 : i32
    %dma_wait3A_123 = tpu.memref_slice %arg2[%add3A, %dma_wait3A_119, %dma_wait3A_121, %dma_wait3A_122] : memref<32x5x25x80xi32, #tpu.memory_space<hbm>> -> memref<1x1x25x80xi32, #tpu.memory_space<hbm>>
    %dma_wait3A_124 = tpu.memref_squeeze %dma_wait3A_123 : memref<1x1x25x80xi32, #tpu.memory_space<hbm>> -> memref<25x80xi32, #tpu.memory_space<hbm>>
    %dma_wait3A_125 = tpu.memref_slice %arg14[%dma_wait3A_120] : memref<2x!tpu.dma_semaphore, #tpu.memory_space<semaphore_mem>> -> memref<1x!tpu.dma_semaphore, #tpu.memory_space<semaphore_mem>>
    %dma_wait3A_126 = tpu.memref_squeeze %dma_wait3A_125 : memref<1x!tpu.dma_semaphore, #tpu.memory_space<semaphore_mem>> -> memref<!tpu.dma_semaphore, #tpu.memory_space<semaphore_mem>>
    %dma_wait3A_127 = arith.constant 0 : i32
    %dma_wait3A_128 = arith.constant 0 : i32
    %dma_wait3A_129 = tpu.memref_slice %arg2[%add3A, %dma_wait3A_119, %dma_wait3A_127, %dma_wait3A_128] : memref<32x5x25x80xi32, #tpu.memory_space<hbm>> -> memref<1x1x25x80xi32, #tpu.memory_space<hbm>>
    %dma_wait3A_130 = tpu.memref_squeeze %dma_wait3A_129 : memref<1x1x25x80xi32, #tpu.memory_space<hbm>> -> memref<25x80xi32, #tpu.memory_space<hbm>>
    tpu.wait_dma2 semaphore(%dma_wait3A_126 : memref<!tpu.dma_semaphore, #tpu.memory_space<semaphore_mem>>) src(%dma_wait3A_130 : memref<25x80xi32, #tpu.memory_space<hbm>>) dst(%arg8 : memref<25x80xi32, #tpu.memory_space<vmem>>)
    %dma_wait3A_131 = arith.constant 1 : i32
    %dma_wait3A_132 = arith.constant 1 : i32
    %dma_wait3A_133 = arith.constant 0 : i32
    %dma_wait3A_134 = arith.constant 0 : i32
    %dma_wait3A_135 = tpu.memref_slice %arg3[%add3A, %dma_wait3A_131, %dma_wait3A_133, %dma_wait3A_134] : memref<32x5x25x80xi32, #tpu.memory_space<hbm>> -> memref<1x1x25x80xi32, #tpu.memory_space<hbm>>
    %dma_wait3A_136 = tpu.memref_squeeze %dma_wait3A_135 : memref<1x1x25x80xi32, #tpu.memory_space<hbm>> -> memref<25x80xi32, #tpu.memory_space<hbm>>
    %dma_wait3A_137 = tpu.memref_slice %arg14[%dma_wait3A_132] : memref<2x!tpu.dma_semaphore, #tpu.memory_space<semaphore_mem>> -> memref<1x!tpu.dma_semaphore, #tpu.memory_space<semaphore_mem>>
    %dma_wait3A_138 = tpu.memref_squeeze %dma_wait3A_137 : memref<1x!tpu.dma_semaphore, #tpu.memory_space<semaphore_mem>> -> memref<!tpu.dma_semaphore, #tpu.memory_space<semaphore_mem>>
    %dma_wait3A_139 = arith.constant 0 : i32
    %dma_wait3A_140 = arith.constant 0 : i32
    %dma_wait3A_141 = tpu.memref_slice %arg3[%add3A, %dma_wait3A_131, %dma_wait3A_139, %dma_wait3A_140] : memref<32x5x25x80xi32, #tpu.memory_space<hbm>> -> memref<1x1x25x80xi32, #tpu.memory_space<hbm>>
    %dma_wait3A_142 = tpu.memref_squeeze %dma_wait3A_141 : memref<1x1x25x80xi32, #tpu.memory_space<hbm>> -> memref<25x80xi32, #tpu.memory_space<hbm>>
    tpu.wait_dma2 semaphore(%dma_wait3A_138 : memref<!tpu.dma_semaphore, #tpu.memory_space<semaphore_mem>>) src(%dma_wait3A_142 : memref<25x80xi32, #tpu.memory_space<hbm>>) dst(%arg10 : memref<25x80xi32, #tpu.memory_space<vmem>>)
    %dma_start3A_143 = arith.constant 0 : i32
    %dma_start3A_144 = arith.constant 0 : i32
    %dma_start3A_145 = arith.constant 0 : i32
    %dma_start3A_146 = arith.constant 0 : i32
    %dma_start3A_147 = arith.constant 0 : i32
    %dma_start3A_148 = tpu.memref_slice %arg11[%dma_start3A_144, %dma_start3A_146, %dma_start3A_147] : memref<2x80x128xf32, #tpu.memory_space<vmem>> -> memref<1x80x128xf32, #tpu.memory_space<vmem>>
    %dma_start3A_149 = tpu.memref_squeeze %dma_start3A_148 : memref<1x80x128xf32, #tpu.memory_space<vmem>> -> memref<80x128xf32, #tpu.memory_space<vmem>>
    %dma_start3A_150 = arith.constant 0 : i32
    %dma_start3A_151 = tpu.memref_slice %arg8[%dma_start3A_143, %dma_start3A_150] : memref<25x80xi32, #tpu.memory_space<vmem>> -> memref<1x80xi32, #tpu.memory_space<vmem>>
    %dma_start3A_152 = tpu.memref_squeeze %dma_start3A_151 : memref<1x80xi32, #tpu.memory_space<vmem>> -> memref<80xi32, #tpu.memory_space<vmem>>
    %dma_start3A_153 = arith.constant 0 : i32
    %dma_start3A_154 = arith.constant 0 : i32
    %dma_start3A_155 = tpu.memref_slice %arg4[%dma_start3A_153, %dma_start3A_154] : memref<10000x128xf32, #tpu.memory_space<hbm>> -> memref<10000x128xf32, #tpu.memory_space<hbm>>
    %dma_start3A_156 = tpu.memref_slice %arg13[%dma_start3A_145] : memref<2x!tpu.dma_semaphore, #tpu.memory_space<semaphore_mem>> -> memref<1x!tpu.dma_semaphore, #tpu.memory_space<semaphore_mem>>
    %dma_start3A_157 = tpu.memref_squeeze %dma_start3A_156 : memref<1x!tpu.dma_semaphore, #tpu.memory_space<semaphore_mem>> -> memref<!tpu.dma_semaphore, #tpu.memory_space<semaphore_mem>>
    tpu.enqueue_indirect_dma source(%dma_start3A_155 : memref<10000x128xf32, #tpu.memory_space<hbm>>) target(%dma_start3A_149 : memref<80x128xf32, #tpu.memory_space<vmem>>) offsets(%dma_start3A_152 : memref<80xi32, #tpu.memory_space<vmem>>) semaphore(%dma_start3A_157 : memref<!tpu.dma_semaphore, #tpu.memory_space<semaphore_mem>>)
    %scan3A_158 = arith.constant 0 : i32
    %scan3A_159 = arith.constant 0 : i32
    %scan3A_160 = arith.constant 25 : i32
    %scan3A_161 = arith.addi %scan3A_159, %scan3A_160 : i32
    %scan3A_162 = arith.constant 1 : i32
    scf.for %scan3A_352 = %scan3A_159 to %scan3A_161 step %scan3A_162  : i32 {
      %rem3A = arith.constant 2 : i32
      %rem3A_353 = arith.remsi %scan3A_352, %rem3A : i32
      %add3A_354 = arith.constant 1 : i32
      %add3A_355 = arith.addi %scan3A_352, %add3A_354 : i32
      %rem3A_356 = arith.constant 2 : i32
      %rem3A_357 = arith.remsi %add3A_355, %rem3A_356 : i32
      %lt3A = arith.constant 24 : i32
      %lt3A_358 = arith.cmpi slt, %scan3A_352, %lt3A : i32
      %convert_element_type3A = arith.extui %lt3A_358 : i1 to i32
      %cond3A = arith.constant 0 : i32
      %cond3A_359 = arith.cmpi ne, %convert_element_type3A, %cond3A : i32
      scf.if %cond3A_359 {
        %add3A_372 = arith.constant 1 : i32
        %add3A_373 = arith.addi %scan3A_352, %add3A_372 : i32
        %dma_start3A_374 = arith.constant 0 : i32
        %dma_start3A_375 = arith.constant 0 : i32
        %dma_start3A_376 = tpu.memref_slice %arg11[%rem3A_357, %dma_start3A_374, %dma_start3A_375] : memref<2x80x128xf32, #tpu.memory_space<vmem>> -> memref<1x80x128xf32, #tpu.memory_space<vmem>>
        %dma_start3A_377 = tpu.memref_squeeze %dma_start3A_376 : memref<1x80x128xf32, #tpu.memory_space<vmem>> -> memref<80x128xf32, #tpu.memory_space<vmem>>
        %dma_start3A_378 = arith.constant 0 : i32
        %dma_start3A_379 = tpu.memref_slice %arg8[%add3A_373, %dma_start3A_378] : memref<25x80xi32, #tpu.memory_space<vmem>> -> memref<1x80xi32, #tpu.memory_space<vmem>>
        %dma_start3A_380 = tpu.memref_squeeze %dma_start3A_379 : memref<1x80xi32, #tpu.memory_space<vmem>> -> memref<80xi32, #tpu.memory_space<vmem>>
        %dma_start3A_381 = arith.constant 0 : i32
        %dma_start3A_382 = arith.constant 0 : i32
        %dma_start3A_383 = tpu.memref_slice %arg4[%dma_start3A_381, %dma_start3A_382] : memref<10000x128xf32, #tpu.memory_space<hbm>> -> memref<10000x128xf32, #tpu.memory_space<hbm>>
        %dma_start3A_384 = tpu.memref_slice %arg13[%rem3A_357] : memref<2x!tpu.dma_semaphore, #tpu.memory_space<semaphore_mem>> -> memref<1x!tpu.dma_semaphore, #tpu.memory_space<semaphore_mem>>
        %dma_start3A_385 = tpu.memref_squeeze %dma_start3A_384 : memref<1x!tpu.dma_semaphore, #tpu.memory_space<semaphore_mem>> -> memref<!tpu.dma_semaphore, #tpu.memory_space<semaphore_mem>>
        tpu.enqueue_indirect_dma source(%dma_start3A_383 : memref<10000x128xf32, #tpu.memory_space<hbm>>) target(%dma_start3A_377 : memref<80x128xf32, #tpu.memory_space<vmem>>) offsets(%dma_start3A_380 : memref<80xi32, #tpu.memory_space<vmem>>) semaphore(%dma_start3A_385 : memref<!tpu.dma_semaphore, #tpu.memory_space<semaphore_mem>>)
      } else {
      }
      %dma_wait3A_360 = arith.constant 0 : i32
      %dma_wait3A_361 = arith.constant 0 : i32
      %dma_wait3A_362 = tpu.memref_slice %arg11[%rem3A_353, %dma_wait3A_360, %dma_wait3A_361] : memref<2x80x128xf32, #tpu.memory_space<vmem>> -> memref<1x80x128xf32, #tpu.memory_space<vmem>>
      %dma_wait3A_363 = tpu.memref_squeeze %dma_wait3A_362 : memref<1x80x128xf32, #tpu.memory_space<vmem>> -> memref<80x128xf32, #tpu.memory_space<vmem>>
      %dma_wait3A_364 = arith.constant 0 : i32
      %dma_wait3A_365 = tpu.memref_slice %arg8[%scan3A_352, %dma_wait3A_364] : memref<25x80xi32, #tpu.memory_space<vmem>> -> memref<1x80xi32, #tpu.memory_space<vmem>>
      %dma_wait3A_366 = tpu.memref_squeeze %dma_wait3A_365 : memref<1x80xi32, #tpu.memory_space<vmem>> -> memref<80xi32, #tpu.memory_space<vmem>>
      %dma_wait3A_367 = arith.constant 0 : i32
      %dma_wait3A_368 = arith.constant 0 : i32
      %dma_wait3A_369 = tpu.memref_slice %arg4[%dma_wait3A_367, %dma_wait3A_368] : memref<10000x128xf32, #tpu.memory_space<hbm>> -> memref<10000x128xf32, #tpu.memory_space<hbm>>
      %dma_wait3A_370 = tpu.memref_slice %arg13[%rem3A_353] : memref<2x!tpu.dma_semaphore, #tpu.memory_space<semaphore_mem>> -> memref<1x!tpu.dma_semaphore, #tpu.memory_space<semaphore_mem>>
      %dma_wait3A_371 = tpu.memref_squeeze %dma_wait3A_370 : memref<1x!tpu.dma_semaphore, #tpu.memory_space<semaphore_mem>> -> memref<!tpu.dma_semaphore, #tpu.memory_space<semaphore_mem>>
      tpu.wait_indirect_dma semaphore(%dma_wait3A_371 : memref<!tpu.dma_semaphore, #tpu.memory_space<semaphore_mem>>) src(%dma_wait3A_369 : memref<10000x128xf32, #tpu.memory_space<hbm>>) dst(%dma_wait3A_363 : memref<80x128xf32, #tpu.memory_space<vmem>>)
      "tpu.region"() ({
        %run_scoped3A = tpu.sem_alloc : memref<!tpu.dma_semaphore, #tpu.memory_space<semaphore_mem>>
        %dma_start3A_372 = arith.constant 0 : i32
        %dma_start3A_373 = arith.constant 0 : i32
        %dma_start3A_374 = tpu.memref_slice %arg11[%rem3A_353, %dma_start3A_372, %dma_start3A_373] : memref<2x80x128xf32, #tpu.memory_space<vmem>> -> memref<1x80x128xf32, #tpu.memory_space<vmem>>
        %dma_start3A_375 = tpu.memref_squeeze %dma_start3A_374 : memref<1x80x128xf32, #tpu.memory_space<vmem>> -> memref<80x128xf32, #tpu.memory_space<vmem>>
        %dma_start3A_376 = arith.constant 0 : i32
        %dma_start3A_377 = tpu.memref_slice %arg10[%scan3A_352, %dma_start3A_376] : memref<25x80xi32, #tpu.memory_space<vmem>> -> memref<1x80xi32, #tpu.memory_space<vmem>>
        %dma_start3A_378 = tpu.memref_squeeze %dma_start3A_377 : memref<1x80xi32, #tpu.memory_space<vmem>> -> memref<80xi32, #tpu.memory_space<vmem>>
        %dma_start3A_379 = arith.constant 0 : i32
        %dma_start3A_380 = arith.constant 0 : i32
        %dma_start3A_381 = tpu.memref_slice %arg12[%dma_start3A_379, %dma_start3A_380] : memref<10240x128xf32, #tpu.memory_space<vmem_shared>> -> memref<10240x128xf32, #tpu.memory_space<vmem_shared>>
        tpu.enqueue_indirect_dma source(%dma_start3A_375 : memref<80x128xf32, #tpu.memory_space<vmem>>) target(%dma_start3A_381 : memref<10240x128xf32, #tpu.memory_space<vmem_shared>>) offsets(%dma_start3A_378 : memref<80xi32, #tpu.memory_space<vmem>>) semaphore(%run_scoped3A : memref<!tpu.dma_semaphore, #tpu.memory_space<semaphore_mem>>) {add = true}
        %dma_wait3A_382 = arith.constant 0 : i32
        %dma_wait3A_383 = arith.constant 0 : i32
        %dma_wait3A_384 = tpu.memref_slice %arg11[%rem3A_353, %dma_wait3A_382, %dma_wait3A_383] : memref<2x80x128xf32, #tpu.memory_space<vmem>> -> memref<1x80x128xf32, #tpu.memory_space<vmem>>
        %dma_wait3A_385 = tpu.memref_squeeze %dma_wait3A_384 : memref<1x80x128xf32, #tpu.memory_space<vmem>> -> memref<80x128xf32, #tpu.memory_space<vmem>>
        %dma_wait3A_386 = arith.constant 0 : i32
        %dma_wait3A_387 = tpu.memref_slice %arg10[%scan3A_352, %dma_wait3A_386] : memref<25x80xi32, #tpu.memory_space<vmem>> -> memref<1x80xi32, #tpu.memory_space<vmem>>
        %dma_wait3A_388 = tpu.memref_squeeze %dma_wait3A_387 : memref<1x80xi32, #tpu.memory_space<vmem>> -> memref<80xi32, #tpu.memory_space<vmem>>
        %dma_wait3A_389 = arith.constant 0 : i32
        %dma_wait3A_390 = arith.constant 0 : i32
        %dma_wait3A_391 = tpu.memref_slice %arg12[%dma_wait3A_389, %dma_wait3A_390] : memref<10240x128xf32, #tpu.memory_space<vmem_shared>> -> memref<10240x128xf32, #tpu.memory_space<vmem_shared>>
        tpu.wait_indirect_dma semaphore(%run_scoped3A : memref<!tpu.dma_semaphore, #tpu.memory_space<semaphore_mem>>) src(%dma_wait3A_385 : memref<80x128xf32, #tpu.memory_space<vmem>>) dst(%dma_wait3A_391 : memref<10240x128xf32, #tpu.memory_space<vmem_shared>>)
        tpu.yield
      }) : () -> ()
    }
    %scan3A_163 = arith.constant 25 : i32
    %dma_start3A_164 = arith.constant 3 : i32
    %dma_start3A_165 = arith.constant 1 : i32
    %dma_start3A_166 = arith.constant 0 : i32
    %dma_start3A_167 = arith.constant 0 : i32
    %dma_start3A_168 = tpu.memref_slice %arg2[%add3A, %dma_start3A_164, %dma_start3A_166, %dma_start3A_167] : memref<32x5x25x80xi32, #tpu.memory_space<hbm>> -> memref<1x1x25x80xi32, #tpu.memory_space<hbm>>
    %dma_start3A_169 = tpu.memref_squeeze %dma_start3A_168 : memref<1x1x25x80xi32, #tpu.memory_space<hbm>> -> memref<25x80xi32, #tpu.memory_space<hbm>>
    %dma_start3A_170 = tpu.memref_slice %arg14[%dma_start3A_165] : memref<2x!tpu.dma_semaphore, #tpu.memory_space<semaphore_mem>> -> memref<1x!tpu.dma_semaphore, #tpu.memory_space<semaphore_mem>>
    %dma_start3A_171 = tpu.memref_squeeze %dma_start3A_170 : memref<1x!tpu.dma_semaphore, #tpu.memory_space<semaphore_mem>> -> memref<!tpu.dma_semaphore, #tpu.memory_space<semaphore_mem>>
    %dma_start3A_172 = arith.constant 0 : i32
    %dma_start3A_173 = arith.constant 0 : i32
    %dma_start3A_174 = tpu.memref_slice %arg2[%add3A, %dma_start3A_164, %dma_start3A_172, %dma_start3A_173] : memref<32x5x25x80xi32, #tpu.memory_space<hbm>> -> memref<1x1x25x80xi32, #tpu.memory_space<hbm>>
    %dma_start3A_175 = tpu.memref_squeeze %dma_start3A_174 : memref<1x1x25x80xi32, #tpu.memory_space<hbm>> -> memref<25x80xi32, #tpu.memory_space<hbm>>
    tpu.enqueue_dma source(%dma_start3A_175 : memref<25x80xi32, #tpu.memory_space<hbm>>) target(%arg8 : memref<25x80xi32, #tpu.memory_space<vmem>>) target_semaphore(%dma_start3A_171 : memref<!tpu.dma_semaphore, #tpu.memory_space<semaphore_mem>>)
    %dma_start3A_176 = arith.constant 3 : i32
    %dma_start3A_177 = arith.constant 1 : i32
    %dma_start3A_178 = arith.constant 0 : i32
    %dma_start3A_179 = arith.constant 0 : i32
    %dma_start3A_180 = tpu.memref_slice %arg3[%add3A, %dma_start3A_176, %dma_start3A_178, %dma_start3A_179] : memref<32x5x25x80xi32, #tpu.memory_space<hbm>> -> memref<1x1x25x80xi32, #tpu.memory_space<hbm>>
    %dma_start3A_181 = tpu.memref_squeeze %dma_start3A_180 : memref<1x1x25x80xi32, #tpu.memory_space<hbm>> -> memref<25x80xi32, #tpu.memory_space<hbm>>
    %dma_start3A_182 = tpu.memref_slice %arg14[%dma_start3A_177] : memref<2x!tpu.dma_semaphore, #tpu.memory_space<semaphore_mem>> -> memref<1x!tpu.dma_semaphore, #tpu.memory_space<semaphore_mem>>
    %dma_start3A_183 = tpu.memref_squeeze %dma_start3A_182 : memref<1x!tpu.dma_semaphore, #tpu.memory_space<semaphore_mem>> -> memref<!tpu.dma_semaphore, #tpu.memory_space<semaphore_mem>>
    %dma_start3A_184 = arith.constant 0 : i32
    %dma_start3A_185 = arith.constant 0 : i32
    %dma_start3A_186 = tpu.memref_slice %arg3[%add3A, %dma_start3A_176, %dma_start3A_184, %dma_start3A_185] : memref<32x5x25x80xi32, #tpu.memory_space<hbm>> -> memref<1x1x25x80xi32, #tpu.memory_space<hbm>>
    %dma_start3A_187 = tpu.memref_squeeze %dma_start3A_186 : memref<1x1x25x80xi32, #tpu.memory_space<hbm>> -> memref<25x80xi32, #tpu.memory_space<hbm>>
    tpu.enqueue_dma source(%dma_start3A_187 : memref<25x80xi32, #tpu.memory_space<hbm>>) target(%arg10 : memref<25x80xi32, #tpu.memory_space<vmem>>) target_semaphore(%dma_start3A_183 : memref<!tpu.dma_semaphore, #tpu.memory_space<semaphore_mem>>)
    %dma_wait3A_188 = arith.constant 2 : i32
    %dma_wait3A_189 = arith.constant 0 : i32
    %dma_wait3A_190 = arith.constant 0 : i32
    %dma_wait3A_191 = arith.constant 0 : i32
    %dma_wait3A_192 = tpu.memref_slice %arg2[%add3A, %dma_wait3A_188, %dma_wait3A_190, %dma_wait3A_191] : memref<32x5x25x80xi32, #tpu.memory_space<hbm>> -> memref<1x1x25x80xi32, #tpu.memory_space<hbm>>
    %dma_wait3A_193 = tpu.memref_squeeze %dma_wait3A_192 : memref<1x1x25x80xi32, #tpu.memory_space<hbm>> -> memref<25x80xi32, #tpu.memory_space<hbm>>
    %dma_wait3A_194 = tpu.memref_slice %arg14[%dma_wait3A_189] : memref<2x!tpu.dma_semaphore, #tpu.memory_space<semaphore_mem>> -> memref<1x!tpu.dma_semaphore, #tpu.memory_space<semaphore_mem>>
    %dma_wait3A_195 = tpu.memref_squeeze %dma_wait3A_194 : memref<1x!tpu.dma_semaphore, #tpu.memory_space<semaphore_mem>> -> memref<!tpu.dma_semaphore, #tpu.memory_space<semaphore_mem>>
    %dma_wait3A_196 = arith.constant 0 : i32
    %dma_wait3A_197 = arith.constant 0 : i32
    %dma_wait3A_198 = tpu.memref_slice %arg2[%add3A, %dma_wait3A_188, %dma_wait3A_196, %dma_wait3A_197] : memref<32x5x25x80xi32, #tpu.memory_space<hbm>> -> memref<1x1x25x80xi32, #tpu.memory_space<hbm>>
    %dma_wait3A_199 = tpu.memref_squeeze %dma_wait3A_198 : memref<1x1x25x80xi32, #tpu.memory_space<hbm>> -> memref<25x80xi32, #tpu.memory_space<hbm>>
    tpu.wait_dma2 semaphore(%dma_wait3A_195 : memref<!tpu.dma_semaphore, #tpu.memory_space<semaphore_mem>>) src(%dma_wait3A_199 : memref<25x80xi32, #tpu.memory_space<hbm>>) dst(%arg7 : memref<25x80xi32, #tpu.memory_space<vmem>>)
    %dma_wait3A_200 = arith.constant 2 : i32
    %dma_wait3A_201 = arith.constant 0 : i32
    %dma_wait3A_202 = arith.constant 0 : i32
    %dma_wait3A_203 = arith.constant 0 : i32
    %dma_wait3A_204 = tpu.memref_slice %arg3[%add3A, %dma_wait3A_200, %dma_wait3A_202, %dma_wait3A_203] : memref<32x5x25x80xi32, #tpu.memory_space<hbm>> -> memref<1x1x25x80xi32, #tpu.memory_space<hbm>>
    %dma_wait3A_205 = tpu.memref_squeeze %dma_wait3A_204 : memref<1x1x25x80xi32, #tpu.memory_space<hbm>> -> memref<25x80xi32, #tpu.memory_space<hbm>>
    %dma_wait3A_206 = tpu.memref_slice %arg14[%dma_wait3A_201] : memref<2x!tpu.dma_semaphore, #tpu.memory_space<semaphore_mem>> -> memref<1x!tpu.dma_semaphore, #tpu.memory_space<semaphore_mem>>
    %dma_wait3A_207 = tpu.memref_squeeze %dma_wait3A_206 : memref<1x!tpu.dma_semaphore, #tpu.memory_space<semaphore_mem>> -> memref<!tpu.dma_semaphore, #tpu.memory_space<semaphore_mem>>
    %dma_wait3A_208 = arith.constant 0 : i32
    %dma_wait3A_209 = arith.constant 0 : i32
    %dma_wait3A_210 = tpu.memref_slice %arg3[%add3A, %dma_wait3A_200, %dma_wait3A_208, %dma_wait3A_209] : memref<32x5x25x80xi32, #tpu.memory_space<hbm>> -> memref<1x1x25x80xi32, #tpu.memory_space<hbm>>
    %dma_wait3A_211 = tpu.memref_squeeze %dma_wait3A_210 : memref<1x1x25x80xi32, #tpu.memory_space<hbm>> -> memref<25x80xi32, #tpu.memory_space<hbm>>
    tpu.wait_dma2 semaphore(%dma_wait3A_207 : memref<!tpu.dma_semaphore, #tpu.memory_space<semaphore_mem>>) src(%dma_wait3A_211 : memref<25x80xi32, #tpu.memory_space<hbm>>) dst(%arg9 : memref<25x80xi32, #tpu.memory_space<vmem>>)
    %dma_start3A_212 = arith.constant 0 : i32
    %dma_start3A_213 = arith.constant 0 : i32
    %dma_start3A_214 = arith.constant 0 : i32
    %dma_start3A_215 = arith.constant 0 : i32
    %dma_start3A_216 = arith.constant 0 : i32
    %dma_start3A_217 = tpu.memref_slice %arg11[%dma_start3A_213, %dma_start3A_215, %dma_start3A_216] : memref<2x80x128xf32, #tpu.memory_space<vmem>> -> memref<1x80x128xf32, #tpu.memory_space<vmem>>
    %dma_start3A_218 = tpu.memref_squeeze %dma_start3A_217 : memref<1x80x128xf32, #tpu.memory_space<vmem>> -> memref<80x128xf32, #tpu.memory_space<vmem>>
    %dma_start3A_219 = arith.constant 0 : i32
    %dma_start3A_220 = tpu.memref_slice %arg7[%dma_start3A_212, %dma_start3A_219] : memref<25x80xi32, #tpu.memory_space<vmem>> -> memref<1x80xi32, #tpu.memory_space<vmem>>
    %dma_start3A_221 = tpu.memref_squeeze %dma_start3A_220 : memref<1x80xi32, #tpu.memory_space<vmem>> -> memref<80xi32, #tpu.memory_space<vmem>>
    %dma_start3A_222 = arith.constant 0 : i32
    %dma_start3A_223 = arith.constant 0 : i32
    %dma_start3A_224 = tpu.memref_slice %arg4[%dma_start3A_222, %dma_start3A_223] : memref<10000x128xf32, #tpu.memory_space<hbm>> -> memref<10000x128xf32, #tpu.memory_space<hbm>>
    %dma_start3A_225 = tpu.memref_slice %arg13[%dma_start3A_214] : memref<2x!tpu.dma_semaphore, #tpu.memory_space<semaphore_mem>> -> memref<1x!tpu.dma_semaphore, #tpu.memory_space<semaphore_mem>>
    %dma_start3A_226 = tpu.memref_squeeze %dma_start3A_225 : memref<1x!tpu.dma_semaphore, #tpu.memory_space<semaphore_mem>> -> memref<!tpu.dma_semaphore, #tpu.memory_space<semaphore_mem>>
    tpu.enqueue_indirect_dma source(%dma_start3A_224 : memref<10000x128xf32, #tpu.memory_space<hbm>>) target(%dma_start3A_218 : memref<80x128xf32, #tpu.memory_space<vmem>>) offsets(%dma_start3A_221 : memref<80xi32, #tpu.memory_space<vmem>>) semaphore(%dma_start3A_226 : memref<!tpu.dma_semaphore, #tpu.memory_space<semaphore_mem>>)
    %scan3A_227 = arith.constant 0 : i32
    %scan3A_228 = arith.constant 0 : i32
    %scan3A_229 = arith.constant 25 : i32
    %scan3A_230 = arith.addi %scan3A_228, %scan3A_229 : i32
    %scan3A_231 = arith.constant 1 : i32
    scf.for %scan3A_352 = %scan3A_228 to %scan3A_230 step %scan3A_231  : i32 {
      %rem3A = arith.constant 2 : i32
      %rem3A_353 = arith.remsi %scan3A_352, %rem3A : i32
      %add3A_354 = arith.constant 1 : i32
      %add3A_355 = arith.addi %scan3A_352, %add3A_354 : i32
      %rem3A_356 = arith.constant 2 : i32
      %rem3A_357 = arith.remsi %add3A_355, %rem3A_356 : i32
      %lt3A = arith.constant 24 : i32
      %lt3A_358 = arith.cmpi slt, %scan3A_352, %lt3A : i32
      %convert_element_type3A = arith.extui %lt3A_358 : i1 to i32
      %cond3A = arith.constant 0 : i32
      %cond3A_359 = arith.cmpi ne, %convert_element_type3A, %cond3A : i32
      scf.if %cond3A_359 {
        %add3A_372 = arith.constant 1 : i32
        %add3A_373 = arith.addi %scan3A_352, %add3A_372 : i32
        %dma_start3A_374 = arith.constant 0 : i32
        %dma_start3A_375 = arith.constant 0 : i32
        %dma_start3A_376 = tpu.memref_slice %arg11[%rem3A_357, %dma_start3A_374, %dma_start3A_375] : memref<2x80x128xf32, #tpu.memory_space<vmem>> -> memref<1x80x128xf32, #tpu.memory_space<vmem>>
        %dma_start3A_377 = tpu.memref_squeeze %dma_start3A_376 : memref<1x80x128xf32, #tpu.memory_space<vmem>> -> memref<80x128xf32, #tpu.memory_space<vmem>>
        %dma_start3A_378 = arith.constant 0 : i32
        %dma_start3A_379 = tpu.memref_slice %arg7[%add3A_373, %dma_start3A_378] : memref<25x80xi32, #tpu.memory_space<vmem>> -> memref<1x80xi32, #tpu.memory_space<vmem>>
        %dma_start3A_380 = tpu.memref_squeeze %dma_start3A_379 : memref<1x80xi32, #tpu.memory_space<vmem>> -> memref<80xi32, #tpu.memory_space<vmem>>
        %dma_start3A_381 = arith.constant 0 : i32
        %dma_start3A_382 = arith.constant 0 : i32
        %dma_start3A_383 = tpu.memref_slice %arg4[%dma_start3A_381, %dma_start3A_382] : memref<10000x128xf32, #tpu.memory_space<hbm>> -> memref<10000x128xf32, #tpu.memory_space<hbm>>
        %dma_start3A_384 = tpu.memref_slice %arg13[%rem3A_357] : memref<2x!tpu.dma_semaphore, #tpu.memory_space<semaphore_mem>> -> memref<1x!tpu.dma_semaphore, #tpu.memory_space<semaphore_mem>>
        %dma_start3A_385 = tpu.memref_squeeze %dma_start3A_384 : memref<1x!tpu.dma_semaphore, #tpu.memory_space<semaphore_mem>> -> memref<!tpu.dma_semaphore, #tpu.memory_space<semaphore_mem>>
        tpu.enqueue_indirect_dma source(%dma_start3A_383 : memref<10000x128xf32, #tpu.memory_space<hbm>>) target(%dma_start3A_377 : memref<80x128xf32, #tpu.memory_space<vmem>>) offsets(%dma_start3A_380 : memref<80xi32, #tpu.memory_space<vmem>>) semaphore(%dma_start3A_385 : memref<!tpu.dma_semaphore, #tpu.memory_space<semaphore_mem>>)
      } else {
      }
      %dma_wait3A_360 = arith.constant 0 : i32
      %dma_wait3A_361 = arith.constant 0 : i32
      %dma_wait3A_362 = tpu.memref_slice %arg11[%rem3A_353, %dma_wait3A_360, %dma_wait3A_361] : memref<2x80x128xf32, #tpu.memory_space<vmem>> -> memref<1x80x128xf32, #tpu.memory_space<vmem>>
      %dma_wait3A_363 = tpu.memref_squeeze %dma_wait3A_362 : memref<1x80x128xf32, #tpu.memory_space<vmem>> -> memref<80x128xf32, #tpu.memory_space<vmem>>
      %dma_wait3A_364 = arith.constant 0 : i32
      %dma_wait3A_365 = tpu.memref_slice %arg7[%scan3A_352, %dma_wait3A_364] : memref<25x80xi32, #tpu.memory_space<vmem>> -> memref<1x80xi32, #tpu.memory_space<vmem>>
      %dma_wait3A_366 = tpu.memref_squeeze %dma_wait3A_365 : memref<1x80xi32, #tpu.memory_space<vmem>> -> memref<80xi32, #tpu.memory_space<vmem>>
      %dma_wait3A_367 = arith.constant 0 : i32
      %dma_wait3A_368 = arith.constant 0 : i32
      %dma_wait3A_369 = tpu.memref_slice %arg4[%dma_wait3A_367, %dma_wait3A_368] : memref<10000x128xf32, #tpu.memory_space<hbm>> -> memref<10000x128xf32, #tpu.memory_space<hbm>>
      %dma_wait3A_370 = tpu.memref_slice %arg13[%rem3A_353] : memref<2x!tpu.dma_semaphore, #tpu.memory_space<semaphore_mem>> -> memref<1x!tpu.dma_semaphore, #tpu.memory_space<semaphore_mem>>
      %dma_wait3A_371 = tpu.memref_squeeze %dma_wait3A_370 : memref<1x!tpu.dma_semaphore, #tpu.memory_space<semaphore_mem>> -> memref<!tpu.dma_semaphore, #tpu.memory_space<semaphore_mem>>
      tpu.wait_indirect_dma semaphore(%dma_wait3A_371 : memref<!tpu.dma_semaphore, #tpu.memory_space<semaphore_mem>>) src(%dma_wait3A_369 : memref<10000x128xf32, #tpu.memory_space<hbm>>) dst(%dma_wait3A_363 : memref<80x128xf32, #tpu.memory_space<vmem>>)
      "tpu.region"() ({
        %run_scoped3A = tpu.sem_alloc : memref<!tpu.dma_semaphore, #tpu.memory_space<semaphore_mem>>
        %dma_start3A_372 = arith.constant 0 : i32
        %dma_start3A_373 = arith.constant 0 : i32
        %dma_start3A_374 = tpu.memref_slice %arg11[%rem3A_353, %dma_start3A_372, %dma_start3A_373] : memref<2x80x128xf32, #tpu.memory_space<vmem>> -> memref<1x80x128xf32, #tpu.memory_space<vmem>>
        %dma_start3A_375 = tpu.memref_squeeze %dma_start3A_374 : memref<1x80x128xf32, #tpu.memory_space<vmem>> -> memref<80x128xf32, #tpu.memory_space<vmem>>
        %dma_start3A_376 = arith.constant 0 : i32
        %dma_start3A_377 = tpu.memref_slice %arg9[%scan3A_352, %dma_start3A_376] : memref<25x80xi32, #tpu.memory_space<vmem>> -> memref<1x80xi32, #tpu.memory_space<vmem>>
        %dma_start3A_378 = tpu.memref_squeeze %dma_start3A_377 : memref<1x80xi32, #tpu.memory_space<vmem>> -> memref<80xi32, #tpu.memory_space<vmem>>
        %dma_start3A_379 = arith.constant 0 : i32
        %dma_start3A_380 = arith.constant 0 : i32
        %dma_start3A_381 = tpu.memref_slice %arg12[%dma_start3A_379, %dma_start3A_380] : memref<10240x128xf32, #tpu.memory_space<vmem_shared>> -> memref<10240x128xf32, #tpu.memory_space<vmem_shared>>
        tpu.enqueue_indirect_dma source(%dma_start3A_375 : memref<80x128xf32, #tpu.memory_space<vmem>>) target(%dma_start3A_381 : memref<10240x128xf32, #tpu.memory_space<vmem_shared>>) offsets(%dma_start3A_378 : memref<80xi32, #tpu.memory_space<vmem>>) semaphore(%run_scoped3A : memref<!tpu.dma_semaphore, #tpu.memory_space<semaphore_mem>>) {add = true}
        %dma_wait3A_382 = arith.constant 0 : i32
        %dma_wait3A_383 = arith.constant 0 : i32
        %dma_wait3A_384 = tpu.memref_slice %arg11[%rem3A_353, %dma_wait3A_382, %dma_wait3A_383] : memref<2x80x128xf32, #tpu.memory_space<vmem>> -> memref<1x80x128xf32, #tpu.memory_space<vmem>>
        %dma_wait3A_385 = tpu.memref_squeeze %dma_wait3A_384 : memref<1x80x128xf32, #tpu.memory_space<vmem>> -> memref<80x128xf32, #tpu.memory_space<vmem>>
        %dma_wait3A_386 = arith.constant 0 : i32
        %dma_wait3A_387 = tpu.memref_slice %arg9[%scan3A_352, %dma_wait3A_386] : memref<25x80xi32, #tpu.memory_space<vmem>> -> memref<1x80xi32, #tpu.memory_space<vmem>>
        %dma_wait3A_388 = tpu.memref_squeeze %dma_wait3A_387 : memref<1x80xi32, #tpu.memory_space<vmem>> -> memref<80xi32, #tpu.memory_space<vmem>>
        %dma_wait3A_389 = arith.constant 0 : i32
        %dma_wait3A_390 = arith.constant 0 : i32
        %dma_wait3A_391 = tpu.memref_slice %arg12[%dma_wait3A_389, %dma_wait3A_390] : memref<10240x128xf32, #tpu.memory_space<vmem_shared>> -> memref<10240x128xf32, #tpu.memory_space<vmem_shared>>
        tpu.wait_indirect_dma semaphore(%run_scoped3A : memref<!tpu.dma_semaphore, #tpu.memory_space<semaphore_mem>>) src(%dma_wait3A_385 : memref<80x128xf32, #tpu.memory_space<vmem>>) dst(%dma_wait3A_391 : memref<10240x128xf32, #tpu.memory_space<vmem_shared>>)
        tpu.yield
      }) : () -> ()
    }
    %scan3A_232 = arith.constant 25 : i32
    %dma_start3A_233 = arith.constant 4 : i32
    %dma_start3A_234 = arith.constant 0 : i32
    %dma_start3A_235 = arith.constant 0 : i32
    %dma_start3A_236 = arith.constant 0 : i32
    %dma_start3A_237 = tpu.memref_slice %arg2[%add3A, %dma_start3A_233, %dma_start3A_235, %dma_start3A_236] : memref<32x5x25x80xi32, #tpu.memory_space<hbm>> -> memref<1x1x25x80xi32, #tpu.memory_space<hbm>>
    %dma_start3A_238 = tpu.memref_squeeze %dma_start3A_237 : memref<1x1x25x80xi32, #tpu.memory_space<hbm>> -> memref<25x80xi32, #tpu.memory_space<hbm>>
    %dma_start3A_239 = tpu.memref_slice %arg14[%dma_start3A_234] : memref<2x!tpu.dma_semaphore, #tpu.memory_space<semaphore_mem>> -> memref<1x!tpu.dma_semaphore, #tpu.memory_space<semaphore_mem>>
    %dma_start3A_240 = tpu.memref_squeeze %dma_start3A_239 : memref<1x!tpu.dma_semaphore, #tpu.memory_space<semaphore_mem>> -> memref<!tpu.dma_semaphore, #tpu.memory_space<semaphore_mem>>
    %dma_start3A_241 = arith.constant 0 : i32
    %dma_start3A_242 = arith.constant 0 : i32
    %dma_start3A_243 = tpu.memref_slice %arg2[%add3A, %dma_start3A_233, %dma_start3A_241, %dma_start3A_242] : memref<32x5x25x80xi32, #tpu.memory_space<hbm>> -> memref<1x1x25x80xi32, #tpu.memory_space<hbm>>
    %dma_start3A_244 = tpu.memref_squeeze %dma_start3A_243 : memref<1x1x25x80xi32, #tpu.memory_space<hbm>> -> memref<25x80xi32, #tpu.memory_space<hbm>>
    tpu.enqueue_dma source(%dma_start3A_244 : memref<25x80xi32, #tpu.memory_space<hbm>>) target(%arg7 : memref<25x80xi32, #tpu.memory_space<vmem>>) target_semaphore(%dma_start3A_240 : memref<!tpu.dma_semaphore, #tpu.memory_space<semaphore_mem>>)
    %dma_start3A_245 = arith.constant 4 : i32
    %dma_start3A_246 = arith.constant 0 : i32
    %dma_start3A_247 = arith.constant 0 : i32
    %dma_start3A_248 = arith.constant 0 : i32
    %dma_start3A_249 = tpu.memref_slice %arg3[%add3A, %dma_start3A_245, %dma_start3A_247, %dma_start3A_248] : memref<32x5x25x80xi32, #tpu.memory_space<hbm>> -> memref<1x1x25x80xi32, #tpu.memory_space<hbm>>
    %dma_start3A_250 = tpu.memref_squeeze %dma_start3A_249 : memref<1x1x25x80xi32, #tpu.memory_space<hbm>> -> memref<25x80xi32, #tpu.memory_space<hbm>>
    %dma_start3A_251 = tpu.memref_slice %arg14[%dma_start3A_246] : memref<2x!tpu.dma_semaphore, #tpu.memory_space<semaphore_mem>> -> memref<1x!tpu.dma_semaphore, #tpu.memory_space<semaphore_mem>>
    %dma_start3A_252 = tpu.memref_squeeze %dma_start3A_251 : memref<1x!tpu.dma_semaphore, #tpu.memory_space<semaphore_mem>> -> memref<!tpu.dma_semaphore, #tpu.memory_space<semaphore_mem>>
    %dma_start3A_253 = arith.constant 0 : i32
    %dma_start3A_254 = arith.constant 0 : i32
    %dma_start3A_255 = tpu.memref_slice %arg3[%add3A, %dma_start3A_245, %dma_start3A_253, %dma_start3A_254] : memref<32x5x25x80xi32, #tpu.memory_space<hbm>> -> memref<1x1x25x80xi32, #tpu.memory_space<hbm>>
    %dma_start3A_256 = tpu.memref_squeeze %dma_start3A_255 : memref<1x1x25x80xi32, #tpu.memory_space<hbm>> -> memref<25x80xi32, #tpu.memory_space<hbm>>
    tpu.enqueue_dma source(%dma_start3A_256 : memref<25x80xi32, #tpu.memory_space<hbm>>) target(%arg9 : memref<25x80xi32, #tpu.memory_space<vmem>>) target_semaphore(%dma_start3A_252 : memref<!tpu.dma_semaphore, #tpu.memory_space<semaphore_mem>>)
    %dma_wait3A_257 = arith.constant 3 : i32
    %dma_wait3A_258 = arith.constant 1 : i32
    %dma_wait3A_259 = arith.constant 0 : i32
    %dma_wait3A_260 = arith.constant 0 : i32
    %dma_wait3A_261 = tpu.memref_slice %arg2[%add3A, %dma_wait3A_257, %dma_wait3A_259, %dma_wait3A_260] : memref<32x5x25x80xi32, #tpu.memory_space<hbm>> -> memref<1x1x25x80xi32, #tpu.memory_space<hbm>>
    %dma_wait3A_262 = tpu.memref_squeeze %dma_wait3A_261 : memref<1x1x25x80xi32, #tpu.memory_space<hbm>> -> memref<25x80xi32, #tpu.memory_space<hbm>>
    %dma_wait3A_263 = tpu.memref_slice %arg14[%dma_wait3A_258] : memref<2x!tpu.dma_semaphore, #tpu.memory_space<semaphore_mem>> -> memref<1x!tpu.dma_semaphore, #tpu.memory_space<semaphore_mem>>
    %dma_wait3A_264 = tpu.memref_squeeze %dma_wait3A_263 : memref<1x!tpu.dma_semaphore, #tpu.memory_space<semaphore_mem>> -> memref<!tpu.dma_semaphore, #tpu.memory_space<semaphore_mem>>
    %dma_wait3A_265 = arith.constant 0 : i32
    %dma_wait3A_266 = arith.constant 0 : i32
    %dma_wait3A_267 = tpu.memref_slice %arg2[%add3A, %dma_wait3A_257, %dma_wait3A_265, %dma_wait3A_266] : memref<32x5x25x80xi32, #tpu.memory_space<hbm>> -> memref<1x1x25x80xi32, #tpu.memory_space<hbm>>
    %dma_wait3A_268 = tpu.memref_squeeze %dma_wait3A_267 : memref<1x1x25x80xi32, #tpu.memory_space<hbm>> -> memref<25x80xi32, #tpu.memory_space<hbm>>
    tpu.wait_dma2 semaphore(%dma_wait3A_264 : memref<!tpu.dma_semaphore, #tpu.memory_space<semaphore_mem>>) src(%dma_wait3A_268 : memref<25x80xi32, #tpu.memory_space<hbm>>) dst(%arg8 : memref<25x80xi32, #tpu.memory_space<vmem>>)
    %dma_wait3A_269 = arith.constant 3 : i32
    %dma_wait3A_270 = arith.constant 1 : i32
    %dma_wait3A_271 = arith.constant 0 : i32
    %dma_wait3A_272 = arith.constant 0 : i32
    %dma_wait3A_273 = tpu.memref_slice %arg3[%add3A, %dma_wait3A_269, %dma_wait3A_271, %dma_wait3A_272] : memref<32x5x25x80xi32, #tpu.memory_space<hbm>> -> memref<1x1x25x80xi32, #tpu.memory_space<hbm>>
    %dma_wait3A_274 = tpu.memref_squeeze %dma_wait3A_273 : memref<1x1x25x80xi32, #tpu.memory_space<hbm>> -> memref<25x80xi32, #tpu.memory_space<hbm>>
    %dma_wait3A_275 = tpu.memref_slice %arg14[%dma_wait3A_270] : memref<2x!tpu.dma_semaphore, #tpu.memory_space<semaphore_mem>> -> memref<1x!tpu.dma_semaphore, #tpu.memory_space<semaphore_mem>>
    %dma_wait3A_276 = tpu.memref_squeeze %dma_wait3A_275 : memref<1x!tpu.dma_semaphore, #tpu.memory_space<semaphore_mem>> -> memref<!tpu.dma_semaphore, #tpu.memory_space<semaphore_mem>>
    %dma_wait3A_277 = arith.constant 0 : i32
    %dma_wait3A_278 = arith.constant 0 : i32
    %dma_wait3A_279 = tpu.memref_slice %arg3[%add3A, %dma_wait3A_269, %dma_wait3A_277, %dma_wait3A_278] : memref<32x5x25x80xi32, #tpu.memory_space<hbm>> -> memref<1x1x25x80xi32, #tpu.memory_space<hbm>>
    %dma_wait3A_280 = tpu.memref_squeeze %dma_wait3A_279 : memref<1x1x25x80xi32, #tpu.memory_space<hbm>> -> memref<25x80xi32, #tpu.memory_space<hbm>>
    tpu.wait_dma2 semaphore(%dma_wait3A_276 : memref<!tpu.dma_semaphore, #tpu.memory_space<semaphore_mem>>) src(%dma_wait3A_280 : memref<25x80xi32, #tpu.memory_space<hbm>>) dst(%arg10 : memref<25x80xi32, #tpu.memory_space<vmem>>)
    %dma_start3A_281 = arith.constant 0 : i32
    %dma_start3A_282 = arith.constant 0 : i32
    %dma_start3A_283 = arith.constant 0 : i32
    %dma_start3A_284 = arith.constant 0 : i32
    %dma_start3A_285 = arith.constant 0 : i32
    %dma_start3A_286 = tpu.memref_slice %arg11[%dma_start3A_282, %dma_start3A_284, %dma_start3A_285] : memref<2x80x128xf32, #tpu.memory_space<vmem>> -> memref<1x80x128xf32, #tpu.memory_space<vmem>>
    %dma_start3A_287 = tpu.memref_squeeze %dma_start3A_286 : memref<1x80x128xf32, #tpu.memory_space<vmem>> -> memref<80x128xf32, #tpu.memory_space<vmem>>
    %dma_start3A_288 = arith.constant 0 : i32
    %dma_start3A_289 = tpu.memref_slice %arg8[%dma_start3A_281, %dma_start3A_288] : memref<25x80xi32, #tpu.memory_space<vmem>> -> memref<1x80xi32, #tpu.memory_space<vmem>>
    %dma_start3A_290 = tpu.memref_squeeze %dma_start3A_289 : memref<1x80xi32, #tpu.memory_space<vmem>> -> memref<80xi32, #tpu.memory_space<vmem>>
    %dma_start3A_291 = arith.constant 0 : i32
    %dma_start3A_292 = arith.constant 0 : i32
    %dma_start3A_293 = tpu.memref_slice %arg4[%dma_start3A_291, %dma_start3A_292] : memref<10000x128xf32, #tpu.memory_space<hbm>> -> memref<10000x128xf32, #tpu.memory_space<hbm>>
    %dma_start3A_294 = tpu.memref_slice %arg13[%dma_start3A_283] : memref<2x!tpu.dma_semaphore, #tpu.memory_space<semaphore_mem>> -> memref<1x!tpu.dma_semaphore, #tpu.memory_space<semaphore_mem>>
    %dma_start3A_295 = tpu.memref_squeeze %dma_start3A_294 : memref<1x!tpu.dma_semaphore, #tpu.memory_space<semaphore_mem>> -> memref<!tpu.dma_semaphore, #tpu.memory_space<semaphore_mem>>
    tpu.enqueue_indirect_dma source(%dma_start3A_293 : memref<10000x128xf32, #tpu.memory_space<hbm>>) target(%dma_start3A_287 : memref<80x128xf32, #tpu.memory_space<vmem>>) offsets(%dma_start3A_290 : memref<80xi32, #tpu.memory_space<vmem>>) semaphore(%dma_start3A_295 : memref<!tpu.dma_semaphore, #tpu.memory_space<semaphore_mem>>)
    %scan3A_296 = arith.constant 0 : i32
    %scan3A_297 = arith.constant 0 : i32
    %scan3A_298 = arith.constant 25 : i32
    %scan3A_299 = arith.addi %scan3A_297, %scan3A_298 : i32
    %scan3A_300 = arith.constant 1 : i32
    scf.for %scan3A_352 = %scan3A_297 to %scan3A_299 step %scan3A_300  : i32 {
      %rem3A = arith.constant 2 : i32
      %rem3A_353 = arith.remsi %scan3A_352, %rem3A : i32
      %add3A_354 = arith.constant 1 : i32
      %add3A_355 = arith.addi %scan3A_352, %add3A_354 : i32
      %rem3A_356 = arith.constant 2 : i32
      %rem3A_357 = arith.remsi %add3A_355, %rem3A_356 : i32
      %lt3A = arith.constant 24 : i32
      %lt3A_358 = arith.cmpi slt, %scan3A_352, %lt3A : i32
      %convert_element_type3A = arith.extui %lt3A_358 : i1 to i32
      %cond3A = arith.constant 0 : i32
      %cond3A_359 = arith.cmpi ne, %convert_element_type3A, %cond3A : i32
      scf.if %cond3A_359 {
        %add3A_372 = arith.constant 1 : i32
        %add3A_373 = arith.addi %scan3A_352, %add3A_372 : i32
        %dma_start3A_374 = arith.constant 0 : i32
        %dma_start3A_375 = arith.constant 0 : i32
        %dma_start3A_376 = tpu.memref_slice %arg11[%rem3A_357, %dma_start3A_374, %dma_start3A_375] : memref<2x80x128xf32, #tpu.memory_space<vmem>> -> memref<1x80x128xf32, #tpu.memory_space<vmem>>
        %dma_start3A_377 = tpu.memref_squeeze %dma_start3A_376 : memref<1x80x128xf32, #tpu.memory_space<vmem>> -> memref<80x128xf32, #tpu.memory_space<vmem>>
        %dma_start3A_378 = arith.constant 0 : i32
        %dma_start3A_379 = tpu.memref_slice %arg8[%add3A_373, %dma_start3A_378] : memref<25x80xi32, #tpu.memory_space<vmem>> -> memref<1x80xi32, #tpu.memory_space<vmem>>
        %dma_start3A_380 = tpu.memref_squeeze %dma_start3A_379 : memref<1x80xi32, #tpu.memory_space<vmem>> -> memref<80xi32, #tpu.memory_space<vmem>>
        %dma_start3A_381 = arith.constant 0 : i32
        %dma_start3A_382 = arith.constant 0 : i32
        %dma_start3A_383 = tpu.memref_slice %arg4[%dma_start3A_381, %dma_start3A_382] : memref<10000x128xf32, #tpu.memory_space<hbm>> -> memref<10000x128xf32, #tpu.memory_space<hbm>>
        %dma_start3A_384 = tpu.memref_slice %arg13[%rem3A_357] : memref<2x!tpu.dma_semaphore, #tpu.memory_space<semaphore_mem>> -> memref<1x!tpu.dma_semaphore, #tpu.memory_space<semaphore_mem>>
        %dma_start3A_385 = tpu.memref_squeeze %dma_start3A_384 : memref<1x!tpu.dma_semaphore, #tpu.memory_space<semaphore_mem>> -> memref<!tpu.dma_semaphore, #tpu.memory_space<semaphore_mem>>
        tpu.enqueue_indirect_dma source(%dma_start3A_383 : memref<10000x128xf32, #tpu.memory_space<hbm>>) target(%dma_start3A_377 : memref<80x128xf32, #tpu.memory_space<vmem>>) offsets(%dma_start3A_380 : memref<80xi32, #tpu.memory_space<vmem>>) semaphore(%dma_start3A_385 : memref<!tpu.dma_semaphore, #tpu.memory_space<semaphore_mem>>)
      } else {
      }
      %dma_wait3A_360 = arith.constant 0 : i32
      %dma_wait3A_361 = arith.constant 0 : i32
      %dma_wait3A_362 = tpu.memref_slice %arg11[%rem3A_353, %dma_wait3A_360, %dma_wait3A_361] : memref<2x80x128xf32, #tpu.memory_space<vmem>> -> memref<1x80x128xf32, #tpu.memory_space<vmem>>
      %dma_wait3A_363 = tpu.memref_squeeze %dma_wait3A_362 : memref<1x80x128xf32, #tpu.memory_space<vmem>> -> memref<80x128xf32, #tpu.memory_space<vmem>>
      %dma_wait3A_364 = arith.constant 0 : i32
      %dma_wait3A_365 = tpu.memref_slice %arg8[%scan3A_352, %dma_wait3A_364] : memref<25x80xi32, #tpu.memory_space<vmem>> -> memref<1x80xi32, #tpu.memory_space<vmem>>
      %dma_wait3A_366 = tpu.memref_squeeze %dma_wait3A_365 : memref<1x80xi32, #tpu.memory_space<vmem>> -> memref<80xi32, #tpu.memory_space<vmem>>
      %dma_wait3A_367 = arith.constant 0 : i32
      %dma_wait3A_368 = arith.constant 0 : i32
      %dma_wait3A_369 = tpu.memref_slice %arg4[%dma_wait3A_367, %dma_wait3A_368] : memref<10000x128xf32, #tpu.memory_space<hbm>> -> memref<10000x128xf32, #tpu.memory_space<hbm>>
      %dma_wait3A_370 = tpu.memref_slice %arg13[%rem3A_353] : memref<2x!tpu.dma_semaphore, #tpu.memory_space<semaphore_mem>> -> memref<1x!tpu.dma_semaphore, #tpu.memory_space<semaphore_mem>>
      %dma_wait3A_371 = tpu.memref_squeeze %dma_wait3A_370 : memref<1x!tpu.dma_semaphore, #tpu.memory_space<semaphore_mem>> -> memref<!tpu.dma_semaphore, #tpu.memory_space<semaphore_mem>>
      tpu.wait_indirect_dma semaphore(%dma_wait3A_371 : memref<!tpu.dma_semaphore, #tpu.memory_space<semaphore_mem>>) src(%dma_wait3A_369 : memref<10000x128xf32, #tpu.memory_space<hbm>>) dst(%dma_wait3A_363 : memref<80x128xf32, #tpu.memory_space<vmem>>)
      "tpu.region"() ({
        %run_scoped3A = tpu.sem_alloc : memref<!tpu.dma_semaphore, #tpu.memory_space<semaphore_mem>>
        %dma_start3A_372 = arith.constant 0 : i32
        %dma_start3A_373 = arith.constant 0 : i32
        %dma_start3A_374 = tpu.memref_slice %arg11[%rem3A_353, %dma_start3A_372, %dma_start3A_373] : memref<2x80x128xf32, #tpu.memory_space<vmem>> -> memref<1x80x128xf32, #tpu.memory_space<vmem>>
        %dma_start3A_375 = tpu.memref_squeeze %dma_start3A_374 : memref<1x80x128xf32, #tpu.memory_space<vmem>> -> memref<80x128xf32, #tpu.memory_space<vmem>>
        %dma_start3A_376 = arith.constant 0 : i32
        %dma_start3A_377 = tpu.memref_slice %arg10[%scan3A_352, %dma_start3A_376] : memref<25x80xi32, #tpu.memory_space<vmem>> -> memref<1x80xi32, #tpu.memory_space<vmem>>
        %dma_start3A_378 = tpu.memref_squeeze %dma_start3A_377 : memref<1x80xi32, #tpu.memory_space<vmem>> -> memref<80xi32, #tpu.memory_space<vmem>>
        %dma_start3A_379 = arith.constant 0 : i32
        %dma_start3A_380 = arith.constant 0 : i32
        %dma_start3A_381 = tpu.memref_slice %arg12[%dma_start3A_379, %dma_start3A_380] : memref<10240x128xf32, #tpu.memory_space<vmem_shared>> -> memref<10240x128xf32, #tpu.memory_space<vmem_shared>>
        tpu.enqueue_indirect_dma source(%dma_start3A_375 : memref<80x128xf32, #tpu.memory_space<vmem>>) target(%dma_start3A_381 : memref<10240x128xf32, #tpu.memory_space<vmem_shared>>) offsets(%dma_start3A_378 : memref<80xi32, #tpu.memory_space<vmem>>) semaphore(%run_scoped3A : memref<!tpu.dma_semaphore, #tpu.memory_space<semaphore_mem>>) {add = true}
        %dma_wait3A_382 = arith.constant 0 : i32
        %dma_wait3A_383 = arith.constant 0 : i32
        %dma_wait3A_384 = tpu.memref_slice %arg11[%rem3A_353, %dma_wait3A_382, %dma_wait3A_383] : memref<2x80x128xf32, #tpu.memory_space<vmem>> -> memref<1x80x128xf32, #tpu.memory_space<vmem>>
        %dma_wait3A_385 = tpu.memref_squeeze %dma_wait3A_384 : memref<1x80x128xf32, #tpu.memory_space<vmem>> -> memref<80x128xf32, #tpu.memory_space<vmem>>
        %dma_wait3A_386 = arith.constant 0 : i32
        %dma_wait3A_387 = tpu.memref_slice %arg10[%scan3A_352, %dma_wait3A_386] : memref<25x80xi32, #tpu.memory_space<vmem>> -> memref<1x80xi32, #tpu.memory_space<vmem>>
        %dma_wait3A_388 = tpu.memref_squeeze %dma_wait3A_387 : memref<1x80xi32, #tpu.memory_space<vmem>> -> memref<80xi32, #tpu.memory_space<vmem>>
        %dma_wait3A_389 = arith.constant 0 : i32
        %dma_wait3A_390 = arith.constant 0 : i32
        %dma_wait3A_391 = tpu.memref_slice %arg12[%dma_wait3A_389, %dma_wait3A_390] : memref<10240x128xf32, #tpu.memory_space<vmem_shared>> -> memref<10240x128xf32, #tpu.memory_space<vmem_shared>>
        tpu.wait_indirect_dma semaphore(%run_scoped3A : memref<!tpu.dma_semaphore, #tpu.memory_space<semaphore_mem>>) src(%dma_wait3A_385 : memref<80x128xf32, #tpu.memory_space<vmem>>) dst(%dma_wait3A_391 : memref<10240x128xf32, #tpu.memory_space<vmem_shared>>)
        tpu.yield
      }) : () -> ()
    }
    %scan3A_301 = arith.constant 25 : i32
    %dma_wait3A_302 = arith.constant 4 : i32
    %dma_wait3A_303 = arith.constant 0 : i32
    %dma_wait3A_304 = arith.constant 0 : i32
    %dma_wait3A_305 = arith.constant 0 : i32
    %dma_wait3A_306 = tpu.memref_slice %arg2[%add3A, %dma_wait3A_302, %dma_wait3A_304, %dma_wait3A_305] : memref<32x5x25x80xi32, #tpu.memory_space<hbm>> -> memref<1x1x25x80xi32, #tpu.memory_space<hbm>>
    %dma_wait3A_307 = tpu.memref_squeeze %dma_wait3A_306 : memref<1x1x25x80xi32, #tpu.memory_space<hbm>> -> memref<25x80xi32, #tpu.memory_space<hbm>>
    %dma_wait3A_308 = tpu.memref_slice %arg14[%dma_wait3A_303] : memref<2x!tpu.dma_semaphore, #tpu.memory_space<semaphore_mem>> -> memref<1x!tpu.dma_semaphore, #tpu.memory_space<semaphore_mem>>
    %dma_wait3A_309 = tpu.memref_squeeze %dma_wait3A_308 : memref<1x!tpu.dma_semaphore, #tpu.memory_space<semaphore_mem>> -> memref<!tpu.dma_semaphore, #tpu.memory_space<semaphore_mem>>
    %dma_wait3A_310 = arith.constant 0 : i32
    %dma_wait3A_311 = arith.constant 0 : i32
    %dma_wait3A_312 = tpu.memref_slice %arg2[%add3A, %dma_wait3A_302, %dma_wait3A_310, %dma_wait3A_311] : memref<32x5x25x80xi32, #tpu.memory_space<hbm>> -> memref<1x1x25x80xi32, #tpu.memory_space<hbm>>
    %dma_wait3A_313 = tpu.memref_squeeze %dma_wait3A_312 : memref<1x1x25x80xi32, #tpu.memory_space<hbm>> -> memref<25x80xi32, #tpu.memory_space<hbm>>
    tpu.wait_dma2 semaphore(%dma_wait3A_309 : memref<!tpu.dma_semaphore, #tpu.memory_space<semaphore_mem>>) src(%dma_wait3A_313 : memref<25x80xi32, #tpu.memory_space<hbm>>) dst(%arg7 : memref<25x80xi32, #tpu.memory_space<vmem>>)
    %dma_wait3A_314 = arith.constant 4 : i32
    %dma_wait3A_315 = arith.constant 0 : i32
    %dma_wait3A_316 = arith.constant 0 : i32
    %dma_wait3A_317 = arith.constant 0 : i32
    %dma_wait3A_318 = tpu.memref_slice %arg3[%add3A, %dma_wait3A_314, %dma_wait3A_316, %dma_wait3A_317] : memref<32x5x25x80xi32, #tpu.memory_space<hbm>> -> memref<1x1x25x80xi32, #tpu.memory_space<hbm>>
    %dma_wait3A_319 = tpu.memref_squeeze %dma_wait3A_318 : memref<1x1x25x80xi32, #tpu.memory_space<hbm>> -> memref<25x80xi32, #tpu.memory_space<hbm>>
    %dma_wait3A_320 = tpu.memref_slice %arg14[%dma_wait3A_315] : memref<2x!tpu.dma_semaphore, #tpu.memory_space<semaphore_mem>> -> memref<1x!tpu.dma_semaphore, #tpu.memory_space<semaphore_mem>>
    %dma_wait3A_321 = tpu.memref_squeeze %dma_wait3A_320 : memref<1x!tpu.dma_semaphore, #tpu.memory_space<semaphore_mem>> -> memref<!tpu.dma_semaphore, #tpu.memory_space<semaphore_mem>>
    %dma_wait3A_322 = arith.constant 0 : i32
    %dma_wait3A_323 = arith.constant 0 : i32
    %dma_wait3A_324 = tpu.memref_slice %arg3[%add3A, %dma_wait3A_314, %dma_wait3A_322, %dma_wait3A_323] : memref<32x5x25x80xi32, #tpu.memory_space<hbm>> -> memref<1x1x25x80xi32, #tpu.memory_space<hbm>>
    %dma_wait3A_325 = tpu.memref_squeeze %dma_wait3A_324 : memref<1x1x25x80xi32, #tpu.memory_space<hbm>> -> memref<25x80xi32, #tpu.memory_space<hbm>>
    tpu.wait_dma2 semaphore(%dma_wait3A_321 : memref<!tpu.dma_semaphore, #tpu.memory_space<semaphore_mem>>) src(%dma_wait3A_325 : memref<25x80xi32, #tpu.memory_space<hbm>>) dst(%arg9 : memref<25x80xi32, #tpu.memory_space<vmem>>)
    %dma_start3A_326 = arith.constant 0 : i32
    %dma_start3A_327 = arith.constant 0 : i32
    %dma_start3A_328 = arith.constant 0 : i32
    %dma_start3A_329 = arith.constant 0 : i32
    %dma_start3A_330 = arith.constant 0 : i32
    %dma_start3A_331 = tpu.memref_slice %arg11[%dma_start3A_327, %dma_start3A_329, %dma_start3A_330] : memref<2x80x128xf32, #tpu.memory_space<vmem>> -> memref<1x80x128xf32, #tpu.memory_space<vmem>>
    %dma_start3A_332 = tpu.memref_squeeze %dma_start3A_331 : memref<1x80x128xf32, #tpu.memory_space<vmem>> -> memref<80x128xf32, #tpu.memory_space<vmem>>
    %dma_start3A_333 = arith.constant 0 : i32
    %dma_start3A_334 = tpu.memref_slice %arg7[%dma_start3A_326, %dma_start3A_333] : memref<25x80xi32, #tpu.memory_space<vmem>> -> memref<1x80xi32, #tpu.memory_space<vmem>>
    %dma_start3A_335 = tpu.memref_squeeze %dma_start3A_334 : memref<1x80xi32, #tpu.memory_space<vmem>> -> memref<80xi32, #tpu.memory_space<vmem>>
    %dma_start3A_336 = arith.constant 0 : i32
    %dma_start3A_337 = arith.constant 0 : i32
    %dma_start3A_338 = tpu.memref_slice %arg4[%dma_start3A_336, %dma_start3A_337] : memref<10000x128xf32, #tpu.memory_space<hbm>> -> memref<10000x128xf32, #tpu.memory_space<hbm>>
    %dma_start3A_339 = tpu.memref_slice %arg13[%dma_start3A_328] : memref<2x!tpu.dma_semaphore, #tpu.memory_space<semaphore_mem>> -> memref<1x!tpu.dma_semaphore, #tpu.memory_space<semaphore_mem>>
    %dma_start3A_340 = tpu.memref_squeeze %dma_start3A_339 : memref<1x!tpu.dma_semaphore, #tpu.memory_space<semaphore_mem>> -> memref<!tpu.dma_semaphore, #tpu.memory_space<semaphore_mem>>
    tpu.enqueue_indirect_dma source(%dma_start3A_338 : memref<10000x128xf32, #tpu.memory_space<hbm>>) target(%dma_start3A_332 : memref<80x128xf32, #tpu.memory_space<vmem>>) offsets(%dma_start3A_335 : memref<80xi32, #tpu.memory_space<vmem>>) semaphore(%dma_start3A_340 : memref<!tpu.dma_semaphore, #tpu.memory_space<semaphore_mem>>)
    %scan3A_341 = arith.constant 0 : i32
    %scan3A_342 = arith.constant 0 : i32
    %scan3A_343 = arith.constant 25 : i32
    %scan3A_344 = arith.addi %scan3A_342, %scan3A_343 : i32
    %scan3A_345 = arith.constant 1 : i32
    scf.for %scan3A_352 = %scan3A_342 to %scan3A_344 step %scan3A_345  : i32 {
      %rem3A = arith.constant 2 : i32
      %rem3A_353 = arith.remsi %scan3A_352, %rem3A : i32
      %add3A_354 = arith.constant 1 : i32
      %add3A_355 = arith.addi %scan3A_352, %add3A_354 : i32
      %rem3A_356 = arith.constant 2 : i32
      %rem3A_357 = arith.remsi %add3A_355, %rem3A_356 : i32
      %lt3A = arith.constant 24 : i32
      %lt3A_358 = arith.cmpi slt, %scan3A_352, %lt3A : i32
      %convert_element_type3A = arith.extui %lt3A_358 : i1 to i32
      %cond3A = arith.constant 0 : i32
      %cond3A_359 = arith.cmpi ne, %convert_element_type3A, %cond3A : i32
      scf.if %cond3A_359 {
        %add3A_372 = arith.constant 1 : i32
        %add3A_373 = arith.addi %scan3A_352, %add3A_372 : i32
        %dma_start3A_374 = arith.constant 0 : i32
        %dma_start3A_375 = arith.constant 0 : i32
        %dma_start3A_376 = tpu.memref_slice %arg11[%rem3A_357, %dma_start3A_374, %dma_start3A_375] : memref<2x80x128xf32, #tpu.memory_space<vmem>> -> memref<1x80x128xf32, #tpu.memory_space<vmem>>
        %dma_start3A_377 = tpu.memref_squeeze %dma_start3A_376 : memref<1x80x128xf32, #tpu.memory_space<vmem>> -> memref<80x128xf32, #tpu.memory_space<vmem>>
        %dma_start3A_378 = arith.constant 0 : i32
        %dma_start3A_379 = tpu.memref_slice %arg7[%add3A_373, %dma_start3A_378] : memref<25x80xi32, #tpu.memory_space<vmem>> -> memref<1x80xi32, #tpu.memory_space<vmem>>
        %dma_start3A_380 = tpu.memref_squeeze %dma_start3A_379 : memref<1x80xi32, #tpu.memory_space<vmem>> -> memref<80xi32, #tpu.memory_space<vmem>>
        %dma_start3A_381 = arith.constant 0 : i32
        %dma_start3A_382 = arith.constant 0 : i32
        %dma_start3A_383 = tpu.memref_slice %arg4[%dma_start3A_381, %dma_start3A_382] : memref<10000x128xf32, #tpu.memory_space<hbm>> -> memref<10000x128xf32, #tpu.memory_space<hbm>>
        %dma_start3A_384 = tpu.memref_slice %arg13[%rem3A_357] : memref<2x!tpu.dma_semaphore, #tpu.memory_space<semaphore_mem>> -> memref<1x!tpu.dma_semaphore, #tpu.memory_space<semaphore_mem>>
        %dma_start3A_385 = tpu.memref_squeeze %dma_start3A_384 : memref<1x!tpu.dma_semaphore, #tpu.memory_space<semaphore_mem>> -> memref<!tpu.dma_semaphore, #tpu.memory_space<semaphore_mem>>
        tpu.enqueue_indirect_dma source(%dma_start3A_383 : memref<10000x128xf32, #tpu.memory_space<hbm>>) target(%dma_start3A_377 : memref<80x128xf32, #tpu.memory_space<vmem>>) offsets(%dma_start3A_380 : memref<80xi32, #tpu.memory_space<vmem>>) semaphore(%dma_start3A_385 : memref<!tpu.dma_semaphore, #tpu.memory_space<semaphore_mem>>)
      } else {
      }
      %dma_wait3A_360 = arith.constant 0 : i32
      %dma_wait3A_361 = arith.constant 0 : i32
      %dma_wait3A_362 = tpu.memref_slice %arg11[%rem3A_353, %dma_wait3A_360, %dma_wait3A_361] : memref<2x80x128xf32, #tpu.memory_space<vmem>> -> memref<1x80x128xf32, #tpu.memory_space<vmem>>
      %dma_wait3A_363 = tpu.memref_squeeze %dma_wait3A_362 : memref<1x80x128xf32, #tpu.memory_space<vmem>> -> memref<80x128xf32, #tpu.memory_space<vmem>>
      %dma_wait3A_364 = arith.constant 0 : i32
      %dma_wait3A_365 = tpu.memref_slice %arg7[%scan3A_352, %dma_wait3A_364] : memref<25x80xi32, #tpu.memory_space<vmem>> -> memref<1x80xi32, #tpu.memory_space<vmem>>
      %dma_wait3A_366 = tpu.memref_squeeze %dma_wait3A_365 : memref<1x80xi32, #tpu.memory_space<vmem>> -> memref<80xi32, #tpu.memory_space<vmem>>
      %dma_wait3A_367 = arith.constant 0 : i32
      %dma_wait3A_368 = arith.constant 0 : i32
      %dma_wait3A_369 = tpu.memref_slice %arg4[%dma_wait3A_367, %dma_wait3A_368] : memref<10000x128xf32, #tpu.memory_space<hbm>> -> memref<10000x128xf32, #tpu.memory_space<hbm>>
      %dma_wait3A_370 = tpu.memref_slice %arg13[%rem3A_353] : memref<2x!tpu.dma_semaphore, #tpu.memory_space<semaphore_mem>> -> memref<1x!tpu.dma_semaphore, #tpu.memory_space<semaphore_mem>>
      %dma_wait3A_371 = tpu.memref_squeeze %dma_wait3A_370 : memref<1x!tpu.dma_semaphore, #tpu.memory_space<semaphore_mem>> -> memref<!tpu.dma_semaphore, #tpu.memory_space<semaphore_mem>>
      tpu.wait_indirect_dma semaphore(%dma_wait3A_371 : memref<!tpu.dma_semaphore, #tpu.memory_space<semaphore_mem>>) src(%dma_wait3A_369 : memref<10000x128xf32, #tpu.memory_space<hbm>>) dst(%dma_wait3A_363 : memref<80x128xf32, #tpu.memory_space<vmem>>)
      "tpu.region"() ({
        %run_scoped3A = tpu.sem_alloc : memref<!tpu.dma_semaphore, #tpu.memory_space<semaphore_mem>>
        %dma_start3A_372 = arith.constant 0 : i32
        %dma_start3A_373 = arith.constant 0 : i32
        %dma_start3A_374 = tpu.memref_slice %arg11[%rem3A_353, %dma_start3A_372, %dma_start3A_373] : memref<2x80x128xf32, #tpu.memory_space<vmem>> -> memref<1x80x128xf32, #tpu.memory_space<vmem>>
        %dma_start3A_375 = tpu.memref_squeeze %dma_start3A_374 : memref<1x80x128xf32, #tpu.memory_space<vmem>> -> memref<80x128xf32, #tpu.memory_space<vmem>>
        %dma_start3A_376 = arith.constant 0 : i32
        %dma_start3A_377 = tpu.memref_slice %arg9[%scan3A_352, %dma_start3A_376] : memref<25x80xi32, #tpu.memory_space<vmem>> -> memref<1x80xi32, #tpu.memory_space<vmem>>
        %dma_start3A_378 = tpu.memref_squeeze %dma_start3A_377 : memref<1x80xi32, #tpu.memory_space<vmem>> -> memref<80xi32, #tpu.memory_space<vmem>>
        %dma_start3A_379 = arith.constant 0 : i32
        %dma_start3A_380 = arith.constant 0 : i32
        %dma_start3A_381 = tpu.memref_slice %arg12[%dma_start3A_379, %dma_start3A_380] : memref<10240x128xf32, #tpu.memory_space<vmem_shared>> -> memref<10240x128xf32, #tpu.memory_space<vmem_shared>>
        tpu.enqueue_indirect_dma source(%dma_start3A_375 : memref<80x128xf32, #tpu.memory_space<vmem>>) target(%dma_start3A_381 : memref<10240x128xf32, #tpu.memory_space<vmem_shared>>) offsets(%dma_start3A_378 : memref<80xi32, #tpu.memory_space<vmem>>) semaphore(%run_scoped3A : memref<!tpu.dma_semaphore, #tpu.memory_space<semaphore_mem>>) {add = true}
        %dma_wait3A_382 = arith.constant 0 : i32
        %dma_wait3A_383 = arith.constant 0 : i32
        %dma_wait3A_384 = tpu.memref_slice %arg11[%rem3A_353, %dma_wait3A_382, %dma_wait3A_383] : memref<2x80x128xf32, #tpu.memory_space<vmem>> -> memref<1x80x128xf32, #tpu.memory_space<vmem>>
        %dma_wait3A_385 = tpu.memref_squeeze %dma_wait3A_384 : memref<1x80x128xf32, #tpu.memory_space<vmem>> -> memref<80x128xf32, #tpu.memory_space<vmem>>
        %dma_wait3A_386 = arith.constant 0 : i32
        %dma_wait3A_387 = tpu.memref_slice %arg9[%scan3A_352, %dma_wait3A_386] : memref<25x80xi32, #tpu.memory_space<vmem>> -> memref<1x80xi32, #tpu.memory_space<vmem>>
        %dma_wait3A_388 = tpu.memref_squeeze %dma_wait3A_387 : memref<1x80xi32, #tpu.memory_space<vmem>> -> memref<80xi32, #tpu.memory_space<vmem>>
        %dma_wait3A_389 = arith.constant 0 : i32
        %dma_wait3A_390 = arith.constant 0 : i32
        %dma_wait3A_391 = tpu.memref_slice %arg12[%dma_wait3A_389, %dma_wait3A_390] : memref<10240x128xf32, #tpu.memory_space<vmem_shared>> -> memref<10240x128xf32, #tpu.memory_space<vmem_shared>>
        tpu.wait_indirect_dma semaphore(%run_scoped3A : memref<!tpu.dma_semaphore, #tpu.memory_space<semaphore_mem>>) src(%dma_wait3A_385 : memref<80x128xf32, #tpu.memory_space<vmem>>) dst(%dma_wait3A_391 : memref<10240x128xf32, #tpu.memory_space<vmem_shared>>)
        tpu.yield
      }) : () -> ()
    }
    %scan3A_346 = arith.constant 25 : i32
    %barrier3A_347 = arith.constant 0 : index
    tpu.barrier barrier_id(%barrier3A_347)
    %mul3A_348 = arith.constant 640 : i32
    %mul3A_349 = arith.muli %arg1, %mul3A_348 : i32
    %mul3A_350 = arith.constant 640 : i32
    %mul3A_351 = arith.muli %arg1, %mul3A_350 : i32
    "tpu.region"() ({
      %run_scoped3A = tpu.sem_alloc : memref<!tpu.dma_semaphore, #tpu.memory_space<semaphore_mem>>
      %dma_start3A_352 = arith.constant 0 : i32
      %dma_start3A_353 = tpu.memref_slice %arg6[%arg0, %mul3A_351, %dma_start3A_352] : memref<2x10240x128xf32, #tpu.memory_space<hbm>> -> memref<1x640x128xf32, #tpu.memory_space<hbm>>
      %dma_start3A_354 = tpu.memref_squeeze %dma_start3A_353 : memref<1x640x128xf32, #tpu.memory_space<hbm>> -> memref<640x128xf32, #tpu.memory_space<hbm>>
      %dma_start3A_355 = arith.constant 0 : i32
      %dma_start3A_356 = tpu.memref_slice %arg12[%mul3A_349, %dma_start3A_355] : memref<10240x128xf32, #tpu.memory_space<vmem_shared>> -> memref<640x128xf32, #tpu.memory_space<vmem_shared>>
      tpu.enqueue_dma source(%dma_start3A_356 : memref<640x128xf32, #tpu.memory_space<vmem_shared>>) target(%dma_start3A_354 : memref<640x128xf32, #tpu.memory_space<hbm>>) target_semaphore(%run_scoped3A : memref<!tpu.dma_semaphore, #tpu.memory_space<semaphore_mem>>)
      %dma_wait3A_357 = arith.constant 0 : i32
      %dma_wait3A_358 = tpu.memref_slice %arg6[%arg0, %mul3A_351, %dma_wait3A_357] : memref<2x10240x128xf32, #tpu.memory_space<hbm>> -> memref<1x640x128xf32, #tpu.memory_space<hbm>>
      %dma_wait3A_359 = tpu.memref_squeeze %dma_wait3A_358 : memref<1x640x128xf32, #tpu.memory_space<hbm>> -> memref<640x128xf32, #tpu.memory_space<hbm>>
      %dma_wait3A_360 = arith.constant 0 : i32
      %dma_wait3A_361 = tpu.memref_slice %arg12[%mul3A_349, %dma_wait3A_360] : memref<10240x128xf32, #tpu.memory_space<vmem_shared>> -> memref<640x128xf32, #tpu.memory_space<vmem_shared>>
      tpu.wait_dma2 semaphore(%run_scoped3A : memref<!tpu.dma_semaphore, #tpu.memory_space<semaphore_mem>>) src(%dma_wait3A_361 : memref<640x128xf32, #tpu.memory_space<vmem_shared>>) dst(%dma_wait3A_359 : memref<640x128xf32, #tpu.memory_space<hbm>>)
      tpu.yield
    }) : () -> ()
    return
  }
}

module attributes {stable_mosaic.version = 14 : i64} {
  func.func @body(%arg0: i32, %arg1: memref<2000x128xf32, #tpu.memory_space<vmem>>, %arg2: memref<128x8xf32, #tpu.memory_space<vmem>>, %arg3: memref<8x128x128xf32, #tpu.memory_space<vmem>>, %arg4: memref<8x128xf32, #tpu.memory_space<vmem>>, %arg5: memref<2000x128xf32, #tpu.memory_space<vmem>>) attributes {dimension_semantics = [#tpu.dimension_semantics<arbitrary>], iteration_bounds = array<i64: 5>, scalar_prefetch = 0 : i64, scratch_operands = 0 : i64, tpu.core_type = #tpu.core_type<tc>, window_params = [{transform_indices = @transform_0, window_bounds = array<i64: 2000, 128>}, {pipeline_mode = #tpu.pipeline_mode<synchronous>, transform_indices = @transform_1, window_bounds = array<i64: 128, 8>}, {pipeline_mode = #tpu.pipeline_mode<synchronous>, transform_indices = @transform_2, window_bounds = array<i64: 8, 128, 128>}, {pipeline_mode = #tpu.pipeline_mode<synchronous>, transform_indices = @transform_3, window_bounds = array<i64: 8, 128>}, {transform_indices = @transform_4, window_bounds = array<i64: 2000, 128>}]} {
    %get3A = arith.constant 0 : index
    %get3A_0 = arith.constant 0 : index
    %get3A_1 = vector.load %arg1[%get3A, %get3A_0] : memref<2000x128xf32, #tpu.memory_space<vmem>>, vector<2000x128xf32>
    %get3A_2 = arith.constant 0 : index
    %get3A_3 = arith.constant 0 : index
    %get3A_4 = vector.load %arg2[%get3A_2, %get3A_3] : memref<128x8xf32, #tpu.memory_space<vmem>>, vector<128x8xf32>
    %get3A_5 = arith.constant 0 : index
    %get3A_6 = arith.constant 0 : index
    %get3A_7 = arith.constant 0 : index
    %get3A_8 = vector.load %arg3[%get3A_5, %get3A_6, %get3A_7] : memref<8x128x128xf32, #tpu.memory_space<vmem>>, vector<8x128x128xf32>
    %get3A_9 = arith.constant 0 : index
    %get3A_10 = arith.constant 0 : index
    %get3A_11 = vector.load %arg4[%get3A_9, %get3A_10] : memref<8x128xf32, #tpu.memory_space<vmem>>, vector<8x128xf32>
    %dot_general3A = arith.constant dense<0.000000e+00> : vector<2000x8xf32>
    %dot_general3A_12 = tpu.matmul %get3A_1, %get3A_4, %dot_general3A {dimension_numbers = #tpu.dot_dimension_numbers<[1], [0], [0], [1], [0, 0, 1, 1], [], []>, transpose_lhs_hint = false} : vector<2000x128xf32>, vector<128x8xf32>, vector<2000x8xf32> -> vector<2000x8xf32>
    %iota3A = tpu.iota {dimensions = array<i32: 1>} : vector<2000x8xi32>
    %reduce_max3A = arith.constant dense<0xFF800000> : vector<2000xf32>
    %reduce_max3A_13 = vector.multi_reduction <maximumf>, %dot_general3A_12, %reduce_max3A [1] : vector<2000x8xf32> to vector<2000xf32>
    %broadcast_in_dim3A = vector.shape_cast %reduce_max3A_13 : vector<2000xf32> to vector<2000x1xf32>
    %eq3A = vector.broadcast %broadcast_in_dim3A : vector<2000x1xf32> to vector<2000x8xf32>
    %eq3A_14 = arith.cmpf oeq, %dot_general3A_12, %eq3A : vector<2000x8xf32>
    %jit3A = arith.constant 8 : i32
    %broadcast_in_dim3A_15 = vector.broadcast %jit3A : i32 to vector<2000x8xi32>
    %select_n3A = arith.select %eq3A_14, %iota3A, %broadcast_in_dim3A_15 : vector<2000x8xi1>, vector<2000x8xi32>
    %reduce_min3A = arith.constant dense<2147483647> : vector<2000xi32>
    %reduce_min3A_16 = vector.multi_reduction <minsi>, %select_n3A, %reduce_min3A [1] : vector<2000x8xi32> to vector<2000xi32>
    %broadcast_in_dim3A_17 = vector.shape_cast %reduce_min3A_16 : vector<2000xi32> to vector<2000x1xi32>
    %eq3A_18 = vector.broadcast %broadcast_in_dim3A_17 : vector<2000x1xi32> to vector<2000x8xi32>
    %eq3A_19 = arith.cmpi eq, %iota3A, %eq3A_18 : vector<2000x8xi32>
    %jit3A_20 = arith.constant 0xFF800000 : f32
    %broadcast_in_dim3A_21 = vector.broadcast %jit3A_20 : f32 to vector<2000x8xf32>
    %select_n3A_22 = arith.select %eq3A_19, %broadcast_in_dim3A_21, %dot_general3A_12 : vector<2000x8xi1>, vector<2000x8xf32>
    %reduce_max3A_23 = arith.constant dense<0xFF800000> : vector<2000xf32>
    %reduce_max3A_24 = vector.multi_reduction <maximumf>, %select_n3A_22, %reduce_max3A_23 [1] : vector<2000x8xf32> to vector<2000xf32>
    %broadcast_in_dim3A_25 = vector.shape_cast %reduce_max3A_24 : vector<2000xf32> to vector<2000x1xf32>
    %eq3A_26 = vector.broadcast %broadcast_in_dim3A_25 : vector<2000x1xf32> to vector<2000x8xf32>
    %eq3A_27 = arith.cmpf oeq, %select_n3A_22, %eq3A_26 : vector<2000x8xf32>
    %jit3A_28 = arith.constant 8 : i32
    %broadcast_in_dim3A_29 = vector.broadcast %jit3A_28 : i32 to vector<2000x8xi32>
    %select_n3A_30 = arith.select %eq3A_27, %iota3A, %broadcast_in_dim3A_29 : vector<2000x8xi1>, vector<2000x8xi32>
    %reduce_min3A_31 = arith.constant dense<2147483647> : vector<2000xi32>
    %reduce_min3A_32 = vector.multi_reduction <minsi>, %select_n3A_30, %reduce_min3A_31 [1] : vector<2000x8xi32> to vector<2000xi32>
    %broadcast_in_dim3A_33 = vector.shape_cast %reduce_min3A_32 : vector<2000xi32> to vector<2000x1xi32>
    %sub3A = arith.subf %broadcast_in_dim3A_25, %broadcast_in_dim3A : vector<2000x1xf32>
    %exp3A = math.exp %sub3A : vector<2000x1xf32>
    %add3A = arith.constant 1.000000e+00 : f32
    %add3A_34 = vector.broadcast %add3A : f32 to vector<2000x1xf32>
    %add3A_35 = arith.addf %add3A_34, %exp3A : vector<2000x1xf32>
    %div3A = arith.constant 1.000000e+00 : f32
    %div3A_36 = vector.broadcast %div3A : f32 to vector<2000x1xf32>
    %div3A_37 = arith.divf %div3A_36, %add3A_35 : vector<2000x1xf32>
    %eq3A_38 = vector.broadcast %broadcast_in_dim3A_17 : vector<2000x1xi32> to vector<2000x8xi32>
    %eq3A_39 = arith.cmpi eq, %iota3A, %eq3A_38 : vector<2000x8xi32>
    %jit3A_40 = arith.constant 0.000000e+00 : f32
    %broadcast_in_dim3A_41 = vector.shape_cast %div3A_37 : vector<2000x1xf32> to vector<2000x1xf32>
    %broadcast_in_dim3A_42 = vector.broadcast %broadcast_in_dim3A_41 : vector<2000x1xf32> to vector<2000x8xf32>
    %broadcast_in_dim3A_43 = vector.broadcast %jit3A_40 : f32 to vector<2000x8xf32>
    %select_n3A_44 = arith.select %eq3A_39, %broadcast_in_dim3A_42, %broadcast_in_dim3A_43 : vector<2000x8xi1>, vector<2000x8xf32>
    %eq3A_45 = vector.broadcast %broadcast_in_dim3A_33 : vector<2000x1xi32> to vector<2000x8xi32>
    %eq3A_46 = arith.cmpi eq, %iota3A, %eq3A_45 : vector<2000x8xi32>
    %sub3A_47 = arith.constant 1.000000e+00 : f32
    %sub3A_48 = vector.broadcast %sub3A_47 : f32 to vector<2000x1xf32>
    %sub3A_49 = arith.subf %sub3A_48, %div3A_37 : vector<2000x1xf32>
    %jit3A_50 = arith.constant 0.000000e+00 : f32
    %broadcast_in_dim3A_51 = vector.shape_cast %sub3A_49 : vector<2000x1xf32> to vector<2000x1xf32>
    %broadcast_in_dim3A_52 = vector.broadcast %broadcast_in_dim3A_51 : vector<2000x1xf32> to vector<2000x8xf32>
    %broadcast_in_dim3A_53 = vector.broadcast %jit3A_50 : f32 to vector<2000x8xf32>
    %select_n3A_54 = arith.select %eq3A_46, %broadcast_in_dim3A_52, %broadcast_in_dim3A_53 : vector<2000x8xi1>, vector<2000x8xf32>
    %add3A_55 = arith.addf %select_n3A_44, %select_n3A_54 : vector<2000x8xf32>
    %broadcast_in_dim3A_56 = arith.constant 0.000000e+00 : f32
    %broadcast_in_dim3A_57 = vector.broadcast %broadcast_in_dim3A_56 : f32 to vector<2000x128xf32>
    %slice3A = vector.extract_strided_slice %get3A_8 {offsets = [0, 0, 0], sizes = [1, 128, 128], strides = [1, 1, 1]} : vector<8x128x128xf32> to vector<1x128x128xf32>
    %squeeze3A = vector.shape_cast %slice3A : vector<1x128x128xf32> to vector<128x128xf32>
    %dot_general3A_58 = arith.constant dense<0.000000e+00> : vector<2000x128xf32>
    %dot_general3A_59 = tpu.matmul %get3A_1, %squeeze3A, %dot_general3A_58 {dimension_numbers = #tpu.dot_dimension_numbers<[1], [0], [0], [1], [0, 0, 1, 1], [], []>, transpose_lhs_hint = false} : vector<2000x128xf32>, vector<128x128xf32>, vector<2000x128xf32> -> vector<2000x128xf32>
    %slice3A_60 = vector.extract_strided_slice %get3A_11 {offsets = [0, 0], sizes = [1, 128], strides = [1, 1]} : vector<8x128xf32> to vector<1x128xf32>
    %squeeze3A_61 = vector.shape_cast %slice3A_60 : vector<1x128xf32> to vector<128xf32>
    %broadcast_in_dim3A_62 = vector.shape_cast %squeeze3A_61 : vector<128xf32> to vector<1x128xf32>
    %add3A_63 = vector.broadcast %broadcast_in_dim3A_62 : vector<1x128xf32> to vector<2000x128xf32>
    %add3A_64 = arith.addf %dot_general3A_59, %add3A_63 : vector<2000x128xf32>
    %slice3A_65 = vector.extract_strided_slice %add3A_55 {offsets = [0, 0], sizes = [2000, 1], strides = [1, 1]} : vector<2000x8xf32> to vector<2000x1xf32>
    %mul3A = vector.broadcast %slice3A_65 : vector<2000x1xf32> to vector<2000x128xf32>
    %mul3A_66 = arith.mulf %mul3A, %add3A_64 : vector<2000x128xf32>
    %add3A_67 = arith.addf %broadcast_in_dim3A_57, %mul3A_66 : vector<2000x128xf32>
    %slice3A_68 = vector.extract_strided_slice %get3A_8 {offsets = [1, 0, 0], sizes = [1, 128, 128], strides = [1, 1, 1]} : vector<8x128x128xf32> to vector<1x128x128xf32>
    %squeeze3A_69 = vector.shape_cast %slice3A_68 : vector<1x128x128xf32> to vector<128x128xf32>
    %dot_general3A_70 = arith.constant dense<0.000000e+00> : vector<2000x128xf32>
    %dot_general3A_71 = tpu.matmul %get3A_1, %squeeze3A_69, %dot_general3A_70 {dimension_numbers = #tpu.dot_dimension_numbers<[1], [0], [0], [1], [0, 0, 1, 1], [], []>, transpose_lhs_hint = false} : vector<2000x128xf32>, vector<128x128xf32>, vector<2000x128xf32> -> vector<2000x128xf32>
    %slice3A_72 = vector.extract_strided_slice %get3A_11 {offsets = [1, 0], sizes = [1, 128], strides = [1, 1]} : vector<8x128xf32> to vector<1x128xf32>
    %squeeze3A_73 = vector.shape_cast %slice3A_72 : vector<1x128xf32> to vector<128xf32>
    %broadcast_in_dim3A_74 = vector.shape_cast %squeeze3A_73 : vector<128xf32> to vector<1x128xf32>
    %add3A_75 = vector.broadcast %broadcast_in_dim3A_74 : vector<1x128xf32> to vector<2000x128xf32>
    %add3A_76 = arith.addf %dot_general3A_71, %add3A_75 : vector<2000x128xf32>
    %slice3A_77 = vector.extract_strided_slice %add3A_55 {offsets = [0, 1], sizes = [2000, 1], strides = [1, 1]} : vector<2000x8xf32> to vector<2000x1xf32>
    %mul3A_78 = vector.broadcast %slice3A_77 : vector<2000x1xf32> to vector<2000x128xf32>
    %mul3A_79 = arith.mulf %mul3A_78, %add3A_76 : vector<2000x128xf32>
    %add3A_80 = arith.addf %add3A_67, %mul3A_79 : vector<2000x128xf32>
    %slice3A_81 = vector.extract_strided_slice %get3A_8 {offsets = [2, 0, 0], sizes = [1, 128, 128], strides = [1, 1, 1]} : vector<8x128x128xf32> to vector<1x128x128xf32>
    %squeeze3A_82 = vector.shape_cast %slice3A_81 : vector<1x128x128xf32> to vector<128x128xf32>
    %dot_general3A_83 = arith.constant dense<0.000000e+00> : vector<2000x128xf32>
    %dot_general3A_84 = tpu.matmul %get3A_1, %squeeze3A_82, %dot_general3A_83 {dimension_numbers = #tpu.dot_dimension_numbers<[1], [0], [0], [1], [0, 0, 1, 1], [], []>, transpose_lhs_hint = false} : vector<2000x128xf32>, vector<128x128xf32>, vector<2000x128xf32> -> vector<2000x128xf32>
    %slice3A_85 = vector.extract_strided_slice %get3A_11 {offsets = [2, 0], sizes = [1, 128], strides = [1, 1]} : vector<8x128xf32> to vector<1x128xf32>
    %squeeze3A_86 = vector.shape_cast %slice3A_85 : vector<1x128xf32> to vector<128xf32>
    %broadcast_in_dim3A_87 = vector.shape_cast %squeeze3A_86 : vector<128xf32> to vector<1x128xf32>
    %add3A_88 = vector.broadcast %broadcast_in_dim3A_87 : vector<1x128xf32> to vector<2000x128xf32>
    %add3A_89 = arith.addf %dot_general3A_84, %add3A_88 : vector<2000x128xf32>
    %slice3A_90 = vector.extract_strided_slice %add3A_55 {offsets = [0, 2], sizes = [2000, 1], strides = [1, 1]} : vector<2000x8xf32> to vector<2000x1xf32>
    %mul3A_91 = vector.broadcast %slice3A_90 : vector<2000x1xf32> to vector<2000x128xf32>
    %mul3A_92 = arith.mulf %mul3A_91, %add3A_89 : vector<2000x128xf32>
    %add3A_93 = arith.addf %add3A_80, %mul3A_92 : vector<2000x128xf32>
    %slice3A_94 = vector.extract_strided_slice %get3A_8 {offsets = [3, 0, 0], sizes = [1, 128, 128], strides = [1, 1, 1]} : vector<8x128x128xf32> to vector<1x128x128xf32>
    %squeeze3A_95 = vector.shape_cast %slice3A_94 : vector<1x128x128xf32> to vector<128x128xf32>
    %dot_general3A_96 = arith.constant dense<0.000000e+00> : vector<2000x128xf32>
    %dot_general3A_97 = tpu.matmul %get3A_1, %squeeze3A_95, %dot_general3A_96 {dimension_numbers = #tpu.dot_dimension_numbers<[1], [0], [0], [1], [0, 0, 1, 1], [], []>, transpose_lhs_hint = false} : vector<2000x128xf32>, vector<128x128xf32>, vector<2000x128xf32> -> vector<2000x128xf32>
    %slice3A_98 = vector.extract_strided_slice %get3A_11 {offsets = [3, 0], sizes = [1, 128], strides = [1, 1]} : vector<8x128xf32> to vector<1x128xf32>
    %squeeze3A_99 = vector.shape_cast %slice3A_98 : vector<1x128xf32> to vector<128xf32>
    %broadcast_in_dim3A_100 = vector.shape_cast %squeeze3A_99 : vector<128xf32> to vector<1x128xf32>
    %add3A_101 = vector.broadcast %broadcast_in_dim3A_100 : vector<1x128xf32> to vector<2000x128xf32>
    %add3A_102 = arith.addf %dot_general3A_97, %add3A_101 : vector<2000x128xf32>
    %slice3A_103 = vector.extract_strided_slice %add3A_55 {offsets = [0, 3], sizes = [2000, 1], strides = [1, 1]} : vector<2000x8xf32> to vector<2000x1xf32>
    %mul3A_104 = vector.broadcast %slice3A_103 : vector<2000x1xf32> to vector<2000x128xf32>
    %mul3A_105 = arith.mulf %mul3A_104, %add3A_102 : vector<2000x128xf32>
    %add3A_106 = arith.addf %add3A_93, %mul3A_105 : vector<2000x128xf32>
    %slice3A_107 = vector.extract_strided_slice %get3A_8 {offsets = [4, 0, 0], sizes = [1, 128, 128], strides = [1, 1, 1]} : vector<8x128x128xf32> to vector<1x128x128xf32>
    %squeeze3A_108 = vector.shape_cast %slice3A_107 : vector<1x128x128xf32> to vector<128x128xf32>
    %dot_general3A_109 = arith.constant dense<0.000000e+00> : vector<2000x128xf32>
    %dot_general3A_110 = tpu.matmul %get3A_1, %squeeze3A_108, %dot_general3A_109 {dimension_numbers = #tpu.dot_dimension_numbers<[1], [0], [0], [1], [0, 0, 1, 1], [], []>, transpose_lhs_hint = false} : vector<2000x128xf32>, vector<128x128xf32>, vector<2000x128xf32> -> vector<2000x128xf32>
    %slice3A_111 = vector.extract_strided_slice %get3A_11 {offsets = [4, 0], sizes = [1, 128], strides = [1, 1]} : vector<8x128xf32> to vector<1x128xf32>
    %squeeze3A_112 = vector.shape_cast %slice3A_111 : vector<1x128xf32> to vector<128xf32>
    %broadcast_in_dim3A_113 = vector.shape_cast %squeeze3A_112 : vector<128xf32> to vector<1x128xf32>
    %add3A_114 = vector.broadcast %broadcast_in_dim3A_113 : vector<1x128xf32> to vector<2000x128xf32>
    %add3A_115 = arith.addf %dot_general3A_110, %add3A_114 : vector<2000x128xf32>
    %slice3A_116 = vector.extract_strided_slice %add3A_55 {offsets = [0, 4], sizes = [2000, 1], strides = [1, 1]} : vector<2000x8xf32> to vector<2000x1xf32>
    %mul3A_117 = vector.broadcast %slice3A_116 : vector<2000x1xf32> to vector<2000x128xf32>
    %mul3A_118 = arith.mulf %mul3A_117, %add3A_115 : vector<2000x128xf32>
    %add3A_119 = arith.addf %add3A_106, %mul3A_118 : vector<2000x128xf32>
    %slice3A_120 = vector.extract_strided_slice %get3A_8 {offsets = [5, 0, 0], sizes = [1, 128, 128], strides = [1, 1, 1]} : vector<8x128x128xf32> to vector<1x128x128xf32>
    %squeeze3A_121 = vector.shape_cast %slice3A_120 : vector<1x128x128xf32> to vector<128x128xf32>
    %dot_general3A_122 = arith.constant dense<0.000000e+00> : vector<2000x128xf32>
    %dot_general3A_123 = tpu.matmul %get3A_1, %squeeze3A_121, %dot_general3A_122 {dimension_numbers = #tpu.dot_dimension_numbers<[1], [0], [0], [1], [0, 0, 1, 1], [], []>, transpose_lhs_hint = false} : vector<2000x128xf32>, vector<128x128xf32>, vector<2000x128xf32> -> vector<2000x128xf32>
    %slice3A_124 = vector.extract_strided_slice %get3A_11 {offsets = [5, 0], sizes = [1, 128], strides = [1, 1]} : vector<8x128xf32> to vector<1x128xf32>
    %squeeze3A_125 = vector.shape_cast %slice3A_124 : vector<1x128xf32> to vector<128xf32>
    %broadcast_in_dim3A_126 = vector.shape_cast %squeeze3A_125 : vector<128xf32> to vector<1x128xf32>
    %add3A_127 = vector.broadcast %broadcast_in_dim3A_126 : vector<1x128xf32> to vector<2000x128xf32>
    %add3A_128 = arith.addf %dot_general3A_123, %add3A_127 : vector<2000x128xf32>
    %slice3A_129 = vector.extract_strided_slice %add3A_55 {offsets = [0, 5], sizes = [2000, 1], strides = [1, 1]} : vector<2000x8xf32> to vector<2000x1xf32>
    %mul3A_130 = vector.broadcast %slice3A_129 : vector<2000x1xf32> to vector<2000x128xf32>
    %mul3A_131 = arith.mulf %mul3A_130, %add3A_128 : vector<2000x128xf32>
    %add3A_132 = arith.addf %add3A_119, %mul3A_131 : vector<2000x128xf32>
    %slice3A_133 = vector.extract_strided_slice %get3A_8 {offsets = [6, 0, 0], sizes = [1, 128, 128], strides = [1, 1, 1]} : vector<8x128x128xf32> to vector<1x128x128xf32>
    %squeeze3A_134 = vector.shape_cast %slice3A_133 : vector<1x128x128xf32> to vector<128x128xf32>
    %dot_general3A_135 = arith.constant dense<0.000000e+00> : vector<2000x128xf32>
    %dot_general3A_136 = tpu.matmul %get3A_1, %squeeze3A_134, %dot_general3A_135 {dimension_numbers = #tpu.dot_dimension_numbers<[1], [0], [0], [1], [0, 0, 1, 1], [], []>, transpose_lhs_hint = false} : vector<2000x128xf32>, vector<128x128xf32>, vector<2000x128xf32> -> vector<2000x128xf32>
    %slice3A_137 = vector.extract_strided_slice %get3A_11 {offsets = [6, 0], sizes = [1, 128], strides = [1, 1]} : vector<8x128xf32> to vector<1x128xf32>
    %squeeze3A_138 = vector.shape_cast %slice3A_137 : vector<1x128xf32> to vector<128xf32>
    %broadcast_in_dim3A_139 = vector.shape_cast %squeeze3A_138 : vector<128xf32> to vector<1x128xf32>
    %add3A_140 = vector.broadcast %broadcast_in_dim3A_139 : vector<1x128xf32> to vector<2000x128xf32>
    %add3A_141 = arith.addf %dot_general3A_136, %add3A_140 : vector<2000x128xf32>
    %slice3A_142 = vector.extract_strided_slice %add3A_55 {offsets = [0, 6], sizes = [2000, 1], strides = [1, 1]} : vector<2000x8xf32> to vector<2000x1xf32>
    %mul3A_143 = vector.broadcast %slice3A_142 : vector<2000x1xf32> to vector<2000x128xf32>
    %mul3A_144 = arith.mulf %mul3A_143, %add3A_141 : vector<2000x128xf32>
    %add3A_145 = arith.addf %add3A_132, %mul3A_144 : vector<2000x128xf32>
    %slice3A_146 = vector.extract_strided_slice %get3A_8 {offsets = [7, 0, 0], sizes = [1, 128, 128], strides = [1, 1, 1]} : vector<8x128x128xf32> to vector<1x128x128xf32>
    %squeeze3A_147 = vector.shape_cast %slice3A_146 : vector<1x128x128xf32> to vector<128x128xf32>
    %dot_general3A_148 = arith.constant dense<0.000000e+00> : vector<2000x128xf32>
    %dot_general3A_149 = tpu.matmul %get3A_1, %squeeze3A_147, %dot_general3A_148 {dimension_numbers = #tpu.dot_dimension_numbers<[1], [0], [0], [1], [0, 0, 1, 1], [], []>, transpose_lhs_hint = false} : vector<2000x128xf32>, vector<128x128xf32>, vector<2000x128xf32> -> vector<2000x128xf32>
    %slice3A_150 = vector.extract_strided_slice %get3A_11 {offsets = [7, 0], sizes = [1, 128], strides = [1, 1]} : vector<8x128xf32> to vector<1x128xf32>
    %squeeze3A_151 = vector.shape_cast %slice3A_150 : vector<1x128xf32> to vector<128xf32>
    %broadcast_in_dim3A_152 = vector.shape_cast %squeeze3A_151 : vector<128xf32> to vector<1x128xf32>
    %add3A_153 = vector.broadcast %broadcast_in_dim3A_152 : vector<1x128xf32> to vector<2000x128xf32>
    %add3A_154 = arith.addf %dot_general3A_149, %add3A_153 : vector<2000x128xf32>
    %slice3A_155 = vector.extract_strided_slice %add3A_55 {offsets = [0, 7], sizes = [2000, 1], strides = [1, 1]} : vector<2000x8xf32> to vector<2000x1xf32>
    %mul3A_156 = vector.broadcast %slice3A_155 : vector<2000x1xf32> to vector<2000x128xf32>
    %mul3A_157 = arith.mulf %mul3A_156, %add3A_154 : vector<2000x128xf32>
    %add3A_158 = arith.addf %add3A_145, %mul3A_157 : vector<2000x128xf32>
    %swap3A = arith.constant 0 : index
    %swap3A_159 = arith.constant 0 : index
    %swap3A_160 = vector.load %arg5[%swap3A, %swap3A_159] : memref<2000x128xf32, #tpu.memory_space<vmem>>, vector<2000x128xf32>
    tpu.vector_store %arg5[%swap3A, %swap3A_159], %add3A_158 {strides = array<i32>} : memref<2000x128xf32, #tpu.memory_space<vmem>>, vector<2000x128xf32>,
    return
  }
  func.func @transform_0(%arg0: i32) -> (i32, i32) {
    %c0_i32 = arith.constant 0 : i32
    %c0_i32_0 = arith.constant 0 : i32
    return %arg0, %c0_i32 : i32, i32
  }
  func.func @transform_1(%arg0: i32) -> (i32, i32) {
    %c0_i32 = arith.constant 0 : i32
    %c0_i32_0 = arith.constant 0 : i32
    %c0_i32_1 = arith.constant 0 : i32
    return %c0_i32, %c0_i32_0 : i32, i32
  }
  func.func @transform_2(%arg0: i32) -> (i32, i32, i32) {
    %c0_i32 = arith.constant 0 : i32
    %c0_i32_0 = arith.constant 0 : i32
    %c0_i32_1 = arith.constant 0 : i32
    %c0_i32_2 = arith.constant 0 : i32
    return %c0_i32, %c0_i32_0, %c0_i32_1 : i32, i32, i32
  }
  func.func @transform_3(%arg0: i32) -> (i32, i32) {
    %c0_i32 = arith.constant 0 : i32
    %c0_i32_0 = arith.constant 0 : i32
    %c0_i32_1 = arith.constant 0 : i32
    return %c0_i32, %c0_i32_0 : i32, i32
  }
  func.func @transform_4(%arg0: i32) -> (i32, i32) {
    %c0_i32 = arith.constant 0 : i32
    %c0_i32_0 = arith.constant 0 : i32
    return %arg0, %c0_i32 : i32, i32
  }
}

module attributes {stable_mosaic.version = 14 : i64} {
  func.func @body(%arg0: i32, %arg1: memref<2000x128xf32, #tpu.memory_space<vmem>>, %arg2: memref<2000x1xf32, #tpu.memory_space<vmem>>, %arg3: memref<2000x1xf32, #tpu.memory_space<vmem>>, %arg4: memref<2000x128xf32, #tpu.memory_space<vmem>>, %arg5: memref<2000x1xf32, #tpu.memory_space<vmem>>) attributes {dimension_semantics = [#tpu.dimension_semantics<arbitrary>], iteration_bounds = array<i64: 5>, scalar_prefetch = 0 : i64, scratch_operands = 0 : i64, tpu.core_type = #tpu.core_type<tc>, window_params = [{transform_indices = @transform_0, window_bounds = array<i64: 2000, 128>}, {transform_indices = @transform_1, window_bounds = array<i64: 2000, 1>}, {transform_indices = @transform_2, window_bounds = array<i64: 2000, 1>}, {transform_indices = @transform_3, window_bounds = array<i64: 2000, 128>}, {transform_indices = @transform_4, window_bounds = array<i64: 2000, 1>}]} {
    %get3A = arith.constant 0 : index
    %get3A_0 = arith.constant 0 : index
    %get3A_1 = vector.load %arg2[%get3A, %get3A_0] : memref<2000x1xf32, #tpu.memory_space<vmem>>, vector<2000x1xf32>
    %get3A_2 = arith.constant 0 : index
    %get3A_3 = arith.constant 0 : index
    %get3A_4 = vector.load %arg3[%get3A_2, %get3A_3] : memref<2000x1xf32, #tpu.memory_space<vmem>>, vector<2000x1xf32>
    %add3A = arith.addf %get3A_1, %get3A_4 : vector<2000x1xf32>
    %add3A_5 = arith.constant 1.000000e+00 : f32
    %add3A_6 = vector.broadcast %add3A_5 : f32 to vector<2000x1xf32>
    %add3A_7 = arith.addf %add3A, %add3A_6 : vector<2000x1xf32>
    %rsqrt3A = math.rsqrt %add3A_7 : vector<2000x1xf32>
    %get3A_8 = arith.constant 0 : index
    %get3A_9 = arith.constant 0 : index
    %get3A_10 = vector.load %arg1[%get3A_8, %get3A_9] : memref<2000x128xf32, #tpu.memory_space<vmem>>, vector<2000x128xf32>
    %mul3A = vector.broadcast %rsqrt3A : vector<2000x1xf32> to vector<2000x128xf32>
    %mul3A_11 = arith.mulf %get3A_10, %mul3A : vector<2000x128xf32>
    %swap3A = arith.constant 0 : index
    %swap3A_12 = arith.constant 0 : index
    %swap3A_13 = vector.load %arg4[%swap3A, %swap3A_12] : memref<2000x128xf32, #tpu.memory_space<vmem>>, vector<2000x128xf32>
    tpu.vector_store %arg4[%swap3A, %swap3A_12], %mul3A_11 {strides = array<i32>} : memref<2000x128xf32, #tpu.memory_space<vmem>>, vector<2000x128xf32>,
    %swap3A_14 = arith.constant 0 : index
    %swap3A_15 = arith.constant 0 : index
    %swap3A_16 = vector.load %arg5[%swap3A_14, %swap3A_15] : memref<2000x1xf32, #tpu.memory_space<vmem>>, vector<2000x1xf32>
    tpu.vector_store %arg5[%swap3A_14, %swap3A_15], %rsqrt3A {strides = array<i32>} : memref<2000x1xf32, #tpu.memory_space<vmem>>, vector<2000x1xf32>,
    return
  }
  func.func @transform_0(%arg0: i32) -> (i32, i32) {
    %c0_i32 = arith.constant 0 : i32
    %c0_i32_0 = arith.constant 0 : i32
    return %arg0, %c0_i32 : i32, i32
  }
  func.func @transform_1(%arg0: i32) -> (i32, i32) {
    %c0_i32 = arith.constant 0 : i32
    %c0_i32_0 = arith.constant 0 : i32
    return %arg0, %c0_i32 : i32, i32
  }
  func.func @transform_2(%arg0: i32) -> (i32, i32) {
    %c0_i32 = arith.constant 0 : i32
    %c0_i32_0 = arith.constant 0 : i32
    return %arg0, %c0_i32 : i32, i32
  }
  func.func @transform_3(%arg0: i32) -> (i32, i32) {
    %c0_i32 = arith.constant 0 : i32
    %c0_i32_0 = arith.constant 0 : i32
    return %arg0, %c0_i32 : i32, i32
  }
  func.func @transform_4(%arg0: i32) -> (i32, i32) {
    %c0_i32 = arith.constant 0 : i32
    %c0_i32_0 = arith.constant 0 : i32
    return %arg0, %c0_i32 : i32, i32
  }
}

module attributes {stable_mosaic.version = 14 : i64} {
  func.func @body(%arg0: i32, %arg1: memref<2000x128xf32, #tpu.memory_space<vmem>>, %arg2: memref<2000x128xf32, #tpu.memory_space<vmem>>, %arg3: memref<2000x128xf32, #tpu.memory_space<vmem>>, %arg4: memref<2000x1xf32, #tpu.memory_space<vmem>>, %arg5: memref<128x8xf32, #tpu.memory_space<vmem>>, %arg6: memref<8x128x128xf32, #tpu.memory_space<vmem>>, %arg7: memref<8x128xf32, #tpu.memory_space<vmem>>, %arg8: memref<2000x128xf32, #tpu.memory_space<vmem>>, %arg9: memref<2000x128xf32, #tpu.memory_space<vmem>>) attributes {dimension_semantics = [#tpu.dimension_semantics<arbitrary>], iteration_bounds = array<i64: 5>, scalar_prefetch = 0 : i64, scratch_operands = 0 : i64, tpu.core_type = #tpu.core_type<tc>, window_params = [{transform_indices = @transform_0, window_bounds = array<i64: 2000, 128>}, {transform_indices = @transform_1, window_bounds = array<i64: 2000, 128>}, {transform_indices = @transform_2, window_bounds = array<i64: 2000, 128>}, {transform_indices = @transform_3, window_bounds = array<i64: 2000, 1>}, {pipeline_mode = #tpu.pipeline_mode<synchronous>, transform_indices = @transform_4, window_bounds = array<i64: 128, 8>}, {pipeline_mode = #tpu.pipeline_mode<synchronous>, transform_indices = @transform_5, window_bounds = array<i64: 8, 128, 128>}, {pipeline_mode = #tpu.pipeline_mode<synchronous>, transform_indices = @transform_6, window_bounds = array<i64: 8, 128>}, {transform_indices = @transform_7, window_bounds = array<i64: 2000, 128>}, {transform_indices = @transform_8, window_bounds = array<i64: 2000, 128>}]} {
    %get3A = arith.constant 0 : index
    %get3A_0 = arith.constant 0 : index
    %get3A_1 = vector.load %arg4[%get3A, %get3A_0] : memref<2000x1xf32, #tpu.memory_space<vmem>>, vector<2000x1xf32>
    %get3A_2 = arith.constant 0 : index
    %get3A_3 = arith.constant 0 : index
    %get3A_4 = vector.load %arg1[%get3A_2, %get3A_3] : memref<2000x128xf32, #tpu.memory_space<vmem>>, vector<2000x128xf32>
    %get3A_5 = arith.constant 0 : index
    %get3A_6 = arith.constant 0 : index
    %get3A_7 = vector.load %arg2[%get3A_5, %get3A_6] : memref<2000x128xf32, #tpu.memory_space<vmem>>, vector<2000x128xf32>
    %add3A = arith.addf %get3A_4, %get3A_7 : vector<2000x128xf32>
    %get3A_8 = arith.constant 0 : index
    %get3A_9 = arith.constant 0 : index
    %get3A_10 = vector.load %arg3[%get3A_8, %get3A_9] : memref<2000x128xf32, #tpu.memory_space<vmem>>, vector<2000x128xf32>
    %add3A_11 = arith.addf %add3A, %get3A_10 : vector<2000x128xf32>
    %mul3A = vector.broadcast %get3A_1 : vector<2000x1xf32> to vector<2000x128xf32>
    %mul3A_12 = arith.mulf %add3A_11, %mul3A : vector<2000x128xf32>
    %swap3A = arith.constant 0 : index
    %swap3A_13 = arith.constant 0 : index
    %swap3A_14 = vector.load %arg8[%swap3A, %swap3A_13] : memref<2000x128xf32, #tpu.memory_space<vmem>>, vector<2000x128xf32>
    tpu.vector_store %arg8[%swap3A, %swap3A_13], %mul3A_12 {strides = array<i32>} : memref<2000x128xf32, #tpu.memory_space<vmem>>, vector<2000x128xf32>,
    %get3A_15 = arith.constant 0 : index
    %get3A_16 = arith.constant 0 : index
    %get3A_17 = vector.load %arg5[%get3A_15, %get3A_16] : memref<128x8xf32, #tpu.memory_space<vmem>>, vector<128x8xf32>
    %get3A_18 = arith.constant 0 : index
    %get3A_19 = arith.constant 0 : index
    %get3A_20 = arith.constant 0 : index
    %get3A_21 = vector.load %arg6[%get3A_18, %get3A_19, %get3A_20] : memref<8x128x128xf32, #tpu.memory_space<vmem>>, vector<8x128x128xf32>
    %get3A_22 = arith.constant 0 : index
    %get3A_23 = arith.constant 0 : index
    %get3A_24 = vector.load %arg7[%get3A_22, %get3A_23] : memref<8x128xf32, #tpu.memory_space<vmem>>, vector<8x128xf32>
    %dot_general3A = arith.constant dense<0.000000e+00> : vector<2000x8xf32>
    %dot_general3A_25 = tpu.matmul %mul3A_12, %get3A_17, %dot_general3A {dimension_numbers = #tpu.dot_dimension_numbers<[1], [0], [0], [1], [0, 0, 1, 1], [], []>, transpose_lhs_hint = false} : vector<2000x128xf32>, vector<128x8xf32>, vector<2000x8xf32> -> vector<2000x8xf32>
    %iota3A = tpu.iota {dimensions = array<i32: 1>} : vector<2000x8xi32>
    %reduce_max3A = arith.constant dense<0xFF800000> : vector<2000xf32>
    %reduce_max3A_26 = vector.multi_reduction <maximumf>, %dot_general3A_25, %reduce_max3A [1] : vector<2000x8xf32> to vector<2000xf32>
    %broadcast_in_dim3A = vector.shape_cast %reduce_max3A_26 : vector<2000xf32> to vector<2000x1xf32>
    %eq3A = vector.broadcast %broadcast_in_dim3A : vector<2000x1xf32> to vector<2000x8xf32>
    %eq3A_27 = arith.cmpf oeq, %dot_general3A_25, %eq3A : vector<2000x8xf32>
    %jit3A = arith.constant 8 : i32
    %broadcast_in_dim3A_28 = vector.broadcast %jit3A : i32 to vector<2000x8xi32>
    %select_n3A = arith.select %eq3A_27, %iota3A, %broadcast_in_dim3A_28 : vector<2000x8xi1>, vector<2000x8xi32>
    %reduce_min3A = arith.constant dense<2147483647> : vector<2000xi32>
    %reduce_min3A_29 = vector.multi_reduction <minsi>, %select_n3A, %reduce_min3A [1] : vector<2000x8xi32> to vector<2000xi32>
    %broadcast_in_dim3A_30 = vector.shape_cast %reduce_min3A_29 : vector<2000xi32> to vector<2000x1xi32>
    %eq3A_31 = vector.broadcast %broadcast_in_dim3A_30 : vector<2000x1xi32> to vector<2000x8xi32>
    %eq3A_32 = arith.cmpi eq, %iota3A, %eq3A_31 : vector<2000x8xi32>
    %jit3A_33 = arith.constant 0xFF800000 : f32
    %broadcast_in_dim3A_34 = vector.broadcast %jit3A_33 : f32 to vector<2000x8xf32>
    %select_n3A_35 = arith.select %eq3A_32, %broadcast_in_dim3A_34, %dot_general3A_25 : vector<2000x8xi1>, vector<2000x8xf32>
    %reduce_max3A_36 = arith.constant dense<0xFF800000> : vector<2000xf32>
    %reduce_max3A_37 = vector.multi_reduction <maximumf>, %select_n3A_35, %reduce_max3A_36 [1] : vector<2000x8xf32> to vector<2000xf32>
    %broadcast_in_dim3A_38 = vector.shape_cast %reduce_max3A_37 : vector<2000xf32> to vector<2000x1xf32>
    %eq3A_39 = vector.broadcast %broadcast_in_dim3A_38 : vector<2000x1xf32> to vector<2000x8xf32>
    %eq3A_40 = arith.cmpf oeq, %select_n3A_35, %eq3A_39 : vector<2000x8xf32>
    %jit3A_41 = arith.constant 8 : i32
    %broadcast_in_dim3A_42 = vector.broadcast %jit3A_41 : i32 to vector<2000x8xi32>
    %select_n3A_43 = arith.select %eq3A_40, %iota3A, %broadcast_in_dim3A_42 : vector<2000x8xi1>, vector<2000x8xi32>
    %reduce_min3A_44 = arith.constant dense<2147483647> : vector<2000xi32>
    %reduce_min3A_45 = vector.multi_reduction <minsi>, %select_n3A_43, %reduce_min3A_44 [1] : vector<2000x8xi32> to vector<2000xi32>
    %broadcast_in_dim3A_46 = vector.shape_cast %reduce_min3A_45 : vector<2000xi32> to vector<2000x1xi32>
    %sub3A = arith.subf %broadcast_in_dim3A_38, %broadcast_in_dim3A : vector<2000x1xf32>
    %exp3A = math.exp %sub3A : vector<2000x1xf32>
    %add3A_47 = arith.constant 1.000000e+00 : f32
    %add3A_48 = vector.broadcast %add3A_47 : f32 to vector<2000x1xf32>
    %add3A_49 = arith.addf %add3A_48, %exp3A : vector<2000x1xf32>
    %div3A = arith.constant 1.000000e+00 : f32
    %div3A_50 = vector.broadcast %div3A : f32 to vector<2000x1xf32>
    %div3A_51 = arith.divf %div3A_50, %add3A_49 : vector<2000x1xf32>
    %eq3A_52 = vector.broadcast %broadcast_in_dim3A_30 : vector<2000x1xi32> to vector<2000x8xi32>
    %eq3A_53 = arith.cmpi eq, %iota3A, %eq3A_52 : vector<2000x8xi32>
    %jit3A_54 = arith.constant 0.000000e+00 : f32
    %broadcast_in_dim3A_55 = vector.shape_cast %div3A_51 : vector<2000x1xf32> to vector<2000x1xf32>
    %broadcast_in_dim3A_56 = vector.broadcast %broadcast_in_dim3A_55 : vector<2000x1xf32> to vector<2000x8xf32>
    %broadcast_in_dim3A_57 = vector.broadcast %jit3A_54 : f32 to vector<2000x8xf32>
    %select_n3A_58 = arith.select %eq3A_53, %broadcast_in_dim3A_56, %broadcast_in_dim3A_57 : vector<2000x8xi1>, vector<2000x8xf32>
    %eq3A_59 = vector.broadcast %broadcast_in_dim3A_46 : vector<2000x1xi32> to vector<2000x8xi32>
    %eq3A_60 = arith.cmpi eq, %iota3A, %eq3A_59 : vector<2000x8xi32>
    %sub3A_61 = arith.constant 1.000000e+00 : f32
    %sub3A_62 = vector.broadcast %sub3A_61 : f32 to vector<2000x1xf32>
    %sub3A_63 = arith.subf %sub3A_62, %div3A_51 : vector<2000x1xf32>
    %jit3A_64 = arith.constant 0.000000e+00 : f32
    %broadcast_in_dim3A_65 = vector.shape_cast %sub3A_63 : vector<2000x1xf32> to vector<2000x1xf32>
    %broadcast_in_dim3A_66 = vector.broadcast %broadcast_in_dim3A_65 : vector<2000x1xf32> to vector<2000x8xf32>
    %broadcast_in_dim3A_67 = vector.broadcast %jit3A_64 : f32 to vector<2000x8xf32>
    %select_n3A_68 = arith.select %eq3A_60, %broadcast_in_dim3A_66, %broadcast_in_dim3A_67 : vector<2000x8xi1>, vector<2000x8xf32>
    %add3A_69 = arith.addf %select_n3A_58, %select_n3A_68 : vector<2000x8xf32>
    %broadcast_in_dim3A_70 = arith.constant 0.000000e+00 : f32
    %broadcast_in_dim3A_71 = vector.broadcast %broadcast_in_dim3A_70 : f32 to vector<2000x128xf32>
    %slice3A = vector.extract_strided_slice %get3A_21 {offsets = [0, 0, 0], sizes = [1, 128, 128], strides = [1, 1, 1]} : vector<8x128x128xf32> to vector<1x128x128xf32>
    %squeeze3A = vector.shape_cast %slice3A : vector<1x128x128xf32> to vector<128x128xf32>
    %dot_general3A_72 = arith.constant dense<0.000000e+00> : vector<2000x128xf32>
    %dot_general3A_73 = tpu.matmul %mul3A_12, %squeeze3A, %dot_general3A_72 {dimension_numbers = #tpu.dot_dimension_numbers<[1], [0], [0], [1], [0, 0, 1, 1], [], []>, transpose_lhs_hint = false} : vector<2000x128xf32>, vector<128x128xf32>, vector<2000x128xf32> -> vector<2000x128xf32>
    %slice3A_74 = vector.extract_strided_slice %get3A_24 {offsets = [0, 0], sizes = [1, 128], strides = [1, 1]} : vector<8x128xf32> to vector<1x128xf32>
    %squeeze3A_75 = vector.shape_cast %slice3A_74 : vector<1x128xf32> to vector<128xf32>
    %broadcast_in_dim3A_76 = vector.shape_cast %squeeze3A_75 : vector<128xf32> to vector<1x128xf32>
    %add3A_77 = vector.broadcast %broadcast_in_dim3A_76 : vector<1x128xf32> to vector<2000x128xf32>
    %add3A_78 = arith.addf %dot_general3A_73, %add3A_77 : vector<2000x128xf32>
    %slice3A_79 = vector.extract_strided_slice %add3A_69 {offsets = [0, 0], sizes = [2000, 1], strides = [1, 1]} : vector<2000x8xf32> to vector<2000x1xf32>
    %mul3A_80 = vector.broadcast %slice3A_79 : vector<2000x1xf32> to vector<2000x128xf32>
    %mul3A_81 = arith.mulf %mul3A_80, %add3A_78 : vector<2000x128xf32>
    %add3A_82 = arith.addf %broadcast_in_dim3A_71, %mul3A_81 : vector<2000x128xf32>
    %slice3A_83 = vector.extract_strided_slice %get3A_21 {offsets = [1, 0, 0], sizes = [1, 128, 128], strides = [1, 1, 1]} : vector<8x128x128xf32> to vector<1x128x128xf32>
    %squeeze3A_84 = vector.shape_cast %slice3A_83 : vector<1x128x128xf32> to vector<128x128xf32>
    %dot_general3A_85 = arith.constant dense<0.000000e+00> : vector<2000x128xf32>
    %dot_general3A_86 = tpu.matmul %mul3A_12, %squeeze3A_84, %dot_general3A_85 {dimension_numbers = #tpu.dot_dimension_numbers<[1], [0], [0], [1], [0, 0, 1, 1], [], []>, transpose_lhs_hint = false} : vector<2000x128xf32>, vector<128x128xf32>, vector<2000x128xf32> -> vector<2000x128xf32>
    %slice3A_87 = vector.extract_strided_slice %get3A_24 {offsets = [1, 0], sizes = [1, 128], strides = [1, 1]} : vector<8x128xf32> to vector<1x128xf32>
    %squeeze3A_88 = vector.shape_cast %slice3A_87 : vector<1x128xf32> to vector<128xf32>
    %broadcast_in_dim3A_89 = vector.shape_cast %squeeze3A_88 : vector<128xf32> to vector<1x128xf32>
    %add3A_90 = vector.broadcast %broadcast_in_dim3A_89 : vector<1x128xf32> to vector<2000x128xf32>
    %add3A_91 = arith.addf %dot_general3A_86, %add3A_90 : vector<2000x128xf32>
    %slice3A_92 = vector.extract_strided_slice %add3A_69 {offsets = [0, 1], sizes = [2000, 1], strides = [1, 1]} : vector<2000x8xf32> to vector<2000x1xf32>
    %mul3A_93 = vector.broadcast %slice3A_92 : vector<2000x1xf32> to vector<2000x128xf32>
    %mul3A_94 = arith.mulf %mul3A_93, %add3A_91 : vector<2000x128xf32>
    %add3A_95 = arith.addf %add3A_82, %mul3A_94 : vector<2000x128xf32>
    %slice3A_96 = vector.extract_strided_slice %get3A_21 {offsets = [2, 0, 0], sizes = [1, 128, 128], strides = [1, 1, 1]} : vector<8x128x128xf32> to vector<1x128x128xf32>
    %squeeze3A_97 = vector.shape_cast %slice3A_96 : vector<1x128x128xf32> to vector<128x128xf32>
    %dot_general3A_98 = arith.constant dense<0.000000e+00> : vector<2000x128xf32>
    %dot_general3A_99 = tpu.matmul %mul3A_12, %squeeze3A_97, %dot_general3A_98 {dimension_numbers = #tpu.dot_dimension_numbers<[1], [0], [0], [1], [0, 0, 1, 1], [], []>, transpose_lhs_hint = false} : vector<2000x128xf32>, vector<128x128xf32>, vector<2000x128xf32> -> vector<2000x128xf32>
    %slice3A_100 = vector.extract_strided_slice %get3A_24 {offsets = [2, 0], sizes = [1, 128], strides = [1, 1]} : vector<8x128xf32> to vector<1x128xf32>
    %squeeze3A_101 = vector.shape_cast %slice3A_100 : vector<1x128xf32> to vector<128xf32>
    %broadcast_in_dim3A_102 = vector.shape_cast %squeeze3A_101 : vector<128xf32> to vector<1x128xf32>
    %add3A_103 = vector.broadcast %broadcast_in_dim3A_102 : vector<1x128xf32> to vector<2000x128xf32>
    %add3A_104 = arith.addf %dot_general3A_99, %add3A_103 : vector<2000x128xf32>
    %slice3A_105 = vector.extract_strided_slice %add3A_69 {offsets = [0, 2], sizes = [2000, 1], strides = [1, 1]} : vector<2000x8xf32> to vector<2000x1xf32>
    %mul3A_106 = vector.broadcast %slice3A_105 : vector<2000x1xf32> to vector<2000x128xf32>
    %mul3A_107 = arith.mulf %mul3A_106, %add3A_104 : vector<2000x128xf32>
    %add3A_108 = arith.addf %add3A_95, %mul3A_107 : vector<2000x128xf32>
    %slice3A_109 = vector.extract_strided_slice %get3A_21 {offsets = [3, 0, 0], sizes = [1, 128, 128], strides = [1, 1, 1]} : vector<8x128x128xf32> to vector<1x128x128xf32>
    %squeeze3A_110 = vector.shape_cast %slice3A_109 : vector<1x128x128xf32> to vector<128x128xf32>
    %dot_general3A_111 = arith.constant dense<0.000000e+00> : vector<2000x128xf32>
    %dot_general3A_112 = tpu.matmul %mul3A_12, %squeeze3A_110, %dot_general3A_111 {dimension_numbers = #tpu.dot_dimension_numbers<[1], [0], [0], [1], [0, 0, 1, 1], [], []>, transpose_lhs_hint = false} : vector<2000x128xf32>, vector<128x128xf32>, vector<2000x128xf32> -> vector<2000x128xf32>
    %slice3A_113 = vector.extract_strided_slice %get3A_24 {offsets = [3, 0], sizes = [1, 128], strides = [1, 1]} : vector<8x128xf32> to vector<1x128xf32>
    %squeeze3A_114 = vector.shape_cast %slice3A_113 : vector<1x128xf32> to vector<128xf32>
    %broadcast_in_dim3A_115 = vector.shape_cast %squeeze3A_114 : vector<128xf32> to vector<1x128xf32>
    %add3A_116 = vector.broadcast %broadcast_in_dim3A_115 : vector<1x128xf32> to vector<2000x128xf32>
    %add3A_117 = arith.addf %dot_general3A_112, %add3A_116 : vector<2000x128xf32>
    %slice3A_118 = vector.extract_strided_slice %add3A_69 {offsets = [0, 3], sizes = [2000, 1], strides = [1, 1]} : vector<2000x8xf32> to vector<2000x1xf32>
    %mul3A_119 = vector.broadcast %slice3A_118 : vector<2000x1xf32> to vector<2000x128xf32>
    %mul3A_120 = arith.mulf %mul3A_119, %add3A_117 : vector<2000x128xf32>
    %add3A_121 = arith.addf %add3A_108, %mul3A_120 : vector<2000x128xf32>
    %slice3A_122 = vector.extract_strided_slice %get3A_21 {offsets = [4, 0, 0], sizes = [1, 128, 128], strides = [1, 1, 1]} : vector<8x128x128xf32> to vector<1x128x128xf32>
    %squeeze3A_123 = vector.shape_cast %slice3A_122 : vector<1x128x128xf32> to vector<128x128xf32>
    %dot_general3A_124 = arith.constant dense<0.000000e+00> : vector<2000x128xf32>
    %dot_general3A_125 = tpu.matmul %mul3A_12, %squeeze3A_123, %dot_general3A_124 {dimension_numbers = #tpu.dot_dimension_numbers<[1], [0], [0], [1], [0, 0, 1, 1], [], []>, transpose_lhs_hint = false} : vector<2000x128xf32>, vector<128x128xf32>, vector<2000x128xf32> -> vector<2000x128xf32>
    %slice3A_126 = vector.extract_strided_slice %get3A_24 {offsets = [4, 0], sizes = [1, 128], strides = [1, 1]} : vector<8x128xf32> to vector<1x128xf32>
    %squeeze3A_127 = vector.shape_cast %slice3A_126 : vector<1x128xf32> to vector<128xf32>
    %broadcast_in_dim3A_128 = vector.shape_cast %squeeze3A_127 : vector<128xf32> to vector<1x128xf32>
    %add3A_129 = vector.broadcast %broadcast_in_dim3A_128 : vector<1x128xf32> to vector<2000x128xf32>
    %add3A_130 = arith.addf %dot_general3A_125, %add3A_129 : vector<2000x128xf32>
    %slice3A_131 = vector.extract_strided_slice %add3A_69 {offsets = [0, 4], sizes = [2000, 1], strides = [1, 1]} : vector<2000x8xf32> to vector<2000x1xf32>
    %mul3A_132 = vector.broadcast %slice3A_131 : vector<2000x1xf32> to vector<2000x128xf32>
    %mul3A_133 = arith.mulf %mul3A_132, %add3A_130 : vector<2000x128xf32>
    %add3A_134 = arith.addf %add3A_121, %mul3A_133 : vector<2000x128xf32>
    %slice3A_135 = vector.extract_strided_slice %get3A_21 {offsets = [5, 0, 0], sizes = [1, 128, 128], strides = [1, 1, 1]} : vector<8x128x128xf32> to vector<1x128x128xf32>
    %squeeze3A_136 = vector.shape_cast %slice3A_135 : vector<1x128x128xf32> to vector<128x128xf32>
    %dot_general3A_137 = arith.constant dense<0.000000e+00> : vector<2000x128xf32>
    %dot_general3A_138 = tpu.matmul %mul3A_12, %squeeze3A_136, %dot_general3A_137 {dimension_numbers = #tpu.dot_dimension_numbers<[1], [0], [0], [1], [0, 0, 1, 1], [], []>, transpose_lhs_hint = false} : vector<2000x128xf32>, vector<128x128xf32>, vector<2000x128xf32> -> vector<2000x128xf32>
    %slice3A_139 = vector.extract_strided_slice %get3A_24 {offsets = [5, 0], sizes = [1, 128], strides = [1, 1]} : vector<8x128xf32> to vector<1x128xf32>
    %squeeze3A_140 = vector.shape_cast %slice3A_139 : vector<1x128xf32> to vector<128xf32>
    %broadcast_in_dim3A_141 = vector.shape_cast %squeeze3A_140 : vector<128xf32> to vector<1x128xf32>
    %add3A_142 = vector.broadcast %broadcast_in_dim3A_141 : vector<1x128xf32> to vector<2000x128xf32>
    %add3A_143 = arith.addf %dot_general3A_138, %add3A_142 : vector<2000x128xf32>
    %slice3A_144 = vector.extract_strided_slice %add3A_69 {offsets = [0, 5], sizes = [2000, 1], strides = [1, 1]} : vector<2000x8xf32> to vector<2000x1xf32>
    %mul3A_145 = vector.broadcast %slice3A_144 : vector<2000x1xf32> to vector<2000x128xf32>
    %mul3A_146 = arith.mulf %mul3A_145, %add3A_143 : vector<2000x128xf32>
    %add3A_147 = arith.addf %add3A_134, %mul3A_146 : vector<2000x128xf32>
    %slice3A_148 = vector.extract_strided_slice %get3A_21 {offsets = [6, 0, 0], sizes = [1, 128, 128], strides = [1, 1, 1]} : vector<8x128x128xf32> to vector<1x128x128xf32>
    %squeeze3A_149 = vector.shape_cast %slice3A_148 : vector<1x128x128xf32> to vector<128x128xf32>
    %dot_general3A_150 = arith.constant dense<0.000000e+00> : vector<2000x128xf32>
    %dot_general3A_151 = tpu.matmul %mul3A_12, %squeeze3A_149, %dot_general3A_150 {dimension_numbers = #tpu.dot_dimension_numbers<[1], [0], [0], [1], [0, 0, 1, 1], [], []>, transpose_lhs_hint = false} : vector<2000x128xf32>, vector<128x128xf32>, vector<2000x128xf32> -> vector<2000x128xf32>
    %slice3A_152 = vector.extract_strided_slice %get3A_24 {offsets = [6, 0], sizes = [1, 128], strides = [1, 1]} : vector<8x128xf32> to vector<1x128xf32>
    %squeeze3A_153 = vector.shape_cast %slice3A_152 : vector<1x128xf32> to vector<128xf32>
    %broadcast_in_dim3A_154 = vector.shape_cast %squeeze3A_153 : vector<128xf32> to vector<1x128xf32>
    %add3A_155 = vector.broadcast %broadcast_in_dim3A_154 : vector<1x128xf32> to vector<2000x128xf32>
    %add3A_156 = arith.addf %dot_general3A_151, %add3A_155 : vector<2000x128xf32>
    %slice3A_157 = vector.extract_strided_slice %add3A_69 {offsets = [0, 6], sizes = [2000, 1], strides = [1, 1]} : vector<2000x8xf32> to vector<2000x1xf32>
    %mul3A_158 = vector.broadcast %slice3A_157 : vector<2000x1xf32> to vector<2000x128xf32>
    %mul3A_159 = arith.mulf %mul3A_158, %add3A_156 : vector<2000x128xf32>
    %add3A_160 = arith.addf %add3A_147, %mul3A_159 : vector<2000x128xf32>
    %slice3A_161 = vector.extract_strided_slice %get3A_21 {offsets = [7, 0, 0], sizes = [1, 128, 128], strides = [1, 1, 1]} : vector<8x128x128xf32> to vector<1x128x128xf32>
    %squeeze3A_162 = vector.shape_cast %slice3A_161 : vector<1x128x128xf32> to vector<128x128xf32>
    %dot_general3A_163 = arith.constant dense<0.000000e+00> : vector<2000x128xf32>
    %dot_general3A_164 = tpu.matmul %mul3A_12, %squeeze3A_162, %dot_general3A_163 {dimension_numbers = #tpu.dot_dimension_numbers<[1], [0], [0], [1], [0, 0, 1, 1], [], []>, transpose_lhs_hint = false} : vector<2000x128xf32>, vector<128x128xf32>, vector<2000x128xf32> -> vector<2000x128xf32>
    %slice3A_165 = vector.extract_strided_slice %get3A_24 {offsets = [7, 0], sizes = [1, 128], strides = [1, 1]} : vector<8x128xf32> to vector<1x128xf32>
    %squeeze3A_166 = vector.shape_cast %slice3A_165 : vector<1x128xf32> to vector<128xf32>
    %broadcast_in_dim3A_167 = vector.shape_cast %squeeze3A_166 : vector<128xf32> to vector<1x128xf32>
    %add3A_168 = vector.broadcast %broadcast_in_dim3A_167 : vector<1x128xf32> to vector<2000x128xf32>
    %add3A_169 = arith.addf %dot_general3A_164, %add3A_168 : vector<2000x128xf32>
    %slice3A_170 = vector.extract_strided_slice %add3A_69 {offsets = [0, 7], sizes = [2000, 1], strides = [1, 1]} : vector<2000x8xf32> to vector<2000x1xf32>
    %mul3A_171 = vector.broadcast %slice3A_170 : vector<2000x1xf32> to vector<2000x128xf32>
    %mul3A_172 = arith.mulf %mul3A_171, %add3A_169 : vector<2000x128xf32>
    %add3A_173 = arith.addf %add3A_160, %mul3A_172 : vector<2000x128xf32>
    %mul3A_174 = vector.broadcast %get3A_1 : vector<2000x1xf32> to vector<2000x128xf32>
    %mul3A_175 = arith.mulf %add3A_173, %mul3A_174 : vector<2000x128xf32>
    %swap3A_176 = arith.constant 0 : index
    %swap3A_177 = arith.constant 0 : index
    %swap3A_178 = vector.load %arg9[%swap3A_176, %swap3A_177] : memref<2000x128xf32, #tpu.memory_space<vmem>>, vector<2000x128xf32>
    tpu.vector_store %arg9[%swap3A_176, %swap3A_177], %mul3A_175 {strides = array<i32>} : memref<2000x128xf32, #tpu.memory_space<vmem>>, vector<2000x128xf32>,
    return
  }
  func.func @transform_0(%arg0: i32) -> (i32, i32) {
    %c0_i32 = arith.constant 0 : i32
    %c0_i32_0 = arith.constant 0 : i32
    return %arg0, %c0_i32 : i32, i32
  }
  func.func @transform_1(%arg0: i32) -> (i32, i32) {
    %c0_i32 = arith.constant 0 : i32
    %c0_i32_0 = arith.constant 0 : i32
    return %arg0, %c0_i32 : i32, i32
  }
  func.func @transform_2(%arg0: i32) -> (i32, i32) {
    %c0_i32 = arith.constant 0 : i32
    %c0_i32_0 = arith.constant 0 : i32
    return %arg0, %c0_i32 : i32, i32
  }
  func.func @transform_3(%arg0: i32) -> (i32, i32) {
    %c0_i32 = arith.constant 0 : i32
    %c0_i32_0 = arith.constant 0 : i32
    return %arg0, %c0_i32 : i32, i32
  }
  func.func @transform_4(%arg0: i32) -> (i32, i32) {
    %c0_i32 = arith.constant 0 : i32
    %c0_i32_0 = arith.constant 0 : i32
    %c0_i32_1 = arith.constant 0 : i32
    return %c0_i32, %c0_i32_0 : i32, i32
  }
  func.func @transform_5(%arg0: i32) -> (i32, i32, i32) {
    %c0_i32 = arith.constant 0 : i32
    %c0_i32_0 = arith.constant 0 : i32
    %c0_i32_1 = arith.constant 0 : i32
    %c0_i32_2 = arith.constant 0 : i32
    return %c0_i32, %c0_i32_0, %c0_i32_1 : i32, i32, i32
  }
  func.func @transform_6(%arg0: i32) -> (i32, i32) {
    %c0_i32 = arith.constant 0 : i32
    %c0_i32_0 = arith.constant 0 : i32
    %c0_i32_1 = arith.constant 0 : i32
    return %c0_i32, %c0_i32_0 : i32, i32
  }
  func.func @transform_7(%arg0: i32) -> (i32, i32) {
    %c0_i32 = arith.constant 0 : i32
    %c0_i32_0 = arith.constant 0 : i32
    return %arg0, %c0_i32 : i32, i32
  }
  func.func @transform_8(%arg0: i32) -> (i32, i32) {
    %c0_i32 = arith.constant 0 : i32
    %c0_i32_0 = arith.constant 0 : i32
    return %arg0, %c0_i32 : i32, i32
  }
}

module attributes {stable_mosaic.version = 14 : i64} {
  func.func @body(%arg0: i32, %arg1: memref<2000x128xf32, #tpu.memory_space<vmem>>, %arg2: memref<2000x128xf32, #tpu.memory_space<vmem>>, %arg3: memref<2000x128xf32, #tpu.memory_space<vmem>>, %arg4: memref<2000x1xf32, #tpu.memory_space<vmem>>, %arg5: memref<2000x128xf32, #tpu.memory_space<vmem>>) attributes {dimension_semantics = [#tpu.dimension_semantics<arbitrary>], iteration_bounds = array<i64: 5>, scalar_prefetch = 0 : i64, scratch_operands = 0 : i64, tpu.core_type = #tpu.core_type<tc>, window_params = [{transform_indices = @transform_0, window_bounds = array<i64: 2000, 128>}, {transform_indices = @transform_1, window_bounds = array<i64: 2000, 128>}, {transform_indices = @transform_2, window_bounds = array<i64: 2000, 128>}, {transform_indices = @transform_3, window_bounds = array<i64: 2000, 1>}, {transform_indices = @transform_4, window_bounds = array<i64: 2000, 128>}]} {
    %get3A = arith.constant 0 : index
    %get3A_0 = arith.constant 0 : index
    %get3A_1 = vector.load %arg1[%get3A, %get3A_0] : memref<2000x128xf32, #tpu.memory_space<vmem>>, vector<2000x128xf32>
    %get3A_2 = arith.constant 0 : index
    %get3A_3 = arith.constant 0 : index
    %get3A_4 = vector.load %arg2[%get3A_2, %get3A_3] : memref<2000x128xf32, #tpu.memory_space<vmem>>, vector<2000x128xf32>
    %add3A = arith.addf %get3A_1, %get3A_4 : vector<2000x128xf32>
    %get3A_5 = arith.constant 0 : index
    %get3A_6 = arith.constant 0 : index
    %get3A_7 = vector.load %arg3[%get3A_5, %get3A_6] : memref<2000x128xf32, #tpu.memory_space<vmem>>, vector<2000x128xf32>
    %add3A_8 = arith.addf %add3A, %get3A_7 : vector<2000x128xf32>
    %get3A_9 = arith.constant 0 : index
    %get3A_10 = arith.constant 0 : index
    %get3A_11 = vector.load %arg4[%get3A_9, %get3A_10] : memref<2000x1xf32, #tpu.memory_space<vmem>>, vector<2000x1xf32>
    %mul3A = vector.broadcast %get3A_11 : vector<2000x1xf32> to vector<2000x128xf32>
    %mul3A_12 = arith.mulf %add3A_8, %mul3A : vector<2000x128xf32>
    %swap3A = arith.constant 0 : index
    %swap3A_13 = arith.constant 0 : index
    %swap3A_14 = vector.load %arg5[%swap3A, %swap3A_13] : memref<2000x128xf32, #tpu.memory_space<vmem>>, vector<2000x128xf32>
    tpu.vector_store %arg5[%swap3A, %swap3A_13], %mul3A_12 {strides = array<i32>} : memref<2000x128xf32, #tpu.memory_space<vmem>>, vector<2000x128xf32>,
    return
  }
  func.func @transform_0(%arg0: i32) -> (i32, i32) {
    %c0_i32 = arith.constant 0 : i32
    %c0_i32_0 = arith.constant 0 : i32
    return %arg0, %c0_i32 : i32, i32
  }
  func.func @transform_1(%arg0: i32) -> (i32, i32) {
    %c0_i32 = arith.constant 0 : i32
    %c0_i32_0 = arith.constant 0 : i32
    return %arg0, %c0_i32 : i32, i32
  }
  func.func @transform_2(%arg0: i32) -> (i32, i32) {
    %c0_i32 = arith.constant 0 : i32
    %c0_i32_0 = arith.constant 0 : i32
    return %arg0, %c0_i32 : i32, i32
  }
  func.func @transform_3(%arg0: i32) -> (i32, i32) {
    %c0_i32 = arith.constant 0 : i32
    %c0_i32_0 = arith.constant 0 : i32
    return %arg0, %c0_i32 : i32, i32
  }
  func.func @transform_4(%arg0: i32) -> (i32, i32) {
    %c0_i32 = arith.constant 0 : i32
    %c0_i32_0 = arith.constant 0 : i32
    return %arg0, %c0_i32 : i32, i32
  }
}

</mosaic_0001>

<sc_bundles>
// kernel: kernel.12.cloned.1.call-start
scs
__scs_entry_jumppad:
0x0: {  	(pc) =	sbr.rel $0x88, $3  }
0x1: {  	(tag) =	ssettag $0x0;
	lr =	simm.s32 $0x1  }
0x2: {  	[smem:$0x3F99] =	sst lr;
	_ =	strace $0xD0000000  }
0x3: {  	_ = 	snop  }
0x4: {  	_ = 	snop  }
0x5: {  	_ = 	snop  }
0x6: {  	_ = 	snop  }
0x7: {  	_ = 	snop  }
__scs_overlays_trampoline_lowered:
0x8: {  	[smem:$0x3FA8] =	sst s0  }
0x9: {  	[smem:$0x3FA9] =	sst s1  }
0xa: {  	[smem:$0x3FAA] =	sst s2  }
0xb: {  	[smem:$0x3FAB] =	sst s3  }
0xc: {  	[smem:$0x3FAC] =	sst s4  }
0xd: {  	[smem:$0x3FAD] =	sst s5  }
0xe: {  	[smem:$0x3FAE] =	sst s6  }
0xf: {  	[smem:$0x3FAF] =	sst s7  }
0x10: {  	[smem:$0x3FB0] =	sst s8  }
0x11: {  	[smem:$0x3FB1] =	sst s9;
	s0 =	simm.s32 @!p0 $0x0  }
0x12: {  	s1 =	sld [smem:$0x3F97];
	s0 =	simm.s32 @p0 $0x1  }
0x13: {  	[smem:$0x3FB2] =	sst s0;
	s0 =	simm.s32 @!p1 $0x0  }
0x14: {  	s2 =	sld [smem:$0x3F96];
	s0 =	simm.s32 @p1 $0x1  }
0x15: {  	[smem:$0x3FB3] =	sst s0;
	s0 =	simm.s32 @!p2 $0x0  }
0x16: {  	s3 =	sld [smem:$0x3FDB];
	s0 =	simm.s32 @p2 $0x1  }
0x17: {  	s4 =	simm.s32 $0x1BF5;
	[smem:$0x3FB5] =	sst s0  }
0x18: {  	s0 =	sld [smem:$0x3F98];
	_ =	swait.ge [sflag:s4], $0x0  }
0x19: {  	s7 =	sld [smem:$0x3F99]  }
0x1a: {  	s8 =	sadd.s32 $0xFFFFE003, lr  }
0x1b: {  	s9 =	sadd.s32 $0xFFFFFEF7, lr;
	s5 =	simm.s32 $0xFFFFFFFF;
	p2 =	slt.u32 s8, $0xFFFFF086  }
0x1c: {  	p1 =	slt.u32 s9, $0xF7A;
	s5 =	simm.s32 @!p2 $0x0  }
0x1d: {  	s5 =	simm.s32 @p1 $0x1;
	p0 =	seq.s32 s7, s2  }
0x1e: {  	s7 =	smul.u32 @!p0 $0xF7A, s2;
	p2 =	seq.s32 @!p0 s5, $0x0  }
0x1f: {  	s9 =	smul.u32 $0xF7A, s1;
	s8 =	simm.s32 @!p0 $0x1BF5;
	p2 =	por !p2, p0  }
0x20: {  	[sflag:s8] =	ssyncset.s32 @!p0 $0xFFFFF086;
	s6 =	sadd.s32 @!p0 s3, s7;
	s7 =	simm.s32 @!p0 $0x108  }
0x21: {  	s3 =	sadd.s32 s3, s9;
	s6 =	sadd.s32 @!p0 $0x88, s6;
	s7 =	simm.s32 @p2 $0x1082  }
0x22: {  	[simem:s7], [sflag:s8] =	dma.local @!p0 [hbm:s6], $0xF7A  }
0x23: {  	s9 =	sor.u32 $0xD0000000, s2;
	s6 =	simm.s32 $0x108;
	_ =	swait.ge @!p0 [sflag:s8], $0x0  }
0x24: {  	s3 =	sadd.s32 $0x88, s3;
	s6 =	simm.s32 @!p1 $0x1082;
	[sflag:s4] =	ssyncset.s32 $0xFFFFF086  }
0x25: {  	[simem:s6], [sflag:s4] =	dma.local [hbm:s3], $0xF7A  }
0x26: {  	[smem:$0x3F99] =	sst s1;
	(tag) =	ssettag s2;
	_ =	strace s9  }
0x27: {  	s1 =	sld [smem:$0x3FA9]  }
0x28: {  	s2 =	sld [smem:$0x3FAA]  }
0x29: {  	s4 =	sld [smem:$0x3FAC]  }
0x2a: {  	p0 =	seq.s32 s5, $0x0;
	s5 =	sld [smem:$0x3FAD]  }
0x2b: {  	s6 =	sld [smem:$0x3FAE]  }
0x2c: {  	s7 =	sld [smem:$0x3FAF]  }
0x2d: {  	s3 =	simm.s32 $0x108;
	s8 =	sld [smem:$0x3FB0]  }
0x2e: {  	s3 =	simm.s32 @!p0 $0x1082;
	s9 =	sld [smem:$0x3FB1]  }
0x2f: {  	lr =	sadd.s32 s0, s3;
	s0 =	sld [smem:$0x3FA8]  }
0x30: {  	s3 =	sld [smem:$0x3FAB]  }
0x31: {  	[smem:$0x3FB4] =	sst s10  }
0x32: {  	s10 =	sld [smem:$0x3FB2];
	_ =	sdelay $0x3  }
0x33: {  	p0 =	seq.s32 s10, $0x1;
	s10 =	sld [smem:$0x3FB4];
	_ =	sdelay $0x3  }
0x34: {  	[smem:$0x3FB4] =	sst s10  }
0x35: {  	s10 =	sld [smem:$0x3FB3];
	_ =	sdelay $0x3  }
0x36: {  	p1 =	seq.s32 s10, $0x1;
	s10 =	sld [smem:$0x3FB4];
	_ =	sdelay $0x3  }
0x37: {  	[smem:$0x3FB4] =	sst s10  }
0x38: {  	s10 =	sld [smem:$0x3FB5]  }
0x39: {  	_ = 	snop;
	(pc) =	sbr.ind lr, $3  }
0x3a: {  	_ = 	snop  }
0x3b: {  	_ = 	snop  }
0x3c: {  	p2 =	seq.s32 s10, $0x1;
	s10 =	sld [smem:$0x3FB4]  }
0x3d: {  	_ =	shalt  }
0x3e: {  	_ =	shalt  }
0x3f: {  	_ =	shalt  }
0x40: {  	_ =	shalt  }
0x41: {  	_ =	shalt  }
0x42: {  	_ =	shalt  }
0x43: {  	_ =	shalt  }
0x44: {  	_ =	shalt  }
0x45: {  	_ =	shalt  }
0x46: {  	_ =	shalt  }
0x47: {  	_ =	shalt  }
0x48: {  	_ =	shalt  }
0x49: {  	_ =	shalt  }
0x4a: {  	_ =	shalt  }
0x4b: {  	_ =	shalt  }
0x4c: {  	_ =	shalt  }
0x4d: {  	_ =	shalt  }
0x4e: {  	_ =	shalt  }
0x4f: {  	_ =	shalt  }
0x50: {  	_ =	shalt  }
0x51: {  	_ =	shalt  }
0x52: {  	_ =	shalt  }
0x53: {  	_ =	shalt  }
0x54: {  	_ =	shalt  }
0x55: {  	_ =	shalt  }
0x56: {  	_ =	shalt  }
0x57: {  	_ =	shalt  }
0x58: {  	_ =	shalt  }
0x59: {  	_ =	shalt  }
0x5a: {  	_ =	shalt  }
0x5b: {  	_ =	shalt  }
0x5c: {  	_ =	shalt  }
0x5d: {  	_ =	shalt  }
0x5e: {  	_ =	shalt  }
0x5f: {  	_ =	shalt  }
0x60: {  	_ =	shalt  }
0x61: {  	_ =	shalt  }
0x62: {  	_ =	shalt  }
0x63: {  	_ =	shalt  }
0x64: {  	_ =	shalt  }
0x65: {  	_ =	shalt  }
0x66: {  	_ =	shalt  }
0x67: {  	_ =	shalt  }
0x68: {  	_ =	shalt  }
0x69: {  	_ =	shalt  }
0x6a: {  	_ =	shalt  }
0x6b: {  	_ =	shalt  }
0x6c: {  	_ =	shalt  }
0x6d: {  	_ =	shalt  }
0x6e: {  	_ =	shalt  }
0x6f: {  	_ =	shalt  }
0x70: {  	_ =	shalt  }
0x71: {  	_ =	shalt  }
0x72: {  	_ =	shalt  }
0x73: {  	_ =	shalt  }
0x74: {  	_ =	shalt  }
0x75: {  	_ =	shalt  }
0x76: {  	_ =	shalt  }
0x77: {  	_ =	shalt  }
0x78: {  	_ =	shalt  }
0x79: {  	_ =	shalt  }
0x7a: {  	_ =	shalt  }
0x7b: {  	_ =	shalt  }
0x7c: {  	_ =	shalt  }
0x7d: {  	_ =	shalt  }
0x7e: {  	_ =	shalt  }
0x7f: {  	_ =	shalt  }
0x80: {  	_ =	shalt  }
0x81: {  	_ =	shalt  }
0x82: {  	_ =	shalt  }
0x83: {  	_ =	shalt  }
0x84: {  	_ =	shalt  }
0x85: {  	_ =	shalt  }
0x86: {  	_ =	shalt  }
0x87: {  	_ =	shalt  }
.Lfunc_end0:
.L_simem_size_0:
called_computation.1_lowered:
.L_overlay_start_0:
0x88: {  	s2 =	sld [smem:$0x3FD9]  }
0x89: {  	s3 =	sld [smem:$0x3FFE];
	_ =	sdelay $0x1  }
0x8a: {  	s1 =	srdreg.scid  }
0x8b: {  	s0 =	sand.u32 $0x1, s1  }
0x8c: {  	s14 =	sshll.u32 s0, $0xA;
	s2 =	sadd.s32 s3, s2  }
0x8d: {  	s2 =	sadd.s32 s2, s14  }
0x8e: {  	[smem:$0x3FC0] =	sst s2  }
0x8f: {  	_ = 	snop  }
0x90: {  	s2 =	sld [smem:$0x3FD0];
	_ =	sdelay $0x2  }
0x91: {  	s15 =	simm.s32 $0xA;
	s4 =	simm.s32 $0x10  }
0x92: {  	[smem:s4], [sflag:s15] =	dma.local [hbm:s2], $0x1  }
0x93: {  	_ =	swait.eq [sflag:s15], $0x1  }
0x94: {  	[sflag:s15] =	ssyncset.done $0x0  }
0x95: {  	[sflag:s15] =	ssyncadd.s32 $0xFFFFFFFF  }
0x96: {  	s16 =	sld [smem:$0x12];
	(tm) =	ssettm $0x1  }
0x97: {  	s17 =	sld [smem:$0x3FFB];
	_ =	sdelay $0x3  }
0x98: {  	_ =	strace s17  }
0x99: {  	s3 =	sld [smem:$0x3FFC];
	_ =	sdelay $0x3  }
0x9a: {  	_ =	strace s3  }
0x9b: {  	s3 =	sld [smem:$0x3FFD];
	_ =	sdelay $0x3  }
0x9c: {  	_ =	strace s3  }
0x9d: {  	_ =	strace $0x8FFFFFFF  }
0x9e: {  	s18 =	sld [smem:$0x3FDB];
	_ =	sdelay $0x1  }
0x9f: {  	s19 =	simm.s32 $_scs_section_size  }
0xa0: {  	s5 =	simm.s32 $_size__tile_overlayer_lowered;
	s6 =	simm.s32 $_tile_overlayer_lowered  }
0xa1: {  	s22 =	simm.s32 $0x1BFF;
	s21 =	sshll.u32 s6, $0x1;
	s3 =	sadd.s32 s19, s18  }
0xa2: {  	s7 =	simm.s32 $0x0;
	s20 =	sshll.u32 s5, $0x1;
	s5 =	sadd.s32 s21, s3  }
0xa3: {  	[timem:s7], [sflag:s22] =	dma.local [hbm:s5], s20  }
0xa4: {  	_ =	swait.ge [sflag:s22], s20  }
0xa5: {  	s4 =	ssub.s32 $0x0, s20;
	[sflag:s22] =	ssyncset.done $0x0  }
0xa6: {  	[sflag:s22] =	ssyncadd.s32 s4;
	_ =	sdelay $0x1  }
0xa7: {  	s23 =	simm.s32 $0x1B8B  }
0xa8: {  	_ =	swait.ge [sflag:s23], $0x1  }
0xa9: {  	[sflag:s23] =	ssyncset.done $0x0  }
0xaa: {  	s25 =	simm.s32 $0x1B8E;
	s24 =	sld [smem:$0x3FFE];
	[sflag:s23] =	ssyncadd.s32 $0xFFFFFFFF  }
0xab: {  	s26 =	simm.s32 $execute0_lowered;
	[smem:$0x3FD2] =	sst s25  }
0xac: {  	s5 =	sshll.u32 s26, $0x1;
	_ =	strace $0x80000049;
	[dreg:$0x1] =	wrdreg $0xFFFFFFFF  }
0xad: {  	s28 =	simm.s32 $_size_execute0_lowered;
	s3 =	sadd.s32 s3, s5;
	[dreg:$0x0] =	wrdreg $0x0  }
0xae: {  	s5 =	sshll.u32 s28, $0x1;
	[dreg:$0x2] =	wrdreg s3  }
0xaf: {  	[dreg:$0x3] =	wrdreg s5  }
0xb0: {  	[dreg:$0x4] =	wrdreg $0xC0  }
0xb1: {  	_ =	task [dreg:s7], $0x5FFFF  }
0xb2: {  	[dreg:$0x1] =	wrdreg $0xFFFFFFFF  }
0xb3: {  	[dreg:$0x0] =	wrdreg $0x60  }
0xb4: {  	[dreg:$0x2] =	wrdreg s24  }
0xb5: {  	[dreg:$0x3] =	wrdreg s16  }
0xb6: {  	[dreg:$0x4] =	wrdreg $0x90000  }
0xb7: {  	[dreg:$0x5] =	wrdreg $0x9  }
0xb8: {  	_ =	task.clear_ibuf [dreg:s7], $0x6FFFF;
	_ =	strace $0x90000049  }
0xb9: {  	s29 =	simm.s32 $0x9;
	_ =	strace $0x8000004B  }
0xba: {  	_ =	swait.ge [sflag:s29], $0x1  }
0xbb: {  	[sflag:s29] =	ssyncadd.s32 $0xFFFFFFFF  }
0xbc: {  	_ =	strace $0x9000004B  }
0xbd: {  	_ =	sfence  }
0xbe: {  	s30 =	sld [smem:$0x0];
	_ =	sdelay $0x2  }
0xbf: {  	s31 =	sshll.u32 s1, $0xD;
	s1 =	sshrl.u32 s1, $0x2  }
0xc0: {  	s3 =	sand.u32 $0x4000, s31;
	s1 =	sadd.s32 s1, s30  }
0xc1: {  	s0 =	sor.u32 s3, s0;
	s1 =	sshll.u32 s1, $0x11  }
0xc2: {  	s0 =	sor.u32 s1, s0  }
0xc3: {  	s0 =	sadd.s32 $0x8F2B, s0  }
0xc4: {  	[sflag:s0] =	ssyncadd.remote.s32 $0x1  }
0xc5: {  	_ =	sfence.sel $0xFFFF  }
0xc6: {  	[dreg:$0x0] =	wrdreg $0xFFFFFFFF;
	(pc) =	sbr.abs _section_cstart, $3  }
0xc7: {  	[dreg:$0x1] =	wrdreg $0xFFFFFFFF  }
0xc8: {  	_ =	task.clear_ibuf [dreg:s7], $0x2FFFF;
	_ =	strace $0x9FFFFFFF  }
0xc9: {  	(tm) =	ssettm $0x7FFFFFFF  }
tec
execute0_lowered:
.L_overlay_start_1:
0x0: {  	(tag) =	ssettag $0x1  }
0x1: {  	s0 =	rddreg [dreg:$0x0]  }
0x2: {  	s2 =	rddreg [dreg:$0x1]  }
0x3: {  	s3 =	rddreg [dreg:$0x2]  }
0x4: {  	s4 =	simm.s32 $0x0;
	s11 =	stileid.u32;
	s1 =	srdreg.scid  }
0x5: {  	s28 =	simm.s32 $0x2000;
	s29 =	simm.s32 $0x4;
	s30 =	simm.s32 $0x3C00  }
0x6: {  	s31 =	simm.s32 $0x1;
	[smem:$0x7FF] =	sst s4;
	s5 =	smul.u32 $0x14000, s11  }
0x7: {  	s1 =	sand.u32 $0x1, s1;
	s7 =	sadd.s32 $0x8FA00, s0;
	s8 =	sadd.s32 $0x3A00, s0  }
0x8: {  	s9 =	sshll.u32 s11, $0x1;
	s18 =	smul.u32 $0x50000, s11;
	s22 =	sshll.u32 s11, $0x6  }
0x9: {  	_ =	strace $0x8000004A;
	s6 =	smul.u32 $0x140000, s1;
	s14 =	sor.u32 s1, s9  }
0xa: {  	s1 =	ssub.s32 $0x2, s1;
	s11 =	sor.u32 $0x1C05, s22;
	s22 =	simm.s32 $0x5  }
0xb: {  	s10 =	sshrl.u32 s5, $0x3;
	s16 =	sshrl.u32 s1, $0x1;
	s5 =	sadd.s32 s5, s6  }
0xc: {  	s6 =	smul.u32 $0x5000, s14;
	s15 =	sadd.s32 s10, s0;
	s5 =	sshrl.u32 s5, $0x3  }
0xd: {  	s1 =	ssub.s32 s1, s16;
	s9 =	sadd.s32 $0x17A00, s15;
	s0 =	sadd.s32 s5, s0  }
0xe: {  	s17 =	sshrl.u32 s6, $0x3;
	s6 =	sshrl.u32 s18, $0x2;
	[dreg:$0x9] =	wrdreg s9  }
0xf: {  	s19 =	sadd.s32 s7, s17;
	s20 =	sadd.s32 s8, s17;
	s21 =	sadd.s32 $0x200, s17  }
0x10: {  	s6 =	sadd.s32 s6, s3;
	s23 =	sadd.s32 $0x400, s17;
	s26 =	sadd.s32 $0x600, s17  }
0x11: {  	s5 =	sadd.s32 $0x800, s17;
	s18 =	sadd.s32 $0x3FA00, s0;
	[dreg:$0x4] =	wrdreg s19  }
0x12: {  	s0 =	simm.s32 $0x0;
	[dreg:$0x5] =	wrdreg s20;
	s12 =	sadd.s32 s7, s21  }
0x13: {  	s10 =	sadd.s32 s8, s21;
	[dreg:$0x8] =	wrdreg s6;
	s24 =	sadd.s32 s7, s23  }
0x14: {  	s25 =	sadd.s32 s8, s23;
	s14 =	sadd.s32 s7, s26;
	s15 =	sadd.s32 s8, s26  }
0x15: {  	s16 =	sadd.s32 s7, s5;
	s17 =	sadd.s32 s8, s5;
	[dreg:$0x6] =	wrdreg s12  }
0x16: {  	s19 =	smax.u32 s1, $0x1;
	s20 =	simm.s32 $0x1000;
	[dreg:$0x7] =	wrdreg s10  }
0x17: {  	s23 =	simm.s32 $0x3;
	s26 =	simm.s32 $0x2C00;
	[dreg:$0xa] =	wrdreg s24  }
0x18: {  	[dreg:$0xb] =	wrdreg s25;
	s24 =	simm.s32 $0x50;
	s25 =	simm.s32 $0x4000  }
.LBB2_1:
0x19: {  	s1 =	rddreg [dreg:$0x4]  }
0x1a: {  	s7 =	rddreg [dreg:$0x5]  }
0x1b: {  	s8 =	rddreg [dreg:$0x6]  }
0x1c: {  	[tilespmem:s4], [sflag:$0x3] =	stream.linear.gather [hbm4b:s1+s4], $0xC80, $0x38;
	[tilespmem:$0x1D000] =	vst v63  }
0x1d: {  	s9 =	rddreg [dreg:$0x7]  }
0x1e: {  	[tilespmem:s28], [sflag:$0x3] =	stream.linear.gather [hbm4b:s7+s4], $0xC80, $0x38;
	[tilespmem:$0x1D000] =	vst v63  }
0x1f: {  	s10 =	rddreg [dreg:$0x8]  }
0x20: {  	[tilespmem:s20], [sflag:$0x4] =	stream.linear.gather [hbm4b:s8+s4], $0xC80, $0x38;
	[tilespmem:$0x1D000] =	vst v63  }
0x21: {  	s5 =	simm.s32 $0x3000;
	s12 =	rddreg [dreg:$0x9];
	s1 =	sshrl.u32 s10, $0x3  }
0x22: {  	[tilespmem:s5], [sflag:$0x4] =	stream.linear.gather [hbm4b:s9+s4], $0xC80, $0x38;
	[tilespmem:$0x1D000] =	vst v63  }
0x23: {  	[spmem:s1], [sflag:s11] =	dma.local [hbm:s12], $0x2800  }
0x24: {  	_ =	swait.ge [sflag:s22], $0x2800  }
0x25: {  	[sflag:s22] =	ssyncset.done $0x0  }
0x26: {  	[sflag:s22] =	ssyncadd.s32 $0xFFFFD800  }
0x27: {  	[bflag:$0x0] =	sbarrier.arrive $0xFFFF  }
0x28: {  	_ =	swait.ge [sflag:s23], $0xC80  }
0x29: {  	s13 =	sand.u32 $0x1, s31;
	[sflag:s23] =	ssyncset.done $0x0  }
0x2a: {  	s6 =	smul.u32 $0xA000, s13;
	[sflag:s23] =	ssyncadd.s32 $0xFFFFF380  }
0x2b: {  	s7 =	simm.s32 $0x0;
	_ =	swait.ge [sflag:s23], $0xC80  }
0x2c: {  	s6 =	sshrl.u32 s6, $0x2;
	s7 =	sand.u32 $0x1, s7;
	[sflag:s23] =	ssyncset.done $0x0  }
0x2d: {  	s6 =	sor.u32 $0x4000, s6;
	s8 =	simm.s32 $0x80;
	[sflag:s23] =	ssyncadd.s32 $0xFFFFF380  }
0x2e: {  	[tilespmem:s25], [sflag:$0x1] =	stream.indirect.gather [hbm4b:s2+s24], $0x80, s4, s24, $0xb8;
	[tilespmem:$0x1D000] =	vst v63  }
0x2f: {  	s10 =	sadd.s32 $0x1, s7;
	s5 =	sadd.s32 $0x1, s13;
	s9 =	smul.u32 $0xA000, s7  }
0x30: {  	[tilespmem:s6], [sflag:s5] =	stream.indirect.gather [hbm4b:s2+s24], $0x80, s8, s24, $0xb8;
	[tilespmem:$0x1D000] =	vst v63  }
0x31: {  	s21 =	sshrl.u32 s9, $0x2;
	s9 =	simm.s32 $0x3;
	_ =	swait.ge [sflag:s10], $0x2800  }
0x32: {  	s8 =	simm.s32 $0x2;
	s5 =	sor.u32 $0x4000, s21;
	[sflag:s10] =	ssyncset.done $0x0  }
0x33: {  	s6 =	simm.s32 $0x100;
	s7 =	sand.u32 $0x1, s8;
	[sflag:s10] =	ssyncadd.s32 $0xFFFFD800  }
0x34: {  	[spmem:s3] =	stream.indirect.scatter.add.f32 [tilespmem:s5], [sflag:$0x5], $0x80, s28, s24, $0xb8;
	[tilespmem:$0x1D000] =	vst v63  }
0x35: {  	s10 =	smul.u32 $0xA000, s7;
	s5 =	simm.s32 $0x2000;
	_ =	swait.ge [sflag:s22], $0x2800  }
.LBB2_2:
0x36: {  	[sflag:s22] =	ssyncset.done $0x0  }
0x37: {  	s5 =	sadd.s32 $0x80, s5;
	s12 =	smov.u32 s9;
	s13 =	sadd.s32 $0x1, s9  }
0x38: {  	s8 =	sadd.s32 $0xFFFFFFFF, s8;
	s10 =	sshrl.u32 s10, $0x2;
	[sflag:s22] =	ssyncadd.s32 $0xFFFFD800  }
0x39: {  	s7 =	sadd.s32 $0x1, s7;
	s8 =	sand.u32 $0x1, s8;
	s10 =	sor.u32 $0x4000, s10  }
0x3a: {  	p0 =	sne.s32 s9, $0x18;
	s9 =	smul.u32 $0xA000, s8;
	s21 =	sadd.s32 $0x1, s8  }
0x3b: {  	[tilespmem:s10], [sflag:s7] =	stream.indirect.gather [hbm4b:s2+s24], $0x80, s6, s24, $0xb8;
	[tilespmem:$0x1D000] =	vst v63  }
.Ltmp0:
0x3c: {  	s7 =	sshrl.u32 s9, $0x2;
	_ =	swait.ge [sflag:s21], $0x2800;
	(pc) =	sbr.rel @p0 .LBB2_2-.Ltmp0, $4  }
0x3d: {  	s8 =	smov.u32 s12;
	s9 =	sor.u32 $0x4000, s7;
	[sflag:s21] =	ssyncset.done $0x0  }
0x3e: {  	s6 =	sadd.s32 $0x80, s6;
	s7 =	sand.u32 $0x1, s8;
	[sflag:s21] =	ssyncadd.s32 $0xFFFFD800  }
0x3f: {  	[spmem:s3] =	stream.indirect.scatter.add.f32 [tilespmem:s9], [sflag:$0x5], $0x80, s5, s24, $0xb8;
	[tilespmem:$0x1D000] =	vst v63  }
0x40: {  	s10 =	smul.u32 $0xA000, s7;
	s9 =	smov.u32 s13;
	_ =	swait.ge [sflag:s22], $0x2800  }
0x41: {  	[sflag:s22] =	ssyncset.done $0x0;
	s8 =	sadd.s32 $0xFFFFFFFF, s8;
	s7 =	sadd.s32 $0x1, s7  }
0x42: {  	s9 =	sshrl.u32 s10, $0x2;
	[sflag:s22] =	ssyncadd.s32 $0xFFFFD800;
	s8 =	sand.u32 $0x1, s8  }
0x43: {  	s9 =	sor.u32 $0x4000, s9;
	s12 =	smul.u32 $0xA000, s8;
	s8 =	sadd.s32 $0x1, s8  }
0x44: {  	[tilespmem:s9], [sflag:s7] =	stream.indirect.gather [hbm4b:s2+s24], $0x80, s6, s24, $0xb8;
	[tilespmem:$0x1D000] =	vst v63  }
0x45: {  	_ =	swait.ge [sflag:s8], $0x2800  }
0x46: {  	s13 =	sshrl.u32 s12, $0x2;
	[sflag:s8] =	ssyncset.done $0x0  }
0x47: {  	s5 =	sadd.s32 $0x80, s5;
	s6 =	sor.u32 $0x4000, s13;
	[sflag:s8] =	ssyncadd.s32 $0xFFFFD800  }
0x48: {  	[spmem:s3] =	stream.indirect.scatter.add.f32 [tilespmem:s6], [sflag:$0x5], $0x80, s5, s24, $0xb8;
	[tilespmem:$0x1D000] =	vst v63  }
0x49: {  	_ =	swait.ge [sflag:s22], $0x2800  }
0x4a: {  	[sflag:s22] =	ssyncset.done $0x0  }
0x4b: {  	s21 =	simm.s32 $0x1;
	[sflag:s22] =	ssyncadd.s32 $0xFFFFD800  }
0x4c: {  	_ =	swait.ge [sflag:s21], $0x2800  }
0x4d: {  	[sflag:s21] =	ssyncset.done $0x0  }
0x4e: {  	[sflag:s21] =	ssyncadd.s32 $0xFFFFD800  }
0x4f: {  	[spmem:s3] =	stream.indirect.scatter.add.f32 [tilespmem:s25], [sflag:$0x5], $0x80, s26, s24, $0xb8;
	[tilespmem:$0x1D000] =	vst v63  }
0x50: {  	_ =	swait.ge [sflag:s22], $0x2800  }
0x51: {  	[sflag:s22] =	ssyncset.done $0x0  }
0x52: {  	s7 =	rddreg [dreg:$0xa];
	[sflag:s22] =	ssyncadd.s32 $0xFFFFD800  }
0x53: {  	[tilespmem:s4], [sflag:$0x3] =	stream.linear.gather [hbm4b:s7+s4], $0xC80, $0x38;
	[tilespmem:$0x1D000] =	vst v63  }
0x54: {  	s8 =	rddreg [dreg:$0xb]  }
0x55: {  	[tilespmem:s28], [sflag:$0x3] =	stream.linear.gather [hbm4b:s8+s4], $0xC80, $0x38;
	[tilespmem:$0x1D000] =	vst v63  }
0x56: {  	_ =	swait.ge [sflag:s29], $0xC80  }
0x57: {  	[sflag:s29] =	ssyncset.done $0x0  }
0x58: {  	s5 =	sand.u32 $0x1, s21;
	[sflag:s29] =	ssyncadd.s32 $0xFFFFF380  }
0x59: {  	s10 =	simm.s32 $0x0;
	s9 =	smul.u32 $0xA000, s5;
	_ =	swait.ge [sflag:s29], $0xC80  }
0x5a: {  	s12 =	simm.s32 $0x1080;
	s5 =	sadd.s32 $0x1, s5;
	[sflag:s29] =	ssyncset.done $0x0  }
0x5b: {  	s6 =	sshrl.u32 s9, $0x2;
	s7 =	sand.u32 $0x1, s10;
	[sflag:s29] =	ssyncadd.s32 $0xFFFFF380  }
0x5c: {  	[tilespmem:s25], [sflag:$0x1] =	stream.indirect.gather [hbm4b:s2+s24], $0x80, s20, s24, $0xb8;
	[tilespmem:$0x1D000] =	vst v63  }
0x5d: {  	s6 =	sor.u32 $0x4000, s6;
	s13 =	smul.u32 $0xA000, s7;
	s7 =	sadd.s32 $0x1, s7  }
0x5e: {  	[tilespmem:s6], [sflag:s5] =	stream.indirect.gather [hbm4b:s2+s24], $0x80, s12, s24, $0xb8;
	[tilespmem:$0x1D000] =	vst v63  }
0x5f: {  	s9 =	simm.s32 $0x3;
	s8 =	simm.s32 $0x2;
	_ =	swait.ge [sflag:s7], $0x2800  }
0x60: {  	s21 =	sshrl.u32 s13, $0x2;
	s5 =	simm.s32 $0x3000;
	[sflag:s7] =	ssyncset.done $0x0  }
0x61: {  	s6 =	sor.u32 $0x4000, s21;
	[sflag:s7] =	ssyncadd.s32 $0xFFFFD800;
	s7 =	sand.u32 $0x1, s8  }
0x62: {  	[spmem:s3] =	stream.indirect.scatter.add.f32 [tilespmem:s6], [sflag:$0x5], $0x80, s5, s24, $0xb8;
	[tilespmem:$0x1D000] =	vst v63  }
0x63: {  	s10 =	smul.u32 $0xA000, s7;
	s6 =	simm.s32 $0x1100;
	_ =	swait.ge [sflag:s22], $0x2800  }
.LBB2_4:
0x64: {  	[sflag:s22] =	ssyncset.done $0x0  }
0x65: {  	s5 =	sadd.s32 $0x80, s5;
	s12 =	smov.u32 s9;
	s13 =	sadd.s32 $0x1, s9  }
0x66: {  	s8 =	sadd.s32 $0xFFFFFFFF, s8;
	s10 =	sshrl.u32 s10, $0x2;
	[sflag:s22] =	ssyncadd.s32 $0xFFFFD800  }
0x67: {  	s7 =	sadd.s32 $0x1, s7;
	s8 =	sand.u32 $0x1, s8;
	s10 =	sor.u32 $0x4000, s10  }
0x68: {  	p0 =	sne.s32 s9, $0x18;
	s9 =	smul.u32 $0xA000, s8;
	s21 =	sadd.s32 $0x1, s8  }
0x69: {  	[tilespmem:s10], [sflag:s7] =	stream.indirect.gather [hbm4b:s2+s24], $0x80, s6, s24, $0xb8;
	[tilespmem:$0x1D000] =	vst v63  }
.Ltmp1:
0x6a: {  	s7 =	sshrl.u32 s9, $0x2;
	_ =	swait.ge [sflag:s21], $0x2800;
	(pc) =	sbr.rel @p0 .LBB2_4-.Ltmp1, $4  }
0x6b: {  	s8 =	smov.u32 s12;
	s9 =	sor.u32 $0x4000, s7;
	[sflag:s21] =	ssyncset.done $0x0  }
0x6c: {  	s6 =	sadd.s32 $0x80, s6;
	s7 =	sand.u32 $0x1, s8;
	[sflag:s21] =	ssyncadd.s32 $0xFFFFD800  }
0x6d: {  	[spmem:s3] =	stream.indirect.scatter.add.f32 [tilespmem:s9], [sflag:$0x5], $0x80, s5, s24, $0xb8;
	[tilespmem:$0x1D000] =	vst v63  }
0x6e: {  	s10 =	smul.u32 $0xA000, s7;
	s9 =	smov.u32 s13;
	_ =	swait.ge [sflag:s22], $0x2800  }
0x6f: {  	[sflag:s22] =	ssyncset.done $0x0;
	s8 =	sadd.s32 $0xFFFFFFFF, s8;
	s7 =	sadd.s32 $0x1, s7  }
0x70: {  	s9 =	sshrl.u32 s10, $0x2;
	[sflag:s22] =	ssyncadd.s32 $0xFFFFD800;
	s8 =	sand.u32 $0x1, s8  }
0x71: {  	s9 =	sor.u32 $0x4000, s9;
	s13 =	smul.u32 $0xA000, s8;
	s8 =	sadd.s32 $0x1, s8  }
0x72: {  	[tilespmem:s9], [sflag:s7] =	stream.indirect.gather [hbm4b:s2+s24], $0x80, s6, s24, $0xb8;
	[tilespmem:$0x1D000] =	vst v63  }
0x73: {  	_ =	swait.ge [sflag:s8], $0x2800  }
0x74: {  	s21 =	sshrl.u32 s13, $0x2;
	[sflag:s8] =	ssyncset.done $0x0  }
0x75: {  	s5 =	sadd.s32 $0x80, s5;
	s6 =	sor.u32 $0x4000, s21;
	[sflag:s8] =	ssyncadd.s32 $0xFFFFD800  }
0x76: {  	[spmem:s3] =	stream.indirect.scatter.add.f32 [tilespmem:s6], [sflag:$0x5], $0x80, s5, s24, $0xb8;
	[tilespmem:$0x1D000] =	vst v63  }
0x77: {  	_ =	swait.ge [sflag:s22], $0x2800  }
0x78: {  	[sflag:s22] =	ssyncset.done $0x0  }
0x79: {  	s7 =	simm.s32 $0x1;
	[sflag:s22] =	ssyncadd.s32 $0xFFFFD800  }
0x7a: {  	_ =	swait.ge [sflag:s7], $0x2800  }
0x7b: {  	[sflag:s7] =	ssyncset.done $0x0  }
0x7c: {  	[sflag:s7] =	ssyncadd.s32 $0xFFFFD800  }
0x7d: {  	[spmem:s3] =	stream.indirect.scatter.add.f32 [tilespmem:s25], [sflag:$0x5], $0x80, s30, s24, $0xb8;
	[tilespmem:$0x1D000] =	vst v63  }
0x7e: {  	_ =	swait.ge [sflag:s22], $0x2800  }
0x7f: {  	[sflag:s22] =	ssyncset.done $0x0  }
0x80: {  	[sflag:s22] =	ssyncadd.s32 $0xFFFFD800  }
0x81: {  	[tilespmem:s20], [sflag:$0x4] =	stream.linear.gather [hbm4b:s14+s4], $0xC80, $0x38;
	[tilespmem:$0x1D000] =	vst v63  }
0x82: {  	s8 =	simm.s32 $0x3000  }
0x83: {  	[tilespmem:s8], [sflag:$0x4] =	stream.linear.gather [hbm4b:s15+s4], $0xC80, $0x38;
	[tilespmem:$0x1D000] =	vst v63  }
0x84: {  	_ =	swait.ge [sflag:s23], $0xC80  }
0x85: {  	[sflag:s23] =	ssyncset.done $0x0  }
0x86: {  	s5 =	sand.u32 $0x1, s7;
	[sflag:s23] =	ssyncadd.s32 $0xFFFFF380  }
0x87: {  	s12 =	simm.s32 $0x80;
	s9 =	smul.u32 $0xA000, s5;
	_ =	swait.ge [sflag:s23], $0xC80  }
0x88: {  	s10 =	simm.s32 $0x0;
	s5 =	sadd.s32 $0x1, s5;
	[sflag:s23] =	ssyncset.done $0x0  }
0x89: {  	s6 =	sshrl.u32 s9, $0x2;
	s7 =	sand.u32 $0x1, s10;
	[sflag:s23] =	ssyncadd.s32 $0xFFFFF380  }
0x8a: {  	[tilespmem:s25], [sflag:$0x1] =	stream.indirect.gather [hbm4b:s2+s24], $0x80, s4, s24, $0xb8;
	[tilespmem:$0x1D000] =	vst v63  }
0x8b: {  	s6 =	sor.u32 $0x4000, s6;
	s13 =	smul.u32 $0xA000, s7;
	s7 =	sadd.s32 $0x1, s7  }
0x8c: {  	[tilespmem:s6], [sflag:s5] =	stream.indirect.gather [hbm4b:s2+s24], $0x80, s12, s24, $0xb8;
	[tilespmem:$0x1D000] =	vst v63  }
0x8d: {  	s9 =	simm.s32 $0x3;
	s21 =	sshrl.u32 s13, $0x2;
	_ =	swait.ge [sflag:s7], $0x2800  }
0x8e: {  	s8 =	simm.s32 $0x2;
	s5 =	simm.s32 $0x2000;
	[sflag:s7] =	ssyncset.done $0x0  }
0x8f: {  	s6 =	sor.u32 $0x4000, s21;
	[sflag:s7] =	ssyncadd.s32 $0xFFFFD800;
	s7 =	sand.u32 $0x1, s8  }
0x90: {  	[spmem:s3] =	stream.indirect.scatter.add.f32 [tilespmem:s6], [sflag:$0x5], $0x80, s5, s24, $0xb8;
	[tilespmem:$0x1D000] =	vst v63  }
0x91: {  	s10 =	smul.u32 $0xA000, s7;
	s6 =	simm.s32 $0x100;
	_ =	swait.ge [sflag:s22], $0x2800  }
.LBB2_6:
0x92: {  	[sflag:s22] =	ssyncset.done $0x0  }
0x93: {  	s5 =	sadd.s32 $0x80, s5;
	s12 =	smov.u32 s9;
	s13 =	sadd.s32 $0x1, s9  }
0x94: {  	s8 =	sadd.s32 $0xFFFFFFFF, s8;
	s10 =	sshrl.u32 s10, $0x2;
	[sflag:s22] =	ssyncadd.s32 $0xFFFFD800  }
0x95: {  	s7 =	sadd.s32 $0x1, s7;
	s8 =	sand.u32 $0x1, s8;
	s10 =	sor.u32 $0x4000, s10  }
0x96: {  	p0 =	sne.s32 s9, $0x18;
	s9 =	smul.u32 $0xA000, s8;
	s21 =	sadd.s32 $0x1, s8  }
0x97: {  	[tilespmem:s10], [sflag:s7] =	stream.indirect.gather [hbm4b:s2+s24], $0x80, s6, s24, $0xb8;
	[tilespmem:$0x1D000] =	vst v63  }
.Ltmp2:
0x98: {  	s7 =	sshrl.u32 s9, $0x2;
	_ =	swait.ge [sflag:s21], $0x2800;
	(pc) =	sbr.rel @p0 .LBB2_6-.Ltmp2, $4  }
0x99: {  	s8 =	smov.u32 s12;
	s9 =	sor.u32 $0x4000, s7;
	[sflag:s21] =	ssyncset.done $0x0  }
0x9a: {  	s6 =	sadd.s32 $0x80, s6;
	s7 =	sand.u32 $0x1, s8;
	[sflag:s21] =	ssyncadd.s32 $0xFFFFD800  }
0x9b: {  	[spmem:s3] =	stream.indirect.scatter.add.f32 [tilespmem:s9], [sflag:$0x5], $0x80, s5, s24, $0xb8;
	[tilespmem:$0x1D000] =	vst v63  }
0x9c: {  	s10 =	smul.u32 $0xA000, s7;
	s9 =	smov.u32 s13;
	_ =	swait.ge [sflag:s22], $0x2800  }
0x9d: {  	[sflag:s22] =	ssyncset.done $0x0;
	s8 =	sadd.s32 $0xFFFFFFFF, s8;
	s7 =	sadd.s32 $0x1, s7  }
0x9e: {  	s9 =	sshrl.u32 s10, $0x2;
	[sflag:s22] =	ssyncadd.s32 $0xFFFFD800;
	s8 =	sand.u32 $0x1, s8  }
0x9f: {  	s9 =	sor.u32 $0x4000, s9;
	s21 =	smul.u32 $0xA000, s8;
	s8 =	sadd.s32 $0x1, s8  }
0xa0: {  	[tilespmem:s9], [sflag:s7] =	stream.indirect.gather [hbm4b:s2+s24], $0x80, s6, s24, $0xb8;
	[tilespmem:$0x1D000] =	vst v63  }
0xa1: {  	_ =	swait.ge [sflag:s8], $0x2800  }
0xa2: {  	s7 =	sshrl.u32 s21, $0x2;
	[sflag:s8] =	ssyncset.done $0x0  }
0xa3: {  	s5 =	sadd.s32 $0x80, s5;
	s6 =	sor.u32 $0x4000, s7;
	[sflag:s8] =	ssyncadd.s32 $0xFFFFD800  }
0xa4: {  	[spmem:s3] =	stream.indirect.scatter.add.f32 [tilespmem:s6], [sflag:$0x5], $0x80, s5, s24, $0xb8;
	[tilespmem:$0x1D000] =	vst v63  }
0xa5: {  	_ =	swait.ge [sflag:s22], $0x2800  }
0xa6: {  	[sflag:s22] =	ssyncset.done $0x0  }
0xa7: {  	s8 =	simm.s32 $0x1;
	[sflag:s22] =	ssyncadd.s32 $0xFFFFD800  }
0xa8: {  	_ =	swait.ge [sflag:s8], $0x2800  }
0xa9: {  	[sflag:s8] =	ssyncset.done $0x0  }
0xaa: {  	[sflag:s8] =	ssyncadd.s32 $0xFFFFD800  }
0xab: {  	[spmem:s3] =	stream.indirect.scatter.add.f32 [tilespmem:s25], [sflag:$0x5], $0x80, s26, s24, $0xb8;
	[tilespmem:$0x1D000] =	vst v63  }
0xac: {  	_ =	swait.ge [sflag:s22], $0x2800  }
0xad: {  	[sflag:s22] =	ssyncset.done $0x0  }
0xae: {  	[sflag:s22] =	ssyncadd.s32 $0xFFFFD800  }
0xaf: {  	[tilespmem:s4], [sflag:$0x3] =	stream.linear.gather [hbm4b:s16+s4], $0xC80, $0x38;
	[tilespmem:$0x1D000] =	vst v63  }
0xb0: {  	_ = 	snop  }
0xb1: {  	[tilespmem:s28], [sflag:$0x3] =	stream.linear.gather [hbm4b:s17+s4], $0xC80, $0x38;
	[tilespmem:$0x1D000] =	vst v63  }
0xb2: {  	_ =	swait.ge [sflag:s29], $0xC80  }
0xb3: {  	[sflag:s29] =	ssyncset.done $0x0  }
0xb4: {  	s5 =	sand.u32 $0x1, s8;
	[sflag:s29] =	ssyncadd.s32 $0xFFFFF380  }
0xb5: {  	s10 =	simm.s32 $0x0;
	s9 =	smul.u32 $0xA000, s5;
	_ =	swait.ge [sflag:s29], $0xC80  }
0xb6: {  	s12 =	simm.s32 $0x1080;
	s7 =	sand.u32 $0x1, s10;
	[sflag:s29] =	ssyncset.done $0x0  }
0xb7: {  	s13 =	smul.u32 $0xA000, s7;
	s6 =	sshrl.u32 s9, $0x2;
	[sflag:s29] =	ssyncadd.s32 $0xFFFFF380  }
0xb8: {  	[tilespmem:s25], [sflag:$0x1] =	stream.indirect.gather [hbm4b:s2+s24], $0x80, s20, s24, $0xb8;
	[tilespmem:$0x1D000] =	vst v63  }
0xb9: {  	s7 =	sadd.s32 $0x1, s7;
	s5 =	sadd.s32 $0x1, s5;
	s6 =	sor.u32 $0x4000, s6  }
0xba: {  	[tilespmem:s6], [sflag:s5] =	stream.indirect.gather [hbm4b:s2+s24], $0x80, s12, s24, $0xb8;
	[tilespmem:$0x1D000] =	vst v63  }
0xbb: {  	s21 =	sshrl.u32 s13, $0x2;
	s9 =	simm.s32 $0x3;
	_ =	swait.ge [sflag:s7], $0x2800  }
0xbc: {  	s8 =	simm.s32 $0x2;
	s5 =	simm.s32 $0x3000;
	[sflag:s7] =	ssyncset.done $0x0  }
0xbd: {  	s6 =	sor.u32 $0x4000, s21;
	[sflag:s7] =	ssyncadd.s32 $0xFFFFD800;
	s7 =	sand.u32 $0x1, s8  }
0xbe: {  	[spmem:s3] =	stream.indirect.scatter.add.f32 [tilespmem:s6], [sflag:$0x5], $0x80, s5, s24, $0xb8;
	[tilespmem:$0x1D000] =	vst v63  }
0xbf: {  	s10 =	smul.u32 $0xA000, s7;
	s6 =	simm.s32 $0x1100;
	_ =	swait.ge [sflag:s22], $0x2800  }
.LBB2_8:
0xc0: {  	[sflag:s22] =	ssyncset.done $0x0  }
0xc1: {  	s5 =	sadd.s32 $0x80, s5;
	s12 =	smov.u32 s9;
	s13 =	sadd.s32 $0x1, s9  }
0xc2: {  	s8 =	sadd.s32 $0xFFFFFFFF, s8;
	s10 =	sshrl.u32 s10, $0x2;
	[sflag:s22] =	ssyncadd.s32 $0xFFFFD800  }
0xc3: {  	s7 =	sadd.s32 $0x1, s7;
	s8 =	sand.u32 $0x1, s8;
	s10 =	sor.u32 $0x4000, s10  }
0xc4: {  	p0 =	sne.s32 s9, $0x18;
	s9 =	smul.u32 $0xA000, s8;
	s21 =	sadd.s32 $0x1, s8  }
0xc5: {  	[tilespmem:s10], [sflag:s7] =	stream.indirect.gather [hbm4b:s2+s24], $0x80, s6, s24, $0xb8;
	[tilespmem:$0x1D000] =	vst v63  }
.Ltmp3:
0xc6: {  	s7 =	sshrl.u32 s9, $0x2;
	_ =	swait.ge [sflag:s21], $0x2800;
	(pc) =	sbr.rel @p0 .LBB2_8-.Ltmp3, $4  }
0xc7: {  	s8 =	smov.u32 s12;
	s9 =	sor.u32 $0x4000, s7;
	[sflag:s21] =	ssyncset.done $0x0  }
0xc8: {  	s6 =	sadd.s32 $0x80, s6;
	s7 =	sand.u32 $0x1, s8;
	[sflag:s21] =	ssyncadd.s32 $0xFFFFD800  }
0xc9: {  	[spmem:s3] =	stream.indirect.scatter.add.f32 [tilespmem:s9], [sflag:$0x5], $0x80, s5, s24, $0xb8;
	[tilespmem:$0x1D000] =	vst v63  }
0xca: {  	s10 =	smul.u32 $0xA000, s7;
	s9 =	smov.u32 s13;
	_ =	swait.ge [sflag:s22], $0x2800  }
0xcb: {  	[sflag:s22] =	ssyncset.done $0x0;
	s8 =	sadd.s32 $0xFFFFFFFF, s8;
	s7 =	sadd.s32 $0x1, s7  }
0xcc: {  	s9 =	sshrl.u32 s10, $0x2;
	[sflag:s22] =	ssyncadd.s32 $0xFFFFD800;
	s8 =	sand.u32 $0x1, s8  }
0xcd: {  	s9 =	sor.u32 $0x4000, s9;
	s21 =	smul.u32 $0xA000, s8;
	s8 =	sadd.s32 $0x1, s8  }
0xce: {  	[tilespmem:s9], [sflag:s7] =	stream.indirect.gather [hbm4b:s2+s24], $0x80, s6, s24, $0xb8;
	[tilespmem:$0x1D000] =	vst v63  }
0xcf: {  	_ =	swait.ge [sflag:s8], $0x2800  }
0xd0: {  	s7 =	sshrl.u32 s21, $0x2;
	[sflag:s8] =	ssyncset.done $0x0  }
0xd1: {  	s5 =	sadd.s32 $0x80, s5;
	s6 =	sor.u32 $0x4000, s7;
	[sflag:s8] =	ssyncadd.s32 $0xFFFFD800  }
0xd2: {  	[spmem:s3] =	stream.indirect.scatter.add.f32 [tilespmem:s6], [sflag:$0x5], $0x80, s5, s24, $0xb8;
	[tilespmem:$0x1D000] =	vst v63  }
0xd3: {  	_ =	swait.ge [sflag:s22], $0x2800  }
0xd4: {  	[sflag:s22] =	ssyncset.done $0x0  }
0xd5: {  	s8 =	simm.s32 $0x1;
	[sflag:s22] =	ssyncadd.s32 $0xFFFFD800  }
0xd6: {  	_ =	swait.ge [sflag:s8], $0x2800  }
0xd7: {  	[sflag:s8] =	ssyncset.done $0x0  }
0xd8: {  	[sflag:s8] =	ssyncadd.s32 $0xFFFFD800  }
0xd9: {  	[spmem:s3] =	stream.indirect.scatter.add.f32 [tilespmem:s25], [sflag:$0x5], $0x80, s30, s24, $0xb8;
	[tilespmem:$0x1D000] =	vst v63  }
0xda: {  	_ =	swait.ge [sflag:s22], $0x2800  }
0xdb: {  	[sflag:s22] =	ssyncset.done $0x0  }
0xdc: {  	[sflag:s22] =	ssyncadd.s32 $0xFFFFD800  }
0xdd: {  	_ =	swait.ge [sflag:s23], $0xC80  }
0xde: {  	[sflag:s23] =	ssyncset.done $0x0  }
0xdf: {  	s5 =	sand.u32 $0x1, s8;
	[sflag:s23] =	ssyncadd.s32 $0xFFFFF380  }
0xe0: {  	s10 =	simm.s32 $0x0;
	s9 =	smul.u32 $0xA000, s5;
	_ =	swait.ge [sflag:s23], $0xC80  }
0xe1: {  	s12 =	simm.s32 $0x80;
	s7 =	sand.u32 $0x1, s10;
	[sflag:s23] =	ssyncset.done $0x0  }
0xe2: {  	s13 =	smul.u32 $0xA000, s7;
	s6 =	sshrl.u32 s9, $0x2;
	[sflag:s23] =	ssyncadd.s32 $0xFFFFF380  }
0xe3: {  	[tilespmem:s25], [sflag:$0x1] =	stream.indirect.gather [hbm4b:s2+s24], $0x80, s4, s24, $0xb8;
	[tilespmem:$0x1D000] =	vst v63  }
0xe4: {  	s7 =	sadd.s32 $0x1, s7;
	s5 =	sadd.s32 $0x1, s5;
	s6 =	sor.u32 $0x4000, s6  }
0xe5: {  	[tilespmem:s6], [sflag:s5] =	stream.indirect.gather [hbm4b:s2+s24], $0x80, s12, s24, $0xb8;
	[tilespmem:$0x1D000] =	vst v63  }
0xe6: {  	s21 =	sshrl.u32 s13, $0x2;
	s9 =	simm.s32 $0x3;
	_ =	swait.ge [sflag:s7], $0x2800  }
0xe7: {  	s8 =	simm.s32 $0x2;
	s5 =	simm.s32 $0x2000;
	[sflag:s7] =	ssyncset.done $0x0  }
0xe8: {  	s6 =	sor.u32 $0x4000, s21;
	[sflag:s7] =	ssyncadd.s32 $0xFFFFD800;
	s7 =	sand.u32 $0x1, s8  }
0xe9: {  	[spmem:s3] =	stream.indirect.scatter.add.f32 [tilespmem:s6], [sflag:$0x5], $0x80, s5, s24, $0xb8;
	[tilespmem:$0x1D000] =	vst v63  }
0xea: {  	s10 =	smul.u32 $0xA000, s7;
	s6 =	simm.s32 $0x100;
	_ =	swait.ge [sflag:s22], $0x2800  }
.LBB2_10:
0xeb: {  	[sflag:s22] =	ssyncset.done $0x0  }
0xec: {  	s5 =	sadd.s32 $0x80, s5;
	s12 =	smov.u32 s9;
	s13 =	sadd.s32 $0x1, s9  }
0xed: {  	s8 =	sadd.s32 $0xFFFFFFFF, s8;
	s10 =	sshrl.u32 s10, $0x2;
	[sflag:s22] =	ssyncadd.s32 $0xFFFFD800  }
0xee: {  	s7 =	sadd.s32 $0x1, s7;
	s8 =	sand.u32 $0x1, s8;
	s10 =	sor.u32 $0x4000, s10  }
0xef: {  	p0 =	sne.s32 s9, $0x18;
	s9 =	smul.u32 $0xA000, s8;
	s21 =	sadd.s32 $0x1, s8  }
0xf0: {  	[tilespmem:s10], [sflag:s7] =	stream.indirect.gather [hbm4b:s2+s24], $0x80, s6, s24, $0xb8;
	[tilespmem:$0x1D000] =	vst v63  }
.Ltmp4:
0xf1: {  	s7 =	sshrl.u32 s9, $0x2;
	_ =	swait.ge [sflag:s21], $0x2800;
	(pc) =	sbr.rel @p0 .LBB2_10-.Ltmp4, $4  }
0xf2: {  	s8 =	smov.u32 s12;
	s9 =	sor.u32 $0x4000, s7;
	[sflag:s21] =	ssyncset.done $0x0  }
0xf3: {  	s6 =	sadd.s32 $0x80, s6;
	s7 =	sand.u32 $0x1, s8;
	[sflag:s21] =	ssyncadd.s32 $0xFFFFD800  }
0xf4: {  	[spmem:s3] =	stream.indirect.scatter.add.f32 [tilespmem:s9], [sflag:$0x5], $0x80, s5, s24, $0xb8;
	[tilespmem:$0x1D000] =	vst v63  }
0xf5: {  	s10 =	smul.u32 $0xA000, s7;
	s9 =	smov.u32 s13;
	_ =	swait.ge [sflag:s22], $0x2800  }
0xf6: {  	[sflag:s22] =	ssyncset.done $0x0;
	s8 =	sadd.s32 $0xFFFFFFFF, s8;
	s7 =	sadd.s32 $0x1, s7  }
0xf7: {  	s9 =	sshrl.u32 s10, $0x2;
	[sflag:s22] =	ssyncadd.s32 $0xFFFFD800;
	s8 =	sand.u32 $0x1, s8  }
0xf8: {  	s9 =	sor.u32 $0x4000, s9;
	s13 =	smul.u32 $0xA000, s8;
	s8 =	sadd.s32 $0x1, s8  }
0xf9: {  	[tilespmem:s9], [sflag:s7] =	stream.indirect.gather [hbm4b:s2+s24], $0x80, s6, s24, $0xb8;
	[tilespmem:$0x1D000] =	vst v63  }
0xfa: {  	_ =	swait.ge [sflag:s8], $0x2800  }
0xfb: {  	s21 =	sshrl.u32 s13, $0x2;
	[sflag:s8] =	ssyncset.done $0x0  }
0xfc: {  	s5 =	sadd.s32 $0x80, s5;
	s6 =	sor.u32 $0x4000, s21;
	[sflag:s8] =	ssyncadd.s32 $0xFFFFD800  }
0xfd: {  	[spmem:s3] =	stream.indirect.scatter.add.f32 [tilespmem:s6], [sflag:$0x5], $0x80, s5, s24, $0xb8;
	[tilespmem:$0x1D000] =	vst v63  }
0xfe: {  	_ =	swait.ge [sflag:s22], $0x2800  }
0xff: {  	[sflag:s22] =	ssyncset.done $0x0  }
0x100: {  	[sflag:s22] =	ssyncadd.s32 $0xFFFFD800  }
0x101: {  	_ =	swait.ge [sflag:s31], $0x2800  }
0x102: {  	[sflag:s31] =	ssyncset.done $0x0  }
0x103: {  	[sflag:s31] =	ssyncadd.s32 $0xFFFFD800  }
0x104: {  	[spmem:s3] =	stream.indirect.scatter.add.f32 [tilespmem:s25], [sflag:$0x5], $0x80, s26, s24, $0xb8;
	[tilespmem:$0x1D000] =	vst v63  }
0x105: {  	_ =	swait.ge [sflag:s22], $0x2800  }
0x106: {  	s0 =	sadd.s32 $0x1, s0;
	[sflag:s22] =	ssyncset.done $0x0  }
0x107: {  	p0 =	sne.s32 s0, s19;
	[sflag:s22] =	ssyncadd.s32 $0xFFFFD800  }
.Ltmp5:
0x108: {  	[bflag:$0x0] =	sbarrier.arrive $0xFFFF;
	(pc) =	sbr.rel @p0 .LBB2_1-.Ltmp5, $4  }
0x109: {  	[hbm:s18], [sflag:s11] =	dma.local [spmem:s1], $0x2800  }
0x10a: {  	_ =	swait.ge [sflag:s22], $0x2800  }
0x10b: {  	[sflag:s22] =	ssyncset.done $0x0  }
0x10c: {  	[sflag:s22] =	ssyncadd.s32 $0xFFFFD800  }
0x10d: {  	_ =	sfence.sel $0x180000  }
0x10e: {  	[bflag:$0x0] =	sbarrier.arrive $0xFFFF  }
0x10f: {  	_ =	strace $0x9000004A  }
0x110: {  	s0 =	stileid.u32;
	[bflag:$0x2] =	sbarrier.arrive $0xFFFF  }
0x111: {  	p0 =	sne.s32 s0, $0x0;
	s0 =	rddreg [dreg:$0x3]  }
0x112: {  	s0 =	sadd.s32 @!p0 $0x100000, s0  }
0x113: {  	[sflag:s0] =	ssyncadd.tile.s32 @!p0 $0x1;
	_ =	shalt  }
.Lfunc_end2:
_tile_overlayer_lowered:
.L_overlay_start_2:
0x114: {  	(tag) =	ssettag $0x2  }
0x115: {  	s0 =	rddreg [dreg:$0x0];
	s2 =	stileid.u32  }
0x116: {  	s1 =	rddreg [dreg:$0x1];
	p0 =	sne.s32 s2, $0x0  }
0x117: {  	s3 =	rddreg [dreg:$0x2];
	[bflag:$0x3] =	sbarrier.arrive $0xFFFF;
	s2 =	simm.s32 @!p0 $0x1C05  }
0x118: {  	[timem:s3], [sflag:s2] =	dma.local @!p0 [hbm:s0], s1  }
0x119: {  	s0 =	simm.s32 @!p0 $0x5  }
0x11a: {  	_ =	swait.ge @!p0 [sflag:s0], s1  }
0x11b: {  	s1 =	ssub.s32 @!p0 $0x0, s1;
	[sflag:s0] =	ssyncset.done @!p0 $0x0  }
0x11c: {  	[sflag:s0] =	ssyncadd.s32 @!p0 s1  }
0x11d: {  	[bflag:$0x3] =	sbarrier.arrive $0xFFFF  }
0x11e: {  	_ =	shalt  }

// kernel: kernel.15.cloned.1.call-start
scs
__scs_entry_jumppad:
0x0: {  	(pc) =	sbr.rel $0x88, $3  }
0x1: {  	(tag) =	ssettag $0x0;
	lr =	simm.s32 $0x1  }
0x2: {  	[smem:$0x3F99] =	sst lr;
	_ =	strace $0xD0000000  }
0x3: {  	_ = 	snop  }
0x4: {  	_ = 	snop  }
0x5: {  	_ = 	snop  }
0x6: {  	_ = 	snop  }
0x7: {  	_ = 	snop  }
__scs_overlays_trampoline_lowered:
0x8: {  	[smem:$0x3FA8] =	sst s0  }
0x9: {  	[smem:$0x3FA9] =	sst s1  }
0xa: {  	[smem:$0x3FAA] =	sst s2  }
0xb: {  	[smem:$0x3FAB] =	sst s3  }
0xc: {  	[smem:$0x3FAC] =	sst s4  }
0xd: {  	[smem:$0x3FAD] =	sst s5  }
0xe: {  	[smem:$0x3FAE] =	sst s6  }
0xf: {  	[smem:$0x3FAF] =	sst s7  }
0x10: {  	[smem:$0x3FB0] =	sst s8  }
0x11: {  	[smem:$0x3FB1] =	sst s9;
	s0 =	simm.s32 @!p0 $0x0  }
0x12: {  	s1 =	sld [smem:$0x3F97];
	s0 =	simm.s32 @p0 $0x1  }
0x13: {  	[smem:$0x3FB2] =	sst s0;
	s0 =	simm.s32 @!p1 $0x0  }
0x14: {  	s2 =	sld [smem:$0x3F96];
	s0 =	simm.s32 @p1 $0x1  }
0x15: {  	[smem:$0x3FB3] =	sst s0;
	s0 =	simm.s32 @!p2 $0x0  }
0x16: {  	s3 =	sld [smem:$0x3FDB];
	s0 =	simm.s32 @p2 $0x1  }
0x17: {  	s4 =	simm.s32 $0x1BF5;
	[smem:$0x3FB5] =	sst s0  }
0x18: {  	s0 =	sld [smem:$0x3F98];
	_ =	swait.ge [sflag:s4], $0x0  }
0x19: {  	s7 =	sld [smem:$0x3F99]  }
0x1a: {  	s8 =	sadd.s32 $0xFFFFE003, lr  }
0x1b: {  	s9 =	sadd.s32 $0xFFFFFEF7, lr;
	s5 =	simm.s32 $0xFFFFFFFF;
	p2 =	slt.u32 s8, $0xFFFFF086  }
0x1c: {  	p1 =	slt.u32 s9, $0xF7A;
	s5 =	simm.s32 @!p2 $0x0  }
0x1d: {  	s5 =	simm.s32 @p1 $0x1;
	p0 =	seq.s32 s7, s2  }
0x1e: {  	s7 =	smul.u32 @!p0 $0xF7A, s2;
	p2 =	seq.s32 @!p0 s5, $0x0  }
0x1f: {  	s9 =	smul.u32 $0xF7A, s1;
	s8 =	simm.s32 @!p0 $0x1BF5;
	p2 =	por !p2, p0  }
0x20: {  	[sflag:s8] =	ssyncset.s32 @!p0 $0xFFFFF086;
	s6 =	sadd.s32 @!p0 s3, s7;
	s7 =	simm.s32 @!p0 $0x108  }
0x21: {  	s3 =	sadd.s32 s3, s9;
	s6 =	sadd.s32 @!p0 $0x88, s6;
	s7 =	simm.s32 @p2 $0x1082  }
0x22: {  	[simem:s7], [sflag:s8] =	dma.local @!p0 [hbm:s6], $0xF7A  }
0x23: {  	s9 =	sor.u32 $0xD0000000, s2;
	s6 =	simm.s32 $0x108;
	_ =	swait.ge @!p0 [sflag:s8], $0x0  }
0x24: {  	s3 =	sadd.s32 $0x88, s3;
	s6 =	simm.s32 @!p1 $0x1082;
	[sflag:s4] =	ssyncset.s32 $0xFFFFF086  }
0x25: {  	[simem:s6], [sflag:s4] =	dma.local [hbm:s3], $0xF7A  }
0x26: {  	[smem:$0x3F99] =	sst s1;
	(tag) =	ssettag s2;
	_ =	strace s9  }
0x27: {  	s1 =	sld [smem:$0x3FA9]  }
0x28: {  	s2 =	sld [smem:$0x3FAA]  }
0x29: {  	s4 =	sld [smem:$0x3FAC]  }
0x2a: {  	p0 =	seq.s32 s5, $0x0;
	s5 =	sld [smem:$0x3FAD]  }
0x2b: {  	s6 =	sld [smem:$0x3FAE]  }
0x2c: {  	s7 =	sld [smem:$0x3FAF]  }
0x2d: {  	s3 =	simm.s32 $0x108;
	s8 =	sld [smem:$0x3FB0]  }
0x2e: {  	s3 =	simm.s32 @!p0 $0x1082;
	s9 =	sld [smem:$0x3FB1]  }
0x2f: {  	lr =	sadd.s32 s0, s3;
	s0 =	sld [smem:$0x3FA8]  }
0x30: {  	s3 =	sld [smem:$0x3FAB]  }
0x31: {  	[smem:$0x3FB4] =	sst s10  }
0x32: {  	s10 =	sld [smem:$0x3FB2];
	_ =	sdelay $0x3  }
0x33: {  	p0 =	seq.s32 s10, $0x1;
	s10 =	sld [smem:$0x3FB4];
	_ =	sdelay $0x3  }
0x34: {  	[smem:$0x3FB4] =	sst s10  }
0x35: {  	s10 =	sld [smem:$0x3FB3];
	_ =	sdelay $0x3  }
0x36: {  	p1 =	seq.s32 s10, $0x1;
	s10 =	sld [smem:$0x3FB4];
	_ =	sdelay $0x3  }
0x37: {  	[smem:$0x3FB4] =	sst s10  }
0x38: {  	s10 =	sld [smem:$0x3FB5]  }
0x39: {  	_ = 	snop;
	(pc) =	sbr.ind lr, $3  }
0x3a: {  	_ = 	snop  }
0x3b: {  	_ = 	snop  }
0x3c: {  	p2 =	seq.s32 s10, $0x1;
	s10 =	sld [smem:$0x3FB4]  }
0x3d: {  	_ =	shalt  }
0x3e: {  	_ =	shalt  }
0x3f: {  	_ =	shalt  }
0x40: {  	_ =	shalt  }
0x41: {  	_ =	shalt  }
0x42: {  	_ =	shalt  }
0x43: {  	_ =	shalt  }
0x44: {  	_ =	shalt  }
0x45: {  	_ =	shalt  }
0x46: {  	_ =	shalt  }
0x47: {  	_ =	shalt  }
0x48: {  	_ =	shalt  }
0x49: {  	_ =	shalt  }
0x4a: {  	_ =	shalt  }
0x4b: {  	_ =	shalt  }
0x4c: {  	_ =	shalt  }
0x4d: {  	_ =	shalt  }
0x4e: {  	_ =	shalt  }
0x4f: {  	_ =	shalt  }
0x50: {  	_ =	shalt  }
0x51: {  	_ =	shalt  }
0x52: {  	_ =	shalt  }
0x53: {  	_ =	shalt  }
0x54: {  	_ =	shalt  }
0x55: {  	_ =	shalt  }
0x56: {  	_ =	shalt  }
0x57: {  	_ =	shalt  }
0x58: {  	_ =	shalt  }
0x59: {  	_ =	shalt  }
0x5a: {  	_ =	shalt  }
0x5b: {  	_ =	shalt  }
0x5c: {  	_ =	shalt  }
0x5d: {  	_ =	shalt  }
0x5e: {  	_ =	shalt  }
0x5f: {  	_ =	shalt  }
0x60: {  	_ =	shalt  }
0x61: {  	_ =	shalt  }
0x62: {  	_ =	shalt  }
0x63: {  	_ =	shalt  }
0x64: {  	_ =	shalt  }
0x65: {  	_ =	shalt  }
0x66: {  	_ =	shalt  }
0x67: {  	_ =	shalt  }
0x68: {  	_ =	shalt  }
0x69: {  	_ =	shalt  }
0x6a: {  	_ =	shalt  }
0x6b: {  	_ =	shalt  }
0x6c: {  	_ =	shalt  }
0x6d: {  	_ =	shalt  }
0x6e: {  	_ =	shalt  }
0x6f: {  	_ =	shalt  }
0x70: {  	_ =	shalt  }
0x71: {  	_ =	shalt  }
0x72: {  	_ =	shalt  }
0x73: {  	_ =	shalt  }
0x74: {  	_ =	shalt  }
0x75: {  	_ =	shalt  }
0x76: {  	_ =	shalt  }
0x77: {  	_ =	shalt  }
0x78: {  	_ =	shalt  }
0x79: {  	_ =	shalt  }
0x7a: {  	_ =	shalt  }
0x7b: {  	_ =	shalt  }
0x7c: {  	_ =	shalt  }
0x7d: {  	_ =	shalt  }
0x7e: {  	_ =	shalt  }
0x7f: {  	_ =	shalt  }
0x80: {  	_ =	shalt  }
0x81: {  	_ =	shalt  }
0x82: {  	_ =	shalt  }
0x83: {  	_ =	shalt  }
0x84: {  	_ =	shalt  }
0x85: {  	_ =	shalt  }
0x86: {  	_ =	shalt  }
0x87: {  	_ =	shalt  }
.Lfunc_end0:
.L_simem_size_0:
called_computation.2_lowered:
.L_overlay_start_0:
0x88: {  	s2 =	sld [smem:$0x3FD9]  }
0x89: {  	s3 =	sld [smem:$0x3FFE];
	_ =	sdelay $0x1  }
0x8a: {  	s1 =	srdreg.scid  }
0x8b: {  	s0 =	sand.u32 $0x1, s1  }
0x8c: {  	s14 =	sshll.u32 s0, $0xA;
	s2 =	sadd.s32 s3, s2  }
0x8d: {  	s2 =	sadd.s32 s2, s14  }
0x8e: {  	[smem:$0x3FC0] =	sst s2  }
0x8f: {  	_ = 	snop  }
0x90: {  	s2 =	sld [smem:$0x3FD0];
	_ =	sdelay $0x2  }
0x91: {  	s15 =	simm.s32 $0xA;
	s4 =	simm.s32 $0x10  }
0x92: {  	[smem:s4], [sflag:s15] =	dma.local [hbm:s2], $0x1  }
0x93: {  	_ =	swait.eq [sflag:s15], $0x1  }
0x94: {  	[sflag:s15] =	ssyncset.done $0x0  }
0x95: {  	[sflag:s15] =	ssyncadd.s32 $0xFFFFFFFF  }
0x96: {  	s16 =	sld [smem:$0x12];
	(tm) =	ssettm $0x1  }
0x97: {  	s17 =	sld [smem:$0x3FFB];
	_ =	sdelay $0x3  }
0x98: {  	_ =	strace s17  }
0x99: {  	s3 =	sld [smem:$0x3FFC];
	_ =	sdelay $0x3  }
0x9a: {  	_ =	strace s3  }
0x9b: {  	s3 =	sld [smem:$0x3FFD];
	_ =	sdelay $0x3  }
0x9c: {  	_ =	strace s3  }
0x9d: {  	_ =	strace $0x8FFFFFFF  }
0x9e: {  	s18 =	sld [smem:$0x3FDB];
	_ =	sdelay $0x1  }
0x9f: {  	s19 =	simm.s32 $_scs_section_size  }
0xa0: {  	s5 =	simm.s32 $_size__tile_overlayer_lowered;
	s6 =	simm.s32 $_tile_overlayer_lowered  }
0xa1: {  	s22 =	simm.s32 $0x1BFF;
	s21 =	sshll.u32 s6, $0x1;
	s3 =	sadd.s32 s19, s18  }
0xa2: {  	s7 =	simm.s32 $0x0;
	s20 =	sshll.u32 s5, $0x1;
	s5 =	sadd.s32 s21, s3  }
0xa3: {  	[timem:s7], [sflag:s22] =	dma.local [hbm:s5], s20  }
0xa4: {  	_ =	swait.ge [sflag:s22], s20  }
0xa5: {  	s4 =	ssub.s32 $0x0, s20;
	[sflag:s22] =	ssyncset.done $0x0  }
0xa6: {  	[sflag:s22] =	ssyncadd.s32 s4;
	_ =	sdelay $0x1  }
0xa7: {  	s23 =	simm.s32 $0x1B8B  }
0xa8: {  	_ =	swait.ge [sflag:s23], $0x1  }
0xa9: {  	[sflag:s23] =	ssyncset.done $0x0  }
0xaa: {  	s25 =	simm.s32 $0x1B8E;
	s24 =	sld [smem:$0x3FFE];
	[sflag:s23] =	ssyncadd.s32 $0xFFFFFFFF  }
0xab: {  	s26 =	simm.s32 $execute0_lowered;
	[smem:$0x3FD2] =	sst s25  }
0xac: {  	s5 =	sshll.u32 s26, $0x1;
	_ =	strace $0x8000004C;
	[dreg:$0x1] =	wrdreg $0xFFFFFFFF  }
0xad: {  	s28 =	simm.s32 $_size_execute0_lowered;
	s3 =	sadd.s32 s3, s5;
	[dreg:$0x0] =	wrdreg $0x0  }
0xae: {  	s5 =	sshll.u32 s28, $0x1;
	[dreg:$0x2] =	wrdreg s3  }
0xaf: {  	[dreg:$0x3] =	wrdreg s5  }
0xb0: {  	[dreg:$0x4] =	wrdreg $0xC0  }
0xb1: {  	_ =	task [dreg:s7], $0x5FFFF  }
0xb2: {  	[dreg:$0x1] =	wrdreg $0xFFFFFFFF  }
0xb3: {  	[dreg:$0x0] =	wrdreg $0x60  }
0xb4: {  	[dreg:$0x2] =	wrdreg s24  }
0xb5: {  	[dreg:$0x3] =	wrdreg s16  }
0xb6: {  	[dreg:$0x4] =	wrdreg $0x90000  }
0xb7: {  	[dreg:$0x5] =	wrdreg $0x9  }
0xb8: {  	_ =	task.clear_ibuf [dreg:s7], $0x6FFFF;
	_ =	strace $0x9000004C  }
0xb9: {  	s29 =	simm.s32 $0x9;
	_ =	strace $0x8000004E  }
0xba: {  	_ =	swait.ge [sflag:s29], $0x1  }
0xbb: {  	[sflag:s29] =	ssyncadd.s32 $0xFFFFFFFF  }
0xbc: {  	_ =	strace $0x9000004E  }
0xbd: {  	_ =	sfence  }
0xbe: {  	s30 =	sld [smem:$0x0];
	_ =	sdelay $0x2  }
0xbf: {  	s31 =	sshll.u32 s1, $0xD;
	s1 =	sshrl.u32 s1, $0x2  }
0xc0: {  	s3 =	sand.u32 $0x4000, s31;
	s1 =	sadd.s32 s1, s30  }
0xc1: {  	s0 =	sor.u32 s3, s0;
	s1 =	sshll.u32 s1, $0x11  }
0xc2: {  	s0 =	sor.u32 s1, s0  }
0xc3: {  	s0 =	sadd.s32 $0x8F2B, s0  }
0xc4: {  	[sflag:s0] =	ssyncadd.remote.s32 $0x1  }
0xc5: {  	_ =	sfence.sel $0xFFFF  }
0xc6: {  	[dreg:$0x0] =	wrdreg $0xFFFFFFFF;
	(pc) =	sbr.abs _section_cstart, $3  }
0xc7: {  	[dreg:$0x1] =	wrdreg $0xFFFFFFFF  }
0xc8: {  	_ =	task.clear_ibuf [dreg:s7], $0x2FFFF;
	_ =	strace $0x9FFFFFFF  }
0xc9: {  	(tm) =	ssettm $0x7FFFFFFF  }
tec
execute0_lowered:
.L_overlay_start_1:
0x0: {  	(tag) =	ssettag $0x1  }
0x1: {  	s0 =	rddreg [dreg:$0x0]  }
0x2: {  	s2 =	rddreg [dreg:$0x1]  }
0x3: {  	s3 =	rddreg [dreg:$0x2]  }
0x4: {  	s4 =	simm.s32 $0x0;
	s11 =	stileid.u32;
	s1 =	srdreg.scid  }
0x5: {  	s28 =	simm.s32 $0x2000;
	s29 =	simm.s32 $0x4;
	s30 =	simm.s32 $0x3C00  }
0x6: {  	s31 =	simm.s32 $0x1;
	[smem:$0x7FF] =	sst s4;
	s5 =	smul.u32 $0x14000, s11  }
0x7: {  	s1 =	sand.u32 $0x1, s1;
	s7 =	sadd.s32 $0x8FA00, s0;
	s8 =	sadd.s32 $0x3A00, s0  }
0x8: {  	s9 =	sshll.u32 s11, $0x1;
	s18 =	smul.u32 $0x50000, s11;
	s22 =	sshll.u32 s11, $0x6  }
0x9: {  	_ =	strace $0x8000004D;
	s6 =	smul.u32 $0x140000, s1;
	s14 =	sor.u32 s1, s9  }
0xa: {  	s1 =	ssub.s32 $0x2, s1;
	s11 =	sor.u32 $0x1C05, s22;
	s22 =	simm.s32 $0x5  }
0xb: {  	s10 =	sshrl.u32 s5, $0x3;
	s16 =	sshrl.u32 s1, $0x1;
	s5 =	sadd.s32 s5, s6  }
0xc: {  	s6 =	smul.u32 $0x5000, s14;
	s15 =	sadd.s32 s10, s0;
	s5 =	sshrl.u32 s5, $0x3  }
0xd: {  	s1 =	ssub.s32 s1, s16;
	s9 =	sadd.s32 $0x17A00, s15;
	s0 =	sadd.s32 s5, s0  }
0xe: {  	s17 =	sshrl.u32 s6, $0x3;
	s6 =	sshrl.u32 s18, $0x2;
	[dreg:$0x9] =	wrdreg s9  }
0xf: {  	s19 =	sadd.s32 s7, s17;
	s20 =	sadd.s32 s8, s17;
	s21 =	sadd.s32 $0x200, s17  }
0x10: {  	s6 =	sadd.s32 s6, s3;
	s23 =	sadd.s32 $0x400, s17;
	s26 =	sadd.s32 $0x600, s17  }
0x11: {  	s5 =	sadd.s32 $0x800, s17;
	s18 =	sadd.s32 $0x3FA00, s0;
	[dreg:$0x4] =	wrdreg s19  }
0x12: {  	s0 =	simm.s32 $0x0;
	[dreg:$0x5] =	wrdreg s20;
	s12 =	sadd.s32 s7, s21  }
0x13: {  	s10 =	sadd.s32 s8, s21;
	[dreg:$0x8] =	wrdreg s6;
	s24 =	sadd.s32 s7, s23  }
0x14: {  	s25 =	sadd.s32 s8, s23;
	s14 =	sadd.s32 s7, s26;
	s15 =	sadd.s32 s8, s26  }
0x15: {  	s16 =	sadd.s32 s7, s5;
	s17 =	sadd.s32 s8, s5;
	[dreg:$0x6] =	wrdreg s12  }
0x16: {  	s19 =	smax.u32 s1, $0x1;
	s20 =	simm.s32 $0x1000;
	[dreg:$0x7] =	wrdreg s10  }
0x17: {  	s23 =	simm.s32 $0x3;
	s26 =	simm.s32 $0x2C00;
	[dreg:$0xa] =	wrdreg s24  }
0x18: {  	[dreg:$0xb] =	wrdreg s25;
	s24 =	simm.s32 $0x50;
	s25 =	simm.s32 $0x4000  }
.LBB2_1:
0x19: {  	s1 =	rddreg [dreg:$0x4]  }
0x1a: {  	s7 =	rddreg [dreg:$0x5]  }
0x1b: {  	s8 =	rddreg [dreg:$0x6]  }
0x1c: {  	[tilespmem:s4], [sflag:$0x3] =	stream.linear.gather [hbm4b:s1+s4], $0xC80, $0x38;
	[tilespmem:$0x1D000] =	vst v63  }
0x1d: {  	s9 =	rddreg [dreg:$0x7]  }
0x1e: {  	[tilespmem:s28], [sflag:$0x3] =	stream.linear.gather [hbm4b:s7+s4], $0xC80, $0x38;
	[tilespmem:$0x1D000] =	vst v63  }
0x1f: {  	s10 =	rddreg [dreg:$0x8]  }
0x20: {  	[tilespmem:s20], [sflag:$0x4] =	stream.linear.gather [hbm4b:s8+s4], $0xC80, $0x38;
	[tilespmem:$0x1D000] =	vst v63  }
0x21: {  	s5 =	simm.s32 $0x3000;
	s12 =	rddreg [dreg:$0x9];
	s1 =	sshrl.u32 s10, $0x3  }
0x22: {  	[tilespmem:s5], [sflag:$0x4] =	stream.linear.gather [hbm4b:s9+s4], $0xC80, $0x38;
	[tilespmem:$0x1D000] =	vst v63  }
0x23: {  	[spmem:s1], [sflag:s11] =	dma.local [hbm:s12], $0x2800  }
0x24: {  	_ =	swait.ge [sflag:s22], $0x2800  }
0x25: {  	[sflag:s22] =	ssyncset.done $0x0  }
0x26: {  	[sflag:s22] =	ssyncadd.s32 $0xFFFFD800  }
0x27: {  	[bflag:$0x0] =	sbarrier.arrive $0xFFFF  }
0x28: {  	_ =	swait.ge [sflag:s23], $0xC80  }
0x29: {  	s13 =	sand.u32 $0x1, s31;
	[sflag:s23] =	ssyncset.done $0x0  }
0x2a: {  	s6 =	smul.u32 $0xA000, s13;
	[sflag:s23] =	ssyncadd.s32 $0xFFFFF380  }
0x2b: {  	s7 =	simm.s32 $0x0;
	_ =	swait.ge [sflag:s23], $0xC80  }
0x2c: {  	s6 =	sshrl.u32 s6, $0x2;
	s7 =	sand.u32 $0x1, s7;
	[sflag:s23] =	ssyncset.done $0x0  }
0x2d: {  	s6 =	sor.u32 $0x4000, s6;
	s8 =	simm.s32 $0x80;
	[sflag:s23] =	ssyncadd.s32 $0xFFFFF380  }
0x2e: {  	[tilespmem:s25], [sflag:$0x1] =	stream.indirect.gather [hbm4b:s2+s24], $0x80, s4, s24, $0xb8;
	[tilespmem:$0x1D000] =	vst v63  }
0x2f: {  	s10 =	sadd.s32 $0x1, s7;
	s5 =	sadd.s32 $0x1, s13;
	s9 =	smul.u32 $0xA000, s7  }
0x30: {  	[tilespmem:s6], [sflag:s5] =	stream.indirect.gather [hbm4b:s2+s24], $0x80, s8, s24, $0xb8;
	[tilespmem:$0x1D000] =	vst v63  }
0x31: {  	s21 =	sshrl.u32 s9, $0x2;
	s9 =	simm.s32 $0x3;
	_ =	swait.ge [sflag:s10], $0x2800  }
0x32: {  	s8 =	simm.s32 $0x2;
	s5 =	sor.u32 $0x4000, s21;
	[sflag:s10] =	ssyncset.done $0x0  }
0x33: {  	s6 =	simm.s32 $0x100;
	s7 =	sand.u32 $0x1, s8;
	[sflag:s10] =	ssyncadd.s32 $0xFFFFD800  }
0x34: {  	[spmem:s3] =	stream.indirect.scatter.add.f32 [tilespmem:s5], [sflag:$0x5], $0x80, s28, s24, $0xb8;
	[tilespmem:$0x1D000] =	vst v63  }
0x35: {  	s10 =	smul.u32 $0xA000, s7;
	s5 =	simm.s32 $0x2000;
	_ =	swait.ge [sflag:s22], $0x2800  }
.LBB2_2:
0x36: {  	[sflag:s22] =	ssyncset.done $0x0  }
0x37: {  	s5 =	sadd.s32 $0x80, s5;
	s12 =	smov.u32 s9;
	s13 =	sadd.s32 $0x1, s9  }
0x38: {  	s8 =	sadd.s32 $0xFFFFFFFF, s8;
	s10 =	sshrl.u32 s10, $0x2;
	[sflag:s22] =	ssyncadd.s32 $0xFFFFD800  }
0x39: {  	s7 =	sadd.s32 $0x1, s7;
	s8 =	sand.u32 $0x1, s8;
	s10 =	sor.u32 $0x4000, s10  }
0x3a: {  	p0 =	sne.s32 s9, $0x18;
	s9 =	smul.u32 $0xA000, s8;
	s21 =	sadd.s32 $0x1, s8  }
0x3b: {  	[tilespmem:s10], [sflag:s7] =	stream.indirect.gather [hbm4b:s2+s24], $0x80, s6, s24, $0xb8;
	[tilespmem:$0x1D000] =	vst v63  }
.Ltmp0:
0x3c: {  	s7 =	sshrl.u32 s9, $0x2;
	_ =	swait.ge [sflag:s21], $0x2800;
	(pc) =	sbr.rel @p0 .LBB2_2-.Ltmp0, $4  }
0x3d: {  	s8 =	smov.u32 s12;
	s9 =	sor.u32 $0x4000, s7;
	[sflag:s21] =	ssyncset.done $0x0  }
0x3e: {  	s6 =	sadd.s32 $0x80, s6;
	s7 =	sand.u32 $0x1, s8;
	[sflag:s21] =	ssyncadd.s32 $0xFFFFD800  }
0x3f: {  	[spmem:s3] =	stream.indirect.scatter.add.f32 [tilespmem:s9], [sflag:$0x5], $0x80, s5, s24, $0xb8;
	[tilespmem:$0x1D000] =	vst v63  }
0x40: {  	s10 =	smul.u32 $0xA000, s7;
	s9 =	smov.u32 s13;
	_ =	swait.ge [sflag:s22], $0x2800  }
0x41: {  	[sflag:s22] =	ssyncset.done $0x0;
	s8 =	sadd.s32 $0xFFFFFFFF, s8;
	s7 =	sadd.s32 $0x1, s7  }
0x42: {  	s9 =	sshrl.u32 s10, $0x2;
	[sflag:s22] =	ssyncadd.s32 $0xFFFFD800;
	s8 =	sand.u32 $0x1, s8  }
0x43: {  	s9 =	sor.u32 $0x4000, s9;
	s12 =	smul.u32 $0xA000, s8;
	s8 =	sadd.s32 $0x1, s8  }
0x44: {  	[tilespmem:s9], [sflag:s7] =	stream.indirect.gather [hbm4b:s2+s24], $0x80, s6, s24, $0xb8;
	[tilespmem:$0x1D000] =	vst v63  }
0x45: {  	_ =	swait.ge [sflag:s8], $0x2800  }
0x46: {  	s13 =	sshrl.u32 s12, $0x2;
	[sflag:s8] =	ssyncset.done $0x0  }
0x47: {  	s5 =	sadd.s32 $0x80, s5;
	s6 =	sor.u32 $0x4000, s13;
	[sflag:s8] =	ssyncadd.s32 $0xFFFFD800  }
0x48: {  	[spmem:s3] =	stream.indirect.scatter.add.f32 [tilespmem:s6], [sflag:$0x5], $0x80, s5, s24, $0xb8;
	[tilespmem:$0x1D000] =	vst v63  }
0x49: {  	_ =	swait.ge [sflag:s22], $0x2800  }
0x4a: {  	[sflag:s22] =	ssyncset.done $0x0  }
0x4b: {  	s21 =	simm.s32 $0x1;
	[sflag:s22] =	ssyncadd.s32 $0xFFFFD800  }
0x4c: {  	_ =	swait.ge [sflag:s21], $0x2800  }
0x4d: {  	[sflag:s21] =	ssyncset.done $0x0  }
0x4e: {  	[sflag:s21] =	ssyncadd.s32 $0xFFFFD800  }
0x4f: {  	[spmem:s3] =	stream.indirect.scatter.add.f32 [tilespmem:s25], [sflag:$0x5], $0x80, s26, s24, $0xb8;
	[tilespmem:$0x1D000] =	vst v63  }
0x50: {  	_ =	swait.ge [sflag:s22], $0x2800  }
0x51: {  	[sflag:s22] =	ssyncset.done $0x0  }
0x52: {  	s7 =	rddreg [dreg:$0xa];
	[sflag:s22] =	ssyncadd.s32 $0xFFFFD800  }
0x53: {  	[tilespmem:s4], [sflag:$0x3] =	stream.linear.gather [hbm4b:s7+s4], $0xC80, $0x38;
	[tilespmem:$0x1D000] =	vst v63  }
0x54: {  	s8 =	rddreg [dreg:$0xb]  }
0x55: {  	[tilespmem:s28], [sflag:$0x3] =	stream.linear.gather [hbm4b:s8+s4], $0xC80, $0x38;
	[tilespmem:$0x1D000] =	vst v63  }
0x56: {  	_ =	swait.ge [sflag:s29], $0xC80  }
0x57: {  	[sflag:s29] =	ssyncset.done $0x0  }
0x58: {  	s5 =	sand.u32 $0x1, s21;
	[sflag:s29] =	ssyncadd.s32 $0xFFFFF380  }
0x59: {  	s10 =	simm.s32 $0x0;
	s9 =	smul.u32 $0xA000, s5;
	_ =	swait.ge [sflag:s29], $0xC80  }
0x5a: {  	s12 =	simm.s32 $0x1080;
	s5 =	sadd.s32 $0x1, s5;
	[sflag:s29] =	ssyncset.done $0x0  }
0x5b: {  	s6 =	sshrl.u32 s9, $0x2;
	s7 =	sand.u32 $0x1, s10;
	[sflag:s29] =	ssyncadd.s32 $0xFFFFF380  }
0x5c: {  	[tilespmem:s25], [sflag:$0x1] =	stream.indirect.gather [hbm4b:s2+s24], $0x80, s20, s24, $0xb8;
	[tilespmem:$0x1D000] =	vst v63  }
0x5d: {  	s6 =	sor.u32 $0x4000, s6;
	s13 =	smul.u32 $0xA000, s7;
	s7 =	sadd.s32 $0x1, s7  }
0x5e: {  	[tilespmem:s6], [sflag:s5] =	stream.indirect.gather [hbm4b:s2+s24], $0x80, s12, s24, $0xb8;
	[tilespmem:$0x1D000] =	vst v63  }
0x5f: {  	s9 =	simm.s32 $0x3;
	s8 =	simm.s32 $0x2;
	_ =	swait.ge [sflag:s7], $0x2800  }
0x60: {  	s21 =	sshrl.u32 s13, $0x2;
	s5 =	simm.s32 $0x3000;
	[sflag:s7] =	ssyncset.done $0x0  }
0x61: {  	s6 =	sor.u32 $0x4000, s21;
	[sflag:s7] =	ssyncadd.s32 $0xFFFFD800;
	s7 =	sand.u32 $0x1, s8  }
0x62: {  	[spmem:s3] =	stream.indirect.scatter.add.f32 [tilespmem:s6], [sflag:$0x5], $0x80, s5, s24, $0xb8;
	[tilespmem:$0x1D000] =	vst v63  }
0x63: {  	s10 =	smul.u32 $0xA000, s7;
	s6 =	simm.s32 $0x1100;
	_ =	swait.ge [sflag:s22], $0x2800  }
.LBB2_4:
0x64: {  	[sflag:s22] =	ssyncset.done $0x0  }
0x65: {  	s5 =	sadd.s32 $0x80, s5;
	s12 =	smov.u32 s9;
	s13 =	sadd.s32 $0x1, s9  }
0x66: {  	s8 =	sadd.s32 $0xFFFFFFFF, s8;
	s10 =	sshrl.u32 s10, $0x2;
	[sflag:s22] =	ssyncadd.s32 $0xFFFFD800  }
0x67: {  	s7 =	sadd.s32 $0x1, s7;
	s8 =	sand.u32 $0x1, s8;
	s10 =	sor.u32 $0x4000, s10  }
0x68: {  	p0 =	sne.s32 s9, $0x18;
	s9 =	smul.u32 $0xA000, s8;
	s21 =	sadd.s32 $0x1, s8  }
0x69: {  	[tilespmem:s10], [sflag:s7] =	stream.indirect.gather [hbm4b:s2+s24], $0x80, s6, s24, $0xb8;
	[tilespmem:$0x1D000] =	vst v63  }
.Ltmp1:
0x6a: {  	s7 =	sshrl.u32 s9, $0x2;
	_ =	swait.ge [sflag:s21], $0x2800;
	(pc) =	sbr.rel @p0 .LBB2_4-.Ltmp1, $4  }
0x6b: {  	s8 =	smov.u32 s12;
	s9 =	sor.u32 $0x4000, s7;
	[sflag:s21] =	ssyncset.done $0x0  }
0x6c: {  	s6 =	sadd.s32 $0x80, s6;
	s7 =	sand.u32 $0x1, s8;
	[sflag:s21] =	ssyncadd.s32 $0xFFFFD800  }
0x6d: {  	[spmem:s3] =	stream.indirect.scatter.add.f32 [tilespmem:s9], [sflag:$0x5], $0x80, s5, s24, $0xb8;
	[tilespmem:$0x1D000] =	vst v63  }
0x6e: {  	s10 =	smul.u32 $0xA000, s7;
	s9 =	smov.u32 s13;
	_ =	swait.ge [sflag:s22], $0x2800  }
0x6f: {  	[sflag:s22] =	ssyncset.done $0x0;
	s8 =	sadd.s32 $0xFFFFFFFF, s8;
	s7 =	sadd.s32 $0x1, s7  }
0x70: {  	s9 =	sshrl.u32 s10, $0x2;
	[sflag:s22] =	ssyncadd.s32 $0xFFFFD800;
	s8 =	sand.u32 $0x1, s8  }
0x71: {  	s9 =	sor.u32 $0x4000, s9;
	s13 =	smul.u32 $0xA000, s8;
	s8 =	sadd.s32 $0x1, s8  }
0x72: {  	[tilespmem:s9], [sflag:s7] =	stream.indirect.gather [hbm4b:s2+s24], $0x80, s6, s24, $0xb8;
	[tilespmem:$0x1D000] =	vst v63  }
0x73: {  	_ =	swait.ge [sflag:s8], $0x2800  }
0x74: {  	s21 =	sshrl.u32 s13, $0x2;
	[sflag:s8] =	ssyncset.done $0x0  }
0x75: {  	s5 =	sadd.s32 $0x80, s5;
	s6 =	sor.u32 $0x4000, s21;
	[sflag:s8] =	ssyncadd.s32 $0xFFFFD800  }
0x76: {  	[spmem:s3] =	stream.indirect.scatter.add.f32 [tilespmem:s6], [sflag:$0x5], $0x80, s5, s24, $0xb8;
	[tilespmem:$0x1D000] =	vst v63  }
0x77: {  	_ =	swait.ge [sflag:s22], $0x2800  }
0x78: {  	[sflag:s22] =	ssyncset.done $0x0  }
0x79: {  	s7 =	simm.s32 $0x1;
	[sflag:s22] =	ssyncadd.s32 $0xFFFFD800  }
0x7a: {  	_ =	swait.ge [sflag:s7], $0x2800  }
0x7b: {  	[sflag:s7] =	ssyncset.done $0x0  }
0x7c: {  	[sflag:s7] =	ssyncadd.s32 $0xFFFFD800  }
0x7d: {  	[spmem:s3] =	stream.indirect.scatter.add.f32 [tilespmem:s25], [sflag:$0x5], $0x80, s30, s24, $0xb8;
	[tilespmem:$0x1D000] =	vst v63  }
0x7e: {  	_ =	swait.ge [sflag:s22], $0x2800  }
0x7f: {  	[sflag:s22] =	ssyncset.done $0x0  }
0x80: {  	[sflag:s22] =	ssyncadd.s32 $0xFFFFD800  }
0x81: {  	[tilespmem:s20], [sflag:$0x4] =	stream.linear.gather [hbm4b:s14+s4], $0xC80, $0x38;
	[tilespmem:$0x1D000] =	vst v63  }
0x82: {  	s8 =	simm.s32 $0x3000  }
0x83: {  	[tilespmem:s8], [sflag:$0x4] =	stream.linear.gather [hbm4b:s15+s4], $0xC80, $0x38;
	[tilespmem:$0x1D000] =	vst v63  }
0x84: {  	_ =	swait.ge [sflag:s23], $0xC80  }
0x85: {  	[sflag:s23] =	ssyncset.done $0x0  }
0x86: {  	s5 =	sand.u32 $0x1, s7;
	[sflag:s23] =	ssyncadd.s32 $0xFFFFF380  }
0x87: {  	s12 =	simm.s32 $0x80;
	s9 =	smul.u32 $0xA000, s5;
	_ =	swait.ge [sflag:s23], $0xC80  }
0x88: {  	s10 =	simm.s32 $0x0;
	s5 =	sadd.s32 $0x1, s5;
	[sflag:s23] =	ssyncset.done $0x0  }
0x89: {  	s6 =	sshrl.u32 s9, $0x2;
	s7 =	sand.u32 $0x1, s10;
	[sflag:s23] =	ssyncadd.s32 $0xFFFFF380  }
0x8a: {  	[tilespmem:s25], [sflag:$0x1] =	stream.indirect.gather [hbm4b:s2+s24], $0x80, s4, s24, $0xb8;
	[tilespmem:$0x1D000] =	vst v63  }
0x8b: {  	s6 =	sor.u32 $0x4000, s6;
	s13 =	smul.u32 $0xA000, s7;
	s7 =	sadd.s32 $0x1, s7  }
0x8c: {  	[tilespmem:s6], [sflag:s5] =	stream.indirect.gather [hbm4b:s2+s24], $0x80, s12, s24, $0xb8;
	[tilespmem:$0x1D000] =	vst v63  }
0x8d: {  	s9 =	simm.s32 $0x3;
	s21 =	sshrl.u32 s13, $0x2;
	_ =	swait.ge [sflag:s7], $0x2800  }
0x8e: {  	s8 =	simm.s32 $0x2;
	s5 =	simm.s32 $0x2000;
	[sflag:s7] =	ssyncset.done $0x0  }
0x8f: {  	s6 =	sor.u32 $0x4000, s21;
	[sflag:s7] =	ssyncadd.s32 $0xFFFFD800;
	s7 =	sand.u32 $0x1, s8  }
0x90: {  	[spmem:s3] =	stream.indirect.scatter.add.f32 [tilespmem:s6], [sflag:$0x5], $0x80, s5, s24, $0xb8;
	[tilespmem:$0x1D000] =	vst v63  }
0x91: {  	s10 =	smul.u32 $0xA000, s7;
	s6 =	simm.s32 $0x100;
	_ =	swait.ge [sflag:s22], $0x2800  }
.LBB2_6:
0x92: {  	[sflag:s22] =	ssyncset.done $0x0  }
0x93: {  	s5 =	sadd.s32 $0x80, s5;
	s12 =	smov.u32 s9;
	s13 =	sadd.s32 $0x1, s9  }
0x94: {  	s8 =	sadd.s32 $0xFFFFFFFF, s8;
	s10 =	sshrl.u32 s10, $0x2;
	[sflag:s22] =	ssyncadd.s32 $0xFFFFD800  }
0x95: {  	s7 =	sadd.s32 $0x1, s7;
	s8 =	sand.u32 $0x1, s8;
	s10 =	sor.u32 $0x4000, s10  }
0x96: {  	p0 =	sne.s32 s9, $0x18;
	s9 =	smul.u32 $0xA000, s8;
	s21 =	sadd.s32 $0x1, s8  }
0x97: {  	[tilespmem:s10], [sflag:s7] =	stream.indirect.gather [hbm4b:s2+s24], $0x80, s6, s24, $0xb8;
	[tilespmem:$0x1D000] =	vst v63  }
.Ltmp2:
0x98: {  	s7 =	sshrl.u32 s9, $0x2;
	_ =	swait.ge [sflag:s21], $0x2800;
	(pc) =	sbr.rel @p0 .LBB2_6-.Ltmp2, $4  }
0x99: {  	s8 =	smov.u32 s12;
	s9 =	sor.u32 $0x4000, s7;
	[sflag:s21] =	ssyncset.done $0x0  }
0x9a: {  	s6 =	sadd.s32 $0x80, s6;
	s7 =	sand.u32 $0x1, s8;
	[sflag:s21] =	ssyncadd.s32 $0xFFFFD800  }
0x9b: {  	[spmem:s3] =	stream.indirect.scatter.add.f32 [tilespmem:s9], [sflag:$0x5], $0x80, s5, s24, $0xb8;
	[tilespmem:$0x1D000] =	vst v63  }
0x9c: {  	s10 =	smul.u32 $0xA000, s7;
	s9 =	smov.u32 s13;
	_ =	swait.ge [sflag:s22], $0x2800  }
0x9d: {  	[sflag:s22] =	ssyncset.done $0x0;
	s8 =	sadd.s32 $0xFFFFFFFF, s8;
	s7 =	sadd.s32 $0x1, s7  }
0x9e: {  	s9 =	sshrl.u32 s10, $0x2;
	[sflag:s22] =	ssyncadd.s32 $0xFFFFD800;
	s8 =	sand.u32 $0x1, s8  }
0x9f: {  	s9 =	sor.u32 $0x4000, s9;
	s21 =	smul.u32 $0xA000, s8;
	s8 =	sadd.s32 $0x1, s8  }
0xa0: {  	[tilespmem:s9], [sflag:s7] =	stream.indirect.gather [hbm4b:s2+s24], $0x80, s6, s24, $0xb8;
	[tilespmem:$0x1D000] =	vst v63  }
0xa1: {  	_ =	swait.ge [sflag:s8], $0x2800  }
0xa2: {  	s7 =	sshrl.u32 s21, $0x2;
	[sflag:s8] =	ssyncset.done $0x0  }
0xa3: {  	s5 =	sadd.s32 $0x80, s5;
	s6 =	sor.u32 $0x4000, s7;
	[sflag:s8] =	ssyncadd.s32 $0xFFFFD800  }
0xa4: {  	[spmem:s3] =	stream.indirect.scatter.add.f32 [tilespmem:s6], [sflag:$0x5], $0x80, s5, s24, $0xb8;
	[tilespmem:$0x1D000] =	vst v63  }
0xa5: {  	_ =	swait.ge [sflag:s22], $0x2800  }
0xa6: {  	[sflag:s22] =	ssyncset.done $0x0  }
0xa7: {  	s8 =	simm.s32 $0x1;
	[sflag:s22] =	ssyncadd.s32 $0xFFFFD800  }
0xa8: {  	_ =	swait.ge [sflag:s8], $0x2800  }
0xa9: {  	[sflag:s8] =	ssyncset.done $0x0  }
0xaa: {  	[sflag:s8] =	ssyncadd.s32 $0xFFFFD800  }
0xab: {  	[spmem:s3] =	stream.indirect.scatter.add.f32 [tilespmem:s25], [sflag:$0x5], $0x80, s26, s24, $0xb8;
	[tilespmem:$0x1D000] =	vst v63  }
0xac: {  	_ =	swait.ge [sflag:s22], $0x2800  }
0xad: {  	[sflag:s22] =	ssyncset.done $0x0  }
0xae: {  	[sflag:s22] =	ssyncadd.s32 $0xFFFFD800  }
0xaf: {  	[tilespmem:s4], [sflag:$0x3] =	stream.linear.gather [hbm4b:s16+s4], $0xC80, $0x38;
	[tilespmem:$0x1D000] =	vst v63  }
0xb0: {  	_ = 	snop  }
0xb1: {  	[tilespmem:s28], [sflag:$0x3] =	stream.linear.gather [hbm4b:s17+s4], $0xC80, $0x38;
	[tilespmem:$0x1D000] =	vst v63  }
0xb2: {  	_ =	swait.ge [sflag:s29], $0xC80  }
0xb3: {  	[sflag:s29] =	ssyncset.done $0x0  }
0xb4: {  	s5 =	sand.u32 $0x1, s8;
	[sflag:s29] =	ssyncadd.s32 $0xFFFFF380  }
0xb5: {  	s10 =	simm.s32 $0x0;
	s9 =	smul.u32 $0xA000, s5;
	_ =	swait.ge [sflag:s29], $0xC80  }
0xb6: {  	s12 =	simm.s32 $0x1080;
	s7 =	sand.u32 $0x1, s10;
	[sflag:s29] =	ssyncset.done $0x0  }
0xb7: {  	s13 =	smul.u32 $0xA000, s7;
	s6 =	sshrl.u32 s9, $0x2;
	[sflag:s29] =	ssyncadd.s32 $0xFFFFF380  }
0xb8: {  	[tilespmem:s25], [sflag:$0x1] =	stream.indirect.gather [hbm4b:s2+s24], $0x80, s20, s24, $0xb8;
	[tilespmem:$0x1D000] =	vst v63  }
0xb9: {  	s7 =	sadd.s32 $0x1, s7;
	s5 =	sadd.s32 $0x1, s5;
	s6 =	sor.u32 $0x4000, s6  }
0xba: {  	[tilespmem:s6], [sflag:s5] =	stream.indirect.gather [hbm4b:s2+s24], $0x80, s12, s24, $0xb8;
	[tilespmem:$0x1D000] =	vst v63  }
0xbb: {  	s21 =	sshrl.u32 s13, $0x2;
	s9 =	simm.s32 $0x3;
	_ =	swait.ge [sflag:s7], $0x2800  }
0xbc: {  	s8 =	simm.s32 $0x2;
	s5 =	simm.s32 $0x3000;
	[sflag:s7] =	ssyncset.done $0x0  }
0xbd: {  	s6 =	sor.u32 $0x4000, s21;
	[sflag:s7] =	ssyncadd.s32 $0xFFFFD800;
	s7 =	sand.u32 $0x1, s8  }
0xbe: {  	[spmem:s3] =	stream.indirect.scatter.add.f32 [tilespmem:s6], [sflag:$0x5], $0x80, s5, s24, $0xb8;
	[tilespmem:$0x1D000] =	vst v63  }
0xbf: {  	s10 =	smul.u32 $0xA000, s7;
	s6 =	simm.s32 $0x1100;
	_ =	swait.ge [sflag:s22], $0x2800  }
.LBB2_8:
0xc0: {  	[sflag:s22] =	ssyncset.done $0x0  }
0xc1: {  	s5 =	sadd.s32 $0x80, s5;
	s12 =	smov.u32 s9;
	s13 =	sadd.s32 $0x1, s9  }
0xc2: {  	s8 =	sadd.s32 $0xFFFFFFFF, s8;
	s10 =	sshrl.u32 s10, $0x2;
	[sflag:s22] =	ssyncadd.s32 $0xFFFFD800  }
0xc3: {  	s7 =	sadd.s32 $0x1, s7;
	s8 =	sand.u32 $0x1, s8;
	s10 =	sor.u32 $0x4000, s10  }
0xc4: {  	p0 =	sne.s32 s9, $0x18;
	s9 =	smul.u32 $0xA000, s8;
	s21 =	sadd.s32 $0x1, s8  }
0xc5: {  	[tilespmem:s10], [sflag:s7] =	stream.indirect.gather [hbm4b:s2+s24], $0x80, s6, s24, $0xb8;
	[tilespmem:$0x1D000] =	vst v63  }
.Ltmp3:
0xc6: {  	s7 =	sshrl.u32 s9, $0x2;
	_ =	swait.ge [sflag:s21], $0x2800;
	(pc) =	sbr.rel @p0 .LBB2_8-.Ltmp3, $4  }
0xc7: {  	s8 =	smov.u32 s12;
	s9 =	sor.u32 $0x4000, s7;
	[sflag:s21] =	ssyncset.done $0x0  }
0xc8: {  	s6 =	sadd.s32 $0x80, s6;
	s7 =	sand.u32 $0x1, s8;
	[sflag:s21] =	ssyncadd.s32 $0xFFFFD800  }
0xc9: {  	[spmem:s3] =	stream.indirect.scatter.add.f32 [tilespmem:s9], [sflag:$0x5], $0x80, s5, s24, $0xb8;
	[tilespmem:$0x1D000] =	vst v63  }
0xca: {  	s10 =	smul.u32 $0xA000, s7;
	s9 =	smov.u32 s13;
	_ =	swait.ge [sflag:s22], $0x2800  }
0xcb: {  	[sflag:s22] =	ssyncset.done $0x0;
	s8 =	sadd.s32 $0xFFFFFFFF, s8;
	s7 =	sadd.s32 $0x1, s7  }
0xcc: {  	s9 =	sshrl.u32 s10, $0x2;
	[sflag:s22] =	ssyncadd.s32 $0xFFFFD800;
	s8 =	sand.u32 $0x1, s8  }
0xcd: {  	s9 =	sor.u32 $0x4000, s9;
	s21 =	smul.u32 $0xA000, s8;
	s8 =	sadd.s32 $0x1, s8  }
0xce: {  	[tilespmem:s9], [sflag:s7] =	stream.indirect.gather [hbm4b:s2+s24], $0x80, s6, s24, $0xb8;
	[tilespmem:$0x1D000] =	vst v63  }
0xcf: {  	_ =	swait.ge [sflag:s8], $0x2800  }
0xd0: {  	s7 =	sshrl.u32 s21, $0x2;
	[sflag:s8] =	ssyncset.done $0x0  }
0xd1: {  	s5 =	sadd.s32 $0x80, s5;
	s6 =	sor.u32 $0x4000, s7;
	[sflag:s8] =	ssyncadd.s32 $0xFFFFD800  }
0xd2: {  	[spmem:s3] =	stream.indirect.scatter.add.f32 [tilespmem:s6], [sflag:$0x5], $0x80, s5, s24, $0xb8;
	[tilespmem:$0x1D000] =	vst v63  }
0xd3: {  	_ =	swait.ge [sflag:s22], $0x2800  }
0xd4: {  	[sflag:s22] =	ssyncset.done $0x0  }
0xd5: {  	s8 =	simm.s32 $0x1;
	[sflag:s22] =	ssyncadd.s32 $0xFFFFD800  }
0xd6: {  	_ =	swait.ge [sflag:s8], $0x2800  }
0xd7: {  	[sflag:s8] =	ssyncset.done $0x0  }
0xd8: {  	[sflag:s8] =	ssyncadd.s32 $0xFFFFD800  }
0xd9: {  	[spmem:s3] =	stream.indirect.scatter.add.f32 [tilespmem:s25], [sflag:$0x5], $0x80, s30, s24, $0xb8;
	[tilespmem:$0x1D000] =	vst v63  }
0xda: {  	_ =	swait.ge [sflag:s22], $0x2800  }
0xdb: {  	[sflag:s22] =	ssyncset.done $0x0  }
0xdc: {  	[sflag:s22] =	ssyncadd.s32 $0xFFFFD800  }
0xdd: {  	_ =	swait.ge [sflag:s23], $0xC80  }
0xde: {  	[sflag:s23] =	ssyncset.done $0x0  }
0xdf: {  	s5 =	sand.u32 $0x1, s8;
	[sflag:s23] =	ssyncadd.s32 $0xFFFFF380  }
0xe0: {  	s10 =	simm.s32 $0x0;
	s9 =	smul.u32 $0xA000, s5;
	_ =	swait.ge [sflag:s23], $0xC80  }
0xe1: {  	s12 =	simm.s32 $0x80;
	s7 =	sand.u32 $0x1, s10;
	[sflag:s23] =	ssyncset.done $0x0  }
0xe2: {  	s13 =	smul.u32 $0xA000, s7;
	s6 =	sshrl.u32 s9, $0x2;
	[sflag:s23] =	ssyncadd.s32 $0xFFFFF380  }
0xe3: {  	[tilespmem:s25], [sflag:$0x1] =	stream.indirect.gather [hbm4b:s2+s24], $0x80, s4, s24, $0xb8;
	[tilespmem:$0x1D000] =	vst v63  }
0xe4: {  	s7 =	sadd.s32 $0x1, s7;
	s5 =	sadd.s32 $0x1, s5;
	s6 =	sor.u32 $0x4000, s6  }
0xe5: {  	[tilespmem:s6], [sflag:s5] =	stream.indirect.gather [hbm4b:s2+s24], $0x80, s12, s24, $0xb8;
	[tilespmem:$0x1D000] =	vst v63  }
0xe6: {  	s21 =	sshrl.u32 s13, $0x2;
	s9 =	simm.s32 $0x3;
	_ =	swait.ge [sflag:s7], $0x2800  }
0xe7: {  	s8 =	simm.s32 $0x2;
	s5 =	simm.s32 $0x2000;
	[sflag:s7] =	ssyncset.done $0x0  }
0xe8: {  	s6 =	sor.u32 $0x4000, s21;
	[sflag:s7] =	ssyncadd.s32 $0xFFFFD800;
	s7 =	sand.u32 $0x1, s8  }
0xe9: {  	[spmem:s3] =	stream.indirect.scatter.add.f32 [tilespmem:s6], [sflag:$0x5], $0x80, s5, s24, $0xb8;
	[tilespmem:$0x1D000] =	vst v63  }
0xea: {  	s10 =	smul.u32 $0xA000, s7;
	s6 =	simm.s32 $0x100;
	_ =	swait.ge [sflag:s22], $0x2800  }
.LBB2_10:
0xeb: {  	[sflag:s22] =	ssyncset.done $0x0  }
0xec: {  	s5 =	sadd.s32 $0x80, s5;
	s12 =	smov.u32 s9;
	s13 =	sadd.s32 $0x1, s9  }
0xed: {  	s8 =	sadd.s32 $0xFFFFFFFF, s8;
	s10 =	sshrl.u32 s10, $0x2;
	[sflag:s22] =	ssyncadd.s32 $0xFFFFD800  }
0xee: {  	s7 =	sadd.s32 $0x1, s7;
	s8 =	sand.u32 $0x1, s8;
	s10 =	sor.u32 $0x4000, s10  }
0xef: {  	p0 =	sne.s32 s9, $0x18;
	s9 =	smul.u32 $0xA000, s8;
	s21 =	sadd.s32 $0x1, s8  }
0xf0: {  	[tilespmem:s10], [sflag:s7] =	stream.indirect.gather [hbm4b:s2+s24], $0x80, s6, s24, $0xb8;
	[tilespmem:$0x1D000] =	vst v63  }
.Ltmp4:
0xf1: {  	s7 =	sshrl.u32 s9, $0x2;
	_ =	swait.ge [sflag:s21], $0x2800;
	(pc) =	sbr.rel @p0 .LBB2_10-.Ltmp4, $4  }
0xf2: {  	s8 =	smov.u32 s12;
	s9 =	sor.u32 $0x4000, s7;
	[sflag:s21] =	ssyncset.done $0x0  }
0xf3: {  	s6 =	sadd.s32 $0x80, s6;
	s7 =	sand.u32 $0x1, s8;
	[sflag:s21] =	ssyncadd.s32 $0xFFFFD800  }
0xf4: {  	[spmem:s3] =	stream.indirect.scatter.add.f32 [tilespmem:s9], [sflag:$0x5], $0x80, s5, s24, $0xb8;
	[tilespmem:$0x1D000] =	vst v63  }
0xf5: {  	s10 =	smul.u32 $0xA000, s7;
	s9 =	smov.u32 s13;
	_ =	swait.ge [sflag:s22], $0x2800  }
0xf6: {  	[sflag:s22] =	ssyncset.done $0x0;
	s8 =	sadd.s32 $0xFFFFFFFF, s8;
	s7 =	sadd.s32 $0x1, s7  }
0xf7: {  	s9 =	sshrl.u32 s10, $0x2;
	[sflag:s22] =	ssyncadd.s32 $0xFFFFD800;
	s8 =	sand.u32 $0x1, s8  }
0xf8: {  	s9 =	sor.u32 $0x4000, s9;
	s13 =	smul.u32 $0xA000, s8;
	s8 =	sadd.s32 $0x1, s8  }
0xf9: {  	[tilespmem:s9], [sflag:s7] =	stream.indirect.gather [hbm4b:s2+s24], $0x80, s6, s24, $0xb8;
	[tilespmem:$0x1D000] =	vst v63  }
0xfa: {  	_ =	swait.ge [sflag:s8], $0x2800  }
0xfb: {  	s21 =	sshrl.u32 s13, $0x2;
	[sflag:s8] =	ssyncset.done $0x0  }
0xfc: {  	s5 =	sadd.s32 $0x80, s5;
	s6 =	sor.u32 $0x4000, s21;
	[sflag:s8] =	ssyncadd.s32 $0xFFFFD800  }
0xfd: {  	[spmem:s3] =	stream.indirect.scatter.add.f32 [tilespmem:s6], [sflag:$0x5], $0x80, s5, s24, $0xb8;
	[tilespmem:$0x1D000] =	vst v63  }
0xfe: {  	_ =	swait.ge [sflag:s22], $0x2800  }
0xff: {  	[sflag:s22] =	ssyncset.done $0x0  }
0x100: {  	[sflag:s22] =	ssyncadd.s32 $0xFFFFD800  }
0x101: {  	_ =	swait.ge [sflag:s31], $0x2800  }
0x102: {  	[sflag:s31] =	ssyncset.done $0x0  }
0x103: {  	[sflag:s31] =	ssyncadd.s32 $0xFFFFD800  }
0x104: {  	[spmem:s3] =	stream.indirect.scatter.add.f32 [tilespmem:s25], [sflag:$0x5], $0x80, s26, s24, $0xb8;
	[tilespmem:$0x1D000] =	vst v63  }
0x105: {  	_ =	swait.ge [sflag:s22], $0x2800  }
0x106: {  	s0 =	sadd.s32 $0x1, s0;
	[sflag:s22] =	ssyncset.done $0x0  }
0x107: {  	p0 =	sne.s32 s0, s19;
	[sflag:s22] =	ssyncadd.s32 $0xFFFFD800  }
.Ltmp5:
0x108: {  	[bflag:$0x0] =	sbarrier.arrive $0xFFFF;
	(pc) =	sbr.rel @p0 .LBB2_1-.Ltmp5, $4  }
0x109: {  	[hbm:s18], [sflag:s11] =	dma.local [spmem:s1], $0x2800  }
0x10a: {  	_ =	swait.ge [sflag:s22], $0x2800  }
0x10b: {  	[sflag:s22] =	ssyncset.done $0x0  }
0x10c: {  	[sflag:s22] =	ssyncadd.s32 $0xFFFFD800  }
0x10d: {  	_ =	sfence.sel $0x180000  }
0x10e: {  	[bflag:$0x0] =	sbarrier.arrive $0xFFFF  }
0x10f: {  	_ =	strace $0x9000004D  }
0x110: {  	s0 =	stileid.u32;
	[bflag:$0x2] =	sbarrier.arrive $0xFFFF  }
0x111: {  	p0 =	sne.s32 s0, $0x0;
	s0 =	rddreg [dreg:$0x3]  }
0x112: {  	s0 =	sadd.s32 @!p0 $0x100000, s0  }
0x113: {  	[sflag:s0] =	ssyncadd.tile.s32 @!p0 $0x1;
	_ =	shalt  }
.Lfunc_end2:
_tile_overlayer_lowered:
.L_overlay_start_2:
0x114: {  	(tag) =	ssettag $0x2  }
0x115: {  	s0 =	rddreg [dreg:$0x0];
	s2 =	stileid.u32  }
0x116: {  	s1 =	rddreg [dreg:$0x1];
	p0 =	sne.s32 s2, $0x0  }
0x117: {  	s3 =	rddreg [dreg:$0x2];
	[bflag:$0x3] =	sbarrier.arrive $0xFFFF;
	s2 =	simm.s32 @!p0 $0x1C05  }
0x118: {  	[timem:s3], [sflag:s2] =	dma.local @!p0 [hbm:s0], s1  }
0x119: {  	s0 =	simm.s32 @!p0 $0x5  }
0x11a: {  	_ =	swait.ge @!p0 [sflag:s0], s1  }
0x11b: {  	s1 =	ssub.s32 @!p0 $0x0, s1;
	[sflag:s0] =	ssyncset.done @!p0 $0x0  }
0x11c: {  	[sflag:s0] =	ssyncadd.s32 @!p0 s1  }
0x11d: {  	[bflag:$0x3] =	sbarrier.arrive $0xFFFF  }
0x11e: {  	_ =	shalt  }

// kernel: kernel.9.cloned.1.call-start
scs
__scs_entry_jumppad:
0x0: {  	(pc) =	sbr.rel $0x88, $3  }
0x1: {  	(tag) =	ssettag $0x0;
	lr =	simm.s32 $0x1  }
0x2: {  	[smem:$0x3F99] =	sst lr;
	_ =	strace $0xD0000000  }
0x3: {  	_ = 	snop  }
0x4: {  	_ = 	snop  }
0x5: {  	_ = 	snop  }
0x6: {  	_ = 	snop  }
0x7: {  	_ = 	snop  }
__scs_overlays_trampoline_lowered:
0x8: {  	[smem:$0x3FA8] =	sst s0  }
0x9: {  	[smem:$0x3FA9] =	sst s1  }
0xa: {  	[smem:$0x3FAA] =	sst s2  }
0xb: {  	[smem:$0x3FAB] =	sst s3  }
0xc: {  	[smem:$0x3FAC] =	sst s4  }
0xd: {  	[smem:$0x3FAD] =	sst s5  }
0xe: {  	[smem:$0x3FAE] =	sst s6  }
0xf: {  	[smem:$0x3FAF] =	sst s7  }
0x10: {  	[smem:$0x3FB0] =	sst s8  }
0x11: {  	[smem:$0x3FB1] =	sst s9;
	s0 =	simm.s32 @!p0 $0x0  }
0x12: {  	s1 =	sld [smem:$0x3F97];
	s0 =	simm.s32 @p0 $0x1  }
0x13: {  	[smem:$0x3FB2] =	sst s0;
	s0 =	simm.s32 @!p1 $0x0  }
0x14: {  	s2 =	sld [smem:$0x3F96];
	s0 =	simm.s32 @p1 $0x1  }
0x15: {  	[smem:$0x3FB3] =	sst s0;
	s0 =	simm.s32 @!p2 $0x0  }
0x16: {  	s3 =	sld [smem:$0x3FDB];
	s0 =	simm.s32 @p2 $0x1  }
0x17: {  	s4 =	simm.s32 $0x1BF5;
	[smem:$0x3FB5] =	sst s0  }
0x18: {  	s0 =	sld [smem:$0x3F98];
	_ =	swait.ge [sflag:s4], $0x0  }
0x19: {  	s7 =	sld [smem:$0x3F99]  }
0x1a: {  	s8 =	sadd.s32 $0xFFFFE003, lr  }
0x1b: {  	s9 =	sadd.s32 $0xFFFFFEF7, lr;
	s5 =	simm.s32 $0xFFFFFFFF;
	p2 =	slt.u32 s8, $0xFFFFF086  }
0x1c: {  	p1 =	slt.u32 s9, $0xF7A;
	s5 =	simm.s32 @!p2 $0x0  }
0x1d: {  	s5 =	simm.s32 @p1 $0x1;
	p0 =	seq.s32 s7, s2  }
0x1e: {  	s7 =	smul.u32 @!p0 $0xF7A, s2;
	p2 =	seq.s32 @!p0 s5, $0x0  }
0x1f: {  	s9 =	smul.u32 $0xF7A, s1;
	s8 =	simm.s32 @!p0 $0x1BF5;
	p2 =	por !p2, p0  }
0x20: {  	[sflag:s8] =	ssyncset.s32 @!p0 $0xFFFFF086;
	s6 =	sadd.s32 @!p0 s3, s7;
	s7 =	simm.s32 @!p0 $0x108  }
0x21: {  	s3 =	sadd.s32 s3, s9;
	s6 =	sadd.s32 @!p0 $0x88, s6;
	s7 =	simm.s32 @p2 $0x1082  }
0x22: {  	[simem:s7], [sflag:s8] =	dma.local @!p0 [hbm:s6], $0xF7A  }
0x23: {  	s9 =	sor.u32 $0xD0000000, s2;
	s6 =	simm.s32 $0x108;
	_ =	swait.ge @!p0 [sflag:s8], $0x0  }
0x24: {  	s3 =	sadd.s32 $0x88, s3;
	s6 =	simm.s32 @!p1 $0x1082;
	[sflag:s4] =	ssyncset.s32 $0xFFFFF086  }
0x25: {  	[simem:s6], [sflag:s4] =	dma.local [hbm:s3], $0xF7A  }
0x26: {  	[smem:$0x3F99] =	sst s1;
	(tag) =	ssettag s2;
	_ =	strace s9  }
0x27: {  	s1 =	sld [smem:$0x3FA9]  }
0x28: {  	s2 =	sld [smem:$0x3FAA]  }
0x29: {  	s4 =	sld [smem:$0x3FAC]  }
0x2a: {  	p0 =	seq.s32 s5, $0x0;
	s5 =	sld [smem:$0x3FAD]  }
0x2b: {  	s6 =	sld [smem:$0x3FAE]  }
0x2c: {  	s7 =	sld [smem:$0x3FAF]  }
0x2d: {  	s3 =	simm.s32 $0x108;
	s8 =	sld [smem:$0x3FB0]  }
0x2e: {  	s3 =	simm.s32 @!p0 $0x1082;
	s9 =	sld [smem:$0x3FB1]  }
0x2f: {  	lr =	sadd.s32 s0, s3;
	s0 =	sld [smem:$0x3FA8]  }
0x30: {  	s3 =	sld [smem:$0x3FAB]  }
0x31: {  	[smem:$0x3FB4] =	sst s10  }
0x32: {  	s10 =	sld [smem:$0x3FB2];
	_ =	sdelay $0x3  }
0x33: {  	p0 =	seq.s32 s10, $0x1;
	s10 =	sld [smem:$0x3FB4];
	_ =	sdelay $0x3  }
0x34: {  	[smem:$0x3FB4] =	sst s10  }
0x35: {  	s10 =	sld [smem:$0x3FB3];
	_ =	sdelay $0x3  }
0x36: {  	p1 =	seq.s32 s10, $0x1;
	s10 =	sld [smem:$0x3FB4];
	_ =	sdelay $0x3  }
0x37: {  	[smem:$0x3FB4] =	sst s10  }
0x38: {  	s10 =	sld [smem:$0x3FB5]  }
0x39: {  	_ = 	snop;
	(pc) =	sbr.ind lr, $3  }
0x3a: {  	_ = 	snop  }
0x3b: {  	_ = 	snop  }
0x3c: {  	p2 =	seq.s32 s10, $0x1;
	s10 =	sld [smem:$0x3FB4]  }
0x3d: {  	_ =	shalt  }
0x3e: {  	_ =	shalt  }
0x3f: {  	_ =	shalt  }
0x40: {  	_ =	shalt  }
0x41: {  	_ =	shalt  }
0x42: {  	_ =	shalt  }
0x43: {  	_ =	shalt  }
0x44: {  	_ =	shalt  }
0x45: {  	_ =	shalt  }
0x46: {  	_ =	shalt  }
0x47: {  	_ =	shalt  }
0x48: {  	_ =	shalt  }
0x49: {  	_ =	shalt  }
0x4a: {  	_ =	shalt  }
0x4b: {  	_ =	shalt  }
0x4c: {  	_ =	shalt  }
0x4d: {  	_ =	shalt  }
0x4e: {  	_ =	shalt  }
0x4f: {  	_ =	shalt  }
0x50: {  	_ =	shalt  }
0x51: {  	_ =	shalt  }
0x52: {  	_ =	shalt  }
0x53: {  	_ =	shalt  }
0x54: {  	_ =	shalt  }
0x55: {  	_ =	shalt  }
0x56: {  	_ =	shalt  }
0x57: {  	_ =	shalt  }
0x58: {  	_ =	shalt  }
0x59: {  	_ =	shalt  }
0x5a: {  	_ =	shalt  }
0x5b: {  	_ =	shalt  }
0x5c: {  	_ =	shalt  }
0x5d: {  	_ =	shalt  }
0x5e: {  	_ =	shalt  }
0x5f: {  	_ =	shalt  }
0x60: {  	_ =	shalt  }
0x61: {  	_ =	shalt  }
0x62: {  	_ =	shalt  }
0x63: {  	_ =	shalt  }
0x64: {  	_ =	shalt  }
0x65: {  	_ =	shalt  }
0x66: {  	_ =	shalt  }
0x67: {  	_ =	shalt  }
0x68: {  	_ =	shalt  }
0x69: {  	_ =	shalt  }
0x6a: {  	_ =	shalt  }
0x6b: {  	_ =	shalt  }
0x6c: {  	_ =	shalt  }
0x6d: {  	_ =	shalt  }
0x6e: {  	_ =	shalt  }
0x6f: {  	_ =	shalt  }
0x70: {  	_ =	shalt  }
0x71: {  	_ =	shalt  }
0x72: {  	_ =	shalt  }
0x73: {  	_ =	shalt  }
0x74: {  	_ =	shalt  }
0x75: {  	_ =	shalt  }
0x76: {  	_ =	shalt  }
0x77: {  	_ =	shalt  }
0x78: {  	_ =	shalt  }
0x79: {  	_ =	shalt  }
0x7a: {  	_ =	shalt  }
0x7b: {  	_ =	shalt  }
0x7c: {  	_ =	shalt  }
0x7d: {  	_ =	shalt  }
0x7e: {  	_ =	shalt  }
0x7f: {  	_ =	shalt  }
0x80: {  	_ =	shalt  }
0x81: {  	_ =	shalt  }
0x82: {  	_ =	shalt  }
0x83: {  	_ =	shalt  }
0x84: {  	_ =	shalt  }
0x85: {  	_ =	shalt  }
0x86: {  	_ =	shalt  }
0x87: {  	_ =	shalt  }
.Lfunc_end0:
.L_simem_size_0:
called_computation_lowered:
.L_overlay_start_0:
0x88: {  	s2 =	sld [smem:$0x3FD9]  }
0x89: {  	s3 =	sld [smem:$0x3FFE];
	_ =	sdelay $0x1  }
0x8a: {  	s1 =	srdreg.scid  }
0x8b: {  	s0 =	sand.u32 $0x1, s1  }
0x8c: {  	s16 =	sshll.u32 s0, $0xA;
	s2 =	sadd.s32 s3, s2  }
0x8d: {  	s2 =	sadd.s32 s2, s16  }
0x8e: {  	[smem:$0x3FC0] =	sst s2  }
0x8f: {  	_ = 	snop  }
0x90: {  	(tm) =	ssettm $0x1  }
0x91: {  	s17 =	sld [smem:$0x3FFB];
	_ =	sdelay $0x3  }
0x92: {  	_ =	strace s17  }
0x93: {  	s2 =	sld [smem:$0x3FFC];
	_ =	sdelay $0x3  }
0x94: {  	_ =	strace s2  }
0x95: {  	s2 =	sld [smem:$0x3FFD];
	_ =	sdelay $0x3  }
0x96: {  	_ =	strace s2  }
0x97: {  	_ =	strace $0x8FFFFFFF  }
0x98: {  	s18 =	sld [smem:$0x3FDB];
	_ =	sdelay $0x1  }
0x99: {  	s19 =	simm.s32 $_scs_section_size  }
0x9a: {  	s4 =	simm.s32 $_size__tile_overlayer_lowered;
	s5 =	simm.s32 $_tile_overlayer_lowered  }
0x9b: {  	s22 =	simm.s32 $0x1BFF;
	s21 =	sshll.u32 s5, $0x1;
	s2 =	sadd.s32 s19, s18  }
0x9c: {  	s6 =	simm.s32 $0x0;
	s20 =	sshll.u32 s4, $0x1;
	s4 =	sadd.s32 s21, s2  }
0x9d: {  	[timem:s6], [sflag:s22] =	dma.local [hbm:s4], s20  }
0x9e: {  	_ =	swait.ge [sflag:s22], s20  }
0x9f: {  	s3 =	ssub.s32 $0x0, s20;
	[sflag:s22] =	ssyncset.done $0x0  }
0xa0: {  	[sflag:s22] =	ssyncadd.s32 s3;
	_ =	sdelay $0x1  }
0xa1: {  	s23 =	simm.s32 $0x1B8B  }
0xa2: {  	_ =	swait.ge [sflag:s23], $0x1  }
0xa3: {  	[sflag:s23] =	ssyncset.done $0x0  }
0xa4: {  	s25 =	simm.s32 $0x1B8E;
	s24 =	sld [smem:$0x3FFE];
	[sflag:s23] =	ssyncadd.s32 $0xFFFFFFFF  }
0xa5: {  	s26 =	simm.s32 $execute0_lowered;
	[smem:$0x3FD2] =	sst s25  }
0xa6: {  	s4 =	sshll.u32 s26, $0x1;
	_ =	strace $0x80000046;
	[dreg:$0x1] =	wrdreg $0xFFFFFFFF  }
0xa7: {  	s28 =	simm.s32 $_size_execute0_lowered;
	s2 =	sadd.s32 s2, s4;
	[dreg:$0x0] =	wrdreg $0x0  }
0xa8: {  	s4 =	sshll.u32 s28, $0x1;
	[dreg:$0x2] =	wrdreg s2  }
0xa9: {  	[dreg:$0x3] =	wrdreg s4  }
0xaa: {  	[dreg:$0x4] =	wrdreg $0xC0  }
0xab: {  	_ =	task [dreg:s6], $0x5FFFF  }
0xac: {  	[dreg:$0x1] =	wrdreg $0xFFFFFFFF  }
0xad: {  	[dreg:$0x0] =	wrdreg $0x60  }
0xae: {  	[dreg:$0x2] =	wrdreg s24  }
0xaf: {  	[dreg:$0x3] =	wrdreg $0x38000  }
0xb0: {  	[dreg:$0x4] =	wrdreg $0x9  }
0xb1: {  	_ =	task.clear_ibuf [dreg:s6], $0x5FFFF;
	_ =	strace $0x90000046  }
0xb2: {  	s29 =	simm.s32 $0x9;
	_ =	strace $0x80000048  }
0xb3: {  	_ =	swait.ge [sflag:s29], $0x1  }
0xb4: {  	[sflag:s29] =	ssyncadd.s32 $0xFFFFFFFF  }
0xb5: {  	_ =	strace $0x90000048  }
0xb6: {  	_ =	sfence  }
0xb7: {  	s30 =	sld [smem:$0x0];
	_ =	sdelay $0x2  }
0xb8: {  	s31 =	sshll.u32 s1, $0xD;
	s1 =	sshrl.u32 s1, $0x2  }
0xb9: {  	s3 =	sand.u32 $0x4000, s31;
	s1 =	sadd.s32 s1, s30  }
0xba: {  	s0 =	sor.u32 s3, s0;
	s1 =	sshll.u32 s1, $0x11  }
0xbb: {  	s0 =	sor.u32 s1, s0  }
0xbc: {  	s0 =	sadd.s32 $0x8F2B, s0  }
0xbd: {  	[sflag:s0] =	ssyncadd.remote.s32 $0x1  }
0xbe: {  	_ =	sfence.sel $0xFFFF  }
0xbf: {  	[dreg:$0x0] =	wrdreg $0xFFFFFFFF;
	(pc) =	sbr.abs _section_cstart, $3  }
0xc0: {  	[dreg:$0x1] =	wrdreg $0xFFFFFFFF  }
0xc1: {  	_ =	task.clear_ibuf [dreg:s6], $0x2FFFF;
	_ =	strace $0x9FFFFFFF  }
0xc2: {  	(tm) =	ssettm $0x7FFFFFFF  }
0xc3: {  	_ =	shalt  }
tec
execute0_lowered:
.L_overlay_start_1:
0x0: {  	(tag) =	ssettag $0x1  }
0x1: {  	s0 =	srdreg.scid  }
0x2: {  	s8 =	stileid.u32;
	s1 =	rddreg [dreg:$0x0]  }
0x3: {  	s2 =	rddreg [dreg:$0x1];
	s3 =	simm.s32 $0x0;
	s25 =	simm.s32 $0x80  }
0x4: {  	s9 =	simm.s32 $0x2;
	s26 =	simm.s32 $0x100;
	s10 =	simm.s32 $0x50  }
0x5: {  	s11 =	simm.s32 $0x1000;
	s13 =	simm.s32 $0x200;
	s14 =	simm.s32 $0x280  }
0x6: {  	s15 =	simm.s32 $0x300;
	s16 =	simm.s32 $0x380;
	s17 =	simm.s32 $0x400  }
0x7: {  	s18 =	simm.s32 $0x480;
	s28 =	simm.s32 $0x900;
	s29 =	simm.s32 $0x980  }
0x8: {  	s30 =	simm.s32 $0xA00;
	s31 =	simm.s32 $0xA80;
	s4 =	smul.u32 $0xA000, s8  }
0x9: {  	s12 =	simm.s32 $0x0;
	s0 =	sand.u32 $0x1, s0;
	s6 =	smul.u32 $0x14000, s8  }
0xa: {  	[smem:$0x7FF] =	sst s3;
	s20 =	smul.u32 $0x50000, s8;
	s23 =	sshll.u32 s8, $0x6  }
0xb: {  	s5 =	smul.u32 $0x5000, s0;
	_ =	strace $0x80000047;
	[dreg:$0x4] =	wrdreg s25  }
0xc: {  	s19 =	smul.u32 $0x140000, s0;
	s0 =	ssub.s32 $0x2, s0;
	[dreg:$0x5] =	wrdreg s26  }
0xd: {  	s25 =	simm.s32 $0x800;
	s26 =	simm.s32 $0x880;
	s7 =	sshrl.u32 s6, $0x3  }
0xe: {  	s21 =	sshrl.u32 s0, $0x1;
	s22 =	sshrl.u32 s20, $0x2;
	s20 =	simm.s32 $0x580  }
0xf: {  	s4 =	sadd.s32 s5, s4;
	s5 =	sadd.s32 s6, s19;
	s7 =	sadd.s32 s7, s1  }
0x10: {  	s0 =	ssub.s32 s0, s21;
	s19 =	simm.s32 $0x500;
	s21 =	simm.s32 $0x600  }
0x11: {  	s6 =	simm.s32 $0x1;
	s4 =	sshrl.u32 s4, $0x3;
	s5 =	sshrl.u32 s5, $0x3  }
0x12: {  	s7 =	sadd.s32 $0x17A00, s7;
	s0 =	smax.u32 s0, $0x1;
	s4 =	sadd.s32 s4, s1  }
0x13: {  	s1 =	sadd.s32 s5, s1;
	s5 =	sadd.s32 s22, s2;
	[dreg:$0x6] =	wrdreg s7  }
0x14: {  	s7 =	sor.u32 $0x1C02, s23;
	[dreg:$0x9] =	wrdreg s0;
	s22 =	simm.s32 $0x680  }
0x15: {  	s23 =	simm.s32 $0x700;
	s1 =	sadd.s32 $0x3FA00, s1;
	[dreg:$0x7] =	wrdreg s7  }
0x16: {  	s0 =	simm.s32 $0xB80;
	s24 =	sadd.s32 $0x3A00, s4;
	[dreg:$0x8] =	wrdreg s1  }
0x17: {  	s8 =	sshrl.u32 s5, $0x3;
	s4 =	simm.s32 $0xC00;
	[dreg:$0x3] =	wrdreg s24  }
0x18: {  	v0 =	vimm.f32 $1.000000000e+00;
	s24 =	simm.s32 $0x780;
	s1 =	simm.s32 $0xB00;
	[dreg:$0xa] =	wrdreg s8  }
.LBB2_1:
0x19: {  	[tilespmem:$0x1000] =	vst v0  }
0x1a: {  	[tilespmem:$0x1080] =	vst v0  }
0x1b: {  	[tilespmem:$0x1100] =	vst v0  }
0x1c: {  	[tilespmem:$0x1180] =	vst v0  }
0x1d: {  	[tilespmem:$0x1200] =	vst v0  }
0x1e: {  	[tilespmem:$0x1280] =	vst v0  }
0x1f: {  	[tilespmem:$0x1300] =	vst v0  }
0x20: {  	[tilespmem:$0x1380] =	vst v0  }
0x21: {  	[tilespmem:$0x1400] =	vst v0  }
0x22: {  	[tilespmem:$0x1480] =	vst v0  }
0x23: {  	[tilespmem:$0x1500] =	vst v0  }
0x24: {  	[tilespmem:$0x1580] =	vst v0  }
0x25: {  	[tilespmem:$0x1600] =	vst v0  }
0x26: {  	[tilespmem:$0x1680] =	vst v0  }
0x27: {  	[tilespmem:$0x1700] =	vst v0  }
0x28: {  	[tilespmem:$0x1780] =	vst v0  }
0x29: {  	[tilespmem:$0x1800] =	vst v0  }
0x2a: {  	[tilespmem:$0x1880] =	vst v0  }
0x2b: {  	[tilespmem:$0x1900] =	vst v0  }
0x2c: {  	[tilespmem:$0x1980] =	vst v0  }
0x2d: {  	[tilespmem:$0x1A00] =	vst v0  }
0x2e: {  	[tilespmem:$0x1A80] =	vst v0  }
0x2f: {  	[tilespmem:$0x1B00] =	vst v0  }
0x30: {  	[tilespmem:$0x1B80] =	vst v0  }
0x31: {  	[tilespmem:$0x1C00] =	vst v0  }
0x32: {  	[tilespmem:$0x1C80] =	vst v0  }
0x33: {  	[tilespmem:$0x1D00] =	vst v0  }
0x34: {  	[tilespmem:$0x1D80] =	vst v0  }
0x35: {  	[tilespmem:$0x1E00] =	vst v0  }
0x36: {  	[tilespmem:$0x1E80] =	vst v0  }
0x37: {  	[tilespmem:$0x1F00] =	vst v0  }
0x38: {  	[tilespmem:$0x1F80] =	vst v0  }
0x39: {  	[tilespmem:$0x2000] =	vst v0  }
0x3a: {  	[tilespmem:$0x2080] =	vst v0  }
0x3b: {  	[tilespmem:$0x2100] =	vst v0  }
0x3c: {  	[tilespmem:$0x2180] =	vst v0  }
0x3d: {  	[tilespmem:$0x2200] =	vst v0  }
0x3e: {  	[tilespmem:$0x2280] =	vst v0  }
0x3f: {  	[tilespmem:$0x2300] =	vst v0  }
0x40: {  	[tilespmem:$0x2380] =	vst v0  }
0x41: {  	[tilespmem:$0x2400] =	vst v0  }
0x42: {  	[tilespmem:$0x2480] =	vst v0  }
0x43: {  	[tilespmem:$0x2500] =	vst v0  }
0x44: {  	[tilespmem:$0x2580] =	vst v0  }
0x45: {  	[tilespmem:$0x2600] =	vst v0  }
0x46: {  	[tilespmem:$0x2680] =	vst v0  }
0x47: {  	[tilespmem:$0x2700] =	vst v0  }
0x48: {  	[tilespmem:$0x2780] =	vst v0  }
0x49: {  	[tilespmem:$0x2800] =	vst v0  }
0x4a: {  	[tilespmem:$0x2880] =	vst v0  }
0x4b: {  	[tilespmem:$0x2900] =	vst v0  }
0x4c: {  	[tilespmem:$0x2980] =	vst v0  }
0x4d: {  	[tilespmem:$0x2A00] =	vst v0  }
0x4e: {  	[tilespmem:$0x2A80] =	vst v0  }
0x4f: {  	[tilespmem:$0x2B00] =	vst v0  }
0x50: {  	[tilespmem:$0x2B80] =	vst v0  }
0x51: {  	[tilespmem:$0x2C00] =	vst v0  }
0x52: {  	[tilespmem:$0x2C80] =	vst v0  }
0x53: {  	[tilespmem:$0x2D00] =	vst v0  }
0x54: {  	[tilespmem:$0x2D80] =	vst v0  }
0x55: {  	[tilespmem:$0x2E00] =	vst v0  }
0x56: {  	[tilespmem:$0x2E80] =	vst v0  }
0x57: {  	[tilespmem:$0x2F00] =	vst v0  }
0x58: {  	[tilespmem:$0x2F80] =	vst v0  }
0x59: {  	[tilespmem:$0x3000] =	vst v0  }
0x5a: {  	[tilespmem:$0x3080] =	vst v0  }
0x5b: {  	[tilespmem:$0x3100] =	vst v0  }
0x5c: {  	[tilespmem:$0x3180] =	vst v0  }
0x5d: {  	[tilespmem:$0x3200] =	vst v0  }
0x5e: {  	[tilespmem:$0x3280] =	vst v0  }
0x5f: {  	[tilespmem:$0x3300] =	vst v0  }
0x60: {  	[tilespmem:$0x3380] =	vst v0  }
0x61: {  	[tilespmem:$0x3400] =	vst v0  }
0x62: {  	[tilespmem:$0x3480] =	vst v0  }
0x63: {  	[tilespmem:$0x3500] =	vst v0  }
0x64: {  	[tilespmem:$0x3580] =	vst v0  }
0x65: {  	[tilespmem:$0x3600] =	vst v0  }
0x66: {  	[tilespmem:$0x3680] =	vst v0  }
0x67: {  	[dreg:$0xb] =	wrdreg s12;
	[tilespmem:$0x3700] =	vst v0  }
0x68: {  	[tilespmem:$0x3780] =	vst v0;
	s5 =	rddreg [dreg:$0x6]  }
0x69: {  	[spmem:s8], [sflag:s7] =	dma.local [hbm:s5], $0x2800  }
0x6a: {  	_ =	swait.ge [sflag:s9], $0x2800  }
0x6b: {  	[sflag:s9] =	ssyncset.done $0x0  }
0x6c: {  	[sflag:s9] =	ssyncadd.s32 $0xFFFFD800  }
0x6d: {  	[bflag:$0x0] =	sbarrier.arrive $0xFFFF  }
0x6e: {  	s12 =	rddreg [dreg:$0x3]  }
0x6f: {  	s5 =	sadd.s32 $0x0, s12  }
0x70: {  	[tilespmem:s3], [sflag:$0x2] =	stream.linear.gather [hbm4b:s5+s3], $0xC80, $0x38;
	[tilespmem:$0x6000] =	vst v63  }
0x71: {  	_ =	swait.ge [sflag:s9], $0xC80  }
0x72: {  	[sflag:s9] =	ssyncset.done $0x0  }
0x73: {  	[sflag:s9] =	ssyncadd.s32 $0xFFFFF380  }
0x74: {  	[spmem:s2] =	stream.indirect.scatter.add.f32 [tilespmem:s11], [sflag:$0x1], $0x10, s3, s10, $0xb8;
	[tilespmem:$0x6000] =	vst v63  }
0x75: {  	s7 =	rddreg [dreg:$0x4]  }
0x76: {  	[spmem:s2] =	stream.indirect.scatter.add.f32 [tilespmem:s11], [sflag:$0x1], $0x10, s7, s10, $0xb8;
	[tilespmem:$0x6000] =	vst v63  }
0x77: {  	s8 =	rddreg [dreg:$0x5]  }
0x78: {  	[spmem:s2] =	stream.indirect.scatter.add.f32 [tilespmem:s11], [sflag:$0x1], $0x10, s8, s10, $0xb8;
	[tilespmem:$0x6000] =	vst v63  }
0x79: {  	s12 =	simm.s32 $0x180  }
0x7a: {  	[spmem:s2] =	stream.indirect.scatter.add.f32 [tilespmem:s11], [sflag:$0x1], $0x10, s12, s10, $0xb8;
	[tilespmem:$0x6000] =	vst v63  }
0x7b: {  	_ = 	snop  }
0x7c: {  	[spmem:s2] =	stream.indirect.scatter.add.f32 [tilespmem:s11], [sflag:$0x1], $0x10, s13, s10, $0xb8;
	[tilespmem:$0x6000] =	vst v63  }
0x7d: {  	_ = 	snop  }
0x7e: {  	[spmem:s2] =	stream.indirect.scatter.add.f32 [tilespmem:s11], [sflag:$0x1], $0x10, s14, s10, $0xb8;
	[tilespmem:$0x6000] =	vst v63  }
0x7f: {  	_ = 	snop  }
0x80: {  	[spmem:s2] =	stream.indirect.scatter.add.f32 [tilespmem:s11], [sflag:$0x1], $0x10, s15, s10, $0xb8;
	[tilespmem:$0x6000] =	vst v63  }
0x81: {  	_ = 	snop  }
0x82: {  	[spmem:s2] =	stream.indirect.scatter.add.f32 [tilespmem:s11], [sflag:$0x1], $0x10, s16, s10, $0xb8;
	[tilespmem:$0x6000] =	vst v63  }
0x83: {  	_ = 	snop  }
0x84: {  	[spmem:s2] =	stream.indirect.scatter.add.f32 [tilespmem:s11], [sflag:$0x1], $0x10, s17, s10, $0xb8;
	[tilespmem:$0x6000] =	vst v63  }
0x85: {  	_ = 	snop  }
0x86: {  	[spmem:s2] =	stream.indirect.scatter.add.f32 [tilespmem:s11], [sflag:$0x1], $0x10, s18, s10, $0xb8;
	[tilespmem:$0x6000] =	vst v63  }
0x87: {  	_ = 	snop  }
0x88: {  	[spmem:s2] =	stream.indirect.scatter.add.f32 [tilespmem:s11], [sflag:$0x1], $0x10, s19, s10, $0xb8;
	[tilespmem:$0x6000] =	vst v63  }
0x89: {  	_ = 	snop  }
0x8a: {  	[spmem:s2] =	stream.indirect.scatter.add.f32 [tilespmem:s11], [sflag:$0x1], $0x10, s20, s10, $0xb8;
	[tilespmem:$0x6000] =	vst v63  }
0x8b: {  	_ = 	snop  }
0x8c: {  	[spmem:s2] =	stream.indirect.scatter.add.f32 [tilespmem:s11], [sflag:$0x1], $0x10, s21, s10, $0xb8;
	[tilespmem:$0x6000] =	vst v63  }
0x8d: {  	_ = 	snop  }
0x8e: {  	[spmem:s2] =	stream.indirect.scatter.add.f32 [tilespmem:s11], [sflag:$0x1], $0x10, s22, s10, $0xb8;
	[tilespmem:$0x6000] =	vst v63  }
0x8f: {  	_ = 	snop  }
0x90: {  	[spmem:s2] =	stream.indirect.scatter.add.f32 [tilespmem:s11], [sflag:$0x1], $0x10, s23, s10, $0xb8;
	[tilespmem:$0x6000] =	vst v63  }
0x91: {  	_ = 	snop  }
0x92: {  	[spmem:s2] =	stream.indirect.scatter.add.f32 [tilespmem:s11], [sflag:$0x1], $0x10, s24, s10, $0xb8;
	[tilespmem:$0x6000] =	vst v63  }
0x93: {  	_ = 	snop  }
0x94: {  	[spmem:s2] =	stream.indirect.scatter.add.f32 [tilespmem:s11], [sflag:$0x1], $0x10, s25, s10, $0xb8;
	[tilespmem:$0x6000] =	vst v63  }
0x95: {  	_ = 	snop  }
0x96: {  	[spmem:s2] =	stream.indirect.scatter.add.f32 [tilespmem:s11], [sflag:$0x1], $0x10, s26, s10, $0xb8;
	[tilespmem:$0x6000] =	vst v63  }
0x97: {  	_ = 	snop  }
0x98: {  	[spmem:s2] =	stream.indirect.scatter.add.f32 [tilespmem:s11], [sflag:$0x1], $0x10, s28, s10, $0xb8;
	[tilespmem:$0x6000] =	vst v63  }
0x99: {  	_ = 	snop  }
0x9a: {  	[spmem:s2] =	stream.indirect.scatter.add.f32 [tilespmem:s11], [sflag:$0x1], $0x10, s29, s10, $0xb8;
	[tilespmem:$0x6000] =	vst v63  }
0x9b: {  	_ = 	snop  }
0x9c: {  	[spmem:s2] =	stream.indirect.scatter.add.f32 [tilespmem:s11], [sflag:$0x1], $0x10, s30, s10, $0xb8;
	[tilespmem:$0x6000] =	vst v63  }
0x9d: {  	_ = 	snop  }
0x9e: {  	[spmem:s2] =	stream.indirect.scatter.add.f32 [tilespmem:s11], [sflag:$0x1], $0x10, s31, s10, $0xb8;
	[tilespmem:$0x6000] =	vst v63  }
0x9f: {  	_ = 	snop  }
0xa0: {  	[spmem:s2] =	stream.indirect.scatter.add.f32 [tilespmem:s11], [sflag:$0x1], $0x10, s1, s10, $0xb8;
	[tilespmem:$0x6000] =	vst v63  }
0xa1: {  	_ = 	snop  }
0xa2: {  	[spmem:s2] =	stream.indirect.scatter.add.f32 [tilespmem:s11], [sflag:$0x1], $0x10, s0, s10, $0xb8;
	[tilespmem:$0x6000] =	vst v63  }
0xa3: {  	_ = 	snop  }
0xa4: {  	[spmem:s2] =	stream.indirect.scatter.add.f32 [tilespmem:s11], [sflag:$0x1], $0x10, s4, s10, $0xb8;
	[tilespmem:$0x6000] =	vst v63  }
0xa5: {  	_ =	swait.ge [sflag:s6], $0x500  }
0xa6: {  	[sflag:s6] =	ssyncset.done $0x0  }
0xa7: {  	[sflag:s6] =	ssyncadd.s32 $0xFFFFFB00  }
0xa8: {  	_ =	swait.ge [sflag:s6], $0x500  }
0xa9: {  	[sflag:s6] =	ssyncset.done $0x0  }
0xaa: {  	[sflag:s6] =	ssyncadd.s32 $0xFFFFFB00  }
0xab: {  	_ =	swait.ge [sflag:s6], $0x500  }
0xac: {  	[sflag:s6] =	ssyncset.done $0x0  }
0xad: {  	[sflag:s6] =	ssyncadd.s32 $0xFFFFFB00  }
0xae: {  	_ =	swait.ge [sflag:s6], $0x500  }
0xaf: {  	[sflag:s6] =	ssyncset.done $0x0  }
0xb0: {  	[sflag:s6] =	ssyncadd.s32 $0xFFFFFB00  }
0xb1: {  	_ =	swait.ge [sflag:s6], $0x500  }
0xb2: {  	[sflag:s6] =	ssyncset.done $0x0  }
0xb3: {  	[sflag:s6] =	ssyncadd.s32 $0xFFFFFB00  }
0xb4: {  	_ =	swait.ge [sflag:s6], $0x500  }
0xb5: {  	[sflag:s6] =	ssyncset.done $0x0  }
0xb6: {  	[sflag:s6] =	ssyncadd.s32 $0xFFFFFB00  }
0xb7: {  	_ =	swait.ge [sflag:s6], $0x500  }
0xb8: {  	[sflag:s6] =	ssyncset.done $0x0  }
0xb9: {  	[sflag:s6] =	ssyncadd.s32 $0xFFFFFB00  }
0xba: {  	_ =	swait.ge [sflag:s6], $0x500  }
0xbb: {  	[sflag:s6] =	ssyncset.done $0x0  }
0xbc: {  	[sflag:s6] =	ssyncadd.s32 $0xFFFFFB00  }
0xbd: {  	_ =	swait.ge [sflag:s6], $0x500  }
0xbe: {  	[sflag:s6] =	ssyncset.done $0x0  }
0xbf: {  	[sflag:s6] =	ssyncadd.s32 $0xFFFFFB00  }
0xc0: {  	_ =	swait.ge [sflag:s6], $0x500  }
0xc1: {  	[sflag:s6] =	ssyncset.done $0x0  }
0xc2: {  	[sflag:s6] =	ssyncadd.s32 $0xFFFFFB00  }
0xc3: {  	_ =	swait.ge [sflag:s6], $0x500  }
0xc4: {  	[sflag:s6] =	ssyncset.done $0x0  }
0xc5: {  	[sflag:s6] =	ssyncadd.s32 $0xFFFFFB00  }
0xc6: {  	_ =	swait.ge [sflag:s6], $0x500  }
0xc7: {  	[sflag:s6] =	ssyncset.done $0x0  }
0xc8: {  	[sflag:s6] =	ssyncadd.s32 $0xFFFFFB00  }
0xc9: {  	_ =	swait.ge [sflag:s6], $0x500  }
0xca: {  	[sflag:s6] =	ssyncset.done $0x0  }
0xcb: {  	[sflag:s6] =	ssyncadd.s32 $0xFFFFFB00  }
0xcc: {  	_ =	swait.ge [sflag:s6], $0x500  }
0xcd: {  	[sflag:s6] =	ssyncset.done $0x0  }
0xce: {  	[sflag:s6] =	ssyncadd.s32 $0xFFFFFB00  }
0xcf: {  	_ =	swait.ge [sflag:s6], $0x500  }
0xd0: {  	[sflag:s6] =	ssyncset.done $0x0  }
0xd1: {  	[sflag:s6] =	ssyncadd.s32 $0xFFFFFB00  }
0xd2: {  	_ =	swait.ge [sflag:s6], $0x500  }
0xd3: {  	[sflag:s6] =	ssyncset.done $0x0  }
0xd4: {  	[sflag:s6] =	ssyncadd.s32 $0xFFFFFB00  }
0xd5: {  	_ =	swait.ge [sflag:s6], $0x500  }
0xd6: {  	[sflag:s6] =	ssyncset.done $0x0  }
0xd7: {  	[sflag:s6] =	ssyncadd.s32 $0xFFFFFB00  }
0xd8: {  	_ =	swait.ge [sflag:s6], $0x500  }
0xd9: {  	[sflag:s6] =	ssyncset.done $0x0  }
0xda: {  	[sflag:s6] =	ssyncadd.s32 $0xFFFFFB00  }
0xdb: {  	_ =	swait.ge [sflag:s6], $0x500  }
0xdc: {  	[sflag:s6] =	ssyncset.done $0x0  }
0xdd: {  	[sflag:s6] =	ssyncadd.s32 $0xFFFFFB00  }
0xde: {  	_ =	swait.ge [sflag:s6], $0x500  }
0xdf: {  	[sflag:s6] =	ssyncset.done $0x0  }
0xe0: {  	[sflag:s6] =	ssyncadd.s32 $0xFFFFFB00  }
0xe1: {  	_ =	swait.ge [sflag:s6], $0x500  }
0xe2: {  	[sflag:s6] =	ssyncset.done $0x0  }
0xe3: {  	[sflag:s6] =	ssyncadd.s32 $0xFFFFFB00  }
0xe4: {  	_ =	swait.ge [sflag:s6], $0x500  }
0xe5: {  	[sflag:s6] =	ssyncset.done $0x0  }
0xe6: {  	[sflag:s6] =	ssyncadd.s32 $0xFFFFFB00  }
0xe7: {  	_ =	swait.ge [sflag:s6], $0x500  }
0xe8: {  	[sflag:s6] =	ssyncset.done $0x0  }
0xe9: {  	[sflag:s6] =	ssyncadd.s32 $0xFFFFFB00  }
0xea: {  	_ =	swait.ge [sflag:s6], $0x500  }
0xeb: {  	[sflag:s6] =	ssyncset.done $0x0  }
0xec: {  	[sflag:s6] =	ssyncadd.s32 $0xFFFFFB00  }
0xed: {  	s5 =	simm.s32 $0x200;
	_ =	swait.ge [sflag:s6], $0x500  }
0xee: {  	s8 =	simm.s32 $0x400;
	s7 =	rddreg [dreg:$0x3];
	[sflag:s6] =	ssyncset.done $0x0  }
.LBB2_2:
0xef: {  	[sflag:s6] =	ssyncadd.s32 $0xFFFFFB00;
	s7 =	sadd.s32 s5, s7  }
0xf0: {  	[tilespmem:s3], [sflag:$0x2] =	stream.linear.gather [hbm4b:s7+s3], $0xC80, $0x38;
	[tilespmem:$0x6000] =	vst v63  }
0xf1: {  	_ =	swait.ge [sflag:s9], $0xC80  }
0xf2: {  	[sflag:s9] =	ssyncset.done $0x0  }
0xf3: {  	[sflag:s9] =	ssyncadd.s32 $0xFFFFF380  }
0xf4: {  	[spmem:s2] =	stream.indirect.scatter.add.f32 [tilespmem:s11], [sflag:$0x1], $0x10, s3, s10, $0xb8;
	[tilespmem:$0x6000] =	vst v63  }
0xf5: {  	s12 =	smov.u32 s8;
	s7 =	rddreg [dreg:$0x4]  }
0xf6: {  	[spmem:s2] =	stream.indirect.scatter.add.f32 [tilespmem:s11], [sflag:$0x1], $0x10, s7, s10, $0xb8;
	[tilespmem:$0x6000] =	vst v63  }
0xf7: {  	s5 =	smov.u32 s12;
	s12 =	rddreg [dreg:$0x5]  }
0xf8: {  	[spmem:s2] =	stream.indirect.scatter.add.f32 [tilespmem:s11], [sflag:$0x1], $0x10, s12, s10, $0xb8;
	[tilespmem:$0x6000] =	vst v63  }
0xf9: {  	s12 =	simm.s32 $0x180  }
0xfa: {  	[spmem:s2] =	stream.indirect.scatter.add.f32 [tilespmem:s11], [sflag:$0x1], $0x10, s12, s10, $0xb8;
	[tilespmem:$0x6000] =	vst v63  }
0xfb: {  	_ = 	snop  }
0xfc: {  	[spmem:s2] =	stream.indirect.scatter.add.f32 [tilespmem:s11], [sflag:$0x1], $0x10, s13, s10, $0xb8;
	[tilespmem:$0x6000] =	vst v63  }
0xfd: {  	_ = 	snop  }
0xfe: {  	[spmem:s2] =	stream.indirect.scatter.add.f32 [tilespmem:s11], [sflag:$0x1], $0x10, s14, s10, $0xb8;
	[tilespmem:$0x6000] =	vst v63  }
0xff: {  	_ = 	snop  }
0x100: {  	[spmem:s2] =	stream.indirect.scatter.add.f32 [tilespmem:s11], [sflag:$0x1], $0x10, s15, s10, $0xb8;
	[tilespmem:$0x6000] =	vst v63  }
0x101: {  	_ = 	snop  }
0x102: {  	[spmem:s2] =	stream.indirect.scatter.add.f32 [tilespmem:s11], [sflag:$0x1], $0x10, s16, s10, $0xb8;
	[tilespmem:$0x6000] =	vst v63  }
0x103: {  	_ = 	snop  }
0x104: {  	[spmem:s2] =	stream.indirect.scatter.add.f32 [tilespmem:s11], [sflag:$0x1], $0x10, s17, s10, $0xb8;
	[tilespmem:$0x6000] =	vst v63  }
0x105: {  	_ = 	snop  }
0x106: {  	[spmem:s2] =	stream.indirect.scatter.add.f32 [tilespmem:s11], [sflag:$0x1], $0x10, s18, s10, $0xb8;
	[tilespmem:$0x6000] =	vst v63  }
0x107: {  	_ = 	snop  }
0x108: {  	[spmem:s2] =	stream.indirect.scatter.add.f32 [tilespmem:s11], [sflag:$0x1], $0x10, s19, s10, $0xb8;
	[tilespmem:$0x6000] =	vst v63  }
0x109: {  	_ = 	snop  }
0x10a: {  	[spmem:s2] =	stream.indirect.scatter.add.f32 [tilespmem:s11], [sflag:$0x1], $0x10, s20, s10, $0xb8;
	[tilespmem:$0x6000] =	vst v63  }
0x10b: {  	_ = 	snop  }
0x10c: {  	[spmem:s2] =	stream.indirect.scatter.add.f32 [tilespmem:s11], [sflag:$0x1], $0x10, s21, s10, $0xb8;
	[tilespmem:$0x6000] =	vst v63  }
0x10d: {  	_ = 	snop  }
0x10e: {  	[spmem:s2] =	stream.indirect.scatter.add.f32 [tilespmem:s11], [sflag:$0x1], $0x10, s22, s10, $0xb8;
	[tilespmem:$0x6000] =	vst v63  }
0x10f: {  	_ = 	snop  }
0x110: {  	[spmem:s2] =	stream.indirect.scatter.add.f32 [tilespmem:s11], [sflag:$0x1], $0x10, s23, s10, $0xb8;
	[tilespmem:$0x6000] =	vst v63  }
0x111: {  	_ = 	snop  }
0x112: {  	[spmem:s2] =	stream.indirect.scatter.add.f32 [tilespmem:s11], [sflag:$0x1], $0x10, s24, s10, $0xb8;
	[tilespmem:$0x6000] =	vst v63  }
0x113: {  	_ = 	snop  }
0x114: {  	[spmem:s2] =	stream.indirect.scatter.add.f32 [tilespmem:s11], [sflag:$0x1], $0x10, s25, s10, $0xb8;
	[tilespmem:$0x6000] =	vst v63  }
0x115: {  	_ = 	snop  }
0x116: {  	[spmem:s2] =	stream.indirect.scatter.add.f32 [tilespmem:s11], [sflag:$0x1], $0x10, s26, s10, $0xb8;
	[tilespmem:$0x6000] =	vst v63  }
0x117: {  	_ = 	snop  }
0x118: {  	[spmem:s2] =	stream.indirect.scatter.add.f32 [tilespmem:s11], [sflag:$0x1], $0x10, s28, s10, $0xb8;
	[tilespmem:$0x6000] =	vst v63  }
0x119: {  	_ = 	snop  }
0x11a: {  	[spmem:s2] =	stream.indirect.scatter.add.f32 [tilespmem:s11], [sflag:$0x1], $0x10, s29, s10, $0xb8;
	[tilespmem:$0x6000] =	vst v63  }
0x11b: {  	_ = 	snop  }
0x11c: {  	[spmem:s2] =	stream.indirect.scatter.add.f32 [tilespmem:s11], [sflag:$0x1], $0x10, s30, s10, $0xb8;
	[tilespmem:$0x6000] =	vst v63  }
0x11d: {  	_ = 	snop  }
0x11e: {  	[spmem:s2] =	stream.indirect.scatter.add.f32 [tilespmem:s11], [sflag:$0x1], $0x10, s31, s10, $0xb8;
	[tilespmem:$0x6000] =	vst v63  }
0x11f: {  	_ = 	snop  }
0x120: {  	[spmem:s2] =	stream.indirect.scatter.add.f32 [tilespmem:s11], [sflag:$0x1], $0x10, s1, s10, $0xb8;
	[tilespmem:$0x6000] =	vst v63  }
0x121: {  	_ = 	snop  }
0x122: {  	[spmem:s2] =	stream.indirect.scatter.add.f32 [tilespmem:s11], [sflag:$0x1], $0x10, s0, s10, $0xb8;
	[tilespmem:$0x6000] =	vst v63  }
0x123: {  	_ = 	snop  }
0x124: {  	[spmem:s2] =	stream.indirect.scatter.add.f32 [tilespmem:s11], [sflag:$0x1], $0x10, s4, s10, $0xb8;
	[tilespmem:$0x6000] =	vst v63  }
0x125: {  	_ =	swait.ge [sflag:s6], $0x500  }
0x126: {  	[sflag:s6] =	ssyncset.done $0x0  }
0x127: {  	[sflag:s6] =	ssyncadd.s32 $0xFFFFFB00  }
0x128: {  	_ =	swait.ge [sflag:s6], $0x500  }
0x129: {  	[sflag:s6] =	ssyncset.done $0x0  }
0x12a: {  	[sflag:s6] =	ssyncadd.s32 $0xFFFFFB00  }
0x12b: {  	_ =	swait.ge [sflag:s6], $0x500  }
0x12c: {  	[sflag:s6] =	ssyncset.done $0x0  }
0x12d: {  	[sflag:s6] =	ssyncadd.s32 $0xFFFFFB00  }
0x12e: {  	_ =	swait.ge [sflag:s6], $0x500  }
0x12f: {  	[sflag:s6] =	ssyncset.done $0x0  }
0x130: {  	[sflag:s6] =	ssyncadd.s32 $0xFFFFFB00  }
0x131: {  	_ =	swait.ge [sflag:s6], $0x500  }
0x132: {  	[sflag:s6] =	ssyncset.done $0x0  }
0x133: {  	[sflag:s6] =	ssyncadd.s32 $0xFFFFFB00  }
0x134: {  	_ =	swait.ge [sflag:s6], $0x500  }
0x135: {  	[sflag:s6] =	ssyncset.done $0x0  }
0x136: {  	[sflag:s6] =	ssyncadd.s32 $0xFFFFFB00  }
0x137: {  	_ =	swait.ge [sflag:s6], $0x500  }
0x138: {  	[sflag:s6] =	ssyncset.done $0x0  }
0x139: {  	[sflag:s6] =	ssyncadd.s32 $0xFFFFFB00  }
0x13a: {  	_ =	swait.ge [sflag:s6], $0x500  }
0x13b: {  	[sflag:s6] =	ssyncset.done $0x0  }
0x13c: {  	[sflag:s6] =	ssyncadd.s32 $0xFFFFFB00  }
0x13d: {  	_ =	swait.ge [sflag:s6], $0x500  }
0x13e: {  	[sflag:s6] =	ssyncset.done $0x0  }
0x13f: {  	[sflag:s6] =	ssyncadd.s32 $0xFFFFFB00  }
0x140: {  	_ =	swait.ge [sflag:s6], $0x500  }
0x141: {  	[sflag:s6] =	ssyncset.done $0x0  }
0x142: {  	[sflag:s6] =	ssyncadd.s32 $0xFFFFFB00  }
0x143: {  	_ =	swait.ge [sflag:s6], $0x500  }
0x144: {  	[sflag:s6] =	ssyncset.done $0x0  }
0x145: {  	[sflag:s6] =	ssyncadd.s32 $0xFFFFFB00  }
0x146: {  	_ =	swait.ge [sflag:s6], $0x500  }
0x147: {  	[sflag:s6] =	ssyncset.done $0x0  }
0x148: {  	[sflag:s6] =	ssyncadd.s32 $0xFFFFFB00  }
0x149: {  	_ =	swait.ge [sflag:s6], $0x500  }
0x14a: {  	[sflag:s6] =	ssyncset.done $0x0  }
0x14b: {  	[sflag:s6] =	ssyncadd.s32 $0xFFFFFB00  }
0x14c: {  	_ =	swait.ge [sflag:s6], $0x500  }
0x14d: {  	[sflag:s6] =	ssyncset.done $0x0  }
0x14e: {  	[sflag:s6] =	ssyncadd.s32 $0xFFFFFB00  }
0x14f: {  	_ =	swait.ge [sflag:s6], $0x500  }
0x150: {  	[sflag:s6] =	ssyncset.done $0x0  }
0x151: {  	[sflag:s6] =	ssyncadd.s32 $0xFFFFFB00  }
0x152: {  	_ =	swait.ge [sflag:s6], $0x500  }
0x153: {  	[sflag:s6] =	ssyncset.done $0x0  }
0x154: {  	[sflag:s6] =	ssyncadd.s32 $0xFFFFFB00  }
0x155: {  	_ =	swait.ge [sflag:s6], $0x500  }
0x156: {  	[sflag:s6] =	ssyncset.done $0x0  }
0x157: {  	[sflag:s6] =	ssyncadd.s32 $0xFFFFFB00  }
0x158: {  	_ =	swait.ge [sflag:s6], $0x500  }
0x159: {  	[sflag:s6] =	ssyncset.done $0x0  }
0x15a: {  	[sflag:s6] =	ssyncadd.s32 $0xFFFFFB00  }
0x15b: {  	_ =	swait.ge [sflag:s6], $0x500  }
0x15c: {  	[sflag:s6] =	ssyncset.done $0x0  }
0x15d: {  	[sflag:s6] =	ssyncadd.s32 $0xFFFFFB00  }
0x15e: {  	_ =	swait.ge [sflag:s6], $0x500  }
0x15f: {  	[sflag:s6] =	ssyncset.done $0x0  }
0x160: {  	[sflag:s6] =	ssyncadd.s32 $0xFFFFFB00  }
0x161: {  	_ =	swait.ge [sflag:s6], $0x500  }
0x162: {  	[sflag:s6] =	ssyncset.done $0x0  }
0x163: {  	[sflag:s6] =	ssyncadd.s32 $0xFFFFFB00  }
0x164: {  	_ =	swait.ge [sflag:s6], $0x500  }
0x165: {  	[sflag:s6] =	ssyncset.done $0x0  }
0x166: {  	[sflag:s6] =	ssyncadd.s32 $0xFFFFFB00  }
0x167: {  	_ =	swait.ge [sflag:s6], $0x500  }
0x168: {  	[sflag:s6] =	ssyncset.done $0x0  }
0x169: {  	p0 =	sne.s32 s8, $0x800;
	[sflag:s6] =	ssyncadd.s32 $0xFFFFFB00  }
.Ltmp0:
0x16a: {  	_ =	swait.ge [sflag:s6], $0x500;
	(pc) =	sbr.rel @p0 .LBB2_2-.Ltmp0, $4  }
0x16b: {  	[sflag:s6] =	ssyncset.done $0x0  }
0x16c: {  	[sflag:s6] =	ssyncadd.s32 $0xFFFFFB00  }
0x16d: {  	_ =	swait.ge [sflag:s6], $0x500  }
0x16e: {  	s8 =	sadd.s32 $0x200, s8;
	s7 =	rddreg [dreg:$0x3];
	[sflag:s6] =	ssyncset.done $0x0  }
0x16f: {  	[sflag:s6] =	ssyncadd.s32 $0xFFFFFB00;
	s5 =	sadd.s32 s5, s7  }
0x170: {  	[tilespmem:s3], [sflag:$0x2] =	stream.linear.gather [hbm4b:s5+s3], $0xC80, $0x38;
	[tilespmem:$0x6000] =	vst v63  }
0x171: {  	_ =	swait.ge [sflag:s9], $0xC80  }
0x172: {  	[sflag:s9] =	ssyncset.done $0x0  }
0x173: {  	[sflag:s9] =	ssyncadd.s32 $0xFFFFF380  }
0x174: {  	[spmem:s2] =	stream.indirect.scatter.add.f32 [tilespmem:s11], [sflag:$0x1], $0x10, s3, s10, $0xb8;
	[tilespmem:$0x6000] =	vst v63  }
0x175: {  	s8 =	rddreg [dreg:$0x4]  }
0x176: {  	[spmem:s2] =	stream.indirect.scatter.add.f32 [tilespmem:s11], [sflag:$0x1], $0x10, s8, s10, $0xb8;
	[tilespmem:$0x6000] =	vst v63  }
0x177: {  	s12 =	rddreg [dreg:$0x5]  }
0x178: {  	[spmem:s2] =	stream.indirect.scatter.add.f32 [tilespmem:s11], [sflag:$0x1], $0x10, s12, s10, $0xb8;
	[tilespmem:$0x6000] =	vst v63  }
0x179: {  	s8 =	simm.s32 $0x180  }
0x17a: {  	[spmem:s2] =	stream.indirect.scatter.add.f32 [tilespmem:s11], [sflag:$0x1], $0x10, s8, s10, $0xb8;
	[tilespmem:$0x6000] =	vst v63  }
0x17b: {  	_ = 	snop  }
0x17c: {  	[spmem:s2] =	stream.indirect.scatter.add.f32 [tilespmem:s11], [sflag:$0x1], $0x10, s13, s10, $0xb8;
	[tilespmem:$0x6000] =	vst v63  }
0x17d: {  	_ = 	snop  }
0x17e: {  	[spmem:s2] =	stream.indirect.scatter.add.f32 [tilespmem:s11], [sflag:$0x1], $0x10, s14, s10, $0xb8;
	[tilespmem:$0x6000] =	vst v63  }
0x17f: {  	_ = 	snop  }
0x180: {  	[spmem:s2] =	stream.indirect.scatter.add.f32 [tilespmem:s11], [sflag:$0x1], $0x10, s15, s10, $0xb8;
	[tilespmem:$0x6000] =	vst v63  }
0x181: {  	_ = 	snop  }
0x182: {  	[spmem:s2] =	stream.indirect.scatter.add.f32 [tilespmem:s11], [sflag:$0x1], $0x10, s16, s10, $0xb8;
	[tilespmem:$0x6000] =	vst v63  }
0x183: {  	_ = 	snop  }
0x184: {  	[spmem:s2] =	stream.indirect.scatter.add.f32 [tilespmem:s11], [sflag:$0x1], $0x10, s17, s10, $0xb8;
	[tilespmem:$0x6000] =	vst v63  }
0x185: {  	_ = 	snop  }
0x186: {  	[spmem:s2] =	stream.indirect.scatter.add.f32 [tilespmem:s11], [sflag:$0x1], $0x10, s18, s10, $0xb8;
	[tilespmem:$0x6000] =	vst v63  }
0x187: {  	_ = 	snop  }
0x188: {  	[spmem:s2] =	stream.indirect.scatter.add.f32 [tilespmem:s11], [sflag:$0x1], $0x10, s19, s10, $0xb8;
	[tilespmem:$0x6000] =	vst v63  }
0x189: {  	_ = 	snop  }
0x18a: {  	[spmem:s2] =	stream.indirect.scatter.add.f32 [tilespmem:s11], [sflag:$0x1], $0x10, s20, s10, $0xb8;
	[tilespmem:$0x6000] =	vst v63  }
0x18b: {  	_ = 	snop  }
0x18c: {  	[spmem:s2] =	stream.indirect.scatter.add.f32 [tilespmem:s11], [sflag:$0x1], $0x10, s21, s10, $0xb8;
	[tilespmem:$0x6000] =	vst v63  }
0x18d: {  	_ = 	snop  }
0x18e: {  	[spmem:s2] =	stream.indirect.scatter.add.f32 [tilespmem:s11], [sflag:$0x1], $0x10, s22, s10, $0xb8;
	[tilespmem:$0x6000] =	vst v63  }
0x18f: {  	_ = 	snop  }
0x190: {  	[spmem:s2] =	stream.indirect.scatter.add.f32 [tilespmem:s11], [sflag:$0x1], $0x10, s23, s10, $0xb8;
	[tilespmem:$0x6000] =	vst v63  }
0x191: {  	_ = 	snop  }
0x192: {  	[spmem:s2] =	stream.indirect.scatter.add.f32 [tilespmem:s11], [sflag:$0x1], $0x10, s24, s10, $0xb8;
	[tilespmem:$0x6000] =	vst v63  }
0x193: {  	_ = 	snop  }
0x194: {  	[spmem:s2] =	stream.indirect.scatter.add.f32 [tilespmem:s11], [sflag:$0x1], $0x10, s25, s10, $0xb8;
	[tilespmem:$0x6000] =	vst v63  }
0x195: {  	_ = 	snop  }
0x196: {  	[spmem:s2] =	stream.indirect.scatter.add.f32 [tilespmem:s11], [sflag:$0x1], $0x10, s26, s10, $0xb8;
	[tilespmem:$0x6000] =	vst v63  }
0x197: {  	_ = 	snop  }
0x198: {  	[spmem:s2] =	stream.indirect.scatter.add.f32 [tilespmem:s11], [sflag:$0x1], $0x10, s28, s10, $0xb8;
	[tilespmem:$0x6000] =	vst v63  }
0x199: {  	_ = 	snop  }
0x19a: {  	[spmem:s2] =	stream.indirect.scatter.add.f32 [tilespmem:s11], [sflag:$0x1], $0x10, s29, s10, $0xb8;
	[tilespmem:$0x6000] =	vst v63  }
0x19b: {  	_ = 	snop  }
0x19c: {  	[spmem:s2] =	stream.indirect.scatter.add.f32 [tilespmem:s11], [sflag:$0x1], $0x10, s30, s10, $0xb8;
	[tilespmem:$0x6000] =	vst v63  }
0x19d: {  	_ = 	snop  }
0x19e: {  	[spmem:s2] =	stream.indirect.scatter.add.f32 [tilespmem:s11], [sflag:$0x1], $0x10, s31, s10, $0xb8;
	[tilespmem:$0x6000] =	vst v63  }
0x19f: {  	_ = 	snop  }
0x1a0: {  	[spmem:s2] =	stream.indirect.scatter.add.f32 [tilespmem:s11], [sflag:$0x1], $0x10, s1, s10, $0xb8;
	[tilespmem:$0x6000] =	vst v63  }
0x1a1: {  	_ = 	snop  }
0x1a2: {  	[spmem:s2] =	stream.indirect.scatter.add.f32 [tilespmem:s11], [sflag:$0x1], $0x10, s0, s10, $0xb8;
	[tilespmem:$0x6000] =	vst v63  }
0x1a3: {  	_ = 	snop  }
0x1a4: {  	[spmem:s2] =	stream.indirect.scatter.add.f32 [tilespmem:s11], [sflag:$0x1], $0x10, s4, s10, $0xb8;
	[tilespmem:$0x6000] =	vst v63  }
0x1a5: {  	_ =	swait.ge [sflag:s6], $0x500  }
0x1a6: {  	[sflag:s6] =	ssyncset.done $0x0  }
0x1a7: {  	[sflag:s6] =	ssyncadd.s32 $0xFFFFFB00  }
0x1a8: {  	_ =	swait.ge [sflag:s6], $0x500  }
0x1a9: {  	[sflag:s6] =	ssyncset.done $0x0  }
0x1aa: {  	[sflag:s6] =	ssyncadd.s32 $0xFFFFFB00  }
0x1ab: {  	_ =	swait.ge [sflag:s6], $0x500  }
0x1ac: {  	[sflag:s6] =	ssyncset.done $0x0  }
0x1ad: {  	[sflag:s6] =	ssyncadd.s32 $0xFFFFFB00  }
0x1ae: {  	_ =	swait.ge [sflag:s6], $0x500  }
0x1af: {  	[sflag:s6] =	ssyncset.done $0x0  }
0x1b0: {  	[sflag:s6] =	ssyncadd.s32 $0xFFFFFB00  }
0x1b1: {  	_ =	swait.ge [sflag:s6], $0x500  }
0x1b2: {  	[sflag:s6] =	ssyncset.done $0x0  }
0x1b3: {  	[sflag:s6] =	ssyncadd.s32 $0xFFFFFB00  }
0x1b4: {  	_ =	swait.ge [sflag:s6], $0x500  }
0x1b5: {  	[sflag:s6] =	ssyncset.done $0x0  }
0x1b6: {  	[sflag:s6] =	ssyncadd.s32 $0xFFFFFB00  }
0x1b7: {  	_ =	swait.ge [sflag:s6], $0x500  }
0x1b8: {  	[sflag:s6] =	ssyncset.done $0x0  }
0x1b9: {  	[sflag:s6] =	ssyncadd.s32 $0xFFFFFB00  }
0x1ba: {  	_ =	swait.ge [sflag:s6], $0x500  }
0x1bb: {  	[sflag:s6] =	ssyncset.done $0x0  }
0x1bc: {  	[sflag:s6] =	ssyncadd.s32 $0xFFFFFB00  }
0x1bd: {  	_ =	swait.ge [sflag:s6], $0x500  }
0x1be: {  	[sflag:s6] =	ssyncset.done $0x0  }
0x1bf: {  	[sflag:s6] =	ssyncadd.s32 $0xFFFFFB00  }
0x1c0: {  	_ =	swait.ge [sflag:s6], $0x500  }
0x1c1: {  	[sflag:s6] =	ssyncset.done $0x0  }
0x1c2: {  	[sflag:s6] =	ssyncadd.s32 $0xFFFFFB00  }
0x1c3: {  	_ =	swait.ge [sflag:s6], $0x500  }
0x1c4: {  	[sflag:s6] =	ssyncset.done $0x0  }
0x1c5: {  	[sflag:s6] =	ssyncadd.s32 $0xFFFFFB00  }
0x1c6: {  	_ =	swait.ge [sflag:s6], $0x500  }
0x1c7: {  	[sflag:s6] =	ssyncset.done $0x0  }
0x1c8: {  	[sflag:s6] =	ssyncadd.s32 $0xFFFFFB00  }
0x1c9: {  	_ =	swait.ge [sflag:s6], $0x500  }
0x1ca: {  	[sflag:s6] =	ssyncset.done $0x0  }
0x1cb: {  	[sflag:s6] =	ssyncadd.s32 $0xFFFFFB00  }
0x1cc: {  	_ =	swait.ge [sflag:s6], $0x500  }
0x1cd: {  	[sflag:s6] =	ssyncset.done $0x0  }
0x1ce: {  	[sflag:s6] =	ssyncadd.s32 $0xFFFFFB00  }
0x1cf: {  	_ =	swait.ge [sflag:s6], $0x500  }
0x1d0: {  	[sflag:s6] =	ssyncset.done $0x0  }
0x1d1: {  	[sflag:s6] =	ssyncadd.s32 $0xFFFFFB00  }
0x1d2: {  	_ =	swait.ge [sflag:s6], $0x500  }
0x1d3: {  	[sflag:s6] =	ssyncset.done $0x0  }
0x1d4: {  	[sflag:s6] =	ssyncadd.s32 $0xFFFFFB00  }
0x1d5: {  	_ =	swait.ge [sflag:s6], $0x500  }
0x1d6: {  	[sflag:s6] =	ssyncset.done $0x0  }
0x1d7: {  	[sflag:s6] =	ssyncadd.s32 $0xFFFFFB00  }
0x1d8: {  	_ =	swait.ge [sflag:s6], $0x500  }
0x1d9: {  	[sflag:s6] =	ssyncset.done $0x0  }
0x1da: {  	[sflag:s6] =	ssyncadd.s32 $0xFFFFFB00  }
0x1db: {  	_ =	swait.ge [sflag:s6], $0x500  }
0x1dc: {  	[sflag:s6] =	ssyncset.done $0x0  }
0x1dd: {  	[sflag:s6] =	ssyncadd.s32 $0xFFFFFB00  }
0x1de: {  	_ =	swait.ge [sflag:s6], $0x500  }
0x1df: {  	[sflag:s6] =	ssyncset.done $0x0  }
0x1e0: {  	[sflag:s6] =	ssyncadd.s32 $0xFFFFFB00  }
0x1e1: {  	_ =	swait.ge [sflag:s6], $0x500  }
0x1e2: {  	[sflag:s6] =	ssyncset.done $0x0  }
0x1e3: {  	[sflag:s6] =	ssyncadd.s32 $0xFFFFFB00  }
0x1e4: {  	_ =	swait.ge [sflag:s6], $0x500  }
0x1e5: {  	[sflag:s6] =	ssyncset.done $0x0  }
0x1e6: {  	[sflag:s6] =	ssyncadd.s32 $0xFFFFFB00  }
0x1e7: {  	_ =	swait.ge [sflag:s6], $0x500  }
0x1e8: {  	[sflag:s6] =	ssyncset.done $0x0  }
0x1e9: {  	[sflag:s6] =	ssyncadd.s32 $0xFFFFFB00  }
0x1ea: {  	_ =	swait.ge [sflag:s6], $0x500  }
0x1eb: {  	[sflag:s6] =	ssyncset.done $0x0  }
0x1ec: {  	[sflag:s6] =	ssyncadd.s32 $0xFFFFFB00  }
0x1ed: {  	_ =	swait.ge [sflag:s6], $0x500  }
0x1ee: {  	[sflag:s6] =	ssyncset.done $0x0  }
0x1ef: {  	[sflag:s6] =	ssyncadd.s32 $0xFFFFFB00  }
0x1f0: {  	[bflag:$0x0] =	sbarrier.arrive $0xFFFF  }
0x1f1: {  	s7 =	rddreg [dreg:$0x7]  }
0x1f2: {  	s12 =	rddreg [dreg:$0x8]  }
0x1f3: {  	s8 =	rddreg [dreg:$0xa]  }
0x1f4: {  	[hbm:s12], [sflag:s7] =	dma.local [spmem:s8], $0x2800  }
0x1f5: {  	_ =	swait.ge [sflag:s9], $0x2800  }
0x1f6: {  	s12 =	rddreg [dreg:$0xb]  }
0x1f7: {  	s5 =	rddreg [dreg:$0x9];
	s12 =	sadd.s32 $0x1, s12  }
0x1f8: {  	p0 =	sne.s32 s12, s5  }
.Ltmp1:
0x1f9: {  	_ = 	snop;
	(pc) =	sbr.rel @p0 .LBB2_1-.Ltmp1, $3  }
0x1fa: {  	_ =	sdelay $0x1  }
0x1fb: {  	[sflag:s9] =	ssyncset.done $0x0  }
0x1fc: {  	[sflag:s9] =	ssyncadd.s32 $0xFFFFD800  }
0x1fd: {  	_ =	sfence.sel $0x180000  }
0x1fe: {  	[bflag:$0x0] =	sbarrier.arrive $0xFFFF  }
0x1ff: {  	_ =	strace $0x90000047  }
0x200: {  	s0 =	stileid.u32;
	[bflag:$0x2] =	sbarrier.arrive $0xFFFF  }
0x201: {  	p0 =	sne.s32 s0, $0x0;
	s0 =	rddreg [dreg:$0x2]  }
0x202: {  	s0 =	sadd.s32 @!p0 $0x100000, s0  }
0x203: {  	[sflag:s0] =	ssyncadd.tile.s32 @!p0 $0x1;
	_ =	shalt  }
.Lfunc_end2:
_tile_overlayer_lowered:
.L_overlay_start_2:
0x204: {  	(tag) =	ssettag $0x2  }
0x205: {  	s0 =	rddreg [dreg:$0x0];
	s2 =	stileid.u32  }
0x206: {  	s1 =	rddreg [dreg:$0x1];
	p0 =	sne.s32 s2, $0x0  }
0x207: {  	s3 =	rddreg [dreg:$0x2];
	[bflag:$0x3] =	sbarrier.arrive $0xFFFF;
	s2 =	simm.s32 @!p0 $0x1C02  }
0x208: {  	[timem:s3], [sflag:s2] =	dma.local @!p0 [hbm:s0], s1  }
0x209: {  	s0 =	simm.s32 @!p0 $0x2  }
0x20a: {  	_ =	swait.ge @!p0 [sflag:s0], s1  }
0x20b: {  	s1 =	ssub.s32 @!p0 $0x0, s1;
	[sflag:s0] =	ssyncset.done @!p0 $0x0  }
0x20c: {  	[sflag:s0] =	ssyncadd.s32 @!p0 s1  }
0x20d: {  	[bflag:$0x3] =	sbarrier.arrive $0xFFFF  }
0x20e: {  	_ =	shalt  }

</sc_bundles>
